<compile_context>
chip_gen: v7x
topology: tpu7x:2x2x1
jax: 0.10.2.dev20260603
libtpu: 0.0.44.dev20260713+nightly
codegen_flags: <defaults>
</compile_context>

<pallas_src>
import functools

import jax
import jax.numpy as jnp
from jax import lax
from jax.experimental import pallas as pl
from jax.experimental.pallas import tpu as pltpu
from jax.experimental.pallas import tpu_sc as plsc

N_WORDS = 8192
TOP_K = 50
EMB = 64
LANES = 16

NC = 2
NS = 16
NW = NC * NS

B = N_WORDS * TOP_K
PER_W = B // NW
CHUNK = 800
NCH = PER_W // CHUNK
VECS = CHUNK // LANES
TAB = 9 * EMB


def _bucket(d):
    bits = lax.bitcast_convert_type(d.astype(jnp.float32), jnp.int32)
    e = (bits >> 23) - 127
    return jnp.minimum(d, 5) - 1 + jnp.clip(e - 2, 0, 4)


def _sc_body(ti_hbm, rid_hbm, emb_hbm, out_hbm,
             ti_v, rid_v, tab_v, rows0, rows1, sem0, sem1):
    wid = lax.axis_index("s") * NC + lax.axis_index("c")
    base = wid * PER_W
    stage = (
        pltpu.make_async_copy(ti_hbm.at[pl.ds(base, PER_W)], ti_v, sem0),
        pltpu.make_async_copy(rid_hbm.at[pl.ds(base, PER_W)], rid_v, sem0),
        pltpu.make_async_copy(emb_hbm, tab_v, sem0),
    )
    for cp in stage:
        cp.start()
    for cp in stage:
        cp.wait()

    def compute_chunk(c, rows):
        @plsc.parallel_loop(0, VECS, unroll=2)
        def vbody(v):
            off = c * CHUNK + v * LANES
            t = ti_v[pl.ds(off, LANES)]
            row = rid_v[pl.ds(off, LANES)]
            bkt64 = _bucket(jnp.maximum(row - t, 1)) * EMB
            for k in range(LANES):
                boff = bkt64[k]
                sbase = (v * LANES + k) * EMB
                for j in range(EMB // LANES):
                    vals = tab_v[pl.ds(boff + j * LANES, LANES)]
                    rows[pl.ds(sbase + j * LANES, LANES)] = vals

    HALF = CHUNK * EMB // 2

    def out_copies(c, rows, sem):
        off = (base + c * CHUNK) * EMB
        return (
            pltpu.make_async_copy(
                rows.at[pl.ds(0, HALF)], out_hbm.at[pl.ds(off, HALF)], sem),
            pltpu.make_async_copy(
                rows.at[pl.ds(HALF, HALF)],
                out_hbm.at[pl.ds(off + HALF, HALF)], sem),
        )

    def outer(cc, _):
        for b, (rows, sem) in enumerate(((rows0, sem0), (rows1, sem1))):
            c = cc * 2 + b

            @pl.when(cc > 0)
            def _wait():
                for cp in out_copies(c - 2, rows, sem):
                    cp.wait()

            compute_chunk(c, rows)
            for cp in out_copies(c, rows, sem):
                cp.start()
        return 0

    lax.fori_loop(0, NCH // 2, outer, 0)
    for cp in out_copies(NCH - 2, rows0, sem0) + out_copies(NCH - 1, rows1, sem1):
        cp.wait()


@jax.jit
def kernel(top_indices, distance_emb):
    mesh = plsc.VectorSubcoreMesh(core_axis_name="c", subcore_axis_name="s")
    run = functools.partial(
        pl.kernel,
        mesh=mesh,
        out_type=jax.ShapeDtypeStruct((B * EMB,), jnp.float32),
        scratch_types=[
            pltpu.VMEM((PER_W,), jnp.int32),
            pltpu.VMEM((PER_W,), jnp.int32),
            pltpu.VMEM((TAB,), jnp.float32),
            pltpu.VMEM((CHUNK * EMB,), jnp.float32),
            pltpu.VMEM((CHUNK * EMB,), jnp.float32),
            pltpu.SemaphoreType.DMA,
            pltpu.SemaphoreType.DMA,
        ],
        compiler_params=pltpu.CompilerParams(needs_layout_passes=False),
    )(_sc_body)
    row_ids = jnp.repeat(jnp.arange(N_WORDS, dtype=jnp.int32), TOP_K)
    flat = run(top_indices.reshape(B).astype(jnp.int32), row_ids,
               distance_emb.reshape(TAB))
    return flat.reshape(N_WORDS, TOP_K, EMB)

# --- scband reference (transcript-rebuilt; emitter-appended) ---
"""Pipeline reference for scband-pairwise-encoder-9070970929694 (READ-ONLY COPY).

The authoritative reference and input builder live on the scoring server;
editing this copy changes nothing except your own understanding.
"""

import jax, jax.numpy as jnp
import numpy as np

N_WORDS = 8192
TOP_K = 50
EMB = 64

def setup_inputs(seed: int = 0):
    key = jax.random.key(seed)
    k1, k2 = jax.random.split(key)
    top_indices = jax.random.randint(k1, (N_WORDS, TOP_K), 0, N_WORDS)
    distance_emb = jax.random.normal(k2, (9, EMB), dtype=jnp.float32) * 0.02
    return {"top_indices": top_indices, "distance_emb": distance_emb}

def reference(top_indices, distance_emb):
    # word_ids = arange(len(doc['cased_words'])) -- doc length equals n rows of top_indices
    n_words = top_indices.shape[0]
    word_ids = jnp.arange(n_words)
    # distance = (word_ids.unsqueeze(1) - word_ids[top_indices]).clamp_min_(1)
    distance = jnp.maximum(word_ids[:, None] - word_ids[top_indices], 1)
    # log_distance = distance.float().log2().floor_().clamp_max_(6).long()
    log_distance = jnp.floor(jnp.log2(distance.astype(jnp.float32)))
    log_distance = jnp.minimum(log_distance, 6.0).astype(jnp.int32)
    # bucketize: exact for d<5, log-scale buckets otherwise (9 buckets total)
    bucket = jnp.where(distance < 5, distance - 1, log_distance + 2)
    # embedding lookup (dropout is identity at inference)
    return jnp.take(distance_emb, bucket, axis=0)

if __name__ == "__main__":
    import jax
    _d = setup_inputs()
    print(jax.jit(kernel)(*tuple(_d.values())))

</pallas_src>

<mosaic_0001>
#map = affine_map<(d0, d1) -> (0)>
module attributes {stable_mosaic.version = 14 : i64} {
  func.func @_sc_body(%arg0: i32, %arg1: i32, %arg2: memref<409600xi32, #tpu.memory_space<hbm>>, %arg3: memref<409600xi32, #tpu.memory_space<hbm>>, %arg4: memref<576xf32, #tpu.memory_space<hbm>>, %arg5: memref<26214400xf32, #tpu.memory_space<hbm>>, %arg6: memref<12800xi32, #tpu.memory_space<vmem>>, %arg7: memref<12800xi32, #tpu.memory_space<vmem>>, %arg8: memref<576xf32, #tpu.memory_space<vmem>>, %arg9: memref<51200xf32, #tpu.memory_space<vmem>>, %arg10: memref<51200xf32, #tpu.memory_space<vmem>>, %arg11: memref<!tpu.dma_semaphore, #tpu.memory_space<semaphore_mem>>, %arg12: memref<!tpu.dma_semaphore, #tpu.memory_space<semaphore_mem>>) attributes {dimension_semantics = [#tpu.dimension_semantics<core_parallel>, #tpu.dimension_semantics<subcore_parallel>], iteration_bounds = array<i64: 2, 16>, scalar_prefetch = 0 : i64, scratch_operands = 7 : i64, tpu.core_type = #tpu.core_type<sc_vector_subcore>, window_params = [{transform_indices = #map}, {transform_indices = #map}, {transform_indices = #map}, {transform_indices = #map}]} {
    %mul3A = arith.constant 2 : i32
    %mul3A_0 = arith.muli %arg1, %mul3A : i32
    %add3A = arith.addi %mul3A_0, %arg0 : i32
    %mul3A_1 = arith.constant 12800 : i32
    %mul3A_2 = arith.muli %add3A, %mul3A_1 : i32
    %dma_start3A = tpu.memref_slice %arg2[%mul3A_2] : memref<409600xi32, #tpu.memory_space<hbm>> -> memref<12800xi32, #tpu.memory_space<hbm>>
    %dma_start3A_3 = tpu.memref_slice %arg2[%mul3A_2] : memref<409600xi32, #tpu.memory_space<hbm>> -> memref<12800xi32, #tpu.memory_space<hbm>>
    tpu.enqueue_dma source(%dma_start3A_3 : memref<12800xi32, #tpu.memory_space<hbm>>) target(%arg6 : memref<12800xi32, #tpu.memory_space<vmem>>) target_semaphore(%arg11 : memref<!tpu.dma_semaphore, #tpu.memory_space<semaphore_mem>>)
    %dma_start3A_4 = tpu.memref_slice %arg3[%mul3A_2] : memref<409600xi32, #tpu.memory_space<hbm>> -> memref<12800xi32, #tpu.memory_space<hbm>>
    %dma_start3A_5 = tpu.memref_slice %arg3[%mul3A_2] : memref<409600xi32, #tpu.memory_space<hbm>> -> memref<12800xi32, #tpu.memory_space<hbm>>
    tpu.enqueue_dma source(%dma_start3A_5 : memref<12800xi32, #tpu.memory_space<hbm>>) target(%arg7 : memref<12800xi32, #tpu.memory_space<vmem>>) target_semaphore(%arg11 : memref<!tpu.dma_semaphore, #tpu.memory_space<semaphore_mem>>)
    tpu.enqueue_dma source(%arg4 : memref<576xf32, #tpu.memory_space<hbm>>) target(%arg8 : memref<576xf32, #tpu.memory_space<vmem>>) target_semaphore(%arg11 : memref<!tpu.dma_semaphore, #tpu.memory_space<semaphore_mem>>)
    %dma_wait3A = tpu.memref_slice %arg2[%mul3A_2] : memref<409600xi32, #tpu.memory_space<hbm>> -> memref<12800xi32, #tpu.memory_space<hbm>>
    %dma_wait3A_6 = tpu.memref_slice %arg2[%mul3A_2] : memref<409600xi32, #tpu.memory_space<hbm>> -> memref<12800xi32, #tpu.memory_space<hbm>>
    tpu.wait_dma2 semaphore(%arg11 : memref<!tpu.dma_semaphore, #tpu.memory_space<semaphore_mem>>) src(%dma_wait3A_6 : memref<12800xi32, #tpu.memory_space<hbm>>) dst(%arg6 : memref<12800xi32, #tpu.memory_space<vmem>>)
    %dma_wait3A_7 = tpu.memref_slice %arg3[%mul3A_2] : memref<409600xi32, #tpu.memory_space<hbm>> -> memref<12800xi32, #tpu.memory_space<hbm>>
    %dma_wait3A_8 = tpu.memref_slice %arg3[%mul3A_2] : memref<409600xi32, #tpu.memory_space<hbm>> -> memref<12800xi32, #tpu.memory_space<hbm>>
    tpu.wait_dma2 semaphore(%arg11 : memref<!tpu.dma_semaphore, #tpu.memory_space<semaphore_mem>>) src(%dma_wait3A_8 : memref<12800xi32, #tpu.memory_space<hbm>>) dst(%arg7 : memref<12800xi32, #tpu.memory_space<vmem>>)
    tpu.wait_dma2 semaphore(%arg11 : memref<!tpu.dma_semaphore, #tpu.memory_space<semaphore_mem>>) src(%arg4 : memref<576xf32, #tpu.memory_space<hbm>>) dst(%arg8 : memref<576xf32, #tpu.memory_space<vmem>>)
    %scan3A = arith.constant 0 : i32
    %scan3A_9 = arith.constant 0 : i32
    %scan3A_10 = arith.constant 8 : i32
    %scan3A_11 = arith.addi %scan3A_9, %scan3A_10 : i32
    %scan3A_12 = arith.constant 1 : i32
    %scan3A_13 = scf.for %scan3A_51 = %scan3A_9 to %scan3A_11 step %scan3A_12 iter_args(%scan3A_52 = %scan3A) -> (i32)  : i32 {
      %mul3A_53 = arith.constant 2 : i32
      %mul3A_54 = arith.muli %scan3A_51, %mul3A_53 : i32
      %add3A_55 = arith.constant 0 : i32
      %add3A_56 = arith.addi %mul3A_54, %add3A_55 : i32
      %gt3A = arith.constant 0 : i32
      %gt3A_57 = arith.cmpi sgt, %scan3A_51, %gt3A : i32
      %convert_element_type3A = arith.extui %gt3A_57 : i1 to i32
      %cond3A = arith.constant 0 : i32
      %cond3A_58 = arith.cmpi ne, %convert_element_type3A, %cond3A : i32
      scf.if %cond3A_58 {
        %sub3A = arith.constant 2 : i32
        %sub3A_112 = arith.subi %add3A_56, %sub3A : i32
        %mul3A_113 = arith.constant 800 : i32
        %mul3A_114 = arith.muli %sub3A_112, %mul3A_113 : i32
        %add3A_115 = arith.addi %mul3A_2, %mul3A_114 : i32
        %mul3A_116 = arith.constant 64 : i32
        %mul3A_117 = arith.muli %add3A_115, %mul3A_116 : i32
        %add3A_118 = arith.constant 25600 : i32
        %add3A_119 = arith.addi %mul3A_117, %add3A_118 : i32
        %dma_wait3A_120 = arith.constant 0 : i32
        %dma_wait3A_121 = tpu.memref_slice %arg9[%dma_wait3A_120] : memref<51200xf32, #tpu.memory_space<vmem>> -> memref<25600xf32, #tpu.memory_space<vmem>>
        %dma_wait3A_122 = tpu.memref_slice %arg5[%mul3A_117] : memref<26214400xf32, #tpu.memory_space<hbm>> -> memref<25600xf32, #tpu.memory_space<hbm>>
        %dma_wait3A_123 = tpu.memref_slice %arg5[%mul3A_117] : memref<26214400xf32, #tpu.memory_space<hbm>> -> memref<25600xf32, #tpu.memory_space<hbm>>
        %dma_wait3A_124 = arith.constant 0 : i32
        %dma_wait3A_125 = tpu.memref_slice %arg9[%dma_wait3A_124] : memref<51200xf32, #tpu.memory_space<vmem>> -> memref<25600xf32, #tpu.memory_space<vmem>>
        tpu.wait_dma2 semaphore(%arg11 : memref<!tpu.dma_semaphore, #tpu.memory_space<semaphore_mem>>) src(%dma_wait3A_125 : memref<25600xf32, #tpu.memory_space<vmem>>) dst(%dma_wait3A_123 : memref<25600xf32, #tpu.memory_space<hbm>>)
        %dma_wait3A_126 = arith.constant 25600 : i32
        %dma_wait3A_127 = tpu.memref_slice %arg9[%dma_wait3A_126] : memref<51200xf32, #tpu.memory_space<vmem>> -> memref<25600xf32, #tpu.memory_space<vmem>>
        %dma_wait3A_128 = tpu.memref_slice %arg5[%add3A_119] : memref<26214400xf32, #tpu.memory_space<hbm>> -> memref<25600xf32, #tpu.memory_space<hbm>>
        %dma_wait3A_129 = tpu.memref_slice %arg5[%add3A_119] : memref<26214400xf32, #tpu.memory_space<hbm>> -> memref<25600xf32, #tpu.memory_space<hbm>>
        %dma_wait3A_130 = arith.constant 25600 : i32
        %dma_wait3A_131 = tpu.memref_slice %arg9[%dma_wait3A_130] : memref<51200xf32, #tpu.memory_space<vmem>> -> memref<25600xf32, #tpu.memory_space<vmem>>
        tpu.wait_dma2 semaphore(%arg11 : memref<!tpu.dma_semaphore, #tpu.memory_space<semaphore_mem>>) src(%dma_wait3A_131 : memref<25600xf32, #tpu.memory_space<vmem>>) dst(%dma_wait3A_129 : memref<25600xf32, #tpu.memory_space<hbm>>)
      } else {
      }
      %parallel_loop3A = arith.constant 0 : i32
      %parallel_loop3A_59 = arith.constant 50 : i32
      %parallel_loop3A_60 = arith.constant 1 : i32
      scf.for %parallel_loop3A_112 = %parallel_loop3A to %parallel_loop3A_59 step %parallel_loop3A_60  : i32 {
        %parallel_loop3A_113 = arith.constant 800 : i32
        %parallel_loop3A_114 = arith.muli %add3A_56, %parallel_loop3A_113 : i32
        %parallel_loop3A_115 = arith.constant 16 : i32
        %parallel_loop3A_116 = arith.muli %parallel_loop3A_112, %parallel_loop3A_115 : i32
        %parallel_loop3A_117 = arith.addi %parallel_loop3A_114, %parallel_loop3A_116 : i32
        %parallel_loop3A_118 = arith.index_cast %parallel_loop3A_117 : i32 to index
        %parallel_loop3A_119 = tpu.vector_load %arg6[%parallel_loop3A_118] {strides = array<i32>} : memref<12800xi32, #tpu.memory_space<vmem>>, vector<16xi32>,
        %parallel_loop3A_120 = arith.index_cast %parallel_loop3A_117 : i32 to index
        %parallel_loop3A_121 = tpu.vector_load %arg7[%parallel_loop3A_120] {strides = array<i32>} : memref<12800xi32, #tpu.memory_space<vmem>>, vector<16xi32>,
        %parallel_loop3A_122 = arith.subi %parallel_loop3A_121, %parallel_loop3A_119 : vector<16xi32>
        %parallel_loop3A_123 = arith.constant 1 : i32
        %parallel_loop3A_124 = vector.broadcast %parallel_loop3A_123 : i32 to vector<16xi32>
        %parallel_loop3A_125 = arith.maxsi %parallel_loop3A_122, %parallel_loop3A_124 : vector<16xi32>
        %parallel_loop3A_126 = arith.sitofp %parallel_loop3A_125 : vector<16xi32> to vector<16xf32>
        %parallel_loop3A_127 = tpu.bitcast %parallel_loop3A_126 : vector<16xf32> -> vector<16xi32>
        %parallel_loop3A_128 = arith.constant 23 : i32
        %parallel_loop3A_129 = vector.broadcast %parallel_loop3A_128 : i32 to vector<16xi32>
        %parallel_loop3A_130 = arith.shrsi %parallel_loop3A_127, %parallel_loop3A_129 : vector<16xi32>
        %parallel_loop3A_131 = arith.constant 127 : i32
        %parallel_loop3A_132 = vector.broadcast %parallel_loop3A_131 : i32 to vector<16xi32>
        %parallel_loop3A_133 = arith.subi %parallel_loop3A_130, %parallel_loop3A_132 : vector<16xi32>
        %parallel_loop3A_134 = arith.constant 5 : i32
        %parallel_loop3A_135 = vector.broadcast %parallel_loop3A_134 : i32 to vector<16xi32>
        %parallel_loop3A_136 = arith.minsi %parallel_loop3A_125, %parallel_loop3A_135 : vector<16xi32>
        %parallel_loop3A_137 = arith.constant 1 : i32
        %parallel_loop3A_138 = vector.broadcast %parallel_loop3A_137 : i32 to vector<16xi32>
        %parallel_loop3A_139 = arith.subi %parallel_loop3A_136, %parallel_loop3A_138 : vector<16xi32>
        %parallel_loop3A_140 = arith.constant 2 : i32
        %parallel_loop3A_141 = vector.broadcast %parallel_loop3A_140 : i32 to vector<16xi32>
        %parallel_loop3A_142 = arith.subi %parallel_loop3A_133, %parallel_loop3A_141 : vector<16xi32>
        %parallel_loop3A_143 = arith.constant 0 : i32
        %parallel_loop3A_144 = arith.constant 4 : i32
        %parallel_loop3A_145 = vector.broadcast %parallel_loop3A_143 : i32 to vector<16xi32>
        %parallel_loop3A_146 = arith.maxsi %parallel_loop3A_145, %parallel_loop3A_142 : vector<16xi32>
        %parallel_loop3A_147 = vector.broadcast %parallel_loop3A_144 : i32 to vector<16xi32>
        %parallel_loop3A_148 = arith.minsi %parallel_loop3A_147, %parallel_loop3A_146 : vector<16xi32>
        %parallel_loop3A_149 = arith.addi %parallel_loop3A_139, %parallel_loop3A_148 : vector<16xi32>
        %parallel_loop3A_150 = arith.constant 64 : i32
        %parallel_loop3A_151 = vector.broadcast %parallel_loop3A_150 : i32 to vector<16xi32>
        %parallel_loop3A_152 = arith.muli %parallel_loop3A_149, %parallel_loop3A_151 : vector<16xi32>
        %parallel_loop3A_153 = vector.extract_strided_slice %parallel_loop3A_152 {offsets = [0], sizes = [1], strides = [1]} : vector<16xi32> to vector<1xi32>
        %parallel_loop3A_154 = vector.extract %parallel_loop3A_153[0] : i32 from vector<1xi32>
        %parallel_loop3A_155 = arith.constant 16 : i32
        %parallel_loop3A_156 = arith.muli %parallel_loop3A_112, %parallel_loop3A_155 : i32
        %parallel_loop3A_157 = arith.constant 0 : i32
        %parallel_loop3A_158 = arith.addi %parallel_loop3A_156, %parallel_loop3A_157 : i32
        %parallel_loop3A_159 = arith.constant 64 : i32
        %parallel_loop3A_160 = arith.muli %parallel_loop3A_158, %parallel_loop3A_159 : i32
        %parallel_loop3A_161 = arith.constant 0 : i32
        %parallel_loop3A_162 = arith.addi %parallel_loop3A_154, %parallel_loop3A_161 : i32
        %parallel_loop3A_163 = arith.index_cast %parallel_loop3A_162 : i32 to index
        %parallel_loop3A_164 = tpu.vector_load %arg8[%parallel_loop3A_163] {strides = array<i32>} : memref<576xf32, #tpu.memory_space<vmem>>, vector<16xf32>,
        %parallel_loop3A_165 = arith.constant 0 : i32
        %parallel_loop3A_166 = arith.addi %parallel_loop3A_160, %parallel_loop3A_165 : i32
        %parallel_loop3A_167 = arith.index_cast %parallel_loop3A_166 : i32 to index
        %parallel_loop3A_168 = tpu.vector_load %arg9[%parallel_loop3A_167] {strides = array<i32>} : memref<51200xf32, #tpu.memory_space<vmem>>, vector<16xf32>,
        tpu.vector_store %arg9[%parallel_loop3A_167], %parallel_loop3A_164 {strides = array<i32>} : memref<51200xf32, #tpu.memory_space<vmem>>, vector<16xf32>,
        %parallel_loop3A_169 = arith.constant 16 : i32
        %parallel_loop3A_170 = arith.addi %parallel_loop3A_154, %parallel_loop3A_169 : i32
        %parallel_loop3A_171 = arith.index_cast %parallel_loop3A_170 : i32 to index
        %parallel_loop3A_172 = tpu.vector_load %arg8[%parallel_loop3A_171] {strides = array<i32>} : memref<576xf32, #tpu.memory_space<vmem>>, vector<16xf32>,
        %parallel_loop3A_173 = arith.constant 16 : i32
        %parallel_loop3A_174 = arith.addi %parallel_loop3A_160, %parallel_loop3A_173 : i32
        %parallel_loop3A_175 = arith.index_cast %parallel_loop3A_174 : i32 to index
        %parallel_loop3A_176 = tpu.vector_load %arg9[%parallel_loop3A_175] {strides = array<i32>} : memref<51200xf32, #tpu.memory_space<vmem>>, vector<16xf32>,
        tpu.vector_store %arg9[%parallel_loop3A_175], %parallel_loop3A_172 {strides = array<i32>} : memref<51200xf32, #tpu.memory_space<vmem>>, vector<16xf32>,
        %parallel_loop3A_177 = arith.constant 32 : i32
        %parallel_loop3A_178 = arith.addi %parallel_loop3A_154, %parallel_loop3A_177 : i32
        %parallel_loop3A_179 = arith.index_cast %parallel_loop3A_178 : i32 to index
        %parallel_loop3A_180 = tpu.vector_load %arg8[%parallel_loop3A_179] {strides = array<i32>} : memref<576xf32, #tpu.memory_space<vmem>>, vector<16xf32>,
        %parallel_loop3A_181 = arith.constant 32 : i32
        %parallel_loop3A_182 = arith.addi %parallel_loop3A_160, %parallel_loop3A_181 : i32
        %parallel_loop3A_183 = arith.index_cast %parallel_loop3A_182 : i32 to index
        %parallel_loop3A_184 = tpu.vector_load %arg9[%parallel_loop3A_183] {strides = array<i32>} : memref<51200xf32, #tpu.memory_space<vmem>>, vector<16xf32>,
        tpu.vector_store %arg9[%parallel_loop3A_183], %parallel_loop3A_180 {strides = array<i32>} : memref<51200xf32, #tpu.memory_space<vmem>>, vector<16xf32>,
        %parallel_loop3A_185 = arith.constant 48 : i32
        %parallel_loop3A_186 = arith.addi %parallel_loop3A_154, %parallel_loop3A_185 : i32
        %parallel_loop3A_187 = arith.index_cast %parallel_loop3A_186 : i32 to index
        %parallel_loop3A_188 = tpu.vector_load %arg8[%parallel_loop3A_187] {strides = array<i32>} : memref<576xf32, #tpu.memory_space<vmem>>, vector<16xf32>,
        %parallel_loop3A_189 = arith.constant 48 : i32
        %parallel_loop3A_190 = arith.addi %parallel_loop3A_160, %parallel_loop3A_189 : i32
        %parallel_loop3A_191 = arith.index_cast %parallel_loop3A_190 : i32 to index
        %parallel_loop3A_192 = tpu.vector_load %arg9[%parallel_loop3A_191] {strides = array<i32>} : memref<51200xf32, #tpu.memory_space<vmem>>, vector<16xf32>,
        tpu.vector_store %arg9[%parallel_loop3A_191], %parallel_loop3A_188 {strides = array<i32>} : memref<51200xf32, #tpu.memory_space<vmem>>, vector<16xf32>,
        %parallel_loop3A_193 = vector.extract_strided_slice %parallel_loop3A_152 {offsets = [1], sizes = [1], strides = [1]} : vector<16xi32> to vector<1xi32>
        %parallel_loop3A_194 = vector.extract %parallel_loop3A_193[0] : i32 from vector<1xi32>
        %parallel_loop3A_195 = arith.constant 16 : i32
        %parallel_loop3A_196 = arith.muli %parallel_loop3A_112, %parallel_loop3A_195 : i32
        %parallel_loop3A_197 = arith.constant 1 : i32
        %parallel_loop3A_198 = arith.addi %parallel_loop3A_196, %parallel_loop3A_197 : i32
        %parallel_loop3A_199 = arith.constant 64 : i32
        %parallel_loop3A_200 = arith.muli %parallel_loop3A_198, %parallel_loop3A_199 : i32
        %parallel_loop3A_201 = arith.constant 0 : i32
        %parallel_loop3A_202 = arith.addi %parallel_loop3A_194, %parallel_loop3A_201 : i32
        %parallel_loop3A_203 = arith.index_cast %parallel_loop3A_202 : i32 to index
        %parallel_loop3A_204 = tpu.vector_load %arg8[%parallel_loop3A_203] {strides = array<i32>} : memref<576xf32, #tpu.memory_space<vmem>>, vector<16xf32>,
        %parallel_loop3A_205 = arith.constant 0 : i32
        %parallel_loop3A_206 = arith.addi %parallel_loop3A_200, %parallel_loop3A_205 : i32
        %parallel_loop3A_207 = arith.index_cast %parallel_loop3A_206 : i32 to index
        %parallel_loop3A_208 = tpu.vector_load %arg9[%parallel_loop3A_207] {strides = array<i32>} : memref<51200xf32, #tpu.memory_space<vmem>>, vector<16xf32>,
        tpu.vector_store %arg9[%parallel_loop3A_207], %parallel_loop3A_204 {strides = array<i32>} : memref<51200xf32, #tpu.memory_space<vmem>>, vector<16xf32>,
        %parallel_loop3A_209 = arith.constant 16 : i32
        %parallel_loop3A_210 = arith.addi %parallel_loop3A_194, %parallel_loop3A_209 : i32
        %parallel_loop3A_211 = arith.index_cast %parallel_loop3A_210 : i32 to index
        %parallel_loop3A_212 = tpu.vector_load %arg8[%parallel_loop3A_211] {strides = array<i32>} : memref<576xf32, #tpu.memory_space<vmem>>, vector<16xf32>,
        %parallel_loop3A_213 = arith.constant 16 : i32
        %parallel_loop3A_214 = arith.addi %parallel_loop3A_200, %parallel_loop3A_213 : i32
        %parallel_loop3A_215 = arith.index_cast %parallel_loop3A_214 : i32 to index
        %parallel_loop3A_216 = tpu.vector_load %arg9[%parallel_loop3A_215] {strides = array<i32>} : memref<51200xf32, #tpu.memory_space<vmem>>, vector<16xf32>,
        tpu.vector_store %arg9[%parallel_loop3A_215], %parallel_loop3A_212 {strides = array<i32>} : memref<51200xf32, #tpu.memory_space<vmem>>, vector<16xf32>,
        %parallel_loop3A_217 = arith.constant 32 : i32
        %parallel_loop3A_218 = arith.addi %parallel_loop3A_194, %parallel_loop3A_217 : i32
        %parallel_loop3A_219 = arith.index_cast %parallel_loop3A_218 : i32 to index
        %parallel_loop3A_220 = tpu.vector_load %arg8[%parallel_loop3A_219] {strides = array<i32>} : memref<576xf32, #tpu.memory_space<vmem>>, vector<16xf32>,
        %parallel_loop3A_221 = arith.constant 32 : i32
        %parallel_loop3A_222 = arith.addi %parallel_loop3A_200, %parallel_loop3A_221 : i32
        %parallel_loop3A_223 = arith.index_cast %parallel_loop3A_222 : i32 to index
        %parallel_loop3A_224 = tpu.vector_load %arg9[%parallel_loop3A_223] {strides = array<i32>} : memref<51200xf32, #tpu.memory_space<vmem>>, vector<16xf32>,
        tpu.vector_store %arg9[%parallel_loop3A_223], %parallel_loop3A_220 {strides = array<i32>} : memref<51200xf32, #tpu.memory_space<vmem>>, vector<16xf32>,
        %parallel_loop3A_225 = arith.constant 48 : i32
        %parallel_loop3A_226 = arith.addi %parallel_loop3A_194, %parallel_loop3A_225 : i32
        %parallel_loop3A_227 = arith.index_cast %parallel_loop3A_226 : i32 to index
        %parallel_loop3A_228 = tpu.vector_load %arg8[%parallel_loop3A_227] {strides = array<i32>} : memref<576xf32, #tpu.memory_space<vmem>>, vector<16xf32>,
        %parallel_loop3A_229 = arith.constant 48 : i32
        %parallel_loop3A_230 = arith.addi %parallel_loop3A_200, %parallel_loop3A_229 : i32
        %parallel_loop3A_231 = arith.index_cast %parallel_loop3A_230 : i32 to index
        %parallel_loop3A_232 = tpu.vector_load %arg9[%parallel_loop3A_231] {strides = array<i32>} : memref<51200xf32, #tpu.memory_space<vmem>>, vector<16xf32>,
        tpu.vector_store %arg9[%parallel_loop3A_231], %parallel_loop3A_228 {strides = array<i32>} : memref<51200xf32, #tpu.memory_space<vmem>>, vector<16xf32>,
        %parallel_loop3A_233 = vector.extract_strided_slice %parallel_loop3A_152 {offsets = [2], sizes = [1], strides = [1]} : vector<16xi32> to vector<1xi32>
        %parallel_loop3A_234 = vector.extract %parallel_loop3A_233[0] : i32 from vector<1xi32>
        %parallel_loop3A_235 = arith.constant 16 : i32
        %parallel_loop3A_236 = arith.muli %parallel_loop3A_112, %parallel_loop3A_235 : i32
        %parallel_loop3A_237 = arith.constant 2 : i32
        %parallel_loop3A_238 = arith.addi %parallel_loop3A_236, %parallel_loop3A_237 : i32
        %parallel_loop3A_239 = arith.constant 64 : i32
        %parallel_loop3A_240 = arith.muli %parallel_loop3A_238, %parallel_loop3A_239 : i32
        %parallel_loop3A_241 = arith.constant 0 : i32
        %parallel_loop3A_242 = arith.addi %parallel_loop3A_234, %parallel_loop3A_241 : i32
        %parallel_loop3A_243 = arith.index_cast %parallel_loop3A_242 : i32 to index
        %parallel_loop3A_244 = tpu.vector_load %arg8[%parallel_loop3A_243] {strides = array<i32>} : memref<576xf32, #tpu.memory_space<vmem>>, vector<16xf32>,
        %parallel_loop3A_245 = arith.constant 0 : i32
        %parallel_loop3A_246 = arith.addi %parallel_loop3A_240, %parallel_loop3A_245 : i32
        %parallel_loop3A_247 = arith.index_cast %parallel_loop3A_246 : i32 to index
        %parallel_loop3A_248 = tpu.vector_load %arg9[%parallel_loop3A_247] {strides = array<i32>} : memref<51200xf32, #tpu.memory_space<vmem>>, vector<16xf32>,
        tpu.vector_store %arg9[%parallel_loop3A_247], %parallel_loop3A_244 {strides = array<i32>} : memref<51200xf32, #tpu.memory_space<vmem>>, vector<16xf32>,
        %parallel_loop3A_249 = arith.constant 16 : i32
        %parallel_loop3A_250 = arith.addi %parallel_loop3A_234, %parallel_loop3A_249 : i32
        %parallel_loop3A_251 = arith.index_cast %parallel_loop3A_250 : i32 to index
        %parallel_loop3A_252 = tpu.vector_load %arg8[%parallel_loop3A_251] {strides = array<i32>} : memref<576xf32, #tpu.memory_space<vmem>>, vector<16xf32>,
        %parallel_loop3A_253 = arith.constant 16 : i32
        %parallel_loop3A_254 = arith.addi %parallel_loop3A_240, %parallel_loop3A_253 : i32
        %parallel_loop3A_255 = arith.index_cast %parallel_loop3A_254 : i32 to index
        %parallel_loop3A_256 = tpu.vector_load %arg9[%parallel_loop3A_255] {strides = array<i32>} : memref<51200xf32, #tpu.memory_space<vmem>>, vector<16xf32>,
        tpu.vector_store %arg9[%parallel_loop3A_255], %parallel_loop3A_252 {strides = array<i32>} : memref<51200xf32, #tpu.memory_space<vmem>>, vector<16xf32>,
        %parallel_loop3A_257 = arith.constant 32 : i32
        %parallel_loop3A_258 = arith.addi %parallel_loop3A_234, %parallel_loop3A_257 : i32
        %parallel_loop3A_259 = arith.index_cast %parallel_loop3A_258 : i32 to index
        %parallel_loop3A_260 = tpu.vector_load %arg8[%parallel_loop3A_259] {strides = array<i32>} : memref<576xf32, #tpu.memory_space<vmem>>, vector<16xf32>,
        %parallel_loop3A_261 = arith.constant 32 : i32
        %parallel_loop3A_262 = arith.addi %parallel_loop3A_240, %parallel_loop3A_261 : i32
        %parallel_loop3A_263 = arith.index_cast %parallel_loop3A_262 : i32 to index
        %parallel_loop3A_264 = tpu.vector_load %arg9[%parallel_loop3A_263] {strides = array<i32>} : memref<51200xf32, #tpu.memory_space<vmem>>, vector<16xf32>,
        tpu.vector_store %arg9[%parallel_loop3A_263], %parallel_loop3A_260 {strides = array<i32>} : memref<51200xf32, #tpu.memory_space<vmem>>, vector<16xf32>,
        %parallel_loop3A_265 = arith.constant 48 : i32
        %parallel_loop3A_266 = arith.addi %parallel_loop3A_234, %parallel_loop3A_265 : i32
        %parallel_loop3A_267 = arith.index_cast %parallel_loop3A_266 : i32 to index
        %parallel_loop3A_268 = tpu.vector_load %arg8[%parallel_loop3A_267] {strides = array<i32>} : memref<576xf32, #tpu.memory_space<vmem>>, vector<16xf32>,
        %parallel_loop3A_269 = arith.constant 48 : i32
        %parallel_loop3A_270 = arith.addi %parallel_loop3A_240, %parallel_loop3A_269 : i32
        %parallel_loop3A_271 = arith.index_cast %parallel_loop3A_270 : i32 to index
        %parallel_loop3A_272 = tpu.vector_load %arg9[%parallel_loop3A_271] {strides = array<i32>} : memref<51200xf32, #tpu.memory_space<vmem>>, vector<16xf32>,
        tpu.vector_store %arg9[%parallel_loop3A_271], %parallel_loop3A_268 {strides = array<i32>} : memref<51200xf32, #tpu.memory_space<vmem>>, vector<16xf32>,
        %parallel_loop3A_273 = vector.extract_strided_slice %parallel_loop3A_152 {offsets = [3], sizes = [1], strides = [1]} : vector<16xi32> to vector<1xi32>
        %parallel_loop3A_274 = vector.extract %parallel_loop3A_273[0] : i32 from vector<1xi32>
        %parallel_loop3A_275 = arith.constant 16 : i32
        %parallel_loop3A_276 = arith.muli %parallel_loop3A_112, %parallel_loop3A_275 : i32
        %parallel_loop3A_277 = arith.constant 3 : i32
        %parallel_loop3A_278 = arith.addi %parallel_loop3A_276, %parallel_loop3A_277 : i32
        %parallel_loop3A_279 = arith.constant 64 : i32
        %parallel_loop3A_280 = arith.muli %parallel_loop3A_278, %parallel_loop3A_279 : i32
        %parallel_loop3A_281 = arith.constant 0 : i32
        %parallel_loop3A_282 = arith.addi %parallel_loop3A_274, %parallel_loop3A_281 : i32
        %parallel_loop3A_283 = arith.index_cast %parallel_loop3A_282 : i32 to index
        %parallel_loop3A_284 = tpu.vector_load %arg8[%parallel_loop3A_283] {strides = array<i32>} : memref<576xf32, #tpu.memory_space<vmem>>, vector<16xf32>,
        %parallel_loop3A_285 = arith.constant 0 : i32
        %parallel_loop3A_286 = arith.addi %parallel_loop3A_280, %parallel_loop3A_285 : i32
        %parallel_loop3A_287 = arith.index_cast %parallel_loop3A_286 : i32 to index
        %parallel_loop3A_288 = tpu.vector_load %arg9[%parallel_loop3A_287] {strides = array<i32>} : memref<51200xf32, #tpu.memory_space<vmem>>, vector<16xf32>,
        tpu.vector_store %arg9[%parallel_loop3A_287], %parallel_loop3A_284 {strides = array<i32>} : memref<51200xf32, #tpu.memory_space<vmem>>, vector<16xf32>,
        %parallel_loop3A_289 = arith.constant 16 : i32
        %parallel_loop3A_290 = arith.addi %parallel_loop3A_274, %parallel_loop3A_289 : i32
        %parallel_loop3A_291 = arith.index_cast %parallel_loop3A_290 : i32 to index
        %parallel_loop3A_292 = tpu.vector_load %arg8[%parallel_loop3A_291] {strides = array<i32>} : memref<576xf32, #tpu.memory_space<vmem>>, vector<16xf32>,
        %parallel_loop3A_293 = arith.constant 16 : i32
        %parallel_loop3A_294 = arith.addi %parallel_loop3A_280, %parallel_loop3A_293 : i32
        %parallel_loop3A_295 = arith.index_cast %parallel_loop3A_294 : i32 to index
        %parallel_loop3A_296 = tpu.vector_load %arg9[%parallel_loop3A_295] {strides = array<i32>} : memref<51200xf32, #tpu.memory_space<vmem>>, vector<16xf32>,
        tpu.vector_store %arg9[%parallel_loop3A_295], %parallel_loop3A_292 {strides = array<i32>} : memref<51200xf32, #tpu.memory_space<vmem>>, vector<16xf32>,
        %parallel_loop3A_297 = arith.constant 32 : i32
        %parallel_loop3A_298 = arith.addi %parallel_loop3A_274, %parallel_loop3A_297 : i32
        %parallel_loop3A_299 = arith.index_cast %parallel_loop3A_298 : i32 to index
        %parallel_loop3A_300 = tpu.vector_load %arg8[%parallel_loop3A_299] {strides = array<i32>} : memref<576xf32, #tpu.memory_space<vmem>>, vector<16xf32>,
        %parallel_loop3A_301 = arith.constant 32 : i32
        %parallel_loop3A_302 = arith.addi %parallel_loop3A_280, %parallel_loop3A_301 : i32
        %parallel_loop3A_303 = arith.index_cast %parallel_loop3A_302 : i32 to index
        %parallel_loop3A_304 = tpu.vector_load %arg9[%parallel_loop3A_303] {strides = array<i32>} : memref<51200xf32, #tpu.memory_space<vmem>>, vector<16xf32>,
        tpu.vector_store %arg9[%parallel_loop3A_303], %parallel_loop3A_300 {strides = array<i32>} : memref<51200xf32, #tpu.memory_space<vmem>>, vector<16xf32>,
        %parallel_loop3A_305 = arith.constant 48 : i32
        %parallel_loop3A_306 = arith.addi %parallel_loop3A_274, %parallel_loop3A_305 : i32
        %parallel_loop3A_307 = arith.index_cast %parallel_loop3A_306 : i32 to index
        %parallel_loop3A_308 = tpu.vector_load %arg8[%parallel_loop3A_307] {strides = array<i32>} : memref<576xf32, #tpu.memory_space<vmem>>, vector<16xf32>,
        %parallel_loop3A_309 = arith.constant 48 : i32
        %parallel_loop3A_310 = arith.addi %parallel_loop3A_280, %parallel_loop3A_309 : i32
        %parallel_loop3A_311 = arith.index_cast %parallel_loop3A_310 : i32 to index
        %parallel_loop3A_312 = tpu.vector_load %arg9[%parallel_loop3A_311] {strides = array<i32>} : memref<51200xf32, #tpu.memory_space<vmem>>, vector<16xf32>,
        tpu.vector_store %arg9[%parallel_loop3A_311], %parallel_loop3A_308 {strides = array<i32>} : memref<51200xf32, #tpu.memory_space<vmem>>, vector<16xf32>,
        %parallel_loop3A_313 = vector.extract_strided_slice %parallel_loop3A_152 {offsets = [4], sizes = [1], strides = [1]} : vector<16xi32> to vector<1xi32>
        %parallel_loop3A_314 = vector.extract %parallel_loop3A_313[0] : i32 from vector<1xi32>
        %parallel_loop3A_315 = arith.constant 16 : i32
        %parallel_loop3A_316 = arith.muli %parallel_loop3A_112, %parallel_loop3A_315 : i32
        %parallel_loop3A_317 = arith.constant 4 : i32
        %parallel_loop3A_318 = arith.addi %parallel_loop3A_316, %parallel_loop3A_317 : i32
        %parallel_loop3A_319 = arith.constant 64 : i32
        %parallel_loop3A_320 = arith.muli %parallel_loop3A_318, %parallel_loop3A_319 : i32
        %parallel_loop3A_321 = arith.constant 0 : i32
        %parallel_loop3A_322 = arith.addi %parallel_loop3A_314, %parallel_loop3A_321 : i32
        %parallel_loop3A_323 = arith.index_cast %parallel_loop3A_322 : i32 to index
        %parallel_loop3A_324 = tpu.vector_load %arg8[%parallel_loop3A_323] {strides = array<i32>} : memref<576xf32, #tpu.memory_space<vmem>>, vector<16xf32>,
        %parallel_loop3A_325 = arith.constant 0 : i32
        %parallel_loop3A_326 = arith.addi %parallel_loop3A_320, %parallel_loop3A_325 : i32
        %parallel_loop3A_327 = arith.index_cast %parallel_loop3A_326 : i32 to index
        %parallel_loop3A_328 = tpu.vector_load %arg9[%parallel_loop3A_327] {strides = array<i32>} : memref<51200xf32, #tpu.memory_space<vmem>>, vector<16xf32>,
        tpu.vector_store %arg9[%parallel_loop3A_327], %parallel_loop3A_324 {strides = array<i32>} : memref<51200xf32, #tpu.memory_space<vmem>>, vector<16xf32>,
        %parallel_loop3A_329 = arith.constant 16 : i32
        %parallel_loop3A_330 = arith.addi %parallel_loop3A_314, %parallel_loop3A_329 : i32
        %parallel_loop3A_331 = arith.index_cast %parallel_loop3A_330 : i32 to index
        %parallel_loop3A_332 = tpu.vector_load %arg8[%parallel_loop3A_331] {strides = array<i32>} : memref<576xf32, #tpu.memory_space<vmem>>, vector<16xf32>,
        %parallel_loop3A_333 = arith.constant 16 : i32
        %parallel_loop3A_334 = arith.addi %parallel_loop3A_320, %parallel_loop3A_333 : i32
        %parallel_loop3A_335 = arith.index_cast %parallel_loop3A_334 : i32 to index
        %parallel_loop3A_336 = tpu.vector_load %arg9[%parallel_loop3A_335] {strides = array<i32>} : memref<51200xf32, #tpu.memory_space<vmem>>, vector<16xf32>,
        tpu.vector_store %arg9[%parallel_loop3A_335], %parallel_loop3A_332 {strides = array<i32>} : memref<51200xf32, #tpu.memory_space<vmem>>, vector<16xf32>,
        %parallel_loop3A_337 = arith.constant 32 : i32
        %parallel_loop3A_338 = arith.addi %parallel_loop3A_314, %parallel_loop3A_337 : i32
        %parallel_loop3A_339 = arith.index_cast %parallel_loop3A_338 : i32 to index
        %parallel_loop3A_340 = tpu.vector_load %arg8[%parallel_loop3A_339] {strides = array<i32>} : memref<576xf32, #tpu.memory_space<vmem>>, vector<16xf32>,
        %parallel_loop3A_341 = arith.constant 32 : i32
        %parallel_loop3A_342 = arith.addi %parallel_loop3A_320, %parallel_loop3A_341 : i32
        %parallel_loop3A_343 = arith.index_cast %parallel_loop3A_342 : i32 to index
        %parallel_loop3A_344 = tpu.vector_load %arg9[%parallel_loop3A_343] {strides = array<i32>} : memref<51200xf32, #tpu.memory_space<vmem>>, vector<16xf32>,
        tpu.vector_store %arg9[%parallel_loop3A_343], %parallel_loop3A_340 {strides = array<i32>} : memref<51200xf32, #tpu.memory_space<vmem>>, vector<16xf32>,
        %parallel_loop3A_345 = arith.constant 48 : i32
        %parallel_loop3A_346 = arith.addi %parallel_loop3A_314, %parallel_loop3A_345 : i32
        %parallel_loop3A_347 = arith.index_cast %parallel_loop3A_346 : i32 to index
        %parallel_loop3A_348 = tpu.vector_load %arg8[%parallel_loop3A_347] {strides = array<i32>} : memref<576xf32, #tpu.memory_space<vmem>>, vector<16xf32>,
        %parallel_loop3A_349 = arith.constant 48 : i32
        %parallel_loop3A_350 = arith.addi %parallel_loop3A_320, %parallel_loop3A_349 : i32
        %parallel_loop3A_351 = arith.index_cast %parallel_loop3A_350 : i32 to index
        %parallel_loop3A_352 = tpu.vector_load %arg9[%parallel_loop3A_351] {strides = array<i32>} : memref<51200xf32, #tpu.memory_space<vmem>>, vector<16xf32>,
        tpu.vector_store %arg9[%parallel_loop3A_351], %parallel_loop3A_348 {strides = array<i32>} : memref<51200xf32, #tpu.memory_space<vmem>>, vector<16xf32>,
        %parallel_loop3A_353 = vector.extract_strided_slice %parallel_loop3A_152 {offsets = [5], sizes = [1], strides = [1]} : vector<16xi32> to vector<1xi32>
        %parallel_loop3A_354 = vector.extract %parallel_loop3A_353[0] : i32 from vector<1xi32>
        %parallel_loop3A_355 = arith.constant 16 : i32
        %parallel_loop3A_356 = arith.muli %parallel_loop3A_112, %parallel_loop3A_355 : i32
        %parallel_loop3A_357 = arith.constant 5 : i32
        %parallel_loop3A_358 = arith.addi %parallel_loop3A_356, %parallel_loop3A_357 : i32
        %parallel_loop3A_359 = arith.constant 64 : i32
        %parallel_loop3A_360 = arith.muli %parallel_loop3A_358, %parallel_loop3A_359 : i32
        %parallel_loop3A_361 = arith.constant 0 : i32
        %parallel_loop3A_362 = arith.addi %parallel_loop3A_354, %parallel_loop3A_361 : i32
        %parallel_loop3A_363 = arith.index_cast %parallel_loop3A_362 : i32 to index
        %parallel_loop3A_364 = tpu.vector_load %arg8[%parallel_loop3A_363] {strides = array<i32>} : memref<576xf32, #tpu.memory_space<vmem>>, vector<16xf32>,
        %parallel_loop3A_365 = arith.constant 0 : i32
        %parallel_loop3A_366 = arith.addi %parallel_loop3A_360, %parallel_loop3A_365 : i32
        %parallel_loop3A_367 = arith.index_cast %parallel_loop3A_366 : i32 to index
        %parallel_loop3A_368 = tpu.vector_load %arg9[%parallel_loop3A_367] {strides = array<i32>} : memref<51200xf32, #tpu.memory_space<vmem>>, vector<16xf32>,
        tpu.vector_store %arg9[%parallel_loop3A_367], %parallel_loop3A_364 {strides = array<i32>} : memref<51200xf32, #tpu.memory_space<vmem>>, vector<16xf32>,
        %parallel_loop3A_369 = arith.constant 16 : i32
        %parallel_loop3A_370 = arith.addi %parallel_loop3A_354, %parallel_loop3A_369 : i32
        %parallel_loop3A_371 = arith.index_cast %parallel_loop3A_370 : i32 to index
        %parallel_loop3A_372 = tpu.vector_load %arg8[%parallel_loop3A_371] {strides = array<i32>} : memref<576xf32, #tpu.memory_space<vmem>>, vector<16xf32>,
        %parallel_loop3A_373 = arith.constant 16 : i32
        %parallel_loop3A_374 = arith.addi %parallel_loop3A_360, %parallel_loop3A_373 : i32
        %parallel_loop3A_375 = arith.index_cast %parallel_loop3A_374 : i32 to index
        %parallel_loop3A_376 = tpu.vector_load %arg9[%parallel_loop3A_375] {strides = array<i32>} : memref<51200xf32, #tpu.memory_space<vmem>>, vector<16xf32>,
        tpu.vector_store %arg9[%parallel_loop3A_375], %parallel_loop3A_372 {strides = array<i32>} : memref<51200xf32, #tpu.memory_space<vmem>>, vector<16xf32>,
        %parallel_loop3A_377 = arith.constant 32 : i32
        %parallel_loop3A_378 = arith.addi %parallel_loop3A_354, %parallel_loop3A_377 : i32
        %parallel_loop3A_379 = arith.index_cast %parallel_loop3A_378 : i32 to index
        %parallel_loop3A_380 = tpu.vector_load %arg8[%parallel_loop3A_379] {strides = array<i32>} : memref<576xf32, #tpu.memory_space<vmem>>, vector<16xf32>,
        %parallel_loop3A_381 = arith.constant 32 : i32
        %parallel_loop3A_382 = arith.addi %parallel_loop3A_360, %parallel_loop3A_381 : i32
        %parallel_loop3A_383 = arith.index_cast %parallel_loop3A_382 : i32 to index
        %parallel_loop3A_384 = tpu.vector_load %arg9[%parallel_loop3A_383] {strides = array<i32>} : memref<51200xf32, #tpu.memory_space<vmem>>, vector<16xf32>,
        tpu.vector_store %arg9[%parallel_loop3A_383], %parallel_loop3A_380 {strides = array<i32>} : memref<51200xf32, #tpu.memory_space<vmem>>, vector<16xf32>,
        %parallel_loop3A_385 = arith.constant 48 : i32
        %parallel_loop3A_386 = arith.addi %parallel_loop3A_354, %parallel_loop3A_385 : i32
        %parallel_loop3A_387 = arith.index_cast %parallel_loop3A_386 : i32 to index
        %parallel_loop3A_388 = tpu.vector_load %arg8[%parallel_loop3A_387] {strides = array<i32>} : memref<576xf32, #tpu.memory_space<vmem>>, vector<16xf32>,
        %parallel_loop3A_389 = arith.constant 48 : i32
        %parallel_loop3A_390 = arith.addi %parallel_loop3A_360, %parallel_loop3A_389 : i32
        %parallel_loop3A_391 = arith.index_cast %parallel_loop3A_390 : i32 to index
        %parallel_loop3A_392 = tpu.vector_load %arg9[%parallel_loop3A_391] {strides = array<i32>} : memref<51200xf32, #tpu.memory_space<vmem>>, vector<16xf32>,
        tpu.vector_store %arg9[%parallel_loop3A_391], %parallel_loop3A_388 {strides = array<i32>} : memref<51200xf32, #tpu.memory_space<vmem>>, vector<16xf32>,
        %parallel_loop3A_393 = vector.extract_strided_slice %parallel_loop3A_152 {offsets = [6], sizes = [1], strides = [1]} : vector<16xi32> to vector<1xi32>
        %parallel_loop3A_394 = vector.extract %parallel_loop3A_393[0] : i32 from vector<1xi32>
        %parallel_loop3A_395 = arith.constant 16 : i32
        %parallel_loop3A_396 = arith.muli %parallel_loop3A_112, %parallel_loop3A_395 : i32
        %parallel_loop3A_397 = arith.constant 6 : i32
        %parallel_loop3A_398 = arith.addi %parallel_loop3A_396, %parallel_loop3A_397 : i32
        %parallel_loop3A_399 = arith.constant 64 : i32
        %parallel_loop3A_400 = arith.muli %parallel_loop3A_398, %parallel_loop3A_399 : i32
        %parallel_loop3A_401 = arith.constant 0 : i32
        %parallel_loop3A_402 = arith.addi %parallel_loop3A_394, %parallel_loop3A_401 : i32
        %parallel_loop3A_403 = arith.index_cast %parallel_loop3A_402 : i32 to index
        %parallel_loop3A_404 = tpu.vector_load %arg8[%parallel_loop3A_403] {strides = array<i32>} : memref<576xf32, #tpu.memory_space<vmem>>, vector<16xf32>,
        %parallel_loop3A_405 = arith.constant 0 : i32
        %parallel_loop3A_406 = arith.addi %parallel_loop3A_400, %parallel_loop3A_405 : i32
        %parallel_loop3A_407 = arith.index_cast %parallel_loop3A_406 : i32 to index
        %parallel_loop3A_408 = tpu.vector_load %arg9[%parallel_loop3A_407] {strides = array<i32>} : memref<51200xf32, #tpu.memory_space<vmem>>, vector<16xf32>,
        tpu.vector_store %arg9[%parallel_loop3A_407], %parallel_loop3A_404 {strides = array<i32>} : memref<51200xf32, #tpu.memory_space<vmem>>, vector<16xf32>,
        %parallel_loop3A_409 = arith.constant 16 : i32
        %parallel_loop3A_410 = arith.addi %parallel_loop3A_394, %parallel_loop3A_409 : i32
        %parallel_loop3A_411 = arith.index_cast %parallel_loop3A_410 : i32 to index
        %parallel_loop3A_412 = tpu.vector_load %arg8[%parallel_loop3A_411] {strides = array<i32>} : memref<576xf32, #tpu.memory_space<vmem>>, vector<16xf32>,
        %parallel_loop3A_413 = arith.constant 16 : i32
        %parallel_loop3A_414 = arith.addi %parallel_loop3A_400, %parallel_loop3A_413 : i32
        %parallel_loop3A_415 = arith.index_cast %parallel_loop3A_414 : i32 to index
        %parallel_loop3A_416 = tpu.vector_load %arg9[%parallel_loop3A_415] {strides = array<i32>} : memref<51200xf32, #tpu.memory_space<vmem>>, vector<16xf32>,
        tpu.vector_store %arg9[%parallel_loop3A_415], %parallel_loop3A_412 {strides = array<i32>} : memref<51200xf32, #tpu.memory_space<vmem>>, vector<16xf32>,
        %parallel_loop3A_417 = arith.constant 32 : i32
        %parallel_loop3A_418 = arith.addi %parallel_loop3A_394, %parallel_loop3A_417 : i32
        %parallel_loop3A_419 = arith.index_cast %parallel_loop3A_418 : i32 to index
        %parallel_loop3A_420 = tpu.vector_load %arg8[%parallel_loop3A_419] {strides = array<i32>} : memref<576xf32, #tpu.memory_space<vmem>>, vector<16xf32>,
        %parallel_loop3A_421 = arith.constant 32 : i32
        %parallel_loop3A_422 = arith.addi %parallel_loop3A_400, %parallel_loop3A_421 : i32
        %parallel_loop3A_423 = arith.index_cast %parallel_loop3A_422 : i32 to index
        %parallel_loop3A_424 = tpu.vector_load %arg9[%parallel_loop3A_423] {strides = array<i32>} : memref<51200xf32, #tpu.memory_space<vmem>>, vector<16xf32>,
        tpu.vector_store %arg9[%parallel_loop3A_423], %parallel_loop3A_420 {strides = array<i32>} : memref<51200xf32, #tpu.memory_space<vmem>>, vector<16xf32>,
        %parallel_loop3A_425 = arith.constant 48 : i32
        %parallel_loop3A_426 = arith.addi %parallel_loop3A_394, %parallel_loop3A_425 : i32
        %parallel_loop3A_427 = arith.index_cast %parallel_loop3A_426 : i32 to index
        %parallel_loop3A_428 = tpu.vector_load %arg8[%parallel_loop3A_427] {strides = array<i32>} : memref<576xf32, #tpu.memory_space<vmem>>, vector<16xf32>,
        %parallel_loop3A_429 = arith.constant 48 : i32
        %parallel_loop3A_430 = arith.addi %parallel_loop3A_400, %parallel_loop3A_429 : i32
        %parallel_loop3A_431 = arith.index_cast %parallel_loop3A_430 : i32 to index
        %parallel_loop3A_432 = tpu.vector_load %arg9[%parallel_loop3A_431] {strides = array<i32>} : memref<51200xf32, #tpu.memory_space<vmem>>, vector<16xf32>,
        tpu.vector_store %arg9[%parallel_loop3A_431], %parallel_loop3A_428 {strides = array<i32>} : memref<51200xf32, #tpu.memory_space<vmem>>, vector<16xf32>,
        %parallel_loop3A_433 = vector.extract_strided_slice %parallel_loop3A_152 {offsets = [7], sizes = [1], strides = [1]} : vector<16xi32> to vector<1xi32>
        %parallel_loop3A_434 = vector.extract %parallel_loop3A_433[0] : i32 from vector<1xi32>
        %parallel_loop3A_435 = arith.constant 16 : i32
        %parallel_loop3A_436 = arith.muli %parallel_loop3A_112, %parallel_loop3A_435 : i32
        %parallel_loop3A_437 = arith.constant 7 : i32
        %parallel_loop3A_438 = arith.addi %parallel_loop3A_436, %parallel_loop3A_437 : i32
        %parallel_loop3A_439 = arith.constant 64 : i32
        %parallel_loop3A_440 = arith.muli %parallel_loop3A_438, %parallel_loop3A_439 : i32
        %parallel_loop3A_441 = arith.constant 0 : i32
        %parallel_loop3A_442 = arith.addi %parallel_loop3A_434, %parallel_loop3A_441 : i32
        %parallel_loop3A_443 = arith.index_cast %parallel_loop3A_442 : i32 to index
        %parallel_loop3A_444 = tpu.vector_load %arg8[%parallel_loop3A_443] {strides = array<i32>} : memref<576xf32, #tpu.memory_space<vmem>>, vector<16xf32>,
        %parallel_loop3A_445 = arith.constant 0 : i32
        %parallel_loop3A_446 = arith.addi %parallel_loop3A_440, %parallel_loop3A_445 : i32
        %parallel_loop3A_447 = arith.index_cast %parallel_loop3A_446 : i32 to index
        %parallel_loop3A_448 = tpu.vector_load %arg9[%parallel_loop3A_447] {strides = array<i32>} : memref<51200xf32, #tpu.memory_space<vmem>>, vector<16xf32>,
        tpu.vector_store %arg9[%parallel_loop3A_447], %parallel_loop3A_444 {strides = array<i32>} : memref<51200xf32, #tpu.memory_space<vmem>>, vector<16xf32>,
        %parallel_loop3A_449 = arith.constant 16 : i32
        %parallel_loop3A_450 = arith.addi %parallel_loop3A_434, %parallel_loop3A_449 : i32
        %parallel_loop3A_451 = arith.index_cast %parallel_loop3A_450 : i32 to index
        %parallel_loop3A_452 = tpu.vector_load %arg8[%parallel_loop3A_451] {strides = array<i32>} : memref<576xf32, #tpu.memory_space<vmem>>, vector<16xf32>,
        %parallel_loop3A_453 = arith.constant 16 : i32
        %parallel_loop3A_454 = arith.addi %parallel_loop3A_440, %parallel_loop3A_453 : i32
        %parallel_loop3A_455 = arith.index_cast %parallel_loop3A_454 : i32 to index
        %parallel_loop3A_456 = tpu.vector_load %arg9[%parallel_loop3A_455] {strides = array<i32>} : memref<51200xf32, #tpu.memory_space<vmem>>, vector<16xf32>,
        tpu.vector_store %arg9[%parallel_loop3A_455], %parallel_loop3A_452 {strides = array<i32>} : memref<51200xf32, #tpu.memory_space<vmem>>, vector<16xf32>,
        %parallel_loop3A_457 = arith.constant 32 : i32
        %parallel_loop3A_458 = arith.addi %parallel_loop3A_434, %parallel_loop3A_457 : i32
        %parallel_loop3A_459 = arith.index_cast %parallel_loop3A_458 : i32 to index
        %parallel_loop3A_460 = tpu.vector_load %arg8[%parallel_loop3A_459] {strides = array<i32>} : memref<576xf32, #tpu.memory_space<vmem>>, vector<16xf32>,
        %parallel_loop3A_461 = arith.constant 32 : i32
        %parallel_loop3A_462 = arith.addi %parallel_loop3A_440, %parallel_loop3A_461 : i32
        %parallel_loop3A_463 = arith.index_cast %parallel_loop3A_462 : i32 to index
        %parallel_loop3A_464 = tpu.vector_load %arg9[%parallel_loop3A_463] {strides = array<i32>} : memref<51200xf32, #tpu.memory_space<vmem>>, vector<16xf32>,
        tpu.vector_store %arg9[%parallel_loop3A_463], %parallel_loop3A_460 {strides = array<i32>} : memref<51200xf32, #tpu.memory_space<vmem>>, vector<16xf32>,
        %parallel_loop3A_465 = arith.constant 48 : i32
        %parallel_loop3A_466 = arith.addi %parallel_loop3A_434, %parallel_loop3A_465 : i32
        %parallel_loop3A_467 = arith.index_cast %parallel_loop3A_466 : i32 to index
        %parallel_loop3A_468 = tpu.vector_load %arg8[%parallel_loop3A_467] {strides = array<i32>} : memref<576xf32, #tpu.memory_space<vmem>>, vector<16xf32>,
        %parallel_loop3A_469 = arith.constant 48 : i32
        %parallel_loop3A_470 = arith.addi %parallel_loop3A_440, %parallel_loop3A_469 : i32
        %parallel_loop3A_471 = arith.index_cast %parallel_loop3A_470 : i32 to index
        %parallel_loop3A_472 = tpu.vector_load %arg9[%parallel_loop3A_471] {strides = array<i32>} : memref<51200xf32, #tpu.memory_space<vmem>>, vector<16xf32>,
        tpu.vector_store %arg9[%parallel_loop3A_471], %parallel_loop3A_468 {strides = array<i32>} : memref<51200xf32, #tpu.memory_space<vmem>>, vector<16xf32>,
        %parallel_loop3A_473 = vector.extract_strided_slice %parallel_loop3A_152 {offsets = [8], sizes = [1], strides = [1]} : vector<16xi32> to vector<1xi32>
        %parallel_loop3A_474 = vector.extract %parallel_loop3A_473[0] : i32 from vector<1xi32>
        %parallel_loop3A_475 = arith.constant 16 : i32
        %parallel_loop3A_476 = arith.muli %parallel_loop3A_112, %parallel_loop3A_475 : i32
        %parallel_loop3A_477 = arith.constant 8 : i32
        %parallel_loop3A_478 = arith.addi %parallel_loop3A_476, %parallel_loop3A_477 : i32
        %parallel_loop3A_479 = arith.constant 64 : i32
        %parallel_loop3A_480 = arith.muli %parallel_loop3A_478, %parallel_loop3A_479 : i32
        %parallel_loop3A_481 = arith.constant 0 : i32
        %parallel_loop3A_482 = arith.addi %parallel_loop3A_474, %parallel_loop3A_481 : i32
        %parallel_loop3A_483 = arith.index_cast %parallel_loop3A_482 : i32 to index
        %parallel_loop3A_484 = tpu.vector_load %arg8[%parallel_loop3A_483] {strides = array<i32>} : memref<576xf32, #tpu.memory_space<vmem>>, vector<16xf32>,
        %parallel_loop3A_485 = arith.constant 0 : i32
        %parallel_loop3A_486 = arith.addi %parallel_loop3A_480, %parallel_loop3A_485 : i32
        %parallel_loop3A_487 = arith.index_cast %parallel_loop3A_486 : i32 to index
        %parallel_loop3A_488 = tpu.vector_load %arg9[%parallel_loop3A_487] {strides = array<i32>} : memref<51200xf32, #tpu.memory_space<vmem>>, vector<16xf32>,
        tpu.vector_store %arg9[%parallel_loop3A_487], %parallel_loop3A_484 {strides = array<i32>} : memref<51200xf32, #tpu.memory_space<vmem>>, vector<16xf32>,
        %parallel_loop3A_489 = arith.constant 16 : i32
        %parallel_loop3A_490 = arith.addi %parallel_loop3A_474, %parallel_loop3A_489 : i32
        %parallel_loop3A_491 = arith.index_cast %parallel_loop3A_490 : i32 to index
        %parallel_loop3A_492 = tpu.vector_load %arg8[%parallel_loop3A_491] {strides = array<i32>} : memref<576xf32, #tpu.memory_space<vmem>>, vector<16xf32>,
        %parallel_loop3A_493 = arith.constant 16 : i32
        %parallel_loop3A_494 = arith.addi %parallel_loop3A_480, %parallel_loop3A_493 : i32
        %parallel_loop3A_495 = arith.index_cast %parallel_loop3A_494 : i32 to index
        %parallel_loop3A_496 = tpu.vector_load %arg9[%parallel_loop3A_495] {strides = array<i32>} : memref<51200xf32, #tpu.memory_space<vmem>>, vector<16xf32>,
        tpu.vector_store %arg9[%parallel_loop3A_495], %parallel_loop3A_492 {strides = array<i32>} : memref<51200xf32, #tpu.memory_space<vmem>>, vector<16xf32>,
        %parallel_loop3A_497 = arith.constant 32 : i32
        %parallel_loop3A_498 = arith.addi %parallel_loop3A_474, %parallel_loop3A_497 : i32
        %parallel_loop3A_499 = arith.index_cast %parallel_loop3A_498 : i32 to index
        %parallel_loop3A_500 = tpu.vector_load %arg8[%parallel_loop3A_499] {strides = array<i32>} : memref<576xf32, #tpu.memory_space<vmem>>, vector<16xf32>,
        %parallel_loop3A_501 = arith.constant 32 : i32
        %parallel_loop3A_502 = arith.addi %parallel_loop3A_480, %parallel_loop3A_501 : i32
        %parallel_loop3A_503 = arith.index_cast %parallel_loop3A_502 : i32 to index
        %parallel_loop3A_504 = tpu.vector_load %arg9[%parallel_loop3A_503] {strides = array<i32>} : memref<51200xf32, #tpu.memory_space<vmem>>, vector<16xf32>,
        tpu.vector_store %arg9[%parallel_loop3A_503], %parallel_loop3A_500 {strides = array<i32>} : memref<51200xf32, #tpu.memory_space<vmem>>, vector<16xf32>,
        %parallel_loop3A_505 = arith.constant 48 : i32
        %parallel_loop3A_506 = arith.addi %parallel_loop3A_474, %parallel_loop3A_505 : i32
        %parallel_loop3A_507 = arith.index_cast %parallel_loop3A_506 : i32 to index
        %parallel_loop3A_508 = tpu.vector_load %arg8[%parallel_loop3A_507] {strides = array<i32>} : memref<576xf32, #tpu.memory_space<vmem>>, vector<16xf32>,
        %parallel_loop3A_509 = arith.constant 48 : i32
        %parallel_loop3A_510 = arith.addi %parallel_loop3A_480, %parallel_loop3A_509 : i32
        %parallel_loop3A_511 = arith.index_cast %parallel_loop3A_510 : i32 to index
        %parallel_loop3A_512 = tpu.vector_load %arg9[%parallel_loop3A_511] {strides = array<i32>} : memref<51200xf32, #tpu.memory_space<vmem>>, vector<16xf32>,
        tpu.vector_store %arg9[%parallel_loop3A_511], %parallel_loop3A_508 {strides = array<i32>} : memref<51200xf32, #tpu.memory_space<vmem>>, vector<16xf32>,
        %parallel_loop3A_513 = vector.extract_strided_slice %parallel_loop3A_152 {offsets = [9], sizes = [1], strides = [1]} : vector<16xi32> to vector<1xi32>
        %parallel_loop3A_514 = vector.extract %parallel_loop3A_513[0] : i32 from vector<1xi32>
        %parallel_loop3A_515 = arith.constant 16 : i32
        %parallel_loop3A_516 = arith.muli %parallel_loop3A_112, %parallel_loop3A_515 : i32
        %parallel_loop3A_517 = arith.constant 9 : i32
        %parallel_loop3A_518 = arith.addi %parallel_loop3A_516, %parallel_loop3A_517 : i32
        %parallel_loop3A_519 = arith.constant 64 : i32
        %parallel_loop3A_520 = arith.muli %parallel_loop3A_518, %parallel_loop3A_519 : i32
        %parallel_loop3A_521 = arith.constant 0 : i32
        %parallel_loop3A_522 = arith.addi %parallel_loop3A_514, %parallel_loop3A_521 : i32
        %parallel_loop3A_523 = arith.index_cast %parallel_loop3A_522 : i32 to index
        %parallel_loop3A_524 = tpu.vector_load %arg8[%parallel_loop3A_523] {strides = array<i32>} : memref<576xf32, #tpu.memory_space<vmem>>, vector<16xf32>,
        %parallel_loop3A_525 = arith.constant 0 : i32
        %parallel_loop3A_526 = arith.addi %parallel_loop3A_520, %parallel_loop3A_525 : i32
        %parallel_loop3A_527 = arith.index_cast %parallel_loop3A_526 : i32 to index
        %parallel_loop3A_528 = tpu.vector_load %arg9[%parallel_loop3A_527] {strides = array<i32>} : memref<51200xf32, #tpu.memory_space<vmem>>, vector<16xf32>,
        tpu.vector_store %arg9[%parallel_loop3A_527], %parallel_loop3A_524 {strides = array<i32>} : memref<51200xf32, #tpu.memory_space<vmem>>, vector<16xf32>,
        %parallel_loop3A_529 = arith.constant 16 : i32
        %parallel_loop3A_530 = arith.addi %parallel_loop3A_514, %parallel_loop3A_529 : i32
        %parallel_loop3A_531 = arith.index_cast %parallel_loop3A_530 : i32 to index
        %parallel_loop3A_532 = tpu.vector_load %arg8[%parallel_loop3A_531] {strides = array<i32>} : memref<576xf32, #tpu.memory_space<vmem>>, vector<16xf32>,
        %parallel_loop3A_533 = arith.constant 16 : i32
        %parallel_loop3A_534 = arith.addi %parallel_loop3A_520, %parallel_loop3A_533 : i32
        %parallel_loop3A_535 = arith.index_cast %parallel_loop3A_534 : i32 to index
        %parallel_loop3A_536 = tpu.vector_load %arg9[%parallel_loop3A_535] {strides = array<i32>} : memref<51200xf32, #tpu.memory_space<vmem>>, vector<16xf32>,
        tpu.vector_store %arg9[%parallel_loop3A_535], %parallel_loop3A_532 {strides = array<i32>} : memref<51200xf32, #tpu.memory_space<vmem>>, vector<16xf32>,
        %parallel_loop3A_537 = arith.constant 32 : i32
        %parallel_loop3A_538 = arith.addi %parallel_loop3A_514, %parallel_loop3A_537 : i32
        %parallel_loop3A_539 = arith.index_cast %parallel_loop3A_538 : i32 to index
        %parallel_loop3A_540 = tpu.vector_load %arg8[%parallel_loop3A_539] {strides = array<i32>} : memref<576xf32, #tpu.memory_space<vmem>>, vector<16xf32>,
        %parallel_loop3A_541 = arith.constant 32 : i32
        %parallel_loop3A_542 = arith.addi %parallel_loop3A_520, %parallel_loop3A_541 : i32
        %parallel_loop3A_543 = arith.index_cast %parallel_loop3A_542 : i32 to index
        %parallel_loop3A_544 = tpu.vector_load %arg9[%parallel_loop3A_543] {strides = array<i32>} : memref<51200xf32, #tpu.memory_space<vmem>>, vector<16xf32>,
        tpu.vector_store %arg9[%parallel_loop3A_543], %parallel_loop3A_540 {strides = array<i32>} : memref<51200xf32, #tpu.memory_space<vmem>>, vector<16xf32>,
        %parallel_loop3A_545 = arith.constant 48 : i32
        %parallel_loop3A_546 = arith.addi %parallel_loop3A_514, %parallel_loop3A_545 : i32
        %parallel_loop3A_547 = arith.index_cast %parallel_loop3A_546 : i32 to index
        %parallel_loop3A_548 = tpu.vector_load %arg8[%parallel_loop3A_547] {strides = array<i32>} : memref<576xf32, #tpu.memory_space<vmem>>, vector<16xf32>,
        %parallel_loop3A_549 = arith.constant 48 : i32
        %parallel_loop3A_550 = arith.addi %parallel_loop3A_520, %parallel_loop3A_549 : i32
        %parallel_loop3A_551 = arith.index_cast %parallel_loop3A_550 : i32 to index
        %parallel_loop3A_552 = tpu.vector_load %arg9[%parallel_loop3A_551] {strides = array<i32>} : memref<51200xf32, #tpu.memory_space<vmem>>, vector<16xf32>,
        tpu.vector_store %arg9[%parallel_loop3A_551], %parallel_loop3A_548 {strides = array<i32>} : memref<51200xf32, #tpu.memory_space<vmem>>, vector<16xf32>,
        %parallel_loop3A_553 = vector.extract_strided_slice %parallel_loop3A_152 {offsets = [10], sizes = [1], strides = [1]} : vector<16xi32> to vector<1xi32>
        %parallel_loop3A_554 = vector.extract %parallel_loop3A_553[0] : i32 from vector<1xi32>
        %parallel_loop3A_555 = arith.constant 16 : i32
        %parallel_loop3A_556 = arith.muli %parallel_loop3A_112, %parallel_loop3A_555 : i32
        %parallel_loop3A_557 = arith.constant 10 : i32
        %parallel_loop3A_558 = arith.addi %parallel_loop3A_556, %parallel_loop3A_557 : i32
        %parallel_loop3A_559 = arith.constant 64 : i32
        %parallel_loop3A_560 = arith.muli %parallel_loop3A_558, %parallel_loop3A_559 : i32
        %parallel_loop3A_561 = arith.constant 0 : i32
        %parallel_loop3A_562 = arith.addi %parallel_loop3A_554, %parallel_loop3A_561 : i32
        %parallel_loop3A_563 = arith.index_cast %parallel_loop3A_562 : i32 to index
        %parallel_loop3A_564 = tpu.vector_load %arg8[%parallel_loop3A_563] {strides = array<i32>} : memref<576xf32, #tpu.memory_space<vmem>>, vector<16xf32>,
        %parallel_loop3A_565 = arith.constant 0 : i32
        %parallel_loop3A_566 = arith.addi %parallel_loop3A_560, %parallel_loop3A_565 : i32
        %parallel_loop3A_567 = arith.index_cast %parallel_loop3A_566 : i32 to index
        %parallel_loop3A_568 = tpu.vector_load %arg9[%parallel_loop3A_567] {strides = array<i32>} : memref<51200xf32, #tpu.memory_space<vmem>>, vector<16xf32>,
        tpu.vector_store %arg9[%parallel_loop3A_567], %parallel_loop3A_564 {strides = array<i32>} : memref<51200xf32, #tpu.memory_space<vmem>>, vector<16xf32>,
        %parallel_loop3A_569 = arith.constant 16 : i32
        %parallel_loop3A_570 = arith.addi %parallel_loop3A_554, %parallel_loop3A_569 : i32
        %parallel_loop3A_571 = arith.index_cast %parallel_loop3A_570 : i32 to index
        %parallel_loop3A_572 = tpu.vector_load %arg8[%parallel_loop3A_571] {strides = array<i32>} : memref<576xf32, #tpu.memory_space<vmem>>, vector<16xf32>,
        %parallel_loop3A_573 = arith.constant 16 : i32
        %parallel_loop3A_574 = arith.addi %parallel_loop3A_560, %parallel_loop3A_573 : i32
        %parallel_loop3A_575 = arith.index_cast %parallel_loop3A_574 : i32 to index
        %parallel_loop3A_576 = tpu.vector_load %arg9[%parallel_loop3A_575] {strides = array<i32>} : memref<51200xf32, #tpu.memory_space<vmem>>, vector<16xf32>,
        tpu.vector_store %arg9[%parallel_loop3A_575], %parallel_loop3A_572 {strides = array<i32>} : memref<51200xf32, #tpu.memory_space<vmem>>, vector<16xf32>,
        %parallel_loop3A_577 = arith.constant 32 : i32
        %parallel_loop3A_578 = arith.addi %parallel_loop3A_554, %parallel_loop3A_577 : i32
        %parallel_loop3A_579 = arith.index_cast %parallel_loop3A_578 : i32 to index
        %parallel_loop3A_580 = tpu.vector_load %arg8[%parallel_loop3A_579] {strides = array<i32>} : memref<576xf32, #tpu.memory_space<vmem>>, vector<16xf32>,
        %parallel_loop3A_581 = arith.constant 32 : i32
        %parallel_loop3A_582 = arith.addi %parallel_loop3A_560, %parallel_loop3A_581 : i32
        %parallel_loop3A_583 = arith.index_cast %parallel_loop3A_582 : i32 to index
        %parallel_loop3A_584 = tpu.vector_load %arg9[%parallel_loop3A_583] {strides = array<i32>} : memref<51200xf32, #tpu.memory_space<vmem>>, vector<16xf32>,
        tpu.vector_store %arg9[%parallel_loop3A_583], %parallel_loop3A_580 {strides = array<i32>} : memref<51200xf32, #tpu.memory_space<vmem>>, vector<16xf32>,
        %parallel_loop3A_585 = arith.constant 48 : i32
        %parallel_loop3A_586 = arith.addi %parallel_loop3A_554, %parallel_loop3A_585 : i32
        %parallel_loop3A_587 = arith.index_cast %parallel_loop3A_586 : i32 to index
        %parallel_loop3A_588 = tpu.vector_load %arg8[%parallel_loop3A_587] {strides = array<i32>} : memref<576xf32, #tpu.memory_space<vmem>>, vector<16xf32>,
        %parallel_loop3A_589 = arith.constant 48 : i32
        %parallel_loop3A_590 = arith.addi %parallel_loop3A_560, %parallel_loop3A_589 : i32
        %parallel_loop3A_591 = arith.index_cast %parallel_loop3A_590 : i32 to index
        %parallel_loop3A_592 = tpu.vector_load %arg9[%parallel_loop3A_591] {strides = array<i32>} : memref<51200xf32, #tpu.memory_space<vmem>>, vector<16xf32>,
        tpu.vector_store %arg9[%parallel_loop3A_591], %parallel_loop3A_588 {strides = array<i32>} : memref<51200xf32, #tpu.memory_space<vmem>>, vector<16xf32>,
        %parallel_loop3A_593 = vector.extract_strided_slice %parallel_loop3A_152 {offsets = [11], sizes = [1], strides = [1]} : vector<16xi32> to vector<1xi32>
        %parallel_loop3A_594 = vector.extract %parallel_loop3A_593[0] : i32 from vector<1xi32>
        %parallel_loop3A_595 = arith.constant 16 : i32
        %parallel_loop3A_596 = arith.muli %parallel_loop3A_112, %parallel_loop3A_595 : i32
        %parallel_loop3A_597 = arith.constant 11 : i32
        %parallel_loop3A_598 = arith.addi %parallel_loop3A_596, %parallel_loop3A_597 : i32
        %parallel_loop3A_599 = arith.constant 64 : i32
        %parallel_loop3A_600 = arith.muli %parallel_loop3A_598, %parallel_loop3A_599 : i32
        %parallel_loop3A_601 = arith.constant 0 : i32
        %parallel_loop3A_602 = arith.addi %parallel_loop3A_594, %parallel_loop3A_601 : i32
        %parallel_loop3A_603 = arith.index_cast %parallel_loop3A_602 : i32 to index
        %parallel_loop3A_604 = tpu.vector_load %arg8[%parallel_loop3A_603] {strides = array<i32>} : memref<576xf32, #tpu.memory_space<vmem>>, vector<16xf32>,
        %parallel_loop3A_605 = arith.constant 0 : i32
        %parallel_loop3A_606 = arith.addi %parallel_loop3A_600, %parallel_loop3A_605 : i32
        %parallel_loop3A_607 = arith.index_cast %parallel_loop3A_606 : i32 to index
        %parallel_loop3A_608 = tpu.vector_load %arg9[%parallel_loop3A_607] {strides = array<i32>} : memref<51200xf32, #tpu.memory_space<vmem>>, vector<16xf32>,
        tpu.vector_store %arg9[%parallel_loop3A_607], %parallel_loop3A_604 {strides = array<i32>} : memref<51200xf32, #tpu.memory_space<vmem>>, vector<16xf32>,
        %parallel_loop3A_609 = arith.constant 16 : i32
        %parallel_loop3A_610 = arith.addi %parallel_loop3A_594, %parallel_loop3A_609 : i32
        %parallel_loop3A_611 = arith.index_cast %parallel_loop3A_610 : i32 to index
        %parallel_loop3A_612 = tpu.vector_load %arg8[%parallel_loop3A_611] {strides = array<i32>} : memref<576xf32, #tpu.memory_space<vmem>>, vector<16xf32>,
        %parallel_loop3A_613 = arith.constant 16 : i32
        %parallel_loop3A_614 = arith.addi %parallel_loop3A_600, %parallel_loop3A_613 : i32
        %parallel_loop3A_615 = arith.index_cast %parallel_loop3A_614 : i32 to index
        %parallel_loop3A_616 = tpu.vector_load %arg9[%parallel_loop3A_615] {strides = array<i32>} : memref<51200xf32, #tpu.memory_space<vmem>>, vector<16xf32>,
        tpu.vector_store %arg9[%parallel_loop3A_615], %parallel_loop3A_612 {strides = array<i32>} : memref<51200xf32, #tpu.memory_space<vmem>>, vector<16xf32>,
        %parallel_loop3A_617 = arith.constant 32 : i32
        %parallel_loop3A_618 = arith.addi %parallel_loop3A_594, %parallel_loop3A_617 : i32
        %parallel_loop3A_619 = arith.index_cast %parallel_loop3A_618 : i32 to index
        %parallel_loop3A_620 = tpu.vector_load %arg8[%parallel_loop3A_619] {strides = array<i32>} : memref<576xf32, #tpu.memory_space<vmem>>, vector<16xf32>,
        %parallel_loop3A_621 = arith.constant 32 : i32
        %parallel_loop3A_622 = arith.addi %parallel_loop3A_600, %parallel_loop3A_621 : i32
        %parallel_loop3A_623 = arith.index_cast %parallel_loop3A_622 : i32 to index
        %parallel_loop3A_624 = tpu.vector_load %arg9[%parallel_loop3A_623] {strides = array<i32>} : memref<51200xf32, #tpu.memory_space<vmem>>, vector<16xf32>,
        tpu.vector_store %arg9[%parallel_loop3A_623], %parallel_loop3A_620 {strides = array<i32>} : memref<51200xf32, #tpu.memory_space<vmem>>, vector<16xf32>,
        %parallel_loop3A_625 = arith.constant 48 : i32
        %parallel_loop3A_626 = arith.addi %parallel_loop3A_594, %parallel_loop3A_625 : i32
        %parallel_loop3A_627 = arith.index_cast %parallel_loop3A_626 : i32 to index
        %parallel_loop3A_628 = tpu.vector_load %arg8[%parallel_loop3A_627] {strides = array<i32>} : memref<576xf32, #tpu.memory_space<vmem>>, vector<16xf32>,
        %parallel_loop3A_629 = arith.constant 48 : i32
        %parallel_loop3A_630 = arith.addi %parallel_loop3A_600, %parallel_loop3A_629 : i32
        %parallel_loop3A_631 = arith.index_cast %parallel_loop3A_630 : i32 to index
        %parallel_loop3A_632 = tpu.vector_load %arg9[%parallel_loop3A_631] {strides = array<i32>} : memref<51200xf32, #tpu.memory_space<vmem>>, vector<16xf32>,
        tpu.vector_store %arg9[%parallel_loop3A_631], %parallel_loop3A_628 {strides = array<i32>} : memref<51200xf32, #tpu.memory_space<vmem>>, vector<16xf32>,
        %parallel_loop3A_633 = vector.extract_strided_slice %parallel_loop3A_152 {offsets = [12], sizes = [1], strides = [1]} : vector<16xi32> to vector<1xi32>
        %parallel_loop3A_634 = vector.extract %parallel_loop3A_633[0] : i32 from vector<1xi32>
        %parallel_loop3A_635 = arith.constant 16 : i32
        %parallel_loop3A_636 = arith.muli %parallel_loop3A_112, %parallel_loop3A_635 : i32
        %parallel_loop3A_637 = arith.constant 12 : i32
        %parallel_loop3A_638 = arith.addi %parallel_loop3A_636, %parallel_loop3A_637 : i32
        %parallel_loop3A_639 = arith.constant 64 : i32
        %parallel_loop3A_640 = arith.muli %parallel_loop3A_638, %parallel_loop3A_639 : i32
        %parallel_loop3A_641 = arith.constant 0 : i32
        %parallel_loop3A_642 = arith.addi %parallel_loop3A_634, %parallel_loop3A_641 : i32
        %parallel_loop3A_643 = arith.index_cast %parallel_loop3A_642 : i32 to index
        %parallel_loop3A_644 = tpu.vector_load %arg8[%parallel_loop3A_643] {strides = array<i32>} : memref<576xf32, #tpu.memory_space<vmem>>, vector<16xf32>,
        %parallel_loop3A_645 = arith.constant 0 : i32
        %parallel_loop3A_646 = arith.addi %parallel_loop3A_640, %parallel_loop3A_645 : i32
        %parallel_loop3A_647 = arith.index_cast %parallel_loop3A_646 : i32 to index
        %parallel_loop3A_648 = tpu.vector_load %arg9[%parallel_loop3A_647] {strides = array<i32>} : memref<51200xf32, #tpu.memory_space<vmem>>, vector<16xf32>,
        tpu.vector_store %arg9[%parallel_loop3A_647], %parallel_loop3A_644 {strides = array<i32>} : memref<51200xf32, #tpu.memory_space<vmem>>, vector<16xf32>,
        %parallel_loop3A_649 = arith.constant 16 : i32
        %parallel_loop3A_650 = arith.addi %parallel_loop3A_634, %parallel_loop3A_649 : i32
        %parallel_loop3A_651 = arith.index_cast %parallel_loop3A_650 : i32 to index
        %parallel_loop3A_652 = tpu.vector_load %arg8[%parallel_loop3A_651] {strides = array<i32>} : memref<576xf32, #tpu.memory_space<vmem>>, vector<16xf32>,
        %parallel_loop3A_653 = arith.constant 16 : i32
        %parallel_loop3A_654 = arith.addi %parallel_loop3A_640, %parallel_loop3A_653 : i32
        %parallel_loop3A_655 = arith.index_cast %parallel_loop3A_654 : i32 to index
        %parallel_loop3A_656 = tpu.vector_load %arg9[%parallel_loop3A_655] {strides = array<i32>} : memref<51200xf32, #tpu.memory_space<vmem>>, vector<16xf32>,
        tpu.vector_store %arg9[%parallel_loop3A_655], %parallel_loop3A_652 {strides = array<i32>} : memref<51200xf32, #tpu.memory_space<vmem>>, vector<16xf32>,
        %parallel_loop3A_657 = arith.constant 32 : i32
        %parallel_loop3A_658 = arith.addi %parallel_loop3A_634, %parallel_loop3A_657 : i32
        %parallel_loop3A_659 = arith.index_cast %parallel_loop3A_658 : i32 to index
        %parallel_loop3A_660 = tpu.vector_load %arg8[%parallel_loop3A_659] {strides = array<i32>} : memref<576xf32, #tpu.memory_space<vmem>>, vector<16xf32>,
        %parallel_loop3A_661 = arith.constant 32 : i32
        %parallel_loop3A_662 = arith.addi %parallel_loop3A_640, %parallel_loop3A_661 : i32
        %parallel_loop3A_663 = arith.index_cast %parallel_loop3A_662 : i32 to index
        %parallel_loop3A_664 = tpu.vector_load %arg9[%parallel_loop3A_663] {strides = array<i32>} : memref<51200xf32, #tpu.memory_space<vmem>>, vector<16xf32>,
        tpu.vector_store %arg9[%parallel_loop3A_663], %parallel_loop3A_660 {strides = array<i32>} : memref<51200xf32, #tpu.memory_space<vmem>>, vector<16xf32>,
        %parallel_loop3A_665 = arith.constant 48 : i32
        %parallel_loop3A_666 = arith.addi %parallel_loop3A_634, %parallel_loop3A_665 : i32
        %parallel_loop3A_667 = arith.index_cast %parallel_loop3A_666 : i32 to index
        %parallel_loop3A_668 = tpu.vector_load %arg8[%parallel_loop3A_667] {strides = array<i32>} : memref<576xf32, #tpu.memory_space<vmem>>, vector<16xf32>,
        %parallel_loop3A_669 = arith.constant 48 : i32
        %parallel_loop3A_670 = arith.addi %parallel_loop3A_640, %parallel_loop3A_669 : i32
        %parallel_loop3A_671 = arith.index_cast %parallel_loop3A_670 : i32 to index
        %parallel_loop3A_672 = tpu.vector_load %arg9[%parallel_loop3A_671] {strides = array<i32>} : memref<51200xf32, #tpu.memory_space<vmem>>, vector<16xf32>,
        tpu.vector_store %arg9[%parallel_loop3A_671], %parallel_loop3A_668 {strides = array<i32>} : memref<51200xf32, #tpu.memory_space<vmem>>, vector<16xf32>,
        %parallel_loop3A_673 = vector.extract_strided_slice %parallel_loop3A_152 {offsets = [13], sizes = [1], strides = [1]} : vector<16xi32> to vector<1xi32>
        %parallel_loop3A_674 = vector.extract %parallel_loop3A_673[0] : i32 from vector<1xi32>
        %parallel_loop3A_675 = arith.constant 16 : i32
        %parallel_loop3A_676 = arith.muli %parallel_loop3A_112, %parallel_loop3A_675 : i32
        %parallel_loop3A_677 = arith.constant 13 : i32
        %parallel_loop3A_678 = arith.addi %parallel_loop3A_676, %parallel_loop3A_677 : i32
        %parallel_loop3A_679 = arith.constant 64 : i32
        %parallel_loop3A_680 = arith.muli %parallel_loop3A_678, %parallel_loop3A_679 : i32
        %parallel_loop3A_681 = arith.constant 0 : i32
        %parallel_loop3A_682 = arith.addi %parallel_loop3A_674, %parallel_loop3A_681 : i32
        %parallel_loop3A_683 = arith.index_cast %parallel_loop3A_682 : i32 to index
        %parallel_loop3A_684 = tpu.vector_load %arg8[%parallel_loop3A_683] {strides = array<i32>} : memref<576xf32, #tpu.memory_space<vmem>>, vector<16xf32>,
        %parallel_loop3A_685 = arith.constant 0 : i32
        %parallel_loop3A_686 = arith.addi %parallel_loop3A_680, %parallel_loop3A_685 : i32
        %parallel_loop3A_687 = arith.index_cast %parallel_loop3A_686 : i32 to index
        %parallel_loop3A_688 = tpu.vector_load %arg9[%parallel_loop3A_687] {strides = array<i32>} : memref<51200xf32, #tpu.memory_space<vmem>>, vector<16xf32>,
        tpu.vector_store %arg9[%parallel_loop3A_687], %parallel_loop3A_684 {strides = array<i32>} : memref<51200xf32, #tpu.memory_space<vmem>>, vector<16xf32>,
        %parallel_loop3A_689 = arith.constant 16 : i32
        %parallel_loop3A_690 = arith.addi %parallel_loop3A_674, %parallel_loop3A_689 : i32
        %parallel_loop3A_691 = arith.index_cast %parallel_loop3A_690 : i32 to index
        %parallel_loop3A_692 = tpu.vector_load %arg8[%parallel_loop3A_691] {strides = array<i32>} : memref<576xf32, #tpu.memory_space<vmem>>, vector<16xf32>,
        %parallel_loop3A_693 = arith.constant 16 : i32
        %parallel_loop3A_694 = arith.addi %parallel_loop3A_680, %parallel_loop3A_693 : i32
        %parallel_loop3A_695 = arith.index_cast %parallel_loop3A_694 : i32 to index
        %parallel_loop3A_696 = tpu.vector_load %arg9[%parallel_loop3A_695] {strides = array<i32>} : memref<51200xf32, #tpu.memory_space<vmem>>, vector<16xf32>,
        tpu.vector_store %arg9[%parallel_loop3A_695], %parallel_loop3A_692 {strides = array<i32>} : memref<51200xf32, #tpu.memory_space<vmem>>, vector<16xf32>,
        %parallel_loop3A_697 = arith.constant 32 : i32
        %parallel_loop3A_698 = arith.addi %parallel_loop3A_674, %parallel_loop3A_697 : i32
        %parallel_loop3A_699 = arith.index_cast %parallel_loop3A_698 : i32 to index
        %parallel_loop3A_700 = tpu.vector_load %arg8[%parallel_loop3A_699] {strides = array<i32>} : memref<576xf32, #tpu.memory_space<vmem>>, vector<16xf32>,
        %parallel_loop3A_701 = arith.constant 32 : i32
        %parallel_loop3A_702 = arith.addi %parallel_loop3A_680, %parallel_loop3A_701 : i32
        %parallel_loop3A_703 = arith.index_cast %parallel_loop3A_702 : i32 to index
        %parallel_loop3A_704 = tpu.vector_load %arg9[%parallel_loop3A_703] {strides = array<i32>} : memref<51200xf32, #tpu.memory_space<vmem>>, vector<16xf32>,
        tpu.vector_store %arg9[%parallel_loop3A_703], %parallel_loop3A_700 {strides = array<i32>} : memref<51200xf32, #tpu.memory_space<vmem>>, vector<16xf32>,
        %parallel_loop3A_705 = arith.constant 48 : i32
        %parallel_loop3A_706 = arith.addi %parallel_loop3A_674, %parallel_loop3A_705 : i32
        %parallel_loop3A_707 = arith.index_cast %parallel_loop3A_706 : i32 to index
        %parallel_loop3A_708 = tpu.vector_load %arg8[%parallel_loop3A_707] {strides = array<i32>} : memref<576xf32, #tpu.memory_space<vmem>>, vector<16xf32>,
        %parallel_loop3A_709 = arith.constant 48 : i32
        %parallel_loop3A_710 = arith.addi %parallel_loop3A_680, %parallel_loop3A_709 : i32
        %parallel_loop3A_711 = arith.index_cast %parallel_loop3A_710 : i32 to index
        %parallel_loop3A_712 = tpu.vector_load %arg9[%parallel_loop3A_711] {strides = array<i32>} : memref<51200xf32, #tpu.memory_space<vmem>>, vector<16xf32>,
        tpu.vector_store %arg9[%parallel_loop3A_711], %parallel_loop3A_708 {strides = array<i32>} : memref<51200xf32, #tpu.memory_space<vmem>>, vector<16xf32>,
        %parallel_loop3A_713 = vector.extract_strided_slice %parallel_loop3A_152 {offsets = [14], sizes = [1], strides = [1]} : vector<16xi32> to vector<1xi32>
        %parallel_loop3A_714 = vector.extract %parallel_loop3A_713[0] : i32 from vector<1xi32>
        %parallel_loop3A_715 = arith.constant 16 : i32
        %parallel_loop3A_716 = arith.muli %parallel_loop3A_112, %parallel_loop3A_715 : i32
        %parallel_loop3A_717 = arith.constant 14 : i32
        %parallel_loop3A_718 = arith.addi %parallel_loop3A_716, %parallel_loop3A_717 : i32
        %parallel_loop3A_719 = arith.constant 64 : i32
        %parallel_loop3A_720 = arith.muli %parallel_loop3A_718, %parallel_loop3A_719 : i32
        %parallel_loop3A_721 = arith.constant 0 : i32
        %parallel_loop3A_722 = arith.addi %parallel_loop3A_714, %parallel_loop3A_721 : i32
        %parallel_loop3A_723 = arith.index_cast %parallel_loop3A_722 : i32 to index
        %parallel_loop3A_724 = tpu.vector_load %arg8[%parallel_loop3A_723] {strides = array<i32>} : memref<576xf32, #tpu.memory_space<vmem>>, vector<16xf32>,
        %parallel_loop3A_725 = arith.constant 0 : i32
        %parallel_loop3A_726 = arith.addi %parallel_loop3A_720, %parallel_loop3A_725 : i32
        %parallel_loop3A_727 = arith.index_cast %parallel_loop3A_726 : i32 to index
        %parallel_loop3A_728 = tpu.vector_load %arg9[%parallel_loop3A_727] {strides = array<i32>} : memref<51200xf32, #tpu.memory_space<vmem>>, vector<16xf32>,
        tpu.vector_store %arg9[%parallel_loop3A_727], %parallel_loop3A_724 {strides = array<i32>} : memref<51200xf32, #tpu.memory_space<vmem>>, vector<16xf32>,
        %parallel_loop3A_729 = arith.constant 16 : i32
        %parallel_loop3A_730 = arith.addi %parallel_loop3A_714, %parallel_loop3A_729 : i32
        %parallel_loop3A_731 = arith.index_cast %parallel_loop3A_730 : i32 to index
        %parallel_loop3A_732 = tpu.vector_load %arg8[%parallel_loop3A_731] {strides = array<i32>} : memref<576xf32, #tpu.memory_space<vmem>>, vector<16xf32>,
        %parallel_loop3A_733 = arith.constant 16 : i32
        %parallel_loop3A_734 = arith.addi %parallel_loop3A_720, %parallel_loop3A_733 : i32
        %parallel_loop3A_735 = arith.index_cast %parallel_loop3A_734 : i32 to index
        %parallel_loop3A_736 = tpu.vector_load %arg9[%parallel_loop3A_735] {strides = array<i32>} : memref<51200xf32, #tpu.memory_space<vmem>>, vector<16xf32>,
        tpu.vector_store %arg9[%parallel_loop3A_735], %parallel_loop3A_732 {strides = array<i32>} : memref<51200xf32, #tpu.memory_space<vmem>>, vector<16xf32>,
        %parallel_loop3A_737 = arith.constant 32 : i32
        %parallel_loop3A_738 = arith.addi %parallel_loop3A_714, %parallel_loop3A_737 : i32
        %parallel_loop3A_739 = arith.index_cast %parallel_loop3A_738 : i32 to index
        %parallel_loop3A_740 = tpu.vector_load %arg8[%parallel_loop3A_739] {strides = array<i32>} : memref<576xf32, #tpu.memory_space<vmem>>, vector<16xf32>,
        %parallel_loop3A_741 = arith.constant 32 : i32
        %parallel_loop3A_742 = arith.addi %parallel_loop3A_720, %parallel_loop3A_741 : i32
        %parallel_loop3A_743 = arith.index_cast %parallel_loop3A_742 : i32 to index
        %parallel_loop3A_744 = tpu.vector_load %arg9[%parallel_loop3A_743] {strides = array<i32>} : memref<51200xf32, #tpu.memory_space<vmem>>, vector<16xf32>,
        tpu.vector_store %arg9[%parallel_loop3A_743], %parallel_loop3A_740 {strides = array<i32>} : memref<51200xf32, #tpu.memory_space<vmem>>, vector<16xf32>,
        %parallel_loop3A_745 = arith.constant 48 : i32
        %parallel_loop3A_746 = arith.addi %parallel_loop3A_714, %parallel_loop3A_745 : i32
        %parallel_loop3A_747 = arith.index_cast %parallel_loop3A_746 : i32 to index
        %parallel_loop3A_748 = tpu.vector_load %arg8[%parallel_loop3A_747] {strides = array<i32>} : memref<576xf32, #tpu.memory_space<vmem>>, vector<16xf32>,
        %parallel_loop3A_749 = arith.constant 48 : i32
        %parallel_loop3A_750 = arith.addi %parallel_loop3A_720, %parallel_loop3A_749 : i32
        %parallel_loop3A_751 = arith.index_cast %parallel_loop3A_750 : i32 to index
        %parallel_loop3A_752 = tpu.vector_load %arg9[%parallel_loop3A_751] {strides = array<i32>} : memref<51200xf32, #tpu.memory_space<vmem>>, vector<16xf32>,
        tpu.vector_store %arg9[%parallel_loop3A_751], %parallel_loop3A_748 {strides = array<i32>} : memref<51200xf32, #tpu.memory_space<vmem>>, vector<16xf32>,
        %parallel_loop3A_753 = vector.extract_strided_slice %parallel_loop3A_152 {offsets = [15], sizes = [1], strides = [1]} : vector<16xi32> to vector<1xi32>
        %parallel_loop3A_754 = vector.extract %parallel_loop3A_753[0] : i32 from vector<1xi32>
        %parallel_loop3A_755 = arith.constant 16 : i32
        %parallel_loop3A_756 = arith.muli %parallel_loop3A_112, %parallel_loop3A_755 : i32
        %parallel_loop3A_757 = arith.constant 15 : i32
        %parallel_loop3A_758 = arith.addi %parallel_loop3A_756, %parallel_loop3A_757 : i32
        %parallel_loop3A_759 = arith.constant 64 : i32
        %parallel_loop3A_760 = arith.muli %parallel_loop3A_758, %parallel_loop3A_759 : i32
        %parallel_loop3A_761 = arith.constant 0 : i32
        %parallel_loop3A_762 = arith.addi %parallel_loop3A_754, %parallel_loop3A_761 : i32
        %parallel_loop3A_763 = arith.index_cast %parallel_loop3A_762 : i32 to index
        %parallel_loop3A_764 = tpu.vector_load %arg8[%parallel_loop3A_763] {strides = array<i32>} : memref<576xf32, #tpu.memory_space<vmem>>, vector<16xf32>,
        %parallel_loop3A_765 = arith.constant 0 : i32
        %parallel_loop3A_766 = arith.addi %parallel_loop3A_760, %parallel_loop3A_765 : i32
        %parallel_loop3A_767 = arith.index_cast %parallel_loop3A_766 : i32 to index
        %parallel_loop3A_768 = tpu.vector_load %arg9[%parallel_loop3A_767] {strides = array<i32>} : memref<51200xf32, #tpu.memory_space<vmem>>, vector<16xf32>,
        tpu.vector_store %arg9[%parallel_loop3A_767], %parallel_loop3A_764 {strides = array<i32>} : memref<51200xf32, #tpu.memory_space<vmem>>, vector<16xf32>,
        %parallel_loop3A_769 = arith.constant 16 : i32
        %parallel_loop3A_770 = arith.addi %parallel_loop3A_754, %parallel_loop3A_769 : i32
        %parallel_loop3A_771 = arith.index_cast %parallel_loop3A_770 : i32 to index
        %parallel_loop3A_772 = tpu.vector_load %arg8[%parallel_loop3A_771] {strides = array<i32>} : memref<576xf32, #tpu.memory_space<vmem>>, vector<16xf32>,
        %parallel_loop3A_773 = arith.constant 16 : i32
        %parallel_loop3A_774 = arith.addi %parallel_loop3A_760, %parallel_loop3A_773 : i32
        %parallel_loop3A_775 = arith.index_cast %parallel_loop3A_774 : i32 to index
        %parallel_loop3A_776 = tpu.vector_load %arg9[%parallel_loop3A_775] {strides = array<i32>} : memref<51200xf32, #tpu.memory_space<vmem>>, vector<16xf32>,
        tpu.vector_store %arg9[%parallel_loop3A_775], %parallel_loop3A_772 {strides = array<i32>} : memref<51200xf32, #tpu.memory_space<vmem>>, vector<16xf32>,
        %parallel_loop3A_777 = arith.constant 32 : i32
        %parallel_loop3A_778 = arith.addi %parallel_loop3A_754, %parallel_loop3A_777 : i32
        %parallel_loop3A_779 = arith.index_cast %parallel_loop3A_778 : i32 to index
        %parallel_loop3A_780 = tpu.vector_load %arg8[%parallel_loop3A_779] {strides = array<i32>} : memref<576xf32, #tpu.memory_space<vmem>>, vector<16xf32>,
        %parallel_loop3A_781 = arith.constant 32 : i32
        %parallel_loop3A_782 = arith.addi %parallel_loop3A_760, %parallel_loop3A_781 : i32
        %parallel_loop3A_783 = arith.index_cast %parallel_loop3A_782 : i32 to index
        %parallel_loop3A_784 = tpu.vector_load %arg9[%parallel_loop3A_783] {strides = array<i32>} : memref<51200xf32, #tpu.memory_space<vmem>>, vector<16xf32>,
        tpu.vector_store %arg9[%parallel_loop3A_783], %parallel_loop3A_780 {strides = array<i32>} : memref<51200xf32, #tpu.memory_space<vmem>>, vector<16xf32>,
        %parallel_loop3A_785 = arith.constant 48 : i32
        %parallel_loop3A_786 = arith.addi %parallel_loop3A_754, %parallel_loop3A_785 : i32
        %parallel_loop3A_787 = arith.index_cast %parallel_loop3A_786 : i32 to index
        %parallel_loop3A_788 = tpu.vector_load %arg8[%parallel_loop3A_787] {strides = array<i32>} : memref<576xf32, #tpu.memory_space<vmem>>, vector<16xf32>,
        %parallel_loop3A_789 = arith.constant 48 : i32
        %parallel_loop3A_790 = arith.addi %parallel_loop3A_760, %parallel_loop3A_789 : i32
        %parallel_loop3A_791 = arith.index_cast %parallel_loop3A_790 : i32 to index
        %parallel_loop3A_792 = tpu.vector_load %arg9[%parallel_loop3A_791] {strides = array<i32>} : memref<51200xf32, #tpu.memory_space<vmem>>, vector<16xf32>,
        tpu.vector_store %arg9[%parallel_loop3A_791], %parallel_loop3A_788 {strides = array<i32>} : memref<51200xf32, #tpu.memory_space<vmem>>, vector<16xf32>,
      } {sc.loop_unroll_factor = 2 : i64, sc.parallel_access}
      %mul3A_61 = arith.constant 800 : i32
      %mul3A_62 = arith.muli %add3A_56, %mul3A_61 : i32
      %add3A_63 = arith.addi %mul3A_2, %mul3A_62 : i32
      %mul3A_64 = arith.constant 64 : i32
      %mul3A_65 = arith.muli %add3A_63, %mul3A_64 : i32
      %add3A_66 = arith.constant 25600 : i32
      %add3A_67 = arith.addi %mul3A_65, %add3A_66 : i32
      %dma_start3A_68 = arith.constant 0 : i32
      %dma_start3A_69 = tpu.memref_slice %arg9[%dma_start3A_68] : memref<51200xf32, #tpu.memory_space<vmem>> -> memref<25600xf32, #tpu.memory_space<vmem>>
      %dma_start3A_70 = tpu.memref_slice %arg5[%mul3A_65] : memref<26214400xf32, #tpu.memory_space<hbm>> -> memref<25600xf32, #tpu.memory_space<hbm>>
      %dma_start3A_71 = tpu.memref_slice %arg5[%mul3A_65] : memref<26214400xf32, #tpu.memory_space<hbm>> -> memref<25600xf32, #tpu.memory_space<hbm>>
      %dma_start3A_72 = arith.constant 0 : i32
      %dma_start3A_73 = tpu.memref_slice %arg9[%dma_start3A_72] : memref<51200xf32, #tpu.memory_space<vmem>> -> memref<25600xf32, #tpu.memory_space<vmem>>
      tpu.enqueue_dma source(%dma_start3A_73 : memref<25600xf32, #tpu.memory_space<vmem>>) target(%dma_start3A_71 : memref<25600xf32, #tpu.memory_space<hbm>>) target_semaphore(%arg11 : memref<!tpu.dma_semaphore, #tpu.memory_space<semaphore_mem>>)
      %dma_start3A_74 = arith.constant 25600 : i32
      %dma_start3A_75 = tpu.memref_slice %arg9[%dma_start3A_74] : memref<51200xf32, #tpu.memory_space<vmem>> -> memref<25600xf32, #tpu.memory_space<vmem>>
      %dma_start3A_76 = tpu.memref_slice %arg5[%add3A_67] : memref<26214400xf32, #tpu.memory_space<hbm>> -> memref<25600xf32, #tpu.memory_space<hbm>>
      %dma_start3A_77 = tpu.memref_slice %arg5[%add3A_67] : memref<26214400xf32, #tpu.memory_space<hbm>> -> memref<25600xf32, #tpu.memory_space<hbm>>
      %dma_start3A_78 = arith.constant 25600 : i32
      %dma_start3A_79 = tpu.memref_slice %arg9[%dma_start3A_78] : memref<51200xf32, #tpu.memory_space<vmem>> -> memref<25600xf32, #tpu.memory_space<vmem>>
      tpu.enqueue_dma source(%dma_start3A_79 : memref<25600xf32, #tpu.memory_space<vmem>>) target(%dma_start3A_77 : memref<25600xf32, #tpu.memory_space<hbm>>) target_semaphore(%arg11 : memref<!tpu.dma_semaphore, #tpu.memory_space<semaphore_mem>>)
      %mul3A_80 = arith.constant 2 : i32
      %mul3A_81 = arith.muli %scan3A_51, %mul3A_80 : i32
      %add3A_82 = arith.constant 1 : i32
      %add3A_83 = arith.addi %mul3A_81, %add3A_82 : i32
      %gt3A_84 = arith.constant 0 : i32
      %gt3A_85 = arith.cmpi sgt, %scan3A_51, %gt3A_84 : i32
      %convert_element_type3A_86 = arith.extui %gt3A_85 : i1 to i32
      %cond3A_87 = arith.constant 0 : i32
      %cond3A_88 = arith.cmpi ne, %convert_element_type3A_86, %cond3A_87 : i32
      scf.if %cond3A_88 {
        %sub3A = arith.constant 2 : i32
        %sub3A_112 = arith.subi %add3A_83, %sub3A : i32
        %mul3A_113 = arith.constant 800 : i32
        %mul3A_114 = arith.muli %sub3A_112, %mul3A_113 : i32
        %add3A_115 = arith.addi %mul3A_2, %mul3A_114 : i32
        %mul3A_116 = arith.constant 64 : i32
        %mul3A_117 = arith.muli %add3A_115, %mul3A_116 : i32
        %add3A_118 = arith.constant 25600 : i32
        %add3A_119 = arith.addi %mul3A_117, %add3A_118 : i32
        %dma_wait3A_120 = arith.constant 0 : i32
        %dma_wait3A_121 = tpu.memref_slice %arg10[%dma_wait3A_120] : memref<51200xf32, #tpu.memory_space<vmem>> -> memref<25600xf32, #tpu.memory_space<vmem>>
        %dma_wait3A_122 = tpu.memref_slice %arg5[%mul3A_117] : memref<26214400xf32, #tpu.memory_space<hbm>> -> memref<25600xf32, #tpu.memory_space<hbm>>
        %dma_wait3A_123 = tpu.memref_slice %arg5[%mul3A_117] : memref<26214400xf32, #tpu.memory_space<hbm>> -> memref<25600xf32, #tpu.memory_space<hbm>>
        %dma_wait3A_124 = arith.constant 0 : i32
        %dma_wait3A_125 = tpu.memref_slice %arg10[%dma_wait3A_124] : memref<51200xf32, #tpu.memory_space<vmem>> -> memref<25600xf32, #tpu.memory_space<vmem>>
        tpu.wait_dma2 semaphore(%arg12 : memref<!tpu.dma_semaphore, #tpu.memory_space<semaphore_mem>>) src(%dma_wait3A_125 : memref<25600xf32, #tpu.memory_space<vmem>>) dst(%dma_wait3A_123 : memref<25600xf32, #tpu.memory_space<hbm>>)
        %dma_wait3A_126 = arith.constant 25600 : i32
        %dma_wait3A_127 = tpu.memref_slice %arg10[%dma_wait3A_126] : memref<51200xf32, #tpu.memory_space<vmem>> -> memref<25600xf32, #tpu.memory_space<vmem>>
        %dma_wait3A_128 = tpu.memref_slice %arg5[%add3A_119] : memref<26214400xf32, #tpu.memory_space<hbm>> -> memref<25600xf32, #tpu.memory_space<hbm>>
        %dma_wait3A_129 = tpu.memref_slice %arg5[%add3A_119] : memref<26214400xf32, #tpu.memory_space<hbm>> -> memref<25600xf32, #tpu.memory_space<hbm>>
        %dma_wait3A_130 = arith.constant 25600 : i32
        %dma_wait3A_131 = tpu.memref_slice %arg10[%dma_wait3A_130] : memref<51200xf32, #tpu.memory_space<vmem>> -> memref<25600xf32, #tpu.memory_space<vmem>>
        tpu.wait_dma2 semaphore(%arg12 : memref<!tpu.dma_semaphore, #tpu.memory_space<semaphore_mem>>) src(%dma_wait3A_131 : memref<25600xf32, #tpu.memory_space<vmem>>) dst(%dma_wait3A_129 : memref<25600xf32, #tpu.memory_space<hbm>>)
      } else {
      }
      %parallel_loop3A_89 = arith.constant 0 : i32
      %parallel_loop3A_90 = arith.constant 50 : i32
      %parallel_loop3A_91 = arith.constant 1 : i32
      scf.for %parallel_loop3A_112 = %parallel_loop3A_89 to %parallel_loop3A_90 step %parallel_loop3A_91  : i32 {
        %parallel_loop3A_113 = arith.constant 800 : i32
        %parallel_loop3A_114 = arith.muli %add3A_83, %parallel_loop3A_113 : i32
        %parallel_loop3A_115 = arith.constant 16 : i32
        %parallel_loop3A_116 = arith.muli %parallel_loop3A_112, %parallel_loop3A_115 : i32
        %parallel_loop3A_117 = arith.addi %parallel_loop3A_114, %parallel_loop3A_116 : i32
        %parallel_loop3A_118 = arith.index_cast %parallel_loop3A_117 : i32 to index
        %parallel_loop3A_119 = tpu.vector_load %arg6[%parallel_loop3A_118] {strides = array<i32>} : memref<12800xi32, #tpu.memory_space<vmem>>, vector<16xi32>,
        %parallel_loop3A_120 = arith.index_cast %parallel_loop3A_117 : i32 to index
        %parallel_loop3A_121 = tpu.vector_load %arg7[%parallel_loop3A_120] {strides = array<i32>} : memref<12800xi32, #tpu.memory_space<vmem>>, vector<16xi32>,
        %parallel_loop3A_122 = arith.subi %parallel_loop3A_121, %parallel_loop3A_119 : vector<16xi32>
        %parallel_loop3A_123 = arith.constant 1 : i32
        %parallel_loop3A_124 = vector.broadcast %parallel_loop3A_123 : i32 to vector<16xi32>
        %parallel_loop3A_125 = arith.maxsi %parallel_loop3A_122, %parallel_loop3A_124 : vector<16xi32>
        %parallel_loop3A_126 = arith.sitofp %parallel_loop3A_125 : vector<16xi32> to vector<16xf32>
        %parallel_loop3A_127 = tpu.bitcast %parallel_loop3A_126 : vector<16xf32> -> vector<16xi32>
        %parallel_loop3A_128 = arith.constant 23 : i32
        %parallel_loop3A_129 = vector.broadcast %parallel_loop3A_128 : i32 to vector<16xi32>
        %parallel_loop3A_130 = arith.shrsi %parallel_loop3A_127, %parallel_loop3A_129 : vector<16xi32>
        %parallel_loop3A_131 = arith.constant 127 : i32
        %parallel_loop3A_132 = vector.broadcast %parallel_loop3A_131 : i32 to vector<16xi32>
        %parallel_loop3A_133 = arith.subi %parallel_loop3A_130, %parallel_loop3A_132 : vector<16xi32>
        %parallel_loop3A_134 = arith.constant 5 : i32
        %parallel_loop3A_135 = vector.broadcast %parallel_loop3A_134 : i32 to vector<16xi32>
        %parallel_loop3A_136 = arith.minsi %parallel_loop3A_125, %parallel_loop3A_135 : vector<16xi32>
        %parallel_loop3A_137 = arith.constant 1 : i32
        %parallel_loop3A_138 = vector.broadcast %parallel_loop3A_137 : i32 to vector<16xi32>
        %parallel_loop3A_139 = arith.subi %parallel_loop3A_136, %parallel_loop3A_138 : vector<16xi32>
        %parallel_loop3A_140 = arith.constant 2 : i32
        %parallel_loop3A_141 = vector.broadcast %parallel_loop3A_140 : i32 to vector<16xi32>
        %parallel_loop3A_142 = arith.subi %parallel_loop3A_133, %parallel_loop3A_141 : vector<16xi32>
        %parallel_loop3A_143 = arith.constant 0 : i32
        %parallel_loop3A_144 = arith.constant 4 : i32
        %parallel_loop3A_145 = vector.broadcast %parallel_loop3A_143 : i32 to vector<16xi32>
        %parallel_loop3A_146 = arith.maxsi %parallel_loop3A_145, %parallel_loop3A_142 : vector<16xi32>
        %parallel_loop3A_147 = vector.broadcast %parallel_loop3A_144 : i32 to vector<16xi32>
        %parallel_loop3A_148 = arith.minsi %parallel_loop3A_147, %parallel_loop3A_146 : vector<16xi32>
        %parallel_loop3A_149 = arith.addi %parallel_loop3A_139, %parallel_loop3A_148 : vector<16xi32>
        %parallel_loop3A_150 = arith.constant 64 : i32
        %parallel_loop3A_151 = vector.broadcast %parallel_loop3A_150 : i32 to vector<16xi32>
        %parallel_loop3A_152 = arith.muli %parallel_loop3A_149, %parallel_loop3A_151 : vector<16xi32>
        %parallel_loop3A_153 = vector.extract_strided_slice %parallel_loop3A_152 {offsets = [0], sizes = [1], strides = [1]} : vector<16xi32> to vector<1xi32>
        %parallel_loop3A_154 = vector.extract %parallel_loop3A_153[0] : i32 from vector<1xi32>
        %parallel_loop3A_155 = arith.constant 16 : i32
        %parallel_loop3A_156 = arith.muli %parallel_loop3A_112, %parallel_loop3A_155 : i32
        %parallel_loop3A_157 = arith.constant 0 : i32
        %parallel_loop3A_158 = arith.addi %parallel_loop3A_156, %parallel_loop3A_157 : i32
        %parallel_loop3A_159 = arith.constant 64 : i32
        %parallel_loop3A_160 = arith.muli %parallel_loop3A_158, %parallel_loop3A_159 : i32
        %parallel_loop3A_161 = arith.constant 0 : i32
        %parallel_loop3A_162 = arith.addi %parallel_loop3A_154, %parallel_loop3A_161 : i32
        %parallel_loop3A_163 = arith.index_cast %parallel_loop3A_162 : i32 to index
        %parallel_loop3A_164 = tpu.vector_load %arg8[%parallel_loop3A_163] {strides = array<i32>} : memref<576xf32, #tpu.memory_space<vmem>>, vector<16xf32>,
        %parallel_loop3A_165 = arith.constant 0 : i32
        %parallel_loop3A_166 = arith.addi %parallel_loop3A_160, %parallel_loop3A_165 : i32
        %parallel_loop3A_167 = arith.index_cast %parallel_loop3A_166 : i32 to index
        %parallel_loop3A_168 = tpu.vector_load %arg10[%parallel_loop3A_167] {strides = array<i32>} : memref<51200xf32, #tpu.memory_space<vmem>>, vector<16xf32>,
        tpu.vector_store %arg10[%parallel_loop3A_167], %parallel_loop3A_164 {strides = array<i32>} : memref<51200xf32, #tpu.memory_space<vmem>>, vector<16xf32>,
        %parallel_loop3A_169 = arith.constant 16 : i32
        %parallel_loop3A_170 = arith.addi %parallel_loop3A_154, %parallel_loop3A_169 : i32
        %parallel_loop3A_171 = arith.index_cast %parallel_loop3A_170 : i32 to index
        %parallel_loop3A_172 = tpu.vector_load %arg8[%parallel_loop3A_171] {strides = array<i32>} : memref<576xf32, #tpu.memory_space<vmem>>, vector<16xf32>,
        %parallel_loop3A_173 = arith.constant 16 : i32
        %parallel_loop3A_174 = arith.addi %parallel_loop3A_160, %parallel_loop3A_173 : i32
        %parallel_loop3A_175 = arith.index_cast %parallel_loop3A_174 : i32 to index
        %parallel_loop3A_176 = tpu.vector_load %arg10[%parallel_loop3A_175] {strides = array<i32>} : memref<51200xf32, #tpu.memory_space<vmem>>, vector<16xf32>,
        tpu.vector_store %arg10[%parallel_loop3A_175], %parallel_loop3A_172 {strides = array<i32>} : memref<51200xf32, #tpu.memory_space<vmem>>, vector<16xf32>,
        %parallel_loop3A_177 = arith.constant 32 : i32
        %parallel_loop3A_178 = arith.addi %parallel_loop3A_154, %parallel_loop3A_177 : i32
        %parallel_loop3A_179 = arith.index_cast %parallel_loop3A_178 : i32 to index
        %parallel_loop3A_180 = tpu.vector_load %arg8[%parallel_loop3A_179] {strides = array<i32>} : memref<576xf32, #tpu.memory_space<vmem>>, vector<16xf32>,
        %parallel_loop3A_181 = arith.constant 32 : i32
        %parallel_loop3A_182 = arith.addi %parallel_loop3A_160, %parallel_loop3A_181 : i32
        %parallel_loop3A_183 = arith.index_cast %parallel_loop3A_182 : i32 to index
        %parallel_loop3A_184 = tpu.vector_load %arg10[%parallel_loop3A_183] {strides = array<i32>} : memref<51200xf32, #tpu.memory_space<vmem>>, vector<16xf32>,
        tpu.vector_store %arg10[%parallel_loop3A_183], %parallel_loop3A_180 {strides = array<i32>} : memref<51200xf32, #tpu.memory_space<vmem>>, vector<16xf32>,
        %parallel_loop3A_185 = arith.constant 48 : i32
        %parallel_loop3A_186 = arith.addi %parallel_loop3A_154, %parallel_loop3A_185 : i32
        %parallel_loop3A_187 = arith.index_cast %parallel_loop3A_186 : i32 to index
        %parallel_loop3A_188 = tpu.vector_load %arg8[%parallel_loop3A_187] {strides = array<i32>} : memref<576xf32, #tpu.memory_space<vmem>>, vector<16xf32>,
        %parallel_loop3A_189 = arith.constant 48 : i32
        %parallel_loop3A_190 = arith.addi %parallel_loop3A_160, %parallel_loop3A_189 : i32
        %parallel_loop3A_191 = arith.index_cast %parallel_loop3A_190 : i32 to index
        %parallel_loop3A_192 = tpu.vector_load %arg10[%parallel_loop3A_191] {strides = array<i32>} : memref<51200xf32, #tpu.memory_space<vmem>>, vector<16xf32>,
        tpu.vector_store %arg10[%parallel_loop3A_191], %parallel_loop3A_188 {strides = array<i32>} : memref<51200xf32, #tpu.memory_space<vmem>>, vector<16xf32>,
        %parallel_loop3A_193 = vector.extract_strided_slice %parallel_loop3A_152 {offsets = [1], sizes = [1], strides = [1]} : vector<16xi32> to vector<1xi32>
        %parallel_loop3A_194 = vector.extract %parallel_loop3A_193[0] : i32 from vector<1xi32>
        %parallel_loop3A_195 = arith.constant 16 : i32
        %parallel_loop3A_196 = arith.muli %parallel_loop3A_112, %parallel_loop3A_195 : i32
        %parallel_loop3A_197 = arith.constant 1 : i32
        %parallel_loop3A_198 = arith.addi %parallel_loop3A_196, %parallel_loop3A_197 : i32
        %parallel_loop3A_199 = arith.constant 64 : i32
        %parallel_loop3A_200 = arith.muli %parallel_loop3A_198, %parallel_loop3A_199 : i32
        %parallel_loop3A_201 = arith.constant 0 : i32
        %parallel_loop3A_202 = arith.addi %parallel_loop3A_194, %parallel_loop3A_201 : i32
        %parallel_loop3A_203 = arith.index_cast %parallel_loop3A_202 : i32 to index
        %parallel_loop3A_204 = tpu.vector_load %arg8[%parallel_loop3A_203] {strides = array<i32>} : memref<576xf32, #tpu.memory_space<vmem>>, vector<16xf32>,
        %parallel_loop3A_205 = arith.constant 0 : i32
        %parallel_loop3A_206 = arith.addi %parallel_loop3A_200, %parallel_loop3A_205 : i32
        %parallel_loop3A_207 = arith.index_cast %parallel_loop3A_206 : i32 to index
        %parallel_loop3A_208 = tpu.vector_load %arg10[%parallel_loop3A_207] {strides = array<i32>} : memref<51200xf32, #tpu.memory_space<vmem>>, vector<16xf32>,
        tpu.vector_store %arg10[%parallel_loop3A_207], %parallel_loop3A_204 {strides = array<i32>} : memref<51200xf32, #tpu.memory_space<vmem>>, vector<16xf32>,
        %parallel_loop3A_209 = arith.constant 16 : i32
        %parallel_loop3A_210 = arith.addi %parallel_loop3A_194, %parallel_loop3A_209 : i32
        %parallel_loop3A_211 = arith.index_cast %parallel_loop3A_210 : i32 to index
        %parallel_loop3A_212 = tpu.vector_load %arg8[%parallel_loop3A_211] {strides = array<i32>} : memref<576xf32, #tpu.memory_space<vmem>>, vector<16xf32>,
        %parallel_loop3A_213 = arith.constant 16 : i32
        %parallel_loop3A_214 = arith.addi %parallel_loop3A_200, %parallel_loop3A_213 : i32
        %parallel_loop3A_215 = arith.index_cast %parallel_loop3A_214 : i32 to index
        %parallel_loop3A_216 = tpu.vector_load %arg10[%parallel_loop3A_215] {strides = array<i32>} : memref<51200xf32, #tpu.memory_space<vmem>>, vector<16xf32>,
        tpu.vector_store %arg10[%parallel_loop3A_215], %parallel_loop3A_212 {strides = array<i32>} : memref<51200xf32, #tpu.memory_space<vmem>>, vector<16xf32>,
        %parallel_loop3A_217 = arith.constant 32 : i32
        %parallel_loop3A_218 = arith.addi %parallel_loop3A_194, %parallel_loop3A_217 : i32
        %parallel_loop3A_219 = arith.index_cast %parallel_loop3A_218 : i32 to index
        %parallel_loop3A_220 = tpu.vector_load %arg8[%parallel_loop3A_219] {strides = array<i32>} : memref<576xf32, #tpu.memory_space<vmem>>, vector<16xf32>,
        %parallel_loop3A_221 = arith.constant 32 : i32
        %parallel_loop3A_222 = arith.addi %parallel_loop3A_200, %parallel_loop3A_221 : i32
        %parallel_loop3A_223 = arith.index_cast %parallel_loop3A_222 : i32 to index
        %parallel_loop3A_224 = tpu.vector_load %arg10[%parallel_loop3A_223] {strides = array<i32>} : memref<51200xf32, #tpu.memory_space<vmem>>, vector<16xf32>,
        tpu.vector_store %arg10[%parallel_loop3A_223], %parallel_loop3A_220 {strides = array<i32>} : memref<51200xf32, #tpu.memory_space<vmem>>, vector<16xf32>,
        %parallel_loop3A_225 = arith.constant 48 : i32
        %parallel_loop3A_226 = arith.addi %parallel_loop3A_194, %parallel_loop3A_225 : i32
        %parallel_loop3A_227 = arith.index_cast %parallel_loop3A_226 : i32 to index
        %parallel_loop3A_228 = tpu.vector_load %arg8[%parallel_loop3A_227] {strides = array<i32>} : memref<576xf32, #tpu.memory_space<vmem>>, vector<16xf32>,
        %parallel_loop3A_229 = arith.constant 48 : i32
        %parallel_loop3A_230 = arith.addi %parallel_loop3A_200, %parallel_loop3A_229 : i32
        %parallel_loop3A_231 = arith.index_cast %parallel_loop3A_230 : i32 to index
        %parallel_loop3A_232 = tpu.vector_load %arg10[%parallel_loop3A_231] {strides = array<i32>} : memref<51200xf32, #tpu.memory_space<vmem>>, vector<16xf32>,
        tpu.vector_store %arg10[%parallel_loop3A_231], %parallel_loop3A_228 {strides = array<i32>} : memref<51200xf32, #tpu.memory_space<vmem>>, vector<16xf32>,
        %parallel_loop3A_233 = vector.extract_strided_slice %parallel_loop3A_152 {offsets = [2], sizes = [1], strides = [1]} : vector<16xi32> to vector<1xi32>
        %parallel_loop3A_234 = vector.extract %parallel_loop3A_233[0] : i32 from vector<1xi32>
        %parallel_loop3A_235 = arith.constant 16 : i32
        %parallel_loop3A_236 = arith.muli %parallel_loop3A_112, %parallel_loop3A_235 : i32
        %parallel_loop3A_237 = arith.constant 2 : i32
        %parallel_loop3A_238 = arith.addi %parallel_loop3A_236, %parallel_loop3A_237 : i32
        %parallel_loop3A_239 = arith.constant 64 : i32
        %parallel_loop3A_240 = arith.muli %parallel_loop3A_238, %parallel_loop3A_239 : i32
        %parallel_loop3A_241 = arith.constant 0 : i32
        %parallel_loop3A_242 = arith.addi %parallel_loop3A_234, %parallel_loop3A_241 : i32
        %parallel_loop3A_243 = arith.index_cast %parallel_loop3A_242 : i32 to index
        %parallel_loop3A_244 = tpu.vector_load %arg8[%parallel_loop3A_243] {strides = array<i32>} : memref<576xf32, #tpu.memory_space<vmem>>, vector<16xf32>,
        %parallel_loop3A_245 = arith.constant 0 : i32
        %parallel_loop3A_246 = arith.addi %parallel_loop3A_240, %parallel_loop3A_245 : i32
        %parallel_loop3A_247 = arith.index_cast %parallel_loop3A_246 : i32 to index
        %parallel_loop3A_248 = tpu.vector_load %arg10[%parallel_loop3A_247] {strides = array<i32>} : memref<51200xf32, #tpu.memory_space<vmem>>, vector<16xf32>,
        tpu.vector_store %arg10[%parallel_loop3A_247], %parallel_loop3A_244 {strides = array<i32>} : memref<51200xf32, #tpu.memory_space<vmem>>, vector<16xf32>,
        %parallel_loop3A_249 = arith.constant 16 : i32
        %parallel_loop3A_250 = arith.addi %parallel_loop3A_234, %parallel_loop3A_249 : i32
        %parallel_loop3A_251 = arith.index_cast %parallel_loop3A_250 : i32 to index
        %parallel_loop3A_252 = tpu.vector_load %arg8[%parallel_loop3A_251] {strides = array<i32>} : memref<576xf32, #tpu.memory_space<vmem>>, vector<16xf32>,
        %parallel_loop3A_253 = arith.constant 16 : i32
        %parallel_loop3A_254 = arith.addi %parallel_loop3A_240, %parallel_loop3A_253 : i32
        %parallel_loop3A_255 = arith.index_cast %parallel_loop3A_254 : i32 to index
        %parallel_loop3A_256 = tpu.vector_load %arg10[%parallel_loop3A_255] {strides = array<i32>} : memref<51200xf32, #tpu.memory_space<vmem>>, vector<16xf32>,
        tpu.vector_store %arg10[%parallel_loop3A_255], %parallel_loop3A_252 {strides = array<i32>} : memref<51200xf32, #tpu.memory_space<vmem>>, vector<16xf32>,
        %parallel_loop3A_257 = arith.constant 32 : i32
        %parallel_loop3A_258 = arith.addi %parallel_loop3A_234, %parallel_loop3A_257 : i32
        %parallel_loop3A_259 = arith.index_cast %parallel_loop3A_258 : i32 to index
        %parallel_loop3A_260 = tpu.vector_load %arg8[%parallel_loop3A_259] {strides = array<i32>} : memref<576xf32, #tpu.memory_space<vmem>>, vector<16xf32>,
        %parallel_loop3A_261 = arith.constant 32 : i32
        %parallel_loop3A_262 = arith.addi %parallel_loop3A_240, %parallel_loop3A_261 : i32
        %parallel_loop3A_263 = arith.index_cast %parallel_loop3A_262 : i32 to index
        %parallel_loop3A_264 = tpu.vector_load %arg10[%parallel_loop3A_263] {strides = array<i32>} : memref<51200xf32, #tpu.memory_space<vmem>>, vector<16xf32>,
        tpu.vector_store %arg10[%parallel_loop3A_263], %parallel_loop3A_260 {strides = array<i32>} : memref<51200xf32, #tpu.memory_space<vmem>>, vector<16xf32>,
        %parallel_loop3A_265 = arith.constant 48 : i32
        %parallel_loop3A_266 = arith.addi %parallel_loop3A_234, %parallel_loop3A_265 : i32
        %parallel_loop3A_267 = arith.index_cast %parallel_loop3A_266 : i32 to index
        %parallel_loop3A_268 = tpu.vector_load %arg8[%parallel_loop3A_267] {strides = array<i32>} : memref<576xf32, #tpu.memory_space<vmem>>, vector<16xf32>,
        %parallel_loop3A_269 = arith.constant 48 : i32
        %parallel_loop3A_270 = arith.addi %parallel_loop3A_240, %parallel_loop3A_269 : i32
        %parallel_loop3A_271 = arith.index_cast %parallel_loop3A_270 : i32 to index
        %parallel_loop3A_272 = tpu.vector_load %arg10[%parallel_loop3A_271] {strides = array<i32>} : memref<51200xf32, #tpu.memory_space<vmem>>, vector<16xf32>,
        tpu.vector_store %arg10[%parallel_loop3A_271], %parallel_loop3A_268 {strides = array<i32>} : memref<51200xf32, #tpu.memory_space<vmem>>, vector<16xf32>,
        %parallel_loop3A_273 = vector.extract_strided_slice %parallel_loop3A_152 {offsets = [3], sizes = [1], strides = [1]} : vector<16xi32> to vector<1xi32>
        %parallel_loop3A_274 = vector.extract %parallel_loop3A_273[0] : i32 from vector<1xi32>
        %parallel_loop3A_275 = arith.constant 16 : i32
        %parallel_loop3A_276 = arith.muli %parallel_loop3A_112, %parallel_loop3A_275 : i32
        %parallel_loop3A_277 = arith.constant 3 : i32
        %parallel_loop3A_278 = arith.addi %parallel_loop3A_276, %parallel_loop3A_277 : i32
        %parallel_loop3A_279 = arith.constant 64 : i32
        %parallel_loop3A_280 = arith.muli %parallel_loop3A_278, %parallel_loop3A_279 : i32
        %parallel_loop3A_281 = arith.constant 0 : i32
        %parallel_loop3A_282 = arith.addi %parallel_loop3A_274, %parallel_loop3A_281 : i32
        %parallel_loop3A_283 = arith.index_cast %parallel_loop3A_282 : i32 to index
        %parallel_loop3A_284 = tpu.vector_load %arg8[%parallel_loop3A_283] {strides = array<i32>} : memref<576xf32, #tpu.memory_space<vmem>>, vector<16xf32>,
        %parallel_loop3A_285 = arith.constant 0 : i32
        %parallel_loop3A_286 = arith.addi %parallel_loop3A_280, %parallel_loop3A_285 : i32
        %parallel_loop3A_287 = arith.index_cast %parallel_loop3A_286 : i32 to index
        %parallel_loop3A_288 = tpu.vector_load %arg10[%parallel_loop3A_287] {strides = array<i32>} : memref<51200xf32, #tpu.memory_space<vmem>>, vector<16xf32>,
        tpu.vector_store %arg10[%parallel_loop3A_287], %parallel_loop3A_284 {strides = array<i32>} : memref<51200xf32, #tpu.memory_space<vmem>>, vector<16xf32>,
        %parallel_loop3A_289 = arith.constant 16 : i32
        %parallel_loop3A_290 = arith.addi %parallel_loop3A_274, %parallel_loop3A_289 : i32
        %parallel_loop3A_291 = arith.index_cast %parallel_loop3A_290 : i32 to index
        %parallel_loop3A_292 = tpu.vector_load %arg8[%parallel_loop3A_291] {strides = array<i32>} : memref<576xf32, #tpu.memory_space<vmem>>, vector<16xf32>,
        %parallel_loop3A_293 = arith.constant 16 : i32
        %parallel_loop3A_294 = arith.addi %parallel_loop3A_280, %parallel_loop3A_293 : i32
        %parallel_loop3A_295 = arith.index_cast %parallel_loop3A_294 : i32 to index
        %parallel_loop3A_296 = tpu.vector_load %arg10[%parallel_loop3A_295] {strides = array<i32>} : memref<51200xf32, #tpu.memory_space<vmem>>, vector<16xf32>,
        tpu.vector_store %arg10[%parallel_loop3A_295], %parallel_loop3A_292 {strides = array<i32>} : memref<51200xf32, #tpu.memory_space<vmem>>, vector<16xf32>,
        %parallel_loop3A_297 = arith.constant 32 : i32
        %parallel_loop3A_298 = arith.addi %parallel_loop3A_274, %parallel_loop3A_297 : i32
        %parallel_loop3A_299 = arith.index_cast %parallel_loop3A_298 : i32 to index
        %parallel_loop3A_300 = tpu.vector_load %arg8[%parallel_loop3A_299] {strides = array<i32>} : memref<576xf32, #tpu.memory_space<vmem>>, vector<16xf32>,
        %parallel_loop3A_301 = arith.constant 32 : i32
        %parallel_loop3A_302 = arith.addi %parallel_loop3A_280, %parallel_loop3A_301 : i32
        %parallel_loop3A_303 = arith.index_cast %parallel_loop3A_302 : i32 to index
        %parallel_loop3A_304 = tpu.vector_load %arg10[%parallel_loop3A_303] {strides = array<i32>} : memref<51200xf32, #tpu.memory_space<vmem>>, vector<16xf32>,
        tpu.vector_store %arg10[%parallel_loop3A_303], %parallel_loop3A_300 {strides = array<i32>} : memref<51200xf32, #tpu.memory_space<vmem>>, vector<16xf32>,
        %parallel_loop3A_305 = arith.constant 48 : i32
        %parallel_loop3A_306 = arith.addi %parallel_loop3A_274, %parallel_loop3A_305 : i32
        %parallel_loop3A_307 = arith.index_cast %parallel_loop3A_306 : i32 to index
        %parallel_loop3A_308 = tpu.vector_load %arg8[%parallel_loop3A_307] {strides = array<i32>} : memref<576xf32, #tpu.memory_space<vmem>>, vector<16xf32>,
        %parallel_loop3A_309 = arith.constant 48 : i32
        %parallel_loop3A_310 = arith.addi %parallel_loop3A_280, %parallel_loop3A_309 : i32
        %parallel_loop3A_311 = arith.index_cast %parallel_loop3A_310 : i32 to index
        %parallel_loop3A_312 = tpu.vector_load %arg10[%parallel_loop3A_311] {strides = array<i32>} : memref<51200xf32, #tpu.memory_space<vmem>>, vector<16xf32>,
        tpu.vector_store %arg10[%parallel_loop3A_311], %parallel_loop3A_308 {strides = array<i32>} : memref<51200xf32, #tpu.memory_space<vmem>>, vector<16xf32>,
        %parallel_loop3A_313 = vector.extract_strided_slice %parallel_loop3A_152 {offsets = [4], sizes = [1], strides = [1]} : vector<16xi32> to vector<1xi32>
        %parallel_loop3A_314 = vector.extract %parallel_loop3A_313[0] : i32 from vector<1xi32>
        %parallel_loop3A_315 = arith.constant 16 : i32
        %parallel_loop3A_316 = arith.muli %parallel_loop3A_112, %parallel_loop3A_315 : i32
        %parallel_loop3A_317 = arith.constant 4 : i32
        %parallel_loop3A_318 = arith.addi %parallel_loop3A_316, %parallel_loop3A_317 : i32
        %parallel_loop3A_319 = arith.constant 64 : i32
        %parallel_loop3A_320 = arith.muli %parallel_loop3A_318, %parallel_loop3A_319 : i32
        %parallel_loop3A_321 = arith.constant 0 : i32
        %parallel_loop3A_322 = arith.addi %parallel_loop3A_314, %parallel_loop3A_321 : i32
        %parallel_loop3A_323 = arith.index_cast %parallel_loop3A_322 : i32 to index
        %parallel_loop3A_324 = tpu.vector_load %arg8[%parallel_loop3A_323] {strides = array<i32>} : memref<576xf32, #tpu.memory_space<vmem>>, vector<16xf32>,
        %parallel_loop3A_325 = arith.constant 0 : i32
        %parallel_loop3A_326 = arith.addi %parallel_loop3A_320, %parallel_loop3A_325 : i32
        %parallel_loop3A_327 = arith.index_cast %parallel_loop3A_326 : i32 to index
        %parallel_loop3A_328 = tpu.vector_load %arg10[%parallel_loop3A_327] {strides = array<i32>} : memref<51200xf32, #tpu.memory_space<vmem>>, vector<16xf32>,
        tpu.vector_store %arg10[%parallel_loop3A_327], %parallel_loop3A_324 {strides = array<i32>} : memref<51200xf32, #tpu.memory_space<vmem>>, vector<16xf32>,
        %parallel_loop3A_329 = arith.constant 16 : i32
        %parallel_loop3A_330 = arith.addi %parallel_loop3A_314, %parallel_loop3A_329 : i32
        %parallel_loop3A_331 = arith.index_cast %parallel_loop3A_330 : i32 to index
        %parallel_loop3A_332 = tpu.vector_load %arg8[%parallel_loop3A_331] {strides = array<i32>} : memref<576xf32, #tpu.memory_space<vmem>>, vector<16xf32>,
        %parallel_loop3A_333 = arith.constant 16 : i32
        %parallel_loop3A_334 = arith.addi %parallel_loop3A_320, %parallel_loop3A_333 : i32
        %parallel_loop3A_335 = arith.index_cast %parallel_loop3A_334 : i32 to index
        %parallel_loop3A_336 = tpu.vector_load %arg10[%parallel_loop3A_335] {strides = array<i32>} : memref<51200xf32, #tpu.memory_space<vmem>>, vector<16xf32>,
        tpu.vector_store %arg10[%parallel_loop3A_335], %parallel_loop3A_332 {strides = array<i32>} : memref<51200xf32, #tpu.memory_space<vmem>>, vector<16xf32>,
        %parallel_loop3A_337 = arith.constant 32 : i32
        %parallel_loop3A_338 = arith.addi %parallel_loop3A_314, %parallel_loop3A_337 : i32
        %parallel_loop3A_339 = arith.index_cast %parallel_loop3A_338 : i32 to index
        %parallel_loop3A_340 = tpu.vector_load %arg8[%parallel_loop3A_339] {strides = array<i32>} : memref<576xf32, #tpu.memory_space<vmem>>, vector<16xf32>,
        %parallel_loop3A_341 = arith.constant 32 : i32
        %parallel_loop3A_342 = arith.addi %parallel_loop3A_320, %parallel_loop3A_341 : i32
        %parallel_loop3A_343 = arith.index_cast %parallel_loop3A_342 : i32 to index
        %parallel_loop3A_344 = tpu.vector_load %arg10[%parallel_loop3A_343] {strides = array<i32>} : memref<51200xf32, #tpu.memory_space<vmem>>, vector<16xf32>,
        tpu.vector_store %arg10[%parallel_loop3A_343], %parallel_loop3A_340 {strides = array<i32>} : memref<51200xf32, #tpu.memory_space<vmem>>, vector<16xf32>,
        %parallel_loop3A_345 = arith.constant 48 : i32
        %parallel_loop3A_346 = arith.addi %parallel_loop3A_314, %parallel_loop3A_345 : i32
        %parallel_loop3A_347 = arith.index_cast %parallel_loop3A_346 : i32 to index
        %parallel_loop3A_348 = tpu.vector_load %arg8[%parallel_loop3A_347] {strides = array<i32>} : memref<576xf32, #tpu.memory_space<vmem>>, vector<16xf32>,
        %parallel_loop3A_349 = arith.constant 48 : i32
        %parallel_loop3A_350 = arith.addi %parallel_loop3A_320, %parallel_loop3A_349 : i32
        %parallel_loop3A_351 = arith.index_cast %parallel_loop3A_350 : i32 to index
        %parallel_loop3A_352 = tpu.vector_load %arg10[%parallel_loop3A_351] {strides = array<i32>} : memref<51200xf32, #tpu.memory_space<vmem>>, vector<16xf32>,
        tpu.vector_store %arg10[%parallel_loop3A_351], %parallel_loop3A_348 {strides = array<i32>} : memref<51200xf32, #tpu.memory_space<vmem>>, vector<16xf32>,
        %parallel_loop3A_353 = vector.extract_strided_slice %parallel_loop3A_152 {offsets = [5], sizes = [1], strides = [1]} : vector<16xi32> to vector<1xi32>
        %parallel_loop3A_354 = vector.extract %parallel_loop3A_353[0] : i32 from vector<1xi32>
        %parallel_loop3A_355 = arith.constant 16 : i32
        %parallel_loop3A_356 = arith.muli %parallel_loop3A_112, %parallel_loop3A_355 : i32
        %parallel_loop3A_357 = arith.constant 5 : i32
        %parallel_loop3A_358 = arith.addi %parallel_loop3A_356, %parallel_loop3A_357 : i32
        %parallel_loop3A_359 = arith.constant 64 : i32
        %parallel_loop3A_360 = arith.muli %parallel_loop3A_358, %parallel_loop3A_359 : i32
        %parallel_loop3A_361 = arith.constant 0 : i32
        %parallel_loop3A_362 = arith.addi %parallel_loop3A_354, %parallel_loop3A_361 : i32
        %parallel_loop3A_363 = arith.index_cast %parallel_loop3A_362 : i32 to index
        %parallel_loop3A_364 = tpu.vector_load %arg8[%parallel_loop3A_363] {strides = array<i32>} : memref<576xf32, #tpu.memory_space<vmem>>, vector<16xf32>,
        %parallel_loop3A_365 = arith.constant 0 : i32
        %parallel_loop3A_366 = arith.addi %parallel_loop3A_360, %parallel_loop3A_365 : i32
        %parallel_loop3A_367 = arith.index_cast %parallel_loop3A_366 : i32 to index
        %parallel_loop3A_368 = tpu.vector_load %arg10[%parallel_loop3A_367] {strides = array<i32>} : memref<51200xf32, #tpu.memory_space<vmem>>, vector<16xf32>,
        tpu.vector_store %arg10[%parallel_loop3A_367], %parallel_loop3A_364 {strides = array<i32>} : memref<51200xf32, #tpu.memory_space<vmem>>, vector<16xf32>,
        %parallel_loop3A_369 = arith.constant 16 : i32
        %parallel_loop3A_370 = arith.addi %parallel_loop3A_354, %parallel_loop3A_369 : i32
        %parallel_loop3A_371 = arith.index_cast %parallel_loop3A_370 : i32 to index
        %parallel_loop3A_372 = tpu.vector_load %arg8[%parallel_loop3A_371] {strides = array<i32>} : memref<576xf32, #tpu.memory_space<vmem>>, vector<16xf32>,
        %parallel_loop3A_373 = arith.constant 16 : i32
        %parallel_loop3A_374 = arith.addi %parallel_loop3A_360, %parallel_loop3A_373 : i32
        %parallel_loop3A_375 = arith.index_cast %parallel_loop3A_374 : i32 to index
        %parallel_loop3A_376 = tpu.vector_load %arg10[%parallel_loop3A_375] {strides = array<i32>} : memref<51200xf32, #tpu.memory_space<vmem>>, vector<16xf32>,
        tpu.vector_store %arg10[%parallel_loop3A_375], %parallel_loop3A_372 {strides = array<i32>} : memref<51200xf32, #tpu.memory_space<vmem>>, vector<16xf32>,
        %parallel_loop3A_377 = arith.constant 32 : i32
        %parallel_loop3A_378 = arith.addi %parallel_loop3A_354, %parallel_loop3A_377 : i32
        %parallel_loop3A_379 = arith.index_cast %parallel_loop3A_378 : i32 to index
        %parallel_loop3A_380 = tpu.vector_load %arg8[%parallel_loop3A_379] {strides = array<i32>} : memref<576xf32, #tpu.memory_space<vmem>>, vector<16xf32>,
        %parallel_loop3A_381 = arith.constant 32 : i32
        %parallel_loop3A_382 = arith.addi %parallel_loop3A_360, %parallel_loop3A_381 : i32
        %parallel_loop3A_383 = arith.index_cast %parallel_loop3A_382 : i32 to index
        %parallel_loop3A_384 = tpu.vector_load %arg10[%parallel_loop3A_383] {strides = array<i32>} : memref<51200xf32, #tpu.memory_space<vmem>>, vector<16xf32>,
        tpu.vector_store %arg10[%parallel_loop3A_383], %parallel_loop3A_380 {strides = array<i32>} : memref<51200xf32, #tpu.memory_space<vmem>>, vector<16xf32>,
        %parallel_loop3A_385 = arith.constant 48 : i32
        %parallel_loop3A_386 = arith.addi %parallel_loop3A_354, %parallel_loop3A_385 : i32
        %parallel_loop3A_387 = arith.index_cast %parallel_loop3A_386 : i32 to index
        %parallel_loop3A_388 = tpu.vector_load %arg8[%parallel_loop3A_387] {strides = array<i32>} : memref<576xf32, #tpu.memory_space<vmem>>, vector<16xf32>,
        %parallel_loop3A_389 = arith.constant 48 : i32
        %parallel_loop3A_390 = arith.addi %parallel_loop3A_360, %parallel_loop3A_389 : i32
        %parallel_loop3A_391 = arith.index_cast %parallel_loop3A_390 : i32 to index
        %parallel_loop3A_392 = tpu.vector_load %arg10[%parallel_loop3A_391] {strides = array<i32>} : memref<51200xf32, #tpu.memory_space<vmem>>, vector<16xf32>,
        tpu.vector_store %arg10[%parallel_loop3A_391], %parallel_loop3A_388 {strides = array<i32>} : memref<51200xf32, #tpu.memory_space<vmem>>, vector<16xf32>,
        %parallel_loop3A_393 = vector.extract_strided_slice %parallel_loop3A_152 {offsets = [6], sizes = [1], strides = [1]} : vector<16xi32> to vector<1xi32>
        %parallel_loop3A_394 = vector.extract %parallel_loop3A_393[0] : i32 from vector<1xi32>
        %parallel_loop3A_395 = arith.constant 16 : i32
        %parallel_loop3A_396 = arith.muli %parallel_loop3A_112, %parallel_loop3A_395 : i32
        %parallel_loop3A_397 = arith.constant 6 : i32
        %parallel_loop3A_398 = arith.addi %parallel_loop3A_396, %parallel_loop3A_397 : i32
        %parallel_loop3A_399 = arith.constant 64 : i32
        %parallel_loop3A_400 = arith.muli %parallel_loop3A_398, %parallel_loop3A_399 : i32
        %parallel_loop3A_401 = arith.constant 0 : i32
        %parallel_loop3A_402 = arith.addi %parallel_loop3A_394, %parallel_loop3A_401 : i32
        %parallel_loop3A_403 = arith.index_cast %parallel_loop3A_402 : i32 to index
        %parallel_loop3A_404 = tpu.vector_load %arg8[%parallel_loop3A_403] {strides = array<i32>} : memref<576xf32, #tpu.memory_space<vmem>>, vector<16xf32>,
        %parallel_loop3A_405 = arith.constant 0 : i32
        %parallel_loop3A_406 = arith.addi %parallel_loop3A_400, %parallel_loop3A_405 : i32
        %parallel_loop3A_407 = arith.index_cast %parallel_loop3A_406 : i32 to index
        %parallel_loop3A_408 = tpu.vector_load %arg10[%parallel_loop3A_407] {strides = array<i32>} : memref<51200xf32, #tpu.memory_space<vmem>>, vector<16xf32>,
        tpu.vector_store %arg10[%parallel_loop3A_407], %parallel_loop3A_404 {strides = array<i32>} : memref<51200xf32, #tpu.memory_space<vmem>>, vector<16xf32>,
        %parallel_loop3A_409 = arith.constant 16 : i32
        %parallel_loop3A_410 = arith.addi %parallel_loop3A_394, %parallel_loop3A_409 : i32
        %parallel_loop3A_411 = arith.index_cast %parallel_loop3A_410 : i32 to index
        %parallel_loop3A_412 = tpu.vector_load %arg8[%parallel_loop3A_411] {strides = array<i32>} : memref<576xf32, #tpu.memory_space<vmem>>, vector<16xf32>,
        %parallel_loop3A_413 = arith.constant 16 : i32
        %parallel_loop3A_414 = arith.addi %parallel_loop3A_400, %parallel_loop3A_413 : i32
        %parallel_loop3A_415 = arith.index_cast %parallel_loop3A_414 : i32 to index
        %parallel_loop3A_416 = tpu.vector_load %arg10[%parallel_loop3A_415] {strides = array<i32>} : memref<51200xf32, #tpu.memory_space<vmem>>, vector<16xf32>,
        tpu.vector_store %arg10[%parallel_loop3A_415], %parallel_loop3A_412 {strides = array<i32>} : memref<51200xf32, #tpu.memory_space<vmem>>, vector<16xf32>,
        %parallel_loop3A_417 = arith.constant 32 : i32
        %parallel_loop3A_418 = arith.addi %parallel_loop3A_394, %parallel_loop3A_417 : i32
        %parallel_loop3A_419 = arith.index_cast %parallel_loop3A_418 : i32 to index
        %parallel_loop3A_420 = tpu.vector_load %arg8[%parallel_loop3A_419] {strides = array<i32>} : memref<576xf32, #tpu.memory_space<vmem>>, vector<16xf32>,
        %parallel_loop3A_421 = arith.constant 32 : i32
        %parallel_loop3A_422 = arith.addi %parallel_loop3A_400, %parallel_loop3A_421 : i32
        %parallel_loop3A_423 = arith.index_cast %parallel_loop3A_422 : i32 to index
        %parallel_loop3A_424 = tpu.vector_load %arg10[%parallel_loop3A_423] {strides = array<i32>} : memref<51200xf32, #tpu.memory_space<vmem>>, vector<16xf32>,
        tpu.vector_store %arg10[%parallel_loop3A_423], %parallel_loop3A_420 {strides = array<i32>} : memref<51200xf32, #tpu.memory_space<vmem>>, vector<16xf32>,
        %parallel_loop3A_425 = arith.constant 48 : i32
        %parallel_loop3A_426 = arith.addi %parallel_loop3A_394, %parallel_loop3A_425 : i32
        %parallel_loop3A_427 = arith.index_cast %parallel_loop3A_426 : i32 to index
        %parallel_loop3A_428 = tpu.vector_load %arg8[%parallel_loop3A_427] {strides = array<i32>} : memref<576xf32, #tpu.memory_space<vmem>>, vector<16xf32>,
        %parallel_loop3A_429 = arith.constant 48 : i32
        %parallel_loop3A_430 = arith.addi %parallel_loop3A_400, %parallel_loop3A_429 : i32
        %parallel_loop3A_431 = arith.index_cast %parallel_loop3A_430 : i32 to index
        %parallel_loop3A_432 = tpu.vector_load %arg10[%parallel_loop3A_431] {strides = array<i32>} : memref<51200xf32, #tpu.memory_space<vmem>>, vector<16xf32>,
        tpu.vector_store %arg10[%parallel_loop3A_431], %parallel_loop3A_428 {strides = array<i32>} : memref<51200xf32, #tpu.memory_space<vmem>>, vector<16xf32>,
        %parallel_loop3A_433 = vector.extract_strided_slice %parallel_loop3A_152 {offsets = [7], sizes = [1], strides = [1]} : vector<16xi32> to vector<1xi32>
        %parallel_loop3A_434 = vector.extract %parallel_loop3A_433[0] : i32 from vector<1xi32>
        %parallel_loop3A_435 = arith.constant 16 : i32
        %parallel_loop3A_436 = arith.muli %parallel_loop3A_112, %parallel_loop3A_435 : i32
        %parallel_loop3A_437 = arith.constant 7 : i32
        %parallel_loop3A_438 = arith.addi %parallel_loop3A_436, %parallel_loop3A_437 : i32
        %parallel_loop3A_439 = arith.constant 64 : i32
        %parallel_loop3A_440 = arith.muli %parallel_loop3A_438, %parallel_loop3A_439 : i32
        %parallel_loop3A_441 = arith.constant 0 : i32
        %parallel_loop3A_442 = arith.addi %parallel_loop3A_434, %parallel_loop3A_441 : i32
        %parallel_loop3A_443 = arith.index_cast %parallel_loop3A_442 : i32 to index
        %parallel_loop3A_444 = tpu.vector_load %arg8[%parallel_loop3A_443] {strides = array<i32>} : memref<576xf32, #tpu.memory_space<vmem>>, vector<16xf32>,
        %parallel_loop3A_445 = arith.constant 0 : i32
        %parallel_loop3A_446 = arith.addi %parallel_loop3A_440, %parallel_loop3A_445 : i32
        %parallel_loop3A_447 = arith.index_cast %parallel_loop3A_446 : i32 to index
        %parallel_loop3A_448 = tpu.vector_load %arg10[%parallel_loop3A_447] {strides = array<i32>} : memref<51200xf32, #tpu.memory_space<vmem>>, vector<16xf32>,
        tpu.vector_store %arg10[%parallel_loop3A_447], %parallel_loop3A_444 {strides = array<i32>} : memref<51200xf32, #tpu.memory_space<vmem>>, vector<16xf32>,
        %parallel_loop3A_449 = arith.constant 16 : i32
        %parallel_loop3A_450 = arith.addi %parallel_loop3A_434, %parallel_loop3A_449 : i32
        %parallel_loop3A_451 = arith.index_cast %parallel_loop3A_450 : i32 to index
        %parallel_loop3A_452 = tpu.vector_load %arg8[%parallel_loop3A_451] {strides = array<i32>} : memref<576xf32, #tpu.memory_space<vmem>>, vector<16xf32>,
        %parallel_loop3A_453 = arith.constant 16 : i32
        %parallel_loop3A_454 = arith.addi %parallel_loop3A_440, %parallel_loop3A_453 : i32
        %parallel_loop3A_455 = arith.index_cast %parallel_loop3A_454 : i32 to index
        %parallel_loop3A_456 = tpu.vector_load %arg10[%parallel_loop3A_455] {strides = array<i32>} : memref<51200xf32, #tpu.memory_space<vmem>>, vector<16xf32>,
        tpu.vector_store %arg10[%parallel_loop3A_455], %parallel_loop3A_452 {strides = array<i32>} : memref<51200xf32, #tpu.memory_space<vmem>>, vector<16xf32>,
        %parallel_loop3A_457 = arith.constant 32 : i32
        %parallel_loop3A_458 = arith.addi %parallel_loop3A_434, %parallel_loop3A_457 : i32
        %parallel_loop3A_459 = arith.index_cast %parallel_loop3A_458 : i32 to index
        %parallel_loop3A_460 = tpu.vector_load %arg8[%parallel_loop3A_459] {strides = array<i32>} : memref<576xf32, #tpu.memory_space<vmem>>, vector<16xf32>,
        %parallel_loop3A_461 = arith.constant 32 : i32
        %parallel_loop3A_462 = arith.addi %parallel_loop3A_440, %parallel_loop3A_461 : i32
        %parallel_loop3A_463 = arith.index_cast %parallel_loop3A_462 : i32 to index
        %parallel_loop3A_464 = tpu.vector_load %arg10[%parallel_loop3A_463] {strides = array<i32>} : memref<51200xf32, #tpu.memory_space<vmem>>, vector<16xf32>,
        tpu.vector_store %arg10[%parallel_loop3A_463], %parallel_loop3A_460 {strides = array<i32>} : memref<51200xf32, #tpu.memory_space<vmem>>, vector<16xf32>,
        %parallel_loop3A_465 = arith.constant 48 : i32
        %parallel_loop3A_466 = arith.addi %parallel_loop3A_434, %parallel_loop3A_465 : i32
        %parallel_loop3A_467 = arith.index_cast %parallel_loop3A_466 : i32 to index
        %parallel_loop3A_468 = tpu.vector_load %arg8[%parallel_loop3A_467] {strides = array<i32>} : memref<576xf32, #tpu.memory_space<vmem>>, vector<16xf32>,
        %parallel_loop3A_469 = arith.constant 48 : i32
        %parallel_loop3A_470 = arith.addi %parallel_loop3A_440, %parallel_loop3A_469 : i32
        %parallel_loop3A_471 = arith.index_cast %parallel_loop3A_470 : i32 to index
        %parallel_loop3A_472 = tpu.vector_load %arg10[%parallel_loop3A_471] {strides = array<i32>} : memref<51200xf32, #tpu.memory_space<vmem>>, vector<16xf32>,
        tpu.vector_store %arg10[%parallel_loop3A_471], %parallel_loop3A_468 {strides = array<i32>} : memref<51200xf32, #tpu.memory_space<vmem>>, vector<16xf32>,
        %parallel_loop3A_473 = vector.extract_strided_slice %parallel_loop3A_152 {offsets = [8], sizes = [1], strides = [1]} : vector<16xi32> to vector<1xi32>
        %parallel_loop3A_474 = vector.extract %parallel_loop3A_473[0] : i32 from vector<1xi32>
        %parallel_loop3A_475 = arith.constant 16 : i32
        %parallel_loop3A_476 = arith.muli %parallel_loop3A_112, %parallel_loop3A_475 : i32
        %parallel_loop3A_477 = arith.constant 8 : i32
        %parallel_loop3A_478 = arith.addi %parallel_loop3A_476, %parallel_loop3A_477 : i32
        %parallel_loop3A_479 = arith.constant 64 : i32
        %parallel_loop3A_480 = arith.muli %parallel_loop3A_478, %parallel_loop3A_479 : i32
        %parallel_loop3A_481 = arith.constant 0 : i32
        %parallel_loop3A_482 = arith.addi %parallel_loop3A_474, %parallel_loop3A_481 : i32
        %parallel_loop3A_483 = arith.index_cast %parallel_loop3A_482 : i32 to index
        %parallel_loop3A_484 = tpu.vector_load %arg8[%parallel_loop3A_483] {strides = array<i32>} : memref<576xf32, #tpu.memory_space<vmem>>, vector<16xf32>,
        %parallel_loop3A_485 = arith.constant 0 : i32
        %parallel_loop3A_486 = arith.addi %parallel_loop3A_480, %parallel_loop3A_485 : i32
        %parallel_loop3A_487 = arith.index_cast %parallel_loop3A_486 : i32 to index
        %parallel_loop3A_488 = tpu.vector_load %arg10[%parallel_loop3A_487] {strides = array<i32>} : memref<51200xf32, #tpu.memory_space<vmem>>, vector<16xf32>,
        tpu.vector_store %arg10[%parallel_loop3A_487], %parallel_loop3A_484 {strides = array<i32>} : memref<51200xf32, #tpu.memory_space<vmem>>, vector<16xf32>,
        %parallel_loop3A_489 = arith.constant 16 : i32
        %parallel_loop3A_490 = arith.addi %parallel_loop3A_474, %parallel_loop3A_489 : i32
        %parallel_loop3A_491 = arith.index_cast %parallel_loop3A_490 : i32 to index
        %parallel_loop3A_492 = tpu.vector_load %arg8[%parallel_loop3A_491] {strides = array<i32>} : memref<576xf32, #tpu.memory_space<vmem>>, vector<16xf32>,
        %parallel_loop3A_493 = arith.constant 16 : i32
        %parallel_loop3A_494 = arith.addi %parallel_loop3A_480, %parallel_loop3A_493 : i32
        %parallel_loop3A_495 = arith.index_cast %parallel_loop3A_494 : i32 to index
        %parallel_loop3A_496 = tpu.vector_load %arg10[%parallel_loop3A_495] {strides = array<i32>} : memref<51200xf32, #tpu.memory_space<vmem>>, vector<16xf32>,
        tpu.vector_store %arg10[%parallel_loop3A_495], %parallel_loop3A_492 {strides = array<i32>} : memref<51200xf32, #tpu.memory_space<vmem>>, vector<16xf32>,
        %parallel_loop3A_497 = arith.constant 32 : i32
        %parallel_loop3A_498 = arith.addi %parallel_loop3A_474, %parallel_loop3A_497 : i32
        %parallel_loop3A_499 = arith.index_cast %parallel_loop3A_498 : i32 to index
        %parallel_loop3A_500 = tpu.vector_load %arg8[%parallel_loop3A_499] {strides = array<i32>} : memref<576xf32, #tpu.memory_space<vmem>>, vector<16xf32>,
        %parallel_loop3A_501 = arith.constant 32 : i32
        %parallel_loop3A_502 = arith.addi %parallel_loop3A_480, %parallel_loop3A_501 : i32
        %parallel_loop3A_503 = arith.index_cast %parallel_loop3A_502 : i32 to index
        %parallel_loop3A_504 = tpu.vector_load %arg10[%parallel_loop3A_503] {strides = array<i32>} : memref<51200xf32, #tpu.memory_space<vmem>>, vector<16xf32>,
        tpu.vector_store %arg10[%parallel_loop3A_503], %parallel_loop3A_500 {strides = array<i32>} : memref<51200xf32, #tpu.memory_space<vmem>>, vector<16xf32>,
        %parallel_loop3A_505 = arith.constant 48 : i32
        %parallel_loop3A_506 = arith.addi %parallel_loop3A_474, %parallel_loop3A_505 : i32
        %parallel_loop3A_507 = arith.index_cast %parallel_loop3A_506 : i32 to index
        %parallel_loop3A_508 = tpu.vector_load %arg8[%parallel_loop3A_507] {strides = array<i32>} : memref<576xf32, #tpu.memory_space<vmem>>, vector<16xf32>,
        %parallel_loop3A_509 = arith.constant 48 : i32
        %parallel_loop3A_510 = arith.addi %parallel_loop3A_480, %parallel_loop3A_509 : i32
        %parallel_loop3A_511 = arith.index_cast %parallel_loop3A_510 : i32 to index
        %parallel_loop3A_512 = tpu.vector_load %arg10[%parallel_loop3A_511] {strides = array<i32>} : memref<51200xf32, #tpu.memory_space<vmem>>, vector<16xf32>,
        tpu.vector_store %arg10[%parallel_loop3A_511], %parallel_loop3A_508 {strides = array<i32>} : memref<51200xf32, #tpu.memory_space<vmem>>, vector<16xf32>,
        %parallel_loop3A_513 = vector.extract_strided_slice %parallel_loop3A_152 {offsets = [9], sizes = [1], strides = [1]} : vector<16xi32> to vector<1xi32>
        %parallel_loop3A_514 = vector.extract %parallel_loop3A_513[0] : i32 from vector<1xi32>
        %parallel_loop3A_515 = arith.constant 16 : i32
        %parallel_loop3A_516 = arith.muli %parallel_loop3A_112, %parallel_loop3A_515 : i32
        %parallel_loop3A_517 = arith.constant 9 : i32
        %parallel_loop3A_518 = arith.addi %parallel_loop3A_516, %parallel_loop3A_517 : i32
        %parallel_loop3A_519 = arith.constant 64 : i32
        %parallel_loop3A_520 = arith.muli %parallel_loop3A_518, %parallel_loop3A_519 : i32
        %parallel_loop3A_521 = arith.constant 0 : i32
        %parallel_loop3A_522 = arith.addi %parallel_loop3A_514, %parallel_loop3A_521 : i32
        %parallel_loop3A_523 = arith.index_cast %parallel_loop3A_522 : i32 to index
        %parallel_loop3A_524 = tpu.vector_load %arg8[%parallel_loop3A_523] {strides = array<i32>} : memref<576xf32, #tpu.memory_space<vmem>>, vector<16xf32>,
        %parallel_loop3A_525 = arith.constant 0 : i32
        %parallel_loop3A_526 = arith.addi %parallel_loop3A_520, %parallel_loop3A_525 : i32
        %parallel_loop3A_527 = arith.index_cast %parallel_loop3A_526 : i32 to index
        %parallel_loop3A_528 = tpu.vector_load %arg10[%parallel_loop3A_527] {strides = array<i32>} : memref<51200xf32, #tpu.memory_space<vmem>>, vector<16xf32>,
        tpu.vector_store %arg10[%parallel_loop3A_527], %parallel_loop3A_524 {strides = array<i32>} : memref<51200xf32, #tpu.memory_space<vmem>>, vector<16xf32>,
        %parallel_loop3A_529 = arith.constant 16 : i32
        %parallel_loop3A_530 = arith.addi %parallel_loop3A_514, %parallel_loop3A_529 : i32
        %parallel_loop3A_531 = arith.index_cast %parallel_loop3A_530 : i32 to index
        %parallel_loop3A_532 = tpu.vector_load %arg8[%parallel_loop3A_531] {strides = array<i32>} : memref<576xf32, #tpu.memory_space<vmem>>, vector<16xf32>,
        %parallel_loop3A_533 = arith.constant 16 : i32
        %parallel_loop3A_534 = arith.addi %parallel_loop3A_520, %parallel_loop3A_533 : i32
        %parallel_loop3A_535 = arith.index_cast %parallel_loop3A_534 : i32 to index
        %parallel_loop3A_536 = tpu.vector_load %arg10[%parallel_loop3A_535] {strides = array<i32>} : memref<51200xf32, #tpu.memory_space<vmem>>, vector<16xf32>,
        tpu.vector_store %arg10[%parallel_loop3A_535], %parallel_loop3A_532 {strides = array<i32>} : memref<51200xf32, #tpu.memory_space<vmem>>, vector<16xf32>,
        %parallel_loop3A_537 = arith.constant 32 : i32
        %parallel_loop3A_538 = arith.addi %parallel_loop3A_514, %parallel_loop3A_537 : i32
        %parallel_loop3A_539 = arith.index_cast %parallel_loop3A_538 : i32 to index
        %parallel_loop3A_540 = tpu.vector_load %arg8[%parallel_loop3A_539] {strides = array<i32>} : memref<576xf32, #tpu.memory_space<vmem>>, vector<16xf32>,
        %parallel_loop3A_541 = arith.constant 32 : i32
        %parallel_loop3A_542 = arith.addi %parallel_loop3A_520, %parallel_loop3A_541 : i32
        %parallel_loop3A_543 = arith.index_cast %parallel_loop3A_542 : i32 to index
        %parallel_loop3A_544 = tpu.vector_load %arg10[%parallel_loop3A_543] {strides = array<i32>} : memref<51200xf32, #tpu.memory_space<vmem>>, vector<16xf32>,
        tpu.vector_store %arg10[%parallel_loop3A_543], %parallel_loop3A_540 {strides = array<i32>} : memref<51200xf32, #tpu.memory_space<vmem>>, vector<16xf32>,
        %parallel_loop3A_545 = arith.constant 48 : i32
        %parallel_loop3A_546 = arith.addi %parallel_loop3A_514, %parallel_loop3A_545 : i32
        %parallel_loop3A_547 = arith.index_cast %parallel_loop3A_546 : i32 to index
        %parallel_loop3A_548 = tpu.vector_load %arg8[%parallel_loop3A_547] {strides = array<i32>} : memref<576xf32, #tpu.memory_space<vmem>>, vector<16xf32>,
        %parallel_loop3A_549 = arith.constant 48 : i32
        %parallel_loop3A_550 = arith.addi %parallel_loop3A_520, %parallel_loop3A_549 : i32
        %parallel_loop3A_551 = arith.index_cast %parallel_loop3A_550 : i32 to index
        %parallel_loop3A_552 = tpu.vector_load %arg10[%parallel_loop3A_551] {strides = array<i32>} : memref<51200xf32, #tpu.memory_space<vmem>>, vector<16xf32>,
        tpu.vector_store %arg10[%parallel_loop3A_551], %parallel_loop3A_548 {strides = array<i32>} : memref<51200xf32, #tpu.memory_space<vmem>>, vector<16xf32>,
        %parallel_loop3A_553 = vector.extract_strided_slice %parallel_loop3A_152 {offsets = [10], sizes = [1], strides = [1]} : vector<16xi32> to vector<1xi32>
        %parallel_loop3A_554 = vector.extract %parallel_loop3A_553[0] : i32 from vector<1xi32>
        %parallel_loop3A_555 = arith.constant 16 : i32
        %parallel_loop3A_556 = arith.muli %parallel_loop3A_112, %parallel_loop3A_555 : i32
        %parallel_loop3A_557 = arith.constant 10 : i32
        %parallel_loop3A_558 = arith.addi %parallel_loop3A_556, %parallel_loop3A_557 : i32
        %parallel_loop3A_559 = arith.constant 64 : i32
        %parallel_loop3A_560 = arith.muli %parallel_loop3A_558, %parallel_loop3A_559 : i32
        %parallel_loop3A_561 = arith.constant 0 : i32
        %parallel_loop3A_562 = arith.addi %parallel_loop3A_554, %parallel_loop3A_561 : i32
        %parallel_loop3A_563 = arith.index_cast %parallel_loop3A_562 : i32 to index
        %parallel_loop3A_564 = tpu.vector_load %arg8[%parallel_loop3A_563] {strides = array<i32>} : memref<576xf32, #tpu.memory_space<vmem>>, vector<16xf32>,
        %parallel_loop3A_565 = arith.constant 0 : i32
        %parallel_loop3A_566 = arith.addi %parallel_loop3A_560, %parallel_loop3A_565 : i32
        %parallel_loop3A_567 = arith.index_cast %parallel_loop3A_566 : i32 to index
        %parallel_loop3A_568 = tpu.vector_load %arg10[%parallel_loop3A_567] {strides = array<i32>} : memref<51200xf32, #tpu.memory_space<vmem>>, vector<16xf32>,
        tpu.vector_store %arg10[%parallel_loop3A_567], %parallel_loop3A_564 {strides = array<i32>} : memref<51200xf32, #tpu.memory_space<vmem>>, vector<16xf32>,
        %parallel_loop3A_569 = arith.constant 16 : i32
        %parallel_loop3A_570 = arith.addi %parallel_loop3A_554, %parallel_loop3A_569 : i32
        %parallel_loop3A_571 = arith.index_cast %parallel_loop3A_570 : i32 to index
        %parallel_loop3A_572 = tpu.vector_load %arg8[%parallel_loop3A_571] {strides = array<i32>} : memref<576xf32, #tpu.memory_space<vmem>>, vector<16xf32>,
        %parallel_loop3A_573 = arith.constant 16 : i32
        %parallel_loop3A_574 = arith.addi %parallel_loop3A_560, %parallel_loop3A_573 : i32
        %parallel_loop3A_575 = arith.index_cast %parallel_loop3A_574 : i32 to index
        %parallel_loop3A_576 = tpu.vector_load %arg10[%parallel_loop3A_575] {strides = array<i32>} : memref<51200xf32, #tpu.memory_space<vmem>>, vector<16xf32>,
        tpu.vector_store %arg10[%parallel_loop3A_575], %parallel_loop3A_572 {strides = array<i32>} : memref<51200xf32, #tpu.memory_space<vmem>>, vector<16xf32>,
        %parallel_loop3A_577 = arith.constant 32 : i32
        %parallel_loop3A_578 = arith.addi %parallel_loop3A_554, %parallel_loop3A_577 : i32
        %parallel_loop3A_579 = arith.index_cast %parallel_loop3A_578 : i32 to index
        %parallel_loop3A_580 = tpu.vector_load %arg8[%parallel_loop3A_579] {strides = array<i32>} : memref<576xf32, #tpu.memory_space<vmem>>, vector<16xf32>,
        %parallel_loop3A_581 = arith.constant 32 : i32
        %parallel_loop3A_582 = arith.addi %parallel_loop3A_560, %parallel_loop3A_581 : i32
        %parallel_loop3A_583 = arith.index_cast %parallel_loop3A_582 : i32 to index
        %parallel_loop3A_584 = tpu.vector_load %arg10[%parallel_loop3A_583] {strides = array<i32>} : memref<51200xf32, #tpu.memory_space<vmem>>, vector<16xf32>,
        tpu.vector_store %arg10[%parallel_loop3A_583], %parallel_loop3A_580 {strides = array<i32>} : memref<51200xf32, #tpu.memory_space<vmem>>, vector<16xf32>,
        %parallel_loop3A_585 = arith.constant 48 : i32
        %parallel_loop3A_586 = arith.addi %parallel_loop3A_554, %parallel_loop3A_585 : i32
        %parallel_loop3A_587 = arith.index_cast %parallel_loop3A_586 : i32 to index
        %parallel_loop3A_588 = tpu.vector_load %arg8[%parallel_loop3A_587] {strides = array<i32>} : memref<576xf32, #tpu.memory_space<vmem>>, vector<16xf32>,
        %parallel_loop3A_589 = arith.constant 48 : i32
        %parallel_loop3A_590 = arith.addi %parallel_loop3A_560, %parallel_loop3A_589 : i32
        %parallel_loop3A_591 = arith.index_cast %parallel_loop3A_590 : i32 to index
        %parallel_loop3A_592 = tpu.vector_load %arg10[%parallel_loop3A_591] {strides = array<i32>} : memref<51200xf32, #tpu.memory_space<vmem>>, vector<16xf32>,
        tpu.vector_store %arg10[%parallel_loop3A_591], %parallel_loop3A_588 {strides = array<i32>} : memref<51200xf32, #tpu.memory_space<vmem>>, vector<16xf32>,
        %parallel_loop3A_593 = vector.extract_strided_slice %parallel_loop3A_152 {offsets = [11], sizes = [1], strides = [1]} : vector<16xi32> to vector<1xi32>
        %parallel_loop3A_594 = vector.extract %parallel_loop3A_593[0] : i32 from vector<1xi32>
        %parallel_loop3A_595 = arith.constant 16 : i32
        %parallel_loop3A_596 = arith.muli %parallel_loop3A_112, %parallel_loop3A_595 : i32
        %parallel_loop3A_597 = arith.constant 11 : i32
        %parallel_loop3A_598 = arith.addi %parallel_loop3A_596, %parallel_loop3A_597 : i32
        %parallel_loop3A_599 = arith.constant 64 : i32
        %parallel_loop3A_600 = arith.muli %parallel_loop3A_598, %parallel_loop3A_599 : i32
        %parallel_loop3A_601 = arith.constant 0 : i32
        %parallel_loop3A_602 = arith.addi %parallel_loop3A_594, %parallel_loop3A_601 : i32
        %parallel_loop3A_603 = arith.index_cast %parallel_loop3A_602 : i32 to index
        %parallel_loop3A_604 = tpu.vector_load %arg8[%parallel_loop3A_603] {strides = array<i32>} : memref<576xf32, #tpu.memory_space<vmem>>, vector<16xf32>,
        %parallel_loop3A_605 = arith.constant 0 : i32
        %parallel_loop3A_606 = arith.addi %parallel_loop3A_600, %parallel_loop3A_605 : i32
        %parallel_loop3A_607 = arith.index_cast %parallel_loop3A_606 : i32 to index
        %parallel_loop3A_608 = tpu.vector_load %arg10[%parallel_loop3A_607] {strides = array<i32>} : memref<51200xf32, #tpu.memory_space<vmem>>, vector<16xf32>,
        tpu.vector_store %arg10[%parallel_loop3A_607], %parallel_loop3A_604 {strides = array<i32>} : memref<51200xf32, #tpu.memory_space<vmem>>, vector<16xf32>,
        %parallel_loop3A_609 = arith.constant 16 : i32
        %parallel_loop3A_610 = arith.addi %parallel_loop3A_594, %parallel_loop3A_609 : i32
        %parallel_loop3A_611 = arith.index_cast %parallel_loop3A_610 : i32 to index
        %parallel_loop3A_612 = tpu.vector_load %arg8[%parallel_loop3A_611] {strides = array<i32>} : memref<576xf32, #tpu.memory_space<vmem>>, vector<16xf32>,
        %parallel_loop3A_613 = arith.constant 16 : i32
        %parallel_loop3A_614 = arith.addi %parallel_loop3A_600, %parallel_loop3A_613 : i32
        %parallel_loop3A_615 = arith.index_cast %parallel_loop3A_614 : i32 to index
        %parallel_loop3A_616 = tpu.vector_load %arg10[%parallel_loop3A_615] {strides = array<i32>} : memref<51200xf32, #tpu.memory_space<vmem>>, vector<16xf32>,
        tpu.vector_store %arg10[%parallel_loop3A_615], %parallel_loop3A_612 {strides = array<i32>} : memref<51200xf32, #tpu.memory_space<vmem>>, vector<16xf32>,
        %parallel_loop3A_617 = arith.constant 32 : i32
        %parallel_loop3A_618 = arith.addi %parallel_loop3A_594, %parallel_loop3A_617 : i32
        %parallel_loop3A_619 = arith.index_cast %parallel_loop3A_618 : i32 to index
        %parallel_loop3A_620 = tpu.vector_load %arg8[%parallel_loop3A_619] {strides = array<i32>} : memref<576xf32, #tpu.memory_space<vmem>>, vector<16xf32>,
        %parallel_loop3A_621 = arith.constant 32 : i32
        %parallel_loop3A_622 = arith.addi %parallel_loop3A_600, %parallel_loop3A_621 : i32
        %parallel_loop3A_623 = arith.index_cast %parallel_loop3A_622 : i32 to index
        %parallel_loop3A_624 = tpu.vector_load %arg10[%parallel_loop3A_623] {strides = array<i32>} : memref<51200xf32, #tpu.memory_space<vmem>>, vector<16xf32>,
        tpu.vector_store %arg10[%parallel_loop3A_623], %parallel_loop3A_620 {strides = array<i32>} : memref<51200xf32, #tpu.memory_space<vmem>>, vector<16xf32>,
        %parallel_loop3A_625 = arith.constant 48 : i32
        %parallel_loop3A_626 = arith.addi %parallel_loop3A_594, %parallel_loop3A_625 : i32
        %parallel_loop3A_627 = arith.index_cast %parallel_loop3A_626 : i32 to index
        %parallel_loop3A_628 = tpu.vector_load %arg8[%parallel_loop3A_627] {strides = array<i32>} : memref<576xf32, #tpu.memory_space<vmem>>, vector<16xf32>,
        %parallel_loop3A_629 = arith.constant 48 : i32
        %parallel_loop3A_630 = arith.addi %parallel_loop3A_600, %parallel_loop3A_629 : i32
        %parallel_loop3A_631 = arith.index_cast %parallel_loop3A_630 : i32 to index
        %parallel_loop3A_632 = tpu.vector_load %arg10[%parallel_loop3A_631] {strides = array<i32>} : memref<51200xf32, #tpu.memory_space<vmem>>, vector<16xf32>,
        tpu.vector_store %arg10[%parallel_loop3A_631], %parallel_loop3A_628 {strides = array<i32>} : memref<51200xf32, #tpu.memory_space<vmem>>, vector<16xf32>,
        %parallel_loop3A_633 = vector.extract_strided_slice %parallel_loop3A_152 {offsets = [12], sizes = [1], strides = [1]} : vector<16xi32> to vector<1xi32>
        %parallel_loop3A_634 = vector.extract %parallel_loop3A_633[0] : i32 from vector<1xi32>
        %parallel_loop3A_635 = arith.constant 16 : i32
        %parallel_loop3A_636 = arith.muli %parallel_loop3A_112, %parallel_loop3A_635 : i32
        %parallel_loop3A_637 = arith.constant 12 : i32
        %parallel_loop3A_638 = arith.addi %parallel_loop3A_636, %parallel_loop3A_637 : i32
        %parallel_loop3A_639 = arith.constant 64 : i32
        %parallel_loop3A_640 = arith.muli %parallel_loop3A_638, %parallel_loop3A_639 : i32
        %parallel_loop3A_641 = arith.constant 0 : i32
        %parallel_loop3A_642 = arith.addi %parallel_loop3A_634, %parallel_loop3A_641 : i32
        %parallel_loop3A_643 = arith.index_cast %parallel_loop3A_642 : i32 to index
        %parallel_loop3A_644 = tpu.vector_load %arg8[%parallel_loop3A_643] {strides = array<i32>} : memref<576xf32, #tpu.memory_space<vmem>>, vector<16xf32>,
        %parallel_loop3A_645 = arith.constant 0 : i32
        %parallel_loop3A_646 = arith.addi %parallel_loop3A_640, %parallel_loop3A_645 : i32
        %parallel_loop3A_647 = arith.index_cast %parallel_loop3A_646 : i32 to index
        %parallel_loop3A_648 = tpu.vector_load %arg10[%parallel_loop3A_647] {strides = array<i32>} : memref<51200xf32, #tpu.memory_space<vmem>>, vector<16xf32>,
        tpu.vector_store %arg10[%parallel_loop3A_647], %parallel_loop3A_644 {strides = array<i32>} : memref<51200xf32, #tpu.memory_space<vmem>>, vector<16xf32>,
        %parallel_loop3A_649 = arith.constant 16 : i32
        %parallel_loop3A_650 = arith.addi %parallel_loop3A_634, %parallel_loop3A_649 : i32
        %parallel_loop3A_651 = arith.index_cast %parallel_loop3A_650 : i32 to index
        %parallel_loop3A_652 = tpu.vector_load %arg8[%parallel_loop3A_651] {strides = array<i32>} : memref<576xf32, #tpu.memory_space<vmem>>, vector<16xf32>,
        %parallel_loop3A_653 = arith.constant 16 : i32
        %parallel_loop3A_654 = arith.addi %parallel_loop3A_640, %parallel_loop3A_653 : i32
        %parallel_loop3A_655 = arith.index_cast %parallel_loop3A_654 : i32 to index
        %parallel_loop3A_656 = tpu.vector_load %arg10[%parallel_loop3A_655] {strides = array<i32>} : memref<51200xf32, #tpu.memory_space<vmem>>, vector<16xf32>,
        tpu.vector_store %arg10[%parallel_loop3A_655], %parallel_loop3A_652 {strides = array<i32>} : memref<51200xf32, #tpu.memory_space<vmem>>, vector<16xf32>,
        %parallel_loop3A_657 = arith.constant 32 : i32
        %parallel_loop3A_658 = arith.addi %parallel_loop3A_634, %parallel_loop3A_657 : i32
        %parallel_loop3A_659 = arith.index_cast %parallel_loop3A_658 : i32 to index
        %parallel_loop3A_660 = tpu.vector_load %arg8[%parallel_loop3A_659] {strides = array<i32>} : memref<576xf32, #tpu.memory_space<vmem>>, vector<16xf32>,
        %parallel_loop3A_661 = arith.constant 32 : i32
        %parallel_loop3A_662 = arith.addi %parallel_loop3A_640, %parallel_loop3A_661 : i32
        %parallel_loop3A_663 = arith.index_cast %parallel_loop3A_662 : i32 to index
        %parallel_loop3A_664 = tpu.vector_load %arg10[%parallel_loop3A_663] {strides = array<i32>} : memref<51200xf32, #tpu.memory_space<vmem>>, vector<16xf32>,
        tpu.vector_store %arg10[%parallel_loop3A_663], %parallel_loop3A_660 {strides = array<i32>} : memref<51200xf32, #tpu.memory_space<vmem>>, vector<16xf32>,
        %parallel_loop3A_665 = arith.constant 48 : i32
        %parallel_loop3A_666 = arith.addi %parallel_loop3A_634, %parallel_loop3A_665 : i32
        %parallel_loop3A_667 = arith.index_cast %parallel_loop3A_666 : i32 to index
        %parallel_loop3A_668 = tpu.vector_load %arg8[%parallel_loop3A_667] {strides = array<i32>} : memref<576xf32, #tpu.memory_space<vmem>>, vector<16xf32>,
        %parallel_loop3A_669 = arith.constant 48 : i32
        %parallel_loop3A_670 = arith.addi %parallel_loop3A_640, %parallel_loop3A_669 : i32
        %parallel_loop3A_671 = arith.index_cast %parallel_loop3A_670 : i32 to index
        %parallel_loop3A_672 = tpu.vector_load %arg10[%parallel_loop3A_671] {strides = array<i32>} : memref<51200xf32, #tpu.memory_space<vmem>>, vector<16xf32>,
        tpu.vector_store %arg10[%parallel_loop3A_671], %parallel_loop3A_668 {strides = array<i32>} : memref<51200xf32, #tpu.memory_space<vmem>>, vector<16xf32>,
        %parallel_loop3A_673 = vector.extract_strided_slice %parallel_loop3A_152 {offsets = [13], sizes = [1], strides = [1]} : vector<16xi32> to vector<1xi32>
        %parallel_loop3A_674 = vector.extract %parallel_loop3A_673[0] : i32 from vector<1xi32>
        %parallel_loop3A_675 = arith.constant 16 : i32
        %parallel_loop3A_676 = arith.muli %parallel_loop3A_112, %parallel_loop3A_675 : i32
        %parallel_loop3A_677 = arith.constant 13 : i32
        %parallel_loop3A_678 = arith.addi %parallel_loop3A_676, %parallel_loop3A_677 : i32
        %parallel_loop3A_679 = arith.constant 64 : i32
        %parallel_loop3A_680 = arith.muli %parallel_loop3A_678, %parallel_loop3A_679 : i32
        %parallel_loop3A_681 = arith.constant 0 : i32
        %parallel_loop3A_682 = arith.addi %parallel_loop3A_674, %parallel_loop3A_681 : i32
        %parallel_loop3A_683 = arith.index_cast %parallel_loop3A_682 : i32 to index
        %parallel_loop3A_684 = tpu.vector_load %arg8[%parallel_loop3A_683] {strides = array<i32>} : memref<576xf32, #tpu.memory_space<vmem>>, vector<16xf32>,
        %parallel_loop3A_685 = arith.constant 0 : i32
        %parallel_loop3A_686 = arith.addi %parallel_loop3A_680, %parallel_loop3A_685 : i32
        %parallel_loop3A_687 = arith.index_cast %parallel_loop3A_686 : i32 to index
        %parallel_loop3A_688 = tpu.vector_load %arg10[%parallel_loop3A_687] {strides = array<i32>} : memref<51200xf32, #tpu.memory_space<vmem>>, vector<16xf32>,
        tpu.vector_store %arg10[%parallel_loop3A_687], %parallel_loop3A_684 {strides = array<i32>} : memref<51200xf32, #tpu.memory_space<vmem>>, vector<16xf32>,
        %parallel_loop3A_689 = arith.constant 16 : i32
        %parallel_loop3A_690 = arith.addi %parallel_loop3A_674, %parallel_loop3A_689 : i32
        %parallel_loop3A_691 = arith.index_cast %parallel_loop3A_690 : i32 to index
        %parallel_loop3A_692 = tpu.vector_load %arg8[%parallel_loop3A_691] {strides = array<i32>} : memref<576xf32, #tpu.memory_space<vmem>>, vector<16xf32>,
        %parallel_loop3A_693 = arith.constant 16 : i32
        %parallel_loop3A_694 = arith.addi %parallel_loop3A_680, %parallel_loop3A_693 : i32
        %parallel_loop3A_695 = arith.index_cast %parallel_loop3A_694 : i32 to index
        %parallel_loop3A_696 = tpu.vector_load %arg10[%parallel_loop3A_695] {strides = array<i32>} : memref<51200xf32, #tpu.memory_space<vmem>>, vector<16xf32>,
        tpu.vector_store %arg10[%parallel_loop3A_695], %parallel_loop3A_692 {strides = array<i32>} : memref<51200xf32, #tpu.memory_space<vmem>>, vector<16xf32>,
        %parallel_loop3A_697 = arith.constant 32 : i32
        %parallel_loop3A_698 = arith.addi %parallel_loop3A_674, %parallel_loop3A_697 : i32
        %parallel_loop3A_699 = arith.index_cast %parallel_loop3A_698 : i32 to index
        %parallel_loop3A_700 = tpu.vector_load %arg8[%parallel_loop3A_699] {strides = array<i32>} : memref<576xf32, #tpu.memory_space<vmem>>, vector<16xf32>,
        %parallel_loop3A_701 = arith.constant 32 : i32
        %parallel_loop3A_702 = arith.addi %parallel_loop3A_680, %parallel_loop3A_701 : i32
        %parallel_loop3A_703 = arith.index_cast %parallel_loop3A_702 : i32 to index
        %parallel_loop3A_704 = tpu.vector_load %arg10[%parallel_loop3A_703] {strides = array<i32>} : memref<51200xf32, #tpu.memory_space<vmem>>, vector<16xf32>,
        tpu.vector_store %arg10[%parallel_loop3A_703], %parallel_loop3A_700 {strides = array<i32>} : memref<51200xf32, #tpu.memory_space<vmem>>, vector<16xf32>,
        %parallel_loop3A_705 = arith.constant 48 : i32
        %parallel_loop3A_706 = arith.addi %parallel_loop3A_674, %parallel_loop3A_705 : i32
        %parallel_loop3A_707 = arith.index_cast %parallel_loop3A_706 : i32 to index
        %parallel_loop3A_708 = tpu.vector_load %arg8[%parallel_loop3A_707] {strides = array<i32>} : memref<576xf32, #tpu.memory_space<vmem>>, vector<16xf32>,
        %parallel_loop3A_709 = arith.constant 48 : i32
        %parallel_loop3A_710 = arith.addi %parallel_loop3A_680, %parallel_loop3A_709 : i32
        %parallel_loop3A_711 = arith.index_cast %parallel_loop3A_710 : i32 to index
        %parallel_loop3A_712 = tpu.vector_load %arg10[%parallel_loop3A_711] {strides = array<i32>} : memref<51200xf32, #tpu.memory_space<vmem>>, vector<16xf32>,
        tpu.vector_store %arg10[%parallel_loop3A_711], %parallel_loop3A_708 {strides = array<i32>} : memref<51200xf32, #tpu.memory_space<vmem>>, vector<16xf32>,
        %parallel_loop3A_713 = vector.extract_strided_slice %parallel_loop3A_152 {offsets = [14], sizes = [1], strides = [1]} : vector<16xi32> to vector<1xi32>
        %parallel_loop3A_714 = vector.extract %parallel_loop3A_713[0] : i32 from vector<1xi32>
        %parallel_loop3A_715 = arith.constant 16 : i32
        %parallel_loop3A_716 = arith.muli %parallel_loop3A_112, %parallel_loop3A_715 : i32
        %parallel_loop3A_717 = arith.constant 14 : i32
        %parallel_loop3A_718 = arith.addi %parallel_loop3A_716, %parallel_loop3A_717 : i32
        %parallel_loop3A_719 = arith.constant 64 : i32
        %parallel_loop3A_720 = arith.muli %parallel_loop3A_718, %parallel_loop3A_719 : i32
        %parallel_loop3A_721 = arith.constant 0 : i32
        %parallel_loop3A_722 = arith.addi %parallel_loop3A_714, %parallel_loop3A_721 : i32
        %parallel_loop3A_723 = arith.index_cast %parallel_loop3A_722 : i32 to index
        %parallel_loop3A_724 = tpu.vector_load %arg8[%parallel_loop3A_723] {strides = array<i32>} : memref<576xf32, #tpu.memory_space<vmem>>, vector<16xf32>,
        %parallel_loop3A_725 = arith.constant 0 : i32
        %parallel_loop3A_726 = arith.addi %parallel_loop3A_720, %parallel_loop3A_725 : i32
        %parallel_loop3A_727 = arith.index_cast %parallel_loop3A_726 : i32 to index
        %parallel_loop3A_728 = tpu.vector_load %arg10[%parallel_loop3A_727] {strides = array<i32>} : memref<51200xf32, #tpu.memory_space<vmem>>, vector<16xf32>,
        tpu.vector_store %arg10[%parallel_loop3A_727], %parallel_loop3A_724 {strides = array<i32>} : memref<51200xf32, #tpu.memory_space<vmem>>, vector<16xf32>,
        %parallel_loop3A_729 = arith.constant 16 : i32
        %parallel_loop3A_730 = arith.addi %parallel_loop3A_714, %parallel_loop3A_729 : i32
        %parallel_loop3A_731 = arith.index_cast %parallel_loop3A_730 : i32 to index
        %parallel_loop3A_732 = tpu.vector_load %arg8[%parallel_loop3A_731] {strides = array<i32>} : memref<576xf32, #tpu.memory_space<vmem>>, vector<16xf32>,
        %parallel_loop3A_733 = arith.constant 16 : i32
        %parallel_loop3A_734 = arith.addi %parallel_loop3A_720, %parallel_loop3A_733 : i32
        %parallel_loop3A_735 = arith.index_cast %parallel_loop3A_734 : i32 to index
        %parallel_loop3A_736 = tpu.vector_load %arg10[%parallel_loop3A_735] {strides = array<i32>} : memref<51200xf32, #tpu.memory_space<vmem>>, vector<16xf32>,
        tpu.vector_store %arg10[%parallel_loop3A_735], %parallel_loop3A_732 {strides = array<i32>} : memref<51200xf32, #tpu.memory_space<vmem>>, vector<16xf32>,
        %parallel_loop3A_737 = arith.constant 32 : i32
        %parallel_loop3A_738 = arith.addi %parallel_loop3A_714, %parallel_loop3A_737 : i32
        %parallel_loop3A_739 = arith.index_cast %parallel_loop3A_738 : i32 to index
        %parallel_loop3A_740 = tpu.vector_load %arg8[%parallel_loop3A_739] {strides = array<i32>} : memref<576xf32, #tpu.memory_space<vmem>>, vector<16xf32>,
        %parallel_loop3A_741 = arith.constant 32 : i32
        %parallel_loop3A_742 = arith.addi %parallel_loop3A_720, %parallel_loop3A_741 : i32
        %parallel_loop3A_743 = arith.index_cast %parallel_loop3A_742 : i32 to index
        %parallel_loop3A_744 = tpu.vector_load %arg10[%parallel_loop3A_743] {strides = array<i32>} : memref<51200xf32, #tpu.memory_space<vmem>>, vector<16xf32>,
        tpu.vector_store %arg10[%parallel_loop3A_743], %parallel_loop3A_740 {strides = array<i32>} : memref<51200xf32, #tpu.memory_space<vmem>>, vector<16xf32>,
        %parallel_loop3A_745 = arith.constant 48 : i32
        %parallel_loop3A_746 = arith.addi %parallel_loop3A_714, %parallel_loop3A_745 : i32
        %parallel_loop3A_747 = arith.index_cast %parallel_loop3A_746 : i32 to index
        %parallel_loop3A_748 = tpu.vector_load %arg8[%parallel_loop3A_747] {strides = array<i32>} : memref<576xf32, #tpu.memory_space<vmem>>, vector<16xf32>,
        %parallel_loop3A_749 = arith.constant 48 : i32
        %parallel_loop3A_750 = arith.addi %parallel_loop3A_720, %parallel_loop3A_749 : i32
        %parallel_loop3A_751 = arith.index_cast %parallel_loop3A_750 : i32 to index
        %parallel_loop3A_752 = tpu.vector_load %arg10[%parallel_loop3A_751] {strides = array<i32>} : memref<51200xf32, #tpu.memory_space<vmem>>, vector<16xf32>,
        tpu.vector_store %arg10[%parallel_loop3A_751], %parallel_loop3A_748 {strides = array<i32>} : memref<51200xf32, #tpu.memory_space<vmem>>, vector<16xf32>,
        %parallel_loop3A_753 = vector.extract_strided_slice %parallel_loop3A_152 {offsets = [15], sizes = [1], strides = [1]} : vector<16xi32> to vector<1xi32>
        %parallel_loop3A_754 = vector.extract %parallel_loop3A_753[0] : i32 from vector<1xi32>
        %parallel_loop3A_755 = arith.constant 16 : i32
        %parallel_loop3A_756 = arith.muli %parallel_loop3A_112, %parallel_loop3A_755 : i32
        %parallel_loop3A_757 = arith.constant 15 : i32
        %parallel_loop3A_758 = arith.addi %parallel_loop3A_756, %parallel_loop3A_757 : i32
        %parallel_loop3A_759 = arith.constant 64 : i32
        %parallel_loop3A_760 = arith.muli %parallel_loop3A_758, %parallel_loop3A_759 : i32
        %parallel_loop3A_761 = arith.constant 0 : i32
        %parallel_loop3A_762 = arith.addi %parallel_loop3A_754, %parallel_loop3A_761 : i32
        %parallel_loop3A_763 = arith.index_cast %parallel_loop3A_762 : i32 to index
        %parallel_loop3A_764 = tpu.vector_load %arg8[%parallel_loop3A_763] {strides = array<i32>} : memref<576xf32, #tpu.memory_space<vmem>>, vector<16xf32>,
        %parallel_loop3A_765 = arith.constant 0 : i32
        %parallel_loop3A_766 = arith.addi %parallel_loop3A_760, %parallel_loop3A_765 : i32
        %parallel_loop3A_767 = arith.index_cast %parallel_loop3A_766 : i32 to index
        %parallel_loop3A_768 = tpu.vector_load %arg10[%parallel_loop3A_767] {strides = array<i32>} : memref<51200xf32, #tpu.memory_space<vmem>>, vector<16xf32>,
        tpu.vector_store %arg10[%parallel_loop3A_767], %parallel_loop3A_764 {strides = array<i32>} : memref<51200xf32, #tpu.memory_space<vmem>>, vector<16xf32>,
        %parallel_loop3A_769 = arith.constant 16 : i32
        %parallel_loop3A_770 = arith.addi %parallel_loop3A_754, %parallel_loop3A_769 : i32
        %parallel_loop3A_771 = arith.index_cast %parallel_loop3A_770 : i32 to index
        %parallel_loop3A_772 = tpu.vector_load %arg8[%parallel_loop3A_771] {strides = array<i32>} : memref<576xf32, #tpu.memory_space<vmem>>, vector<16xf32>,
        %parallel_loop3A_773 = arith.constant 16 : i32
        %parallel_loop3A_774 = arith.addi %parallel_loop3A_760, %parallel_loop3A_773 : i32
        %parallel_loop3A_775 = arith.index_cast %parallel_loop3A_774 : i32 to index
        %parallel_loop3A_776 = tpu.vector_load %arg10[%parallel_loop3A_775] {strides = array<i32>} : memref<51200xf32, #tpu.memory_space<vmem>>, vector<16xf32>,
        tpu.vector_store %arg10[%parallel_loop3A_775], %parallel_loop3A_772 {strides = array<i32>} : memref<51200xf32, #tpu.memory_space<vmem>>, vector<16xf32>,
        %parallel_loop3A_777 = arith.constant 32 : i32
        %parallel_loop3A_778 = arith.addi %parallel_loop3A_754, %parallel_loop3A_777 : i32
        %parallel_loop3A_779 = arith.index_cast %parallel_loop3A_778 : i32 to index
        %parallel_loop3A_780 = tpu.vector_load %arg8[%parallel_loop3A_779] {strides = array<i32>} : memref<576xf32, #tpu.memory_space<vmem>>, vector<16xf32>,
        %parallel_loop3A_781 = arith.constant 32 : i32
        %parallel_loop3A_782 = arith.addi %parallel_loop3A_760, %parallel_loop3A_781 : i32
        %parallel_loop3A_783 = arith.index_cast %parallel_loop3A_782 : i32 to index
        %parallel_loop3A_784 = tpu.vector_load %arg10[%parallel_loop3A_783] {strides = array<i32>} : memref<51200xf32, #tpu.memory_space<vmem>>, vector<16xf32>,
        tpu.vector_store %arg10[%parallel_loop3A_783], %parallel_loop3A_780 {strides = array<i32>} : memref<51200xf32, #tpu.memory_space<vmem>>, vector<16xf32>,
        %parallel_loop3A_785 = arith.constant 48 : i32
        %parallel_loop3A_786 = arith.addi %parallel_loop3A_754, %parallel_loop3A_785 : i32
        %parallel_loop3A_787 = arith.index_cast %parallel_loop3A_786 : i32 to index
        %parallel_loop3A_788 = tpu.vector_load %arg8[%parallel_loop3A_787] {strides = array<i32>} : memref<576xf32, #tpu.memory_space<vmem>>, vector<16xf32>,
        %parallel_loop3A_789 = arith.constant 48 : i32
        %parallel_loop3A_790 = arith.addi %parallel_loop3A_760, %parallel_loop3A_789 : i32
        %parallel_loop3A_791 = arith.index_cast %parallel_loop3A_790 : i32 to index
        %parallel_loop3A_792 = tpu.vector_load %arg10[%parallel_loop3A_791] {strides = array<i32>} : memref<51200xf32, #tpu.memory_space<vmem>>, vector<16xf32>,
        tpu.vector_store %arg10[%parallel_loop3A_791], %parallel_loop3A_788 {strides = array<i32>} : memref<51200xf32, #tpu.memory_space<vmem>>, vector<16xf32>,
      } {sc.loop_unroll_factor = 2 : i64, sc.parallel_access}
      %mul3A_92 = arith.constant 800 : i32
      %mul3A_93 = arith.muli %add3A_83, %mul3A_92 : i32
      %add3A_94 = arith.addi %mul3A_2, %mul3A_93 : i32
      %mul3A_95 = arith.constant 64 : i32
      %mul3A_96 = arith.muli %add3A_94, %mul3A_95 : i32
      %add3A_97 = arith.constant 25600 : i32
      %add3A_98 = arith.addi %mul3A_96, %add3A_97 : i32
      %dma_start3A_99 = arith.constant 0 : i32
      %dma_start3A_100 = tpu.memref_slice %arg10[%dma_start3A_99] : memref<51200xf32, #tpu.memory_space<vmem>> -> memref<25600xf32, #tpu.memory_space<vmem>>
      %dma_start3A_101 = tpu.memref_slice %arg5[%mul3A_96] : memref<26214400xf32, #tpu.memory_space<hbm>> -> memref<25600xf32, #tpu.memory_space<hbm>>
      %dma_start3A_102 = tpu.memref_slice %arg5[%mul3A_96] : memref<26214400xf32, #tpu.memory_space<hbm>> -> memref<25600xf32, #tpu.memory_space<hbm>>
      %dma_start3A_103 = arith.constant 0 : i32
      %dma_start3A_104 = tpu.memref_slice %arg10[%dma_start3A_103] : memref<51200xf32, #tpu.memory_space<vmem>> -> memref<25600xf32, #tpu.memory_space<vmem>>
      tpu.enqueue_dma source(%dma_start3A_104 : memref<25600xf32, #tpu.memory_space<vmem>>) target(%dma_start3A_102 : memref<25600xf32, #tpu.memory_space<hbm>>) target_semaphore(%arg12 : memref<!tpu.dma_semaphore, #tpu.memory_space<semaphore_mem>>)
      %dma_start3A_105 = arith.constant 25600 : i32
      %dma_start3A_106 = tpu.memref_slice %arg10[%dma_start3A_105] : memref<51200xf32, #tpu.memory_space<vmem>> -> memref<25600xf32, #tpu.memory_space<vmem>>
      %dma_start3A_107 = tpu.memref_slice %arg5[%add3A_98] : memref<26214400xf32, #tpu.memory_space<hbm>> -> memref<25600xf32, #tpu.memory_space<hbm>>
      %dma_start3A_108 = tpu.memref_slice %arg5[%add3A_98] : memref<26214400xf32, #tpu.memory_space<hbm>> -> memref<25600xf32, #tpu.memory_space<hbm>>
      %dma_start3A_109 = arith.constant 25600 : i32
      %dma_start3A_110 = tpu.memref_slice %arg10[%dma_start3A_109] : memref<51200xf32, #tpu.memory_space<vmem>> -> memref<25600xf32, #tpu.memory_space<vmem>>
      tpu.enqueue_dma source(%dma_start3A_110 : memref<25600xf32, #tpu.memory_space<vmem>>) target(%dma_start3A_108 : memref<25600xf32, #tpu.memory_space<hbm>>) target_semaphore(%arg12 : memref<!tpu.dma_semaphore, #tpu.memory_space<semaphore_mem>>)
      %scan3A_111 = arith.constant 0 : i32
      scf.yield %scan3A_111 : i32
    }
    %scan3A_14 = arith.constant 8 : i32
    %add3A_15 = arith.constant 11200 : i32
    %add3A_16 = arith.addi %mul3A_2, %add3A_15 : i32
    %mul3A_17 = arith.constant 64 : i32
    %mul3A_18 = arith.muli %add3A_16, %mul3A_17 : i32
    %add3A_19 = arith.constant 25600 : i32
    %add3A_20 = arith.addi %mul3A_18, %add3A_19 : i32
    %add3A_21 = arith.constant 12000 : i32
    %add3A_22 = arith.addi %mul3A_2, %add3A_21 : i32
    %mul3A_23 = arith.constant 64 : i32
    %mul3A_24 = arith.muli %add3A_22, %mul3A_23 : i32
    %add3A_25 = arith.constant 25600 : i32
    %add3A_26 = arith.addi %mul3A_24, %add3A_25 : i32
    %dma_wait3A_27 = arith.constant 0 : i32
    %dma_wait3A_28 = tpu.memref_slice %arg9[%dma_wait3A_27] : memref<51200xf32, #tpu.memory_space<vmem>> -> memref<25600xf32, #tpu.memory_space<vmem>>
    %dma_wait3A_29 = tpu.memref_slice %arg5[%mul3A_18] : memref<26214400xf32, #tpu.memory_space<hbm>> -> memref<25600xf32, #tpu.memory_space<hbm>>
    %dma_wait3A_30 = tpu.memref_slice %arg5[%mul3A_18] : memref<26214400xf32, #tpu.memory_space<hbm>> -> memref<25600xf32, #tpu.memory_space<hbm>>
    %dma_wait3A_31 = arith.constant 0 : i32
    %dma_wait3A_32 = tpu.memref_slice %arg9[%dma_wait3A_31] : memref<51200xf32, #tpu.memory_space<vmem>> -> memref<25600xf32, #tpu.memory_space<vmem>>
    tpu.wait_dma2 semaphore(%arg11 : memref<!tpu.dma_semaphore, #tpu.memory_space<semaphore_mem>>) src(%dma_wait3A_32 : memref<25600xf32, #tpu.memory_space<vmem>>) dst(%dma_wait3A_30 : memref<25600xf32, #tpu.memory_space<hbm>>)
    %dma_wait3A_33 = arith.constant 25600 : i32
    %dma_wait3A_34 = tpu.memref_slice %arg9[%dma_wait3A_33] : memref<51200xf32, #tpu.memory_space<vmem>> -> memref<25600xf32, #tpu.memory_space<vmem>>
    %dma_wait3A_35 = tpu.memref_slice %arg5[%add3A_20] : memref<26214400xf32, #tpu.memory_space<hbm>> -> memref<25600xf32, #tpu.memory_space<hbm>>
    %dma_wait3A_36 = tpu.memref_slice %arg5[%add3A_20] : memref<26214400xf32, #tpu.memory_space<hbm>> -> memref<25600xf32, #tpu.memory_space<hbm>>
    %dma_wait3A_37 = arith.constant 25600 : i32
    %dma_wait3A_38 = tpu.memref_slice %arg9[%dma_wait3A_37] : memref<51200xf32, #tpu.memory_space<vmem>> -> memref<25600xf32, #tpu.memory_space<vmem>>
    tpu.wait_dma2 semaphore(%arg11 : memref<!tpu.dma_semaphore, #tpu.memory_space<semaphore_mem>>) src(%dma_wait3A_38 : memref<25600xf32, #tpu.memory_space<vmem>>) dst(%dma_wait3A_36 : memref<25600xf32, #tpu.memory_space<hbm>>)
    %dma_wait3A_39 = arith.constant 0 : i32
    %dma_wait3A_40 = tpu.memref_slice %arg10[%dma_wait3A_39] : memref<51200xf32, #tpu.memory_space<vmem>> -> memref<25600xf32, #tpu.memory_space<vmem>>
    %dma_wait3A_41 = tpu.memref_slice %arg5[%mul3A_24] : memref<26214400xf32, #tpu.memory_space<hbm>> -> memref<25600xf32, #tpu.memory_space<hbm>>
    %dma_wait3A_42 = tpu.memref_slice %arg5[%mul3A_24] : memref<26214400xf32, #tpu.memory_space<hbm>> -> memref<25600xf32, #tpu.memory_space<hbm>>
    %dma_wait3A_43 = arith.constant 0 : i32
    %dma_wait3A_44 = tpu.memref_slice %arg10[%dma_wait3A_43] : memref<51200xf32, #tpu.memory_space<vmem>> -> memref<25600xf32, #tpu.memory_space<vmem>>
    tpu.wait_dma2 semaphore(%arg12 : memref<!tpu.dma_semaphore, #tpu.memory_space<semaphore_mem>>) src(%dma_wait3A_44 : memref<25600xf32, #tpu.memory_space<vmem>>) dst(%dma_wait3A_42 : memref<25600xf32, #tpu.memory_space<hbm>>)
    %dma_wait3A_45 = arith.constant 25600 : i32
    %dma_wait3A_46 = tpu.memref_slice %arg10[%dma_wait3A_45] : memref<51200xf32, #tpu.memory_space<vmem>> -> memref<25600xf32, #tpu.memory_space<vmem>>
    %dma_wait3A_47 = tpu.memref_slice %arg5[%add3A_26] : memref<26214400xf32, #tpu.memory_space<hbm>> -> memref<25600xf32, #tpu.memory_space<hbm>>
    %dma_wait3A_48 = tpu.memref_slice %arg5[%add3A_26] : memref<26214400xf32, #tpu.memory_space<hbm>> -> memref<25600xf32, #tpu.memory_space<hbm>>
    %dma_wait3A_49 = arith.constant 25600 : i32
    %dma_wait3A_50 = tpu.memref_slice %arg10[%dma_wait3A_49] : memref<51200xf32, #tpu.memory_space<vmem>> -> memref<25600xf32, #tpu.memory_space<vmem>>
    tpu.wait_dma2 semaphore(%arg12 : memref<!tpu.dma_semaphore, #tpu.memory_space<semaphore_mem>>) src(%dma_wait3A_50 : memref<25600xf32, #tpu.memory_space<vmem>>) dst(%dma_wait3A_48 : memref<25600xf32, #tpu.memory_space<hbm>>)
    return
  }
}

</mosaic_0001>

<sc_bundles>
// kernel: kernel.3.cloned.1.call-start
scs
__scs_entry_jumppad:
0x0: {  	(pc) =	sbr.rel $0x88, $3  }
0x1: {  	(tag) =	ssettag $0x0;
	lr =	simm.s32 $0x1  }
0x2: {  	[smem:$0x3F9F] =	sst lr;
	_ =	strace $0xD0000000  }
0x3: {  	_ = 	snop  }
0x4: {  	_ = 	snop  }
0x5: {  	_ = 	snop  }
0x6: {  	_ = 	snop  }
0x7: {  	_ = 	snop  }
__scs_overlays_trampoline_lowered:
0x8: {  	[smem:$0x3FAE] =	sst s0  }
0x9: {  	[smem:$0x3FAF] =	sst s1  }
0xa: {  	[smem:$0x3FB0] =	sst s2  }
0xb: {  	[smem:$0x3FB1] =	sst s3  }
0xc: {  	[smem:$0x3FB2] =	sst s4  }
0xd: {  	[smem:$0x3FB3] =	sst s5  }
0xe: {  	[smem:$0x3FB4] =	sst s6  }
0xf: {  	[smem:$0x3FB5] =	sst s7  }
0x10: {  	[smem:$0x3FB6] =	sst s8  }
0x11: {  	[smem:$0x3FB7] =	sst s9;
	s0 =	simm.s32 @!p0 $0x0  }
0x12: {  	s1 =	sld [smem:$0x3F9D];
	s0 =	simm.s32 @p0 $0x1  }
0x13: {  	[smem:$0x3FB8] =	sst s0;
	s0 =	simm.s32 @!p1 $0x0  }
0x14: {  	s2 =	sld [smem:$0x3F9C];
	s0 =	simm.s32 @p1 $0x1  }
0x15: {  	[smem:$0x3FB9] =	sst s0;
	s0 =	simm.s32 @!p2 $0x0  }
0x16: {  	s3 =	sld [smem:$0x3FDB];
	s0 =	simm.s32 @p2 $0x1  }
0x17: {  	s4 =	simm.s32 $0x1BF5;
	[smem:$0x3FBB] =	sst s0  }
0x18: {  	s0 =	sld [smem:$0x3F9E];
	_ =	swait.ge [sflag:s4], $0x0  }
0x19: {  	s7 =	sld [smem:$0x3F9F]  }
0x1a: {  	s8 =	sadd.s32 $0xFFFFE003, lr  }
0x1b: {  	s9 =	sadd.s32 $0xFFFFFEF7, lr;
	s5 =	simm.s32 $0xFFFFFFFF;
	p2 =	slt.u32 s8, $0xFFFFF086  }
0x1c: {  	p1 =	slt.u32 s9, $0xF7A;
	s5 =	simm.s32 @!p2 $0x0  }
0x1d: {  	s5 =	simm.s32 @p1 $0x1;
	p0 =	seq.s32 s7, s2  }
0x1e: {  	s7 =	smul.u32 @!p0 $0xF7A, s2;
	p2 =	seq.s32 @!p0 s5, $0x0  }
0x1f: {  	s9 =	smul.u32 $0xF7A, s1;
	s8 =	simm.s32 @!p0 $0x1BF5;
	p2 =	por !p2, p0  }
0x20: {  	[sflag:s8] =	ssyncset.s32 @!p0 $0xFFFFF086;
	s6 =	sadd.s32 @!p0 s3, s7;
	s7 =	simm.s32 @!p0 $0x108  }
0x21: {  	s3 =	sadd.s32 s3, s9;
	s6 =	sadd.s32 @!p0 $0x88, s6;
	s7 =	simm.s32 @p2 $0x1082  }
0x22: {  	[simem:s7], [sflag:s8] =	dma.local @!p0 [hbm:s6], $0xF7A  }
0x23: {  	s9 =	sor.u32 $0xD0000000, s2;
	s6 =	simm.s32 $0x108;
	_ =	swait.ge @!p0 [sflag:s8], $0x0  }
0x24: {  	s3 =	sadd.s32 $0x88, s3;
	s6 =	simm.s32 @!p1 $0x1082;
	[sflag:s4] =	ssyncset.s32 $0xFFFFF086  }
0x25: {  	[simem:s6], [sflag:s4] =	dma.local [hbm:s3], $0xF7A  }
0x26: {  	[smem:$0x3F9F] =	sst s1;
	(tag) =	ssettag s2;
	_ =	strace s9  }
0x27: {  	s1 =	sld [smem:$0x3FAF]  }
0x28: {  	s2 =	sld [smem:$0x3FB0]  }
0x29: {  	s4 =	sld [smem:$0x3FB2]  }
0x2a: {  	p0 =	seq.s32 s5, $0x0;
	s5 =	sld [smem:$0x3FB3]  }
0x2b: {  	s6 =	sld [smem:$0x3FB4]  }
0x2c: {  	s7 =	sld [smem:$0x3FB5]  }
0x2d: {  	s3 =	simm.s32 $0x108;
	s8 =	sld [smem:$0x3FB6]  }
0x2e: {  	s3 =	simm.s32 @!p0 $0x1082;
	s9 =	sld [smem:$0x3FB7]  }
0x2f: {  	lr =	sadd.s32 s0, s3;
	s0 =	sld [smem:$0x3FAE]  }
0x30: {  	s3 =	sld [smem:$0x3FB1]  }
0x31: {  	[smem:$0x3FBA] =	sst s10  }
0x32: {  	s10 =	sld [smem:$0x3FB8];
	_ =	sdelay $0x3  }
0x33: {  	p0 =	seq.s32 s10, $0x1;
	s10 =	sld [smem:$0x3FBA];
	_ =	sdelay $0x3  }
0x34: {  	[smem:$0x3FBA] =	sst s10  }
0x35: {  	s10 =	sld [smem:$0x3FB9];
	_ =	sdelay $0x3  }
0x36: {  	p1 =	seq.s32 s10, $0x1;
	s10 =	sld [smem:$0x3FBA];
	_ =	sdelay $0x3  }
0x37: {  	[smem:$0x3FBA] =	sst s10  }
0x38: {  	s10 =	sld [smem:$0x3FBB]  }
0x39: {  	_ = 	snop;
	(pc) =	sbr.ind lr, $3  }
0x3a: {  	_ = 	snop  }
0x3b: {  	_ = 	snop  }
0x3c: {  	p2 =	seq.s32 s10, $0x1;
	s10 =	sld [smem:$0x3FBA]  }
0x3d: {  	_ =	shalt  }
0x3e: {  	_ =	shalt  }
0x3f: {  	_ =	shalt  }
0x40: {  	_ =	shalt  }
0x41: {  	_ =	shalt  }
0x42: {  	_ =	shalt  }
0x43: {  	_ =	shalt  }
0x44: {  	_ =	shalt  }
0x45: {  	_ =	shalt  }
0x46: {  	_ =	shalt  }
0x47: {  	_ =	shalt  }
0x48: {  	_ =	shalt  }
0x49: {  	_ =	shalt  }
0x4a: {  	_ =	shalt  }
0x4b: {  	_ =	shalt  }
0x4c: {  	_ =	shalt  }
0x4d: {  	_ =	shalt  }
0x4e: {  	_ =	shalt  }
0x4f: {  	_ =	shalt  }
0x50: {  	_ =	shalt  }
0x51: {  	_ =	shalt  }
0x52: {  	_ =	shalt  }
0x53: {  	_ =	shalt  }
0x54: {  	_ =	shalt  }
0x55: {  	_ =	shalt  }
0x56: {  	_ =	shalt  }
0x57: {  	_ =	shalt  }
0x58: {  	_ =	shalt  }
0x59: {  	_ =	shalt  }
0x5a: {  	_ =	shalt  }
0x5b: {  	_ =	shalt  }
0x5c: {  	_ =	shalt  }
0x5d: {  	_ =	shalt  }
0x5e: {  	_ =	shalt  }
0x5f: {  	_ =	shalt  }
0x60: {  	_ =	shalt  }
0x61: {  	_ =	shalt  }
0x62: {  	_ =	shalt  }
0x63: {  	_ =	shalt  }
0x64: {  	_ =	shalt  }
0x65: {  	_ =	shalt  }
0x66: {  	_ =	shalt  }
0x67: {  	_ =	shalt  }
0x68: {  	_ =	shalt  }
0x69: {  	_ =	shalt  }
0x6a: {  	_ =	shalt  }
0x6b: {  	_ =	shalt  }
0x6c: {  	_ =	shalt  }
0x6d: {  	_ =	shalt  }
0x6e: {  	_ =	shalt  }
0x6f: {  	_ =	shalt  }
0x70: {  	_ =	shalt  }
0x71: {  	_ =	shalt  }
0x72: {  	_ =	shalt  }
0x73: {  	_ =	shalt  }
0x74: {  	_ =	shalt  }
0x75: {  	_ =	shalt  }
0x76: {  	_ =	shalt  }
0x77: {  	_ =	shalt  }
0x78: {  	_ =	shalt  }
0x79: {  	_ =	shalt  }
0x7a: {  	_ =	shalt  }
0x7b: {  	_ =	shalt  }
0x7c: {  	_ =	shalt  }
0x7d: {  	_ =	shalt  }
0x7e: {  	_ =	shalt  }
0x7f: {  	_ =	shalt  }
0x80: {  	_ =	shalt  }
0x81: {  	_ =	shalt  }
0x82: {  	_ =	shalt  }
0x83: {  	_ =	shalt  }
0x84: {  	_ =	shalt  }
0x85: {  	_ =	shalt  }
0x86: {  	_ =	shalt  }
0x87: {  	_ =	shalt  }
.Lfunc_end0:
.L_simem_size_0:
called_computation.1_lowered:
.L_overlay_start_0:
0x88: {  	s2 =	sld [smem:$0x3FD9]  }
0x89: {  	s3 =	sld [smem:$0x3FFE];
	_ =	sdelay $0x1  }
0x8a: {  	s1 =	srdreg.scid  }
0x8b: {  	s0 =	sand.u32 $0x1, s1  }
0x8c: {  	s17 =	sshll.u32 s0, $0xA;
	s2 =	sadd.s32 s3, s2  }
0x8d: {  	s2 =	sadd.s32 s2, s17  }
0x8e: {  	[smem:$0x3FC6] =	sst s2  }
0x8f: {  	_ = 	snop  }
0x90: {  	s2 =	sld [smem:$0x3FD0];
	(tm) =	ssettm $0x1  }
0x91: {  	s18 =	sld [smem:$0x3FFB];
	_ =	sdelay $0x3  }
0x92: {  	_ =	strace s18  }
0x93: {  	s3 =	sld [smem:$0x3FFC];
	_ =	sdelay $0x3  }
0x94: {  	_ =	strace s3  }
0x95: {  	s3 =	sld [smem:$0x3FFD];
	_ =	sdelay $0x3  }
0x96: {  	_ =	strace s3  }
0x97: {  	_ =	strace $0x8FFFFFFF  }
0x98: {  	s19 =	sld [smem:$0x3FDB];
	_ =	sdelay $0x1  }
0x99: {  	s4 =	simm.s32 $_scs_section_size  }
0x9a: {  	s5 =	simm.s32 $_size__tile_overlayer_lowered;
	s6 =	simm.s32 $_tile_overlayer_lowered  }
0x9b: {  	s22 =	simm.s32 $0x1BFF;
	s21 =	sshll.u32 s6, $0x1;
	s3 =	sadd.s32 s4, s19  }
0x9c: {  	s7 =	simm.s32 $0x0;
	s20 =	sshll.u32 s5, $0x1;
	s5 =	sadd.s32 s21, s3  }
0x9d: {  	[timem:s7], [sflag:s22] =	dma.local [hbm:s5], s20  }
0x9e: {  	_ =	swait.ge [sflag:s22], s20  }
0x9f: {  	s4 =	ssub.s32 $0x0, s20;
	[sflag:s22] =	ssyncset.done $0x0  }
0xa0: {  	[sflag:s22] =	ssyncadd.s32 s4;
	_ =	sdelay $0x1  }
0xa1: {  	s23 =	simm.s32 $0x1B8B  }
0xa2: {  	_ =	swait.ge [sflag:s23], $0x1  }
0xa3: {  	[sflag:s23] =	ssyncset.done $0x0  }
0xa4: {  	s25 =	simm.s32 $0x1B8E;
	s24 =	sld [smem:$0x3FFE];
	[sflag:s23] =	ssyncadd.s32 $0xFFFFFFFF  }
0xa5: {  	s26 =	simm.s32 $execute0_lowered;
	[smem:$0x3FD2] =	sst s25  }
0xa6: {  	s5 =	sshll.u32 s26, $0x1;
	_ =	strace $0x80000046;
	[dreg:$0x1] =	wrdreg $0xFFFFFFFF  }
0xa7: {  	s28 =	simm.s32 $_size_execute0_lowered;
	s3 =	sadd.s32 s3, s5;
	[dreg:$0x0] =	wrdreg $0x0  }
0xa8: {  	s5 =	sshll.u32 s28, $0x1;
	[dreg:$0x2] =	wrdreg s3  }
0xa9: {  	[dreg:$0x3] =	wrdreg s5  }
0xaa: {  	[dreg:$0x4] =	wrdreg $0xC0  }
0xab: {  	_ =	task [dreg:s7], $0x5FFFF  }
0xac: {  	[dreg:$0x1] =	wrdreg $0xFFFFFFFF  }
0xad: {  	[dreg:$0x0] =	wrdreg $0x60  }
0xae: {  	[dreg:$0x2] =	wrdreg s24  }
0xaf: {  	[dreg:$0x3] =	wrdreg s2  }
0xb0: {  	[dreg:$0x4] =	wrdreg $0x9  }
0xb1: {  	_ =	task.clear_ibuf [dreg:s7], $0x5FFFF;
	_ =	strace $0x90000046  }
0xb2: {  	s29 =	simm.s32 $0x9;
	_ =	strace $0x80000048  }
0xb3: {  	_ =	swait.ge [sflag:s29], $0x1  }
0xb4: {  	[sflag:s29] =	ssyncadd.s32 $0xFFFFFFFF  }
0xb5: {  	_ =	strace $0x90000048  }
0xb6: {  	_ =	sfence  }
0xb7: {  	s30 =	sld [smem:$0x0];
	_ =	sdelay $0x2  }
0xb8: {  	s31 =	sshll.u32 s1, $0xD;
	s1 =	sshrl.u32 s1, $0x2  }
0xb9: {  	s3 =	sand.u32 $0x4000, s31;
	s1 =	sadd.s32 s1, s30  }
0xba: {  	s0 =	sor.u32 s3, s0;
	s1 =	sshll.u32 s1, $0x11  }
0xbb: {  	s0 =	sor.u32 s1, s0  }
0xbc: {  	s0 =	sadd.s32 $0x8F2B, s0  }
0xbd: {  	[sflag:s0] =	ssyncadd.remote.s32 $0x1  }
0xbe: {  	_ =	sfence.sel $0xFFFF  }
0xbf: {  	[dreg:$0x0] =	wrdreg $0xFFFFFFFF;
	(pc) =	sbr.abs _section_cstart, $3  }
0xc0: {  	[dreg:$0x1] =	wrdreg $0xFFFFFFFF  }
0xc1: {  	_ =	task.clear_ibuf [dreg:s7], $0x2FFFF;
	_ =	strace $0x9FFFFFFF  }
0xc2: {  	(tm) =	ssettm $0x7FFFFFFF  }
0xc3: {  	_ =	shalt  }
tec
execute0_lowered:
.L_overlay_start_1:
0x0: {  	(tag) =	ssettag $0x1  }
0x1: {  	s0 =	srdreg.scid;
	s1 =	stileid.u32  }
0x2: {  	s2 =	rddreg [dreg:$0x0];
	s0 =	sand.u32 $0x1, s0;
	s1 =	sshll.u32 s1, $0x1  }
0x3: {  	s4 =	rddreg [dreg:$0x1];
	s1 =	sor.u32 s0, s1  }
0x4: {  	s3 =	simm.s32 $0x0;
	s0 =	ssub.s32 $0x2, s0;
	s1 =	smul.u32 $0x3200, s1  }
0x5: {  	[smem:$0x7FF] =	sst s3;
	s31 =	sadd.s32 $0xC80, s4;
	s29 =	sshrl.u32 s0, $0x1  }
0x6: {  	s0 =	ssub.s32 s0, s29;
	[dreg:$0x1a] =	wrdreg s1;
	s1 =	sshrl.u32 s1, $0x3  }
0x7: {  	s0 =	smax.u32 s0, $0x1;
	_ =	strace $0x80000047;
	[dreg:$0x1e] =	wrdreg s31  }
0x8: {  	s1 =	sadd.s32 s1, s2;
	s2 =	sadd.s32 $0x800, s2;
	[dreg:$0x1f] =	wrdreg s0  }
0x9: {  	[dreg:$0x1b] =	wrdreg s2;
	s30 =	sadd.s32 $0xA00, s1  }
0xa: {  	s1 =	sadd.s32 $0xD200, s1;
	[dreg:$0x1c] =	wrdreg s30  }
0xb: {  	s3 =	simm.s32 $0x1;
	s2 =	simm.s32 $0x0;
	[dreg:$0x1d] =	wrdreg s1  }
.LBB2_1:
0xc: {  	[smem:$0x7FB] =	sst s2  }
0xd: {  	s0 =	simm.s32 $0x0;
	s1 =	rddreg [dreg:$0x1c]  }
0xe: {  	[tilespmem:s0], [sflag:$0x1] =	stream.linear.gather [hbm4b:s1+s0], $0x3200, $0x38;
	[tilespmem:$0x1F680] =	vst v63  }
0xf: {  	s25 =	rddreg [dreg:$0x1d];
	s26 =	simm.s32 $0x3200  }
0x10: {  	[tilespmem:s26], [sflag:$0x1] =	stream.linear.gather [hbm4b:s25+s0], $0x3200, $0x38;
	[tilespmem:$0x1F680] =	vst v63  }
0x11: {  	s28 =	rddreg [dreg:$0x1b];
	s29 =	simm.s32 $0x6400  }
0x12: {  	[tilespmem:s29], [sflag:$0x1] =	stream.linear.gather [hbm4b:s28+s0], $0x280, $0x38;
	[tilespmem:$0x1F680] =	vst v63  }
0x13: {  	_ =	swait.ge [sflag:s3], $0x3200  }
0x14: {  	[sflag:s3] =	ssyncset.done $0x0  }
0x15: {  	[sflag:s3] =	ssyncadd.s32 $0xFFFFCE00  }
0x16: {  	_ =	swait.ge [sflag:s3], $0x3200  }
0x17: {  	[sflag:s3] =	ssyncset.done $0x0  }
0x18: {  	s15 =	simm.s32 $0x3210;
	[sflag:s3] =	ssyncadd.s32 $0xFFFFCE00  }
0x19: {  	s16 =	simm.s32 $0x10;
	s30 =	simm.s32 $0x3530;
	_ =	swait.ge [sflag:s3], $0x280  }
0x1a: {  	s31 =	simm.s32 $0x330;
	[sflag:s3] =	ssyncset.done $0x0;
	[smem:$0x7FC] =	sst s30  }
0x1b: {  	s1 =	simm.s32 $0x0;
	[smem:$0x7FD] =	sst s31;
	[sflag:s3] =	ssyncadd.s32 $0xFFFFFD80  }
.LBB2_2:
0x1c: {  	p0 =	seq.s32 s1, $0x0  }
0x1d: {  	[smem:$0x7F9] =	sst s1;
	s0 =	simm.s32 @!p0 $0x1  }
0x1e: {  	_ =	swait.ge @!p0 [sflag:s0], $0x6400  }
0x1f: {  	[sflag:s0] =	ssyncset.done @!p0 $0x0  }
0x20: {  	[sflag:s0] =	ssyncadd.s32 @!p0 $0xFFFF9C00  }
0x21: {  	_ =	swait.ge @!p0 [sflag:s0], $0x6400  }
0x22: {  	[sflag:s0] =	ssyncset.done @!p0 $0x0  }
0x23: {  	[sflag:s0] =	ssyncadd.s32 @!p0 $0xFFFF9C00  }
0x24: {  	v0 =	vld [tilespmem:s16+$0x0]  }
0x25: {  	v1 =	vld [tilespmem:s15+$0x0];
	_ =	sdelay $0x4  }
0x26: {  	v0 =	vsub.s32 v1, v0  }
0x27: {  	v2 =	vld [tilespmem:s16+$0xFFFFFFF0];
	vm0 =	vgt.s32 v0, $0x1  }
0x28: {  	v1 =	vld [tilespmem:s15+$0xFFFFFFF0];
	v0 =	vnsel vm0, $0x1, v0  }
0x29: {  	v3 =	vcvt.s32.f32 v0;
	_ =	sdelay $0x1  }
0x2a: {  	v3 =	vshrl.u32 v3, $0x17  }
0x2b: {  	v3 =	vmax.u32 v3, $0x81  }
0x2c: {  	v0 =	vmin.u32 v0, $0x5;
	v1 =	vsub.s32 v1, v2;
	v3 =	vmin.u32 v3, $0x85  }
0x2d: {  	vm9 =	vgt.s32 v1, $0x1;
	v0 =	vadd.s32 v0, v3  }
0x2e: {  	v2 =	vnsel vm9, $0x1, v1;
	v0 =	vshll.u32 v0, $0x6  }
0x2f: {  	v1 =	vadd.s32 $0xFFFFDF80, v0;
	v0 =	vcvt.s32.f32 v2  }
0x30: {  	(v2sf) =	vpush v1, $0x0  }
0x31: {  	v0 =	vshrl.u32 v0, $0x17  }
0x32: {  	v0 =	vmax.u32 v0, $0x81  }
0x33: {  	v2 =	vmin.u32 v2, $0x5;
	v0 =	vmin.u32 v0, $0x85  }
0x34: {  	v0 =	vadd.s32 v2, v0  }
0x35: {  	v0 =	vshll.u32 v0, $0x6  }
0x36: {  	v0 =	vadd.s32 $0xFFFFDF80, v0  }
0x37: {  	(v2sf) =	vpush v0, $0x0  }
0x38: {  	(v2sf) =	vpush v0, $0x1  }
0x39: {  	(v2sf) =	vpush v0, $0x2  }
0x3a: {  	(v2sf) =	vpush v0, $0x3  }
0x3b: {  	(v2sf) =	vpush v0, $0x4  }
0x3c: {  	(v2sf) =	vpush v0, $0x5  }
0x3d: {  	(v2sf) =	vpush v0, $0x6  }
0x3e: {  	(v2sf) =	vpush v0, $0x7  }
0x3f: {  	s2 =	spop (v2sf);
	(v2sf) =	vpush v0, $0x8  }
0x40: {  	v2 =	vld [tilespmem:s2+$0x6400];
	(v2sf) =	vpush v0, $0x9  }
0x41: {  	(v2sf) =	vpush v0, $0xA  }
0x42: {  	(v2sf) =	vpush v0, $0xB  }
0x43: {  	(v2sf) =	vpush v0, $0xC  }
0x44: {  	s0 =	simm.s32 $0x6A80;
	(v2sf) =	vpush v0, $0xD  }
0x45: {  	[tilespmem:s0+$0x0] =	vst v2;
	(v2sf) =	vpush v0, $0xE  }
0x46: {  	v2 =	vld [tilespmem:s2+$0x6410];
	s10 =	spop (v2sf)  }
0x47: {  	(v2sf) =	vpush v0, $0xF;
	s12 =	spop (v2sf)  }
0x48: {  	(v2sf) =	vpush v1, $0x1;
	s7 =	spop (v2sf)  }
0x49: {  	s9 =	spop (v2sf)  }
0x4a: {  	s5 =	spop (v2sf)  }
0x4b: {  	[tilespmem:s0+$0x10] =	vst v2;
	s18 =	spop (v2sf)  }
0x4c: {  	v0 =	vld [tilespmem:s2+$0x6420];
	s11 =	spop (v2sf)  }
0x4d: {  	s6 =	spop (v2sf)  }
0x4e: {  	s4 =	spop (v2sf)  }
0x4f: {  	v2 =	vld [tilespmem:s10+$0x6400];
	s1 =	spop (v2sf)  }
0x50: {  	s3 =	spop (v2sf)  }
0x51: {  	[tilespmem:s0+$0x20] =	vst v0;
	s13 =	spop (v2sf)  }
0x52: {  	v0 =	vld [tilespmem:s2+$0x6430];
	s8 =	spop (v2sf)  }
0x53: {  	s2 =	spop (v2sf)  }
0x54: {  	[tilespmem:s0+$0xFFFFFC00] =	vst v2;
	s14 =	spop (v2sf)  }
0x55: {  	[smem:$0x7F5] =	sst s14  }
0x56: {  	s30 =	spop (v2sf);
	v2 =	vld [tilespmem:s10+$0x6410]  }
0x57: {  	s21 =	spop (v2sf);
	[tilespmem:s0+$0x30] =	vst v0  }
0x58: {  	v0 =	vld [tilespmem:s21+$0x6400];
	_ =	sdelay $0x2  }
0x59: {  	[tilespmem:s0+$0xFFFFFC10] =	vst v2  }
0x5a: {  	v2 =	vld [tilespmem:s10+$0x6420]  }
0x5b: {  	[tilespmem:s0+$0x40] =	vst v0  }
0x5c: {  	v0 =	vld [tilespmem:s21+$0x6410];
	_ =	sdelay $0x1  }
0x5d: {  	(v2sf) =	vpush v1, $0x2  }
0x5e: {  	[tilespmem:s0+$0xFFFFFC20] =	vst v2  }
0x5f: {  	v2 =	vld [tilespmem:s10+$0x6430]  }
0x60: {  	[tilespmem:s0+$0x50] =	vst v0  }
0x61: {  	v0 =	vld [tilespmem:s21+$0x6420];
	_ =	sdelay $0x2  }
0x62: {  	[tilespmem:s0+$0xFFFFFC30] =	vst v2  }
0x63: {  	v2 =	vld [tilespmem:s12+$0x6400]  }
0x64: {  	[tilespmem:s0+$0x60] =	vst v0  }
0x65: {  	v0 =	vld [tilespmem:s21+$0x6430];
	_ =	sdelay $0x2  }
0x66: {  	[tilespmem:s0+$0xFFFFFC40] =	vst v2  }
0x67: {  	v2 =	vld [tilespmem:s12+$0x6410]  }
0x68: {  	s22 =	spop (v2sf);
	[tilespmem:s0+$0x70] =	vst v0  }
0x69: {  	v0 =	vld [tilespmem:s22+$0x6400];
	_ =	sdelay $0x2  }
0x6a: {  	[tilespmem:s0+$0xFFFFFC50] =	vst v2  }
0x6b: {  	v2 =	vld [tilespmem:s12+$0x6420]  }
0x6c: {  	[tilespmem:s0+$0x80] =	vst v0  }
0x6d: {  	v0 =	vld [tilespmem:s22+$0x6410];
	_ =	sdelay $0x1  }
0x6e: {  	(v2sf) =	vpush v1, $0x3  }
0x6f: {  	[tilespmem:s0+$0xFFFFFC60] =	vst v2  }
0x70: {  	v2 =	vld [tilespmem:s12+$0x6430]  }
0x71: {  	[tilespmem:s0+$0x90] =	vst v0  }
0x72: {  	v0 =	vld [tilespmem:s22+$0x6420];
	_ =	sdelay $0x2  }
0x73: {  	[tilespmem:s0+$0xFFFFFC70] =	vst v2  }
0x74: {  	v2 =	vld [tilespmem:s7+$0x6400]  }
0x75: {  	[tilespmem:s0+$0xA0] =	vst v0  }
0x76: {  	v0 =	vld [tilespmem:s22+$0x6430];
	_ =	sdelay $0x2  }
0x77: {  	[tilespmem:s0+$0xFFFFFC80] =	vst v2  }
0x78: {  	v2 =	vld [tilespmem:s7+$0x6410]  }
0x79: {  	s23 =	spop (v2sf);
	[tilespmem:s0+$0xB0] =	vst v0  }
0x7a: {  	v0 =	vld [tilespmem:s23+$0x6400];
	_ =	sdelay $0x2  }
0x7b: {  	[tilespmem:s0+$0xFFFFFC90] =	vst v2  }
0x7c: {  	v2 =	vld [tilespmem:s7+$0x6420]  }
0x7d: {  	[tilespmem:s0+$0xC0] =	vst v0  }
0x7e: {  	v0 =	vld [tilespmem:s23+$0x6410];
	_ =	sdelay $0x1  }
0x7f: {  	(v2sf) =	vpush v1, $0x4  }
0x80: {  	[tilespmem:s0+$0xFFFFFCA0] =	vst v2  }
0x81: {  	v2 =	vld [tilespmem:s7+$0x6430]  }
0x82: {  	[tilespmem:s0+$0xD0] =	vst v0  }
0x83: {  	v0 =	vld [tilespmem:s23+$0x6420];
	_ =	sdelay $0x2  }
0x84: {  	[tilespmem:s0+$0xFFFFFCB0] =	vst v2  }
0x85: {  	v2 =	vld [tilespmem:s9+$0x6400]  }
0x86: {  	[tilespmem:s0+$0xE0] =	vst v0  }
0x87: {  	v0 =	vld [tilespmem:s23+$0x6430];
	_ =	sdelay $0x2  }
0x88: {  	[tilespmem:s0+$0xFFFFFCC0] =	vst v2  }
0x89: {  	v2 =	vld [tilespmem:s9+$0x6410]  }
0x8a: {  	s24 =	spop (v2sf);
	[tilespmem:s0+$0xF0] =	vst v0  }
0x8b: {  	v0 =	vld [tilespmem:s24+$0x6400]  }
0x8c: {  	s7 =	sadd.s32 $0x20, s16;
	[smem:$0x7F3] =	sst s16  }
0x8d: {  	s10 =	sadd.s32 $0x20, s15;
	v3 =	vld [tilespmem:s7+$0x0];
	[smem:$0x7F4] =	sst s15  }
0x8e: {  	[tilespmem:s0+$0xFFFFFCD0] =	vst v2;
	v2 =	vld [tilespmem:s10+$0x0]  }
0x8f: {  	v4 =	vld [tilespmem:s9+$0x6420]  }
0x90: {  	[tilespmem:s0+$0x100] =	vst v0  }
0x91: {  	v0 =	vld [tilespmem:s24+$0x6410]  }
0x92: {  	v5 =	vld [tilespmem:s10+$0xFFFFFFF0]  }
0x93: {  	(v2sf) =	vpush v1, $0x5;
	v6 =	vld [tilespmem:s7+$0xFFFFFFF0];
	v2 =	vsub.s32 v2, v3  }
0x94: {  	[tilespmem:s0+$0xFFFFFCE0] =	vst v4;
	vm10 =	vgt.s32 v2, $0x1  }
0x95: {  	v3 =	vld [tilespmem:s9+$0x6430];
	v2 =	vnsel vm10, $0x1, v2  }
0x96: {  	[tilespmem:s0+$0x110] =	vst v0;
	v0 =	vcvt.s32.f32 v2  }
0x97: {  	v4 =	vld [tilespmem:s24+$0x6420]  }
0x98: {  	v5 =	vsub.s32 v5, v6;
	v0 =	vshrl.u32 v0, $0x17  }
0x99: {  	vm11 =	vgt.s32 v5, $0x1;
	v0 =	vmax.u32 v0, $0x81  }
0x9a: {  	v2 =	vmin.u32 v2, $0x5;
	[tilespmem:s0+$0xFFFFFCF0] =	vst v3;
	v3 =	vnsel vm11, $0x1, v5;
	v0 =	vmin.u32 v0, $0x85  }
0x9b: {  	v5 =	vld [tilespmem:s5+$0x6400];
	v6 =	vcvt.s32.f32 v3;
	v0 =	vadd.s32 v2, v0  }
0x9c: {  	[tilespmem:s0+$0x120] =	vst v4;
	v0 =	vshll.u32 v0, $0x6  }
0x9d: {  	v4 =	vld [tilespmem:s24+$0x6430];
	v6 =	vshrl.u32 v6, $0x17;
	v2 =	vadd.s32 $0xFFFFDF80, v0  }
0x9e: {  	v0 =	vmax.u32 v6, $0x81;
	(v2sf) =	vpush v2, $0x0  }
0x9f: {  	v3 =	vmin.u32 v3, $0x5;
	v0 =	vmin.u32 v0, $0x85  }
0xa0: {  	[tilespmem:s0+$0xFFFFFD00] =	vst v5;
	v0 =	vadd.s32 v3, v0  }
0xa1: {  	v3 =	vld [tilespmem:s5+$0x6410];
	v0 =	vshll.u32 v0, $0x6  }
0xa2: {  	s25 =	spop (v2sf);
	[tilespmem:s0+$0x130] =	vst v4;
	v0 =	vadd.s32 $0xFFFFDF80, v0  }
0xa3: {  	(v2sf) =	vpush v0, $0x0;
	v4 =	vld [tilespmem:s25+$0x6400]  }
0xa4: {  	(v2sf) =	vpush v0, $0x1  }
0xa5: {  	(v2sf) =	vpush v0, $0x2  }
0xa6: {  	[tilespmem:s0+$0xFFFFFD10] =	vst v3;
	(v2sf) =	vpush v0, $0x3  }
0xa7: {  	v3 =	vld [tilespmem:s5+$0x6420];
	(v2sf) =	vpush v0, $0x4  }
0xa8: {  	(v2sf) =	vpush v0, $0x5;
	[tilespmem:s0+$0x140] =	vst v4  }
0xa9: {  	(v2sf) =	vpush v0, $0x6;
	v4 =	vld [tilespmem:s25+$0x6410]  }
0xaa: {  	(v2sf) =	vpush v0, $0x7  }
0xab: {  	(v2sf) =	vpush v1, $0x6  }
0xac: {  	[tilespmem:s0+$0xFFFFFD20] =	vst v3  }
0xad: {  	v3 =	vld [tilespmem:s5+$0x6430];
	s22 =	spop (v2sf)  }
0xae: {  	(v2sf) =	vpush v0, $0x8;
	v5 =	vld [tilespmem:s22+$0x6400];
	[tilespmem:s0+$0x150] =	vst v4  }
0xaf: {  	(v2sf) =	vpush v0, $0x9;
	v4 =	vld [tilespmem:s25+$0x6420]  }
0xb0: {  	(v2sf) =	vpush v0, $0xA  }
0xb1: {  	(v2sf) =	vpush v0, $0xB  }
0xb2: {  	s28 =	simm.s32 $0x7280;
	(v2sf) =	vpush v0, $0xC;
	[tilespmem:s0+$0xFFFFFD30] =	vst v3;
	s23 =	spop (v2sf)  }
0xb3: {  	(v2sf) =	vpush v0, $0xD;
	v3 =	vld [tilespmem:s18+$0x6400];
	[tilespmem:s28+$0x0] =	vst v5;
	s21 =	spop (v2sf)  }
0xb4: {  	(v2sf) =	vpush v0, $0xE;
	v5 =	vld [tilespmem:s22+$0x6410];
	s19 =	spop (v2sf);
	[tilespmem:s0+$0x160] =	vst v4  }
0xb5: {  	(v2sf) =	vpush v0, $0xF;
	s20 =	spop (v2sf);
	v0 =	vld [tilespmem:s25+$0x6430]  }
0xb6: {  	s17 =	spop (v2sf)  }
0xb7: {  	s5 =	spop (v2sf)  }
0xb8: {  	[tilespmem:s0+$0xFFFFFD40] =	vst v3;
	v3 =	vld [tilespmem:s23+$0x6400];
	s16 =	spop (v2sf)  }
0xb9: {  	v4 =	vld [tilespmem:s18+$0x6410];
	[tilespmem:s28+$0x10] =	vst v5;
	s15 =	spop (v2sf)  }
0xba: {  	(v2sf) =	vpush v2, $0x1;
	v5 =	vld [tilespmem:s22+$0x6420];
	[tilespmem:s0+$0x170] =	vst v0;
	s24 =	spop (v2sf)  }
0xbb: {  	v0 =	vld [tilespmem:s24+$0x6400];
	_ =	sdelay $0x1  }
0xbc: {  	s14 =	spop (v2sf);
	[tilespmem:s28+$0xFFFFFC00] =	vst v3  }
0xbd: {  	s9 =	spop (v2sf);
	[tilespmem:s0+$0xFFFFFD50] =	vst v4  }
0xbe: {  	s12 =	spop (v2sf);
	v3 =	vld [tilespmem:s23+$0x6410];
	[tilespmem:s28+$0x20] =	vst v5  }
0xbf: {  	s26 =	spop (v2sf);
	v4 =	vld [tilespmem:s18+$0x6420];
	[tilespmem:s0+$0x180] =	vst v0  }
0xc0: {  	s25 =	spop (v2sf);
	v5 =	vld [tilespmem:s22+$0x6430];
	[smem:$0x7F6] =	sst s26  }
0xc1: {  	s26 =	spop (v2sf);
	v0 =	vld [tilespmem:s24+$0x6410];
	[smem:$0x7F7] =	sst s25  }
0xc2: {  	[smem:$0x7F8] =	sst s26  }
0xc3: {  	s25 =	spop (v2sf);
	[tilespmem:s28+$0xFFFFFC10] =	vst v3  }
0xc4: {  	[dreg:$0x13] =	wrdreg s25  }
0xc5: {  	s26 =	spop (v2sf);
	[tilespmem:s0+$0xFFFFFD60] =	vst v4  }
0xc6: {  	(v2sf) =	vpush v1, $0x7;
	v3 =	vld [tilespmem:s23+$0x6420];
	[dreg:$0x4] =	wrdreg s26  }
0xc7: {  	v4 =	vld [tilespmem:s18+$0x6430]  }
0xc8: {  	s25 =	spop (v2sf);
	[tilespmem:s28+$0x30] =	vst v5  }
0xc9: {  	[tilespmem:s0+$0x190] =	vst v0;
	v5 =	vld [tilespmem:s25+$0x6400]  }
0xca: {  	v0 =	vld [tilespmem:s24+$0x6420]  }
0xcb: {  	[tilespmem:s28+$0xFFFFFC20] =	vst v3  }
0xcc: {  	v3 =	vld [tilespmem:s23+$0x6430];
	[tilespmem:s0+$0xFFFFFD70] =	vst v4  }
0xcd: {  	v4 =	vld [tilespmem:s11+$0x6400]  }
0xce: {  	[tilespmem:s28+$0x40] =	vst v5  }
0xcf: {  	[tilespmem:s0+$0x1A0] =	vst v0;
	v5 =	vld [tilespmem:s25+$0x6410]  }
0xd0: {  	v0 =	vld [tilespmem:s24+$0x6430]  }
0xd1: {  	(v2sf) =	vpush v2, $0x2;
	[tilespmem:s28+$0xFFFFFC30] =	vst v3  }
0xd2: {  	v3 =	vld [tilespmem:s21+$0x6400];
	[tilespmem:s0+$0xFFFFFD80] =	vst v4  }
0xd3: {  	v4 =	vld [tilespmem:s11+$0x6410]  }
0xd4: {  	[tilespmem:s28+$0x50] =	vst v5  }
0xd5: {  	s26 =	spop (v2sf);
	[tilespmem:s0+$0x1B0] =	vst v0;
	v5 =	vld [tilespmem:s25+$0x6420]  }
0xd6: {  	v0 =	vld [tilespmem:s26+$0x6400]  }
0xd7: {  	[tilespmem:s28+$0xFFFFFC40] =	vst v3  }
0xd8: {  	v3 =	vld [tilespmem:s21+$0x6410];
	[tilespmem:s0+$0xFFFFFD90] =	vst v4  }
0xd9: {  	v4 =	vld [tilespmem:s11+$0x6420]  }
0xda: {  	[tilespmem:s28+$0x60] =	vst v5  }
0xdb: {  	[tilespmem:s0+$0x1C0] =	vst v0;
	v5 =	vld [tilespmem:s25+$0x6430]  }
0xdc: {  	v0 =	vld [tilespmem:s26+$0x6410]  }
0xdd: {  	[tilespmem:s28+$0xFFFFFC50] =	vst v3  }
0xde: {  	(v2sf) =	vpush v1, $0x8;
	v3 =	vld [tilespmem:s21+$0x6420];
	[tilespmem:s0+$0xFFFFFDA0] =	vst v4  }
0xdf: {  	v4 =	vld [tilespmem:s11+$0x6430]  }
0xe0: {  	s23 =	spop (v2sf);
	[tilespmem:s28+$0x70] =	vst v5  }
0xe1: {  	[tilespmem:s0+$0x1D0] =	vst v0;
	v5 =	vld [tilespmem:s23+$0x6400]  }
0xe2: {  	v0 =	vld [tilespmem:s26+$0x6420]  }
0xe3: {  	[tilespmem:s28+$0xFFFFFC60] =	vst v3  }
0xe4: {  	v3 =	vld [tilespmem:s21+$0x6430];
	[tilespmem:s0+$0xFFFFFDB0] =	vst v4  }
0xe5: {  	v4 =	vld [tilespmem:s6+$0x6400]  }
0xe6: {  	[tilespmem:s28+$0x80] =	vst v5  }
0xe7: {  	[tilespmem:s0+$0x1E0] =	vst v0;
	v5 =	vld [tilespmem:s23+$0x6410]  }
0xe8: {  	v0 =	vld [tilespmem:s26+$0x6430]  }
0xe9: {  	(v2sf) =	vpush v2, $0x3;
	[tilespmem:s28+$0xFFFFFC70] =	vst v3  }
0xea: {  	v3 =	vld [tilespmem:s19+$0x6400];
	[tilespmem:s0+$0xFFFFFDC0] =	vst v4  }
0xeb: {  	v4 =	vld [tilespmem:s6+$0x6410]  }
0xec: {  	[tilespmem:s28+$0x90] =	vst v5  }
0xed: {  	s24 =	spop (v2sf);
	[tilespmem:s0+$0x1F0] =	vst v0;
	v5 =	vld [tilespmem:s23+$0x6420]  }
0xee: {  	v0 =	vld [tilespmem:s24+$0x6400]  }
0xef: {  	[tilespmem:s28+$0xFFFFFC80] =	vst v3  }
0xf0: {  	v3 =	vld [tilespmem:s19+$0x6410];
	[tilespmem:s0+$0xFFFFFDD0] =	vst v4  }
0xf1: {  	v4 =	vld [tilespmem:s6+$0x6420]  }
0xf2: {  	[tilespmem:s28+$0xA0] =	vst v5  }
0xf3: {  	[tilespmem:s0+$0x200] =	vst v0;
	v5 =	vld [tilespmem:s23+$0x6430]  }
0xf4: {  	v0 =	vld [tilespmem:s24+$0x6410]  }
0xf5: {  	[tilespmem:s28+$0xFFFFFC90] =	vst v3  }
0xf6: {  	(v2sf) =	vpush v1, $0x9;
	v3 =	vld [tilespmem:s19+$0x6420];
	[tilespmem:s0+$0xFFFFFDE0] =	vst v4  }
0xf7: {  	v4 =	vld [tilespmem:s6+$0x6430]  }
0xf8: {  	s25 =	spop (v2sf);
	[tilespmem:s28+$0xB0] =	vst v5  }
0xf9: {  	[tilespmem:s0+$0x210] =	vst v0;
	v5 =	vld [tilespmem:s25+$0x6400]  }
0xfa: {  	v0 =	vld [tilespmem:s24+$0x6420]  }
0xfb: {  	[tilespmem:s28+$0xFFFFFCA0] =	vst v3  }
0xfc: {  	v3 =	vld [tilespmem:s19+$0x6430];
	[tilespmem:s0+$0xFFFFFDF0] =	vst v4  }
0xfd: {  	v4 =	vld [tilespmem:s4+$0x6400]  }
0xfe: {  	[tilespmem:s28+$0xC0] =	vst v5  }
0xff: {  	[tilespmem:s0+$0x220] =	vst v0;
	v5 =	vld [tilespmem:s25+$0x6410]  }
0x100: {  	v0 =	vld [tilespmem:s24+$0x6430]  }
0x101: {  	(v2sf) =	vpush v2, $0x4;
	[tilespmem:s28+$0xFFFFFCB0] =	vst v3  }
0x102: {  	v3 =	vld [tilespmem:s20+$0x6400];
	[tilespmem:s0+$0xFFFFFE00] =	vst v4  }
0x103: {  	v4 =	vld [tilespmem:s4+$0x6410]  }
0x104: {  	[tilespmem:s28+$0xD0] =	vst v5  }
0x105: {  	s26 =	spop (v2sf);
	[tilespmem:s0+$0x230] =	vst v0;
	v5 =	vld [tilespmem:s25+$0x6420]  }
0x106: {  	v0 =	vld [tilespmem:s26+$0x6400]  }
0x107: {  	[tilespmem:s28+$0xFFFFFCC0] =	vst v3  }
0x108: {  	v3 =	vld [tilespmem:s20+$0x6410];
	[tilespmem:s0+$0xFFFFFE10] =	vst v4  }
0x109: {  	v4 =	vld [tilespmem:s4+$0x6420]  }
0x10a: {  	[tilespmem:s28+$0xE0] =	vst v5  }
0x10b: {  	[tilespmem:s0+$0x240] =	vst v0;
	v5 =	vld [tilespmem:s25+$0x6430]  }
0x10c: {  	v0 =	vld [tilespmem:s26+$0x6410]  }
0x10d: {  	[tilespmem:s28+$0xFFFFFCD0] =	vst v3  }
0x10e: {  	(v2sf) =	vpush v1, $0xA;
	v3 =	vld [tilespmem:s20+$0x6420];
	[tilespmem:s0+$0xFFFFFE20] =	vst v4  }
0x10f: {  	s18 =	sadd.s32 $0x20, s7;
	v4 =	vld [tilespmem:s4+$0x6430]  }
0x110: {  	v6 =	vld [tilespmem:s18+$0x0];
	s21 =	spop (v2sf);
	[tilespmem:s28+$0xF0] =	vst v5  }
0x111: {  	[tilespmem:s0+$0x250] =	vst v0;
	v5 =	vld [tilespmem:s21+$0x6400]  }
0x112: {  	s19 =	sadd.s32 $0x20, s10;
	v0 =	vld [tilespmem:s26+$0x6420]  }
0x113: {  	[tilespmem:s28+$0xFFFFFCE0] =	vst v3;
	v3 =	vld [tilespmem:s19+$0x0]  }
0x114: {  	[tilespmem:s0+$0xFFFFFE30] =	vst v4;
	v4 =	vld [tilespmem:s20+$0x6430]  }
0x115: {  	v8 =	vld [tilespmem:s19+$0xFFFFFFF0]  }
0x116: {  	v7 =	vld [tilespmem:s1+$0x6400];
	[tilespmem:s28+$0x100] =	vst v5  }
0x117: {  	[tilespmem:s0+$0x260] =	vst v0;
	v5 =	vld [tilespmem:s21+$0x6410]  }
0x118: {  	v0 =	vld [tilespmem:s26+$0x6430];
	v3 =	vsub.s32 v3, v6  }
0x119: {  	(v2sf) =	vpush v2, $0x5;
	vm12 =	vgt.s32 v3, $0x1;
	[tilespmem:s28+$0xFFFFFCF0] =	vst v4;
	v4 =	vld [tilespmem:s18+$0xFFFFFFF0]  }
0x11a: {  	v3 =	vnsel vm12, $0x1, v3;
	v6 =	vld [tilespmem:s17+$0x6400]  }
0x11b: {  	v9 =	vcvt.s32.f32 v3  }
0x11c: {  	[tilespmem:s28+$0x110] =	vst v5  }
0x11d: {  	s22 =	spop (v2sf);
	[tilespmem:s0+$0x270] =	vst v0;
	v5 =	vld [tilespmem:s21+$0x6420];
	v0 =	vshrl.u32 v9, $0x17  }
0x11e: {  	[tilespmem:s0+$0xFFFFFE40] =	vst v7;
	v7 =	vld [tilespmem:s22+$0x6400];
	v0 =	vmax.u32 v0, $0x81;
	v4 =	vsub.s32 v8, v4  }
0x11f: {  	v3 =	vmin.u32 v3, $0x5;
	v8 =	vld [tilespmem:s1+$0x6410];
	v0 =	vmin.u32 v0, $0x85;
	vm13 =	vgt.s32 v4, $0x1;
	[tilespmem:s28+$0xFFFFFD00] =	vst v6  }
0x120: {  	v0 =	vadd.s32 v3, v0;
	v4 =	vnsel vm13, $0x1, v4;
	v6 =	vld [tilespmem:s17+$0x6410]  }
0x121: {  	v0 =	vshll.u32 v0, $0x6;
	v3 =	vcvt.s32.f32 v4  }
0x122: {  	[tilespmem:s28+$0x120] =	vst v5;
	v0 =	vadd.s32 $0xFFFFDF80, v0  }
0x123: {  	[tilespmem:s0+$0x280] =	vst v7;
	v5 =	vld [tilespmem:s21+$0x6430];
	(v2sf) =	vpush v0, $0x0;
	v3 =	vshrl.u32 v3, $0x17  }
0x124: {  	v7 =	vld [tilespmem:s22+$0x6410];
	[tilespmem:s0+$0xFFFFFE50] =	vst v8;
	v3 =	vmax.u32 v3, $0x81  }
0x125: {  	v4 =	vmin.u32 v4, $0x5;
	v8 =	vld [tilespmem:s1+$0x6420];
	v3 =	vmin.u32 v3, $0x85;
	[tilespmem:s28+$0xFFFFFD10] =	vst v6  }
0x126: {  	(v2sf) =	vpush v1, $0xB;
	v3 =	vadd.s32 v4, v3;
	v4 =	vld [tilespmem:s17+$0x6420]  }
0x127: {  	v3 =	vshll.u32 v3, $0x6  }
0x128: {  	s23 =	spop (v2sf);
	[tilespmem:s28+$0x130] =	vst v5;
	v3 =	vadd.s32 $0xFFFFDF80, v3  }
0x129: {  	[tilespmem:s0+$0x290] =	vst v7;
	v5 =	vld [tilespmem:s23+$0x6400];
	(v2sf) =	vpush v3, $0x0  }
0x12a: {  	v6 =	vld [tilespmem:s22+$0x6420];
	[tilespmem:s0+$0xFFFFFE60] =	vst v8;
	(v2sf) =	vpush v3, $0x1  }
0x12b: {  	v7 =	vld [tilespmem:s1+$0x6430];
	(v2sf) =	vpush v3, $0x2;
	[tilespmem:s28+$0xFFFFFD20] =	vst v4  }
0x12c: {  	(v2sf) =	vpush v3, $0x3;
	v4 =	vld [tilespmem:s17+$0x6430]  }
0x12d: {  	(v2sf) =	vpush v3, $0x4  }
0x12e: {  	[tilespmem:s28+$0x140] =	vst v5;
	(v2sf) =	vpush v3, $0x5  }
0x12f: {  	[tilespmem:s0+$0x2A0] =	vst v6;
	v5 =	vld [tilespmem:s23+$0x6410];
	(v2sf) =	vpush v3, $0x6  }
0x130: {  	v6 =	vld [tilespmem:s22+$0x6430];
	[tilespmem:s0+$0xFFFFFE70] =	vst v7;
	(v2sf) =	vpush v3, $0x7  }
0x131: {  	v7 =	vld [tilespmem:s3+$0x6400];
	[tilespmem:s28+$0xFFFFFD30] =	vst v4;
	(v2sf) =	vpush v2, $0x6  }
0x132: {  	s10 =	spop (v2sf);
	(v2sf) =	vpush v3, $0x8;
	v4 =	vld [tilespmem:s5+$0x6400]  }
0x133: {  	v8 =	vld [tilespmem:s10+$0x6400];
	(v2sf) =	vpush v3, $0x9  }
0x134: {  	[tilespmem:s28+$0x150] =	vst v5;
	(v2sf) =	vpush v3, $0xA  }
0x135: {  	s25 =	spop (v2sf);
	[tilespmem:s0+$0x2B0] =	vst v6;
	v5 =	vld [tilespmem:s23+$0x6420];
	(v2sf) =	vpush v3, $0xB  }
0x136: {  	v6 =	vld [tilespmem:s25+$0x6400];
	[tilespmem:s0+$0xFFFFFE80] =	vst v7;
	(v2sf) =	vpush v3, $0xC  }
0x137: {  	s31 =	simm.s32 $0x7A80;
	v7 =	vld [tilespmem:s3+$0x6410];
	(v2sf) =	vpush v3, $0xD;
	[tilespmem:s28+$0xFFFFFD40] =	vst v4  }
0x138: {  	[tilespmem:s31+$0x0] =	vst v8;
	s26 =	spop (v2sf);
	(v2sf) =	vpush v3, $0xE;
	v4 =	vld [tilespmem:s5+$0x6410]  }
0x139: {  	(v2sf) =	vpush v3, $0xF;
	v3 =	vld [tilespmem:s10+$0x6410];
	s24 =	spop (v2sf)  }
0x13a: {  	v8 =	vld [tilespmem:s26+$0x6400];
	[tilespmem:s28+$0x160] =	vst v5;
	s20 =	spop (v2sf)  }
0x13b: {  	[tilespmem:s0+$0x2C0] =	vst v6;
	v5 =	vld [tilespmem:s23+$0x6430];
	s1 =	spop (v2sf)  }
0x13c: {  	v6 =	vld [tilespmem:s25+$0x6410];
	[tilespmem:s0+$0xFFFFFE90] =	vst v7;
	s21 =	spop (v2sf)  }
0x13d: {  	[tilespmem:s28+$0xFFFFFD50] =	vst v4;
	v4 =	vld [tilespmem:s3+$0x6420];
	s17 =	spop (v2sf)  }
0x13e: {  	v7 =	vld [tilespmem:s5+$0x6420];
	[tilespmem:s31+$0x10] =	vst v3;
	s4 =	spop (v2sf)  }
0x13f: {  	[tilespmem:s31+$0xFFFFFC00] =	vst v8;
	s22 =	spop (v2sf)  }
0x140: {  	v3 =	vld [tilespmem:s10+$0x6420];
	[tilespmem:s28+$0x170] =	vst v5;
	s29 =	spop (v2sf)  }
0x141: {  	v8 =	vld [tilespmem:s26+$0x6410];
	[tilespmem:s0+$0x2D0] =	vst v6;
	s23 =	spop (v2sf)  }
0x142: {  	v5 =	vld [tilespmem:s29+$0x6400];
	(v2sf) =	vpush v0, $0x1;
	[tilespmem:s0+$0xFFFFFEA0] =	vst v4;
	s11 =	spop (v2sf)  }
0x143: {  	v4 =	vld [tilespmem:s25+$0x6420];
	[tilespmem:s28+$0xFFFFFD60] =	vst v7;
	s6 =	spop (v2sf)  }
0x144: {  	v6 =	vld [tilespmem:s3+$0x6430];
	[dreg:$0xc] =	wrdreg s6  }
0x145: {  	s7 =	spop (v2sf);
	[tilespmem:s31+$0x20] =	vst v3  }
0x146: {  	v7 =	vld [tilespmem:s5+$0x6430];
	[dreg:$0xb] =	wrdreg s7  }
0x147: {  	(v2sf) =	vpush v1, $0xC;
	s5 =	spop (v2sf);
	[tilespmem:s31+$0xFFFFFC10] =	vst v8  }
0x148: {  	v3 =	vld [tilespmem:s10+$0x6430];
	[dreg:$0xa] =	wrdreg s5  }
0x149: {  	v8 =	vld [tilespmem:s26+$0x6420];
	[tilespmem:s28+$0x180] =	vst v5  }
0x14a: {  	s10 =	spop (v2sf);
	v5 =	vld [tilespmem:s29+$0x6410]  }
0x14b: {  	s6 =	spop (v2sf);
	[tilespmem:s0+$0x2E0] =	vst v4  }
0x14c: {  	(v2sf) =	vpush v2, $0x7;
	s7 =	spop (v2sf);
	[dreg:$0x8] =	wrdreg s6  }
0x14d: {  	[dreg:$0x5] =	wrdreg s7  }
0x14e: {  	[tilespmem:s31+$0xFFFFFC20] =	vst v8  }
0x14f: {  	[tilespmem:s28+$0x190] =	vst v5;
	v8 =	vld [tilespmem:s26+$0x6430]  }
0x150: {  	v4 =	vld [tilespmem:s29+$0x6420]  }
0x151: {  	[tilespmem:s31+$0x30] =	vst v3;
	v5 =	vld [tilespmem:s25+$0x6430];
	s5 =	spop (v2sf)  }
0x152: {  	v3 =	vld [tilespmem:s5+$0x6400];
	[tilespmem:s0+$0xFFFFFEB0] =	vst v6  }
0x153: {  	[tilespmem:s28+$0xFFFFFD70] =	vst v7;
	v6 =	vld [tilespmem:s13+$0x6400]  }
0x154: {  	v7 =	vld [tilespmem:s16+$0x6400];
	[tilespmem:s31+$0xFFFFFC30] =	vst v8  }
0x155: {  	[tilespmem:s28+$0x1A0] =	vst v4;
	v8 =	vld [tilespmem:s24+$0x6400]  }
0x156: {  	s6 =	spop (v2sf);
	[tilespmem:s0+$0x2F0] =	vst v5;
	v4 =	vld [tilespmem:s29+$0x6430]  }
0x157: {  	v5 =	vld [tilespmem:s6+$0x6400];
	[tilespmem:s31+$0x40] =	vst v3  }
0x158: {  	v3 =	vld [tilespmem:s5+$0x6410];
	[tilespmem:s0+$0xFFFFFEC0] =	vst v6  }
0x159: {  	[tilespmem:s28+$0xFFFFFD80] =	vst v7;
	v6 =	vld [tilespmem:s13+$0x6410]  }
0x15a: {  	(v2sf) =	vpush v0, $0x2;
	v7 =	vld [tilespmem:s16+$0x6410];
	[tilespmem:s31+$0xFFFFFC40] =	vst v8  }
0x15b: {  	s7 =	spop (v2sf);
	[tilespmem:s28+$0x1B0] =	vst v4;
	v8 =	vld [tilespmem:s24+$0x6410]  }
0x15c: {  	[tilespmem:s0+$0x300] =	vst v5;
	v4 =	vld [tilespmem:s7+$0x6400]  }
0x15d: {  	v5 =	vld [tilespmem:s6+$0x6410];
	[tilespmem:s31+$0x50] =	vst v3  }
0x15e: {  	v3 =	vld [tilespmem:s5+$0x6420];
	[tilespmem:s0+$0xFFFFFED0] =	vst v6  }
0x15f: {  	(v2sf) =	vpush v1, $0xD;
	[tilespmem:s28+$0xFFFFFD90] =	vst v7;
	v6 =	vld [tilespmem:s13+$0x6420]  }
0x160: {  	v7 =	vld [tilespmem:s16+$0x6420];
	[tilespmem:s31+$0xFFFFFC50] =	vst v8  }
0x161: {  	[tilespmem:s28+$0x1C0] =	vst v4;
	v8 =	vld [tilespmem:s24+$0x6420]  }
0x162: {  	[tilespmem:s0+$0x310] =	vst v5;
	v4 =	vld [tilespmem:s7+$0x6410]  }
0x163: {  	v5 =	vld [tilespmem:s6+$0x6420];
	[tilespmem:s31+$0x60] =	vst v3  }
0x164: {  	(v2sf) =	vpush v2, $0x8;
	v3 =	vld [tilespmem:s5+$0x6430];
	[tilespmem:s0+$0xFFFFFEE0] =	vst v6  }
0x165: {  	[tilespmem:s28+$0xFFFFFDA0] =	vst v7;
	v6 =	vld [tilespmem:s13+$0x6430]  }
0x166: {  	v7 =	vld [tilespmem:s16+$0x6430];
	[tilespmem:s31+$0xFFFFFC60] =	vst v8  }
0x167: {  	[tilespmem:s28+$0x1D0] =	vst v4;
	v8 =	vld [tilespmem:s24+$0x6430]  }
0x168: {  	[tilespmem:s0+$0x320] =	vst v5;
	v4 =	vld [tilespmem:s7+$0x6420]  }
0x169: {  	s26 =	simm.s32 $0x6A80;
	v5 =	vld [tilespmem:s6+$0x6430];
	s24 =	spop (v2sf);
	[tilespmem:s31+$0x70] =	vst v3  }
0x16a: {  	v3 =	vld [tilespmem:s24+$0x6400];
	[tilespmem:s26+$0xFFFFFEF0] =	vst v6  }
0x16b: {  	[tilespmem:s28+$0xFFFFFDB0] =	vst v7;
	v6 =	vld [tilespmem:s8+$0x6400]  }
0x16c: {  	v7 =	vld [tilespmem:s15+$0x6400];
	[tilespmem:s31+$0xFFFFFC70] =	vst v8  }
0x16d: {  	[tilespmem:s28+$0x1E0] =	vst v4;
	v8 =	vld [tilespmem:s20+$0x6400]  }
0x16e: {  	s25 =	spop (v2sf);
	[tilespmem:s26+$0x330] =	vst v5;
	v4 =	vld [tilespmem:s7+$0x6430]  }
0x16f: {  	v5 =	vld [tilespmem:s25+$0x6400];
	[tilespmem:s31+$0x80] =	vst v3  }
0x170: {  	v3 =	vld [tilespmem:s24+$0x6410];
	[tilespmem:s26+$0xFFFFFF00] =	vst v6  }
0x171: {  	[tilespmem:s28+$0xFFFFFDC0] =	vst v7;
	v6 =	vld [tilespmem:s8+$0x6410]  }
0x172: {  	(v2sf) =	vpush v0, $0x3;
	v7 =	vld [tilespmem:s15+$0x6410];
	[tilespmem:s31+$0xFFFFFC80] =	vst v8  }
0x173: {  	s3 =	spop (v2sf);
	[tilespmem:s28+$0x1F0] =	vst v4;
	v8 =	vld [tilespmem:s20+$0x6410]  }
0x174: {  	[tilespmem:s26+$0x340] =	vst v5;
	v4 =	vld [tilespmem:s3+$0x6400]  }
0x175: {  	v5 =	vld [tilespmem:s25+$0x6410];
	[tilespmem:s31+$0x90] =	vst v3  }
0x176: {  	v3 =	vld [tilespmem:s24+$0x6420];
	[tilespmem:s26+$0xFFFFFF10] =	vst v6  }
0x177: {  	(v2sf) =	vpush v1, $0xE;
	[tilespmem:s28+$0xFFFFFDD0] =	vst v7;
	v6 =	vld [tilespmem:s8+$0x6420]  }
0x178: {  	v7 =	vld [tilespmem:s15+$0x6420];
	[tilespmem:s31+$0xFFFFFC90] =	vst v8  }
0x179: {  	[tilespmem:s28+$0x200] =	vst v4;
	v8 =	vld [tilespmem:s20+$0x6420]  }
0x17a: {  	[tilespmem:s26+$0x350] =	vst v5;
	v4 =	vld [tilespmem:s3+$0x6410]  }
0x17b: {  	v5 =	vld [tilespmem:s25+$0x6420];
	[tilespmem:s31+$0xA0] =	vst v3  }
0x17c: {  	(v2sf) =	vpush v2, $0x9;
	v3 =	vld [tilespmem:s24+$0x6430];
	[tilespmem:s26+$0xFFFFFF20] =	vst v6  }
0x17d: {  	[tilespmem:s28+$0xFFFFFDE0] =	vst v7;
	v6 =	vld [tilespmem:s8+$0x6430]  }
0x17e: {  	v7 =	vld [tilespmem:s15+$0x6430];
	[tilespmem:s31+$0xFFFFFCA0] =	vst v8  }
0x17f: {  	[tilespmem:s28+$0x210] =	vst v4;
	v8 =	vld [tilespmem:s20+$0x6430]  }
0x180: {  	[tilespmem:s26+$0x360] =	vst v5;
	v4 =	vld [tilespmem:s3+$0x6420]  }
0x181: {  	s5 =	spop (v2sf);
	v5 =	vld [tilespmem:s25+$0x6430];
	[tilespmem:s31+$0xB0] =	vst v3  }
0x182: {  	v3 =	vld [tilespmem:s5+$0x6400];
	[tilespmem:s26+$0xFFFFFF30] =	vst v6  }
0x183: {  	[tilespmem:s28+$0xFFFFFDF0] =	vst v7;
	v6 =	vld [tilespmem:s2+$0x6400]  }
0x184: {  	v7 =	vld [tilespmem:s14+$0x6400];
	[tilespmem:s31+$0xFFFFFCB0] =	vst v8  }
0x185: {  	[tilespmem:s28+$0x220] =	vst v4;
	v8 =	vld [tilespmem:s1+$0x6400]  }
0x186: {  	s6 =	spop (v2sf);
	[tilespmem:s26+$0x370] =	vst v5;
	v4 =	vld [tilespmem:s3+$0x6430]  }
0x187: {  	v5 =	vld [tilespmem:s6+$0x6400];
	[tilespmem:s31+$0xC0] =	vst v3  }
0x188: {  	v3 =	vld [tilespmem:s5+$0x6410];
	[tilespmem:s26+$0xFFFFFF40] =	vst v6  }
0x189: {  	[tilespmem:s28+$0xFFFFFE00] =	vst v7;
	v6 =	vld [tilespmem:s2+$0x6410]  }
0x18a: {  	(v2sf) =	vpush v0, $0x4;
	v7 =	vld [tilespmem:s14+$0x6410];
	[tilespmem:s31+$0xFFFFFCC0] =	vst v8  }
0x18b: {  	s7 =	spop (v2sf);
	[tilespmem:s28+$0x230] =	vst v4;
	v8 =	vld [tilespmem:s1+$0x6410]  }
0x18c: {  	[tilespmem:s26+$0x380] =	vst v5;
	v4 =	vld [tilespmem:s7+$0x6400]  }
0x18d: {  	v5 =	vld [tilespmem:s6+$0x6410];
	[tilespmem:s31+$0xD0] =	vst v3  }
0x18e: {  	v3 =	vld [tilespmem:s5+$0x6420];
	[tilespmem:s26+$0xFFFFFF50] =	vst v6  }
0x18f: {  	[tilespmem:s28+$0xFFFFFE10] =	vst v7;
	v6 =	vld [tilespmem:s2+$0x6420]  }
0x190: {  	v7 =	vld [tilespmem:s14+$0x6420];
	[tilespmem:s31+$0xFFFFFCD0] =	vst v8  }
0x191: {  	[tilespmem:s28+$0x240] =	vst v4;
	v8 =	vld [tilespmem:s1+$0x6420]  }
0x192: {  	s16 =	sadd.s32 $0x20, s19;
	[tilespmem:s26+$0x390] =	vst v5;
	v4 =	vld [tilespmem:s7+$0x6410]  }
0x193: {  	v10 =	vld [tilespmem:s16+$0xFFFFFFF0];
	[tilespmem:s31+$0xE0] =	vst v3  }
0x194: {  	v3 =	vld [tilespmem:s5+$0x6430];
	[tilespmem:s26+$0xFFFFFF60] =	vst v6  }
0x195: {  	v5 =	vld [tilespmem:s6+$0x6420];
	[tilespmem:s28+$0xFFFFFE20] =	vst v7  }
0x196: {  	(v2sf) =	vpush v1, $0xF;
	v6 =	vld [tilespmem:s14+$0x6430];
	[tilespmem:s31+$0xFFFFFCE0] =	vst v8  }
0x197: {  	[tilespmem:s28+$0x250] =	vst v4;
	v4 =	vld [tilespmem:s2+$0x6430]  }
0x198: {  	(v2sf) =	vpush v2, $0xA;
	v7 =	vld [tilespmem:s1+$0x6430]  }
0x199: {  	s8 =	spop (v2sf);
	v1 =	vld [tilespmem:s7+$0x6420];
	[tilespmem:s31+$0xF0] =	vst v3  }
0x19a: {  	s20 =	sadd.s32 $0x20, s18;
	[tilespmem:s26+$0x3A0] =	vst v5;
	v3 =	vld [tilespmem:s8+$0x6400]  }
0x19b: {  	v8 =	vld [tilespmem:s20+$0x0];
	[tilespmem:s28+$0xFFFFFE30] =	vst v6  }
0x19c: {  	v5 =	vld [tilespmem:s6+$0x6430];
	[tilespmem:s26+$0xFFFFFF70] =	vst v4  }
0x19d: {  	v6 =	vld [tilespmem:s16+$0x0];
	[tilespmem:s31+$0xFFFFFCF0] =	vst v7  }
0x19e: {  	v58 =	vld [tilespmem:s9+$0x6400];
	[tilespmem:s28+$0x260] =	vst v1  }
0x19f: {  	v4 =	vld [tilespmem:s20+$0xFFFFFFF0];
	[tilespmem:s31+$0x100] =	vst v3  }
0x1a0: {  	v1 =	vld [tilespmem:s7+$0x6430];
	s13 =	sld [smem:$0x7F5]  }
0x1a1: {  	v3 =	vld [tilespmem:s8+$0x6410]  }
0x1a2: {  	v6 =	vsub.s32 v6, v8;
	v8 =	vld [tilespmem:s21+$0x6400]  }
0x1a3: {  	(v2sf) =	vpush v0, $0x5;
	[tilespmem:s28+$0xFFFFFE40] =	vst v58;
	v7 =	vld [tilespmem:s13+$0x6400]  }
0x1a4: {  	vm14 =	vgt.s32 v6, $0x1;
	[tilespmem:s26+$0x3B0] =	vst v5  }
0x1a5: {  	s14 =	spop (v2sf);
	v5 =	vnsel vm14, $0x1, v6;
	v6 =	vld [tilespmem:s9+$0x6410];
	[tilespmem:s28+$0x270] =	vst v1  }
0x1a6: {  	v59 =	vld [tilespmem:s14+$0x6400];
	[tilespmem:s31+$0x110] =	vst v3;
	v3 =	vcvt.s32.f32 v5  }
0x1a7: {  	s15 =	spop (v2sf);
	v4 =	vsub.s32 v10, v4;
	[tilespmem:s31+$0xFFFFFD00] =	vst v8;
	v1 =	vld [tilespmem:s8+$0x6420]  }
0x1a8: {  	vm15 =	vgt.s32 v4, $0x1;
	v3 =	vshrl.u32 v3, $0x17;
	[tilespmem:s26+$0xFFFFFF80] =	vst v7;
	v7 =	vld [tilespmem:s15+$0x6400]  }
0x1a9: {  	v4 =	vnsel vm15, $0x1, v4;
	v60 =	vld [tilespmem:s21+$0x6410];
	v3 =	vmax.u32 v3, $0x81  }
0x1aa: {  	v5 =	vmin.u32 v5, $0x5;
	[tilespmem:s28+$0xFFFFFE50] =	vst v6;
	v6 =	vcvt.s32.f32 v4;
	v8 =	vld [tilespmem:s13+$0x6410];
	v3 =	vmin.u32 v3, $0x85  }
0x1ab: {  	[tilespmem:s26+$0x3C0] =	vst v59;
	v3 =	vadd.s32 v5, v3;
	v5 =	vld [tilespmem:s9+$0x6420]  }
0x1ac: {  	v9 =	vld [tilespmem:s14+$0x6410];
	[tilespmem:s31+$0x120] =	vst v1;
	v1 =	vshll.u32 v3, $0x6;
	v3 =	vshrl.u32 v6, $0x17  }
0x1ad: {  	v6 =	vld [tilespmem:s8+$0x6430];
	v1 =	vadd.s32 $0xFFFFDF80, v1;
	v3 =	vmax.u32 v3, $0x81;
	[tilespmem:s28+$0x280] =	vst v7  }
0x1ae: {  	v4 =	vmin.u32 v4, $0x5;
	[tilespmem:s31+$0xFFFFFD10] =	vst v60;
	(v2sf) =	vpush v1, $0x0;
	v3 =	vmin.u32 v3, $0x85;
	v7 =	vld [tilespmem:s15+$0x6410]  }
0x1af: {  	[tilespmem:s26+$0xFFFFFF90] =	vst v8;
	v3 =	vadd.s32 v4, v3;
	v4 =	vld [tilespmem:s21+$0x6420]  }
0x1b0: {  	(v2sf) =	vpush v2, $0xB;
	v8 =	vld [tilespmem:s13+$0x6420];
	[tilespmem:s28+$0xFFFFFE60] =	vst v5  }
0x1b1: {  	[tilespmem:s26+$0x3D0] =	vst v9;
	v3 =	vshll.u32 v3, $0x6;
	v5 =	vld [tilespmem:s9+$0x6430]  }
0x1b2: {  	s18 =	spop (v2sf);
	v9 =	vld [tilespmem:s14+$0x6420];
	v3 =	vadd.s32 $0xFFFFDF80, v3;
	[tilespmem:s31+$0x130] =	vst v6  }
0x1b3: {  	(v2sf) =	vpush v3, $0x0;
	v6 =	vld [tilespmem:s18+$0x6400];
	[tilespmem:s28+$0x290] =	vst v7  }
0x1b4: {  	[tilespmem:s31+$0xFFFFFD20] =	vst v4;
	v7 =	vld [tilespmem:s15+$0x6420]  }
0x1b5: {  	(v2sf) =	vpush v3, $0x1;
	[tilespmem:s26+$0xFFFFFFA0] =	vst v8;
	v4 =	vld [tilespmem:s21+$0x6430]  }
0x1b6: {  	(v2sf) =	vpush v3, $0x2;
	v8 =	vld [tilespmem:s13+$0x6430];
	[tilespmem:s28+$0xFFFFFE70] =	vst v5  }
0x1b7: {  	[tilespmem:s26+$0x3E0] =	vst v9;
	(v2sf) =	vpush v3, $0x3;
	v5 =	vld [tilespmem:s12+$0x6400]  }
0x1b8: {  	v9 =	vld [tilespmem:s14+$0x6430];
	(v2sf) =	vpush v3, $0x4;
	[tilespmem:s31+$0x140] =	vst v6  }
0x1b9: {  	(v2sf) =	vpush v3, $0x5;
	v6 =	vld [tilespmem:s18+$0x6410];
	[tilespmem:s28+$0x2A0] =	vst v7  }
0x1ba: {  	(v2sf) =	vpush v3, $0x6;
	[tilespmem:s31+$0xFFFFFD30] =	vst v4;
	v7 =	vld [tilespmem:s15+$0x6430]  }
0x1bb: {  	(v2sf) =	vpush v3, $0x7;
	[tilespmem:s26+$0xFFFFFFB0] =	vst v8;
	v8 =	vld [tilespmem:s17+$0x6400]  }
0x1bc: {  	(v2sf) =	vpush v0, $0x6;
	v4 =	vld [tilespmem:s30+$0x6400];
	[tilespmem:s28+$0xFFFFFE80] =	vst v5  }
0x1bd: {  	[tilespmem:s26+$0x3F0] =	vst v9;
	s19 =	spop (v2sf);
	v5 =	vld [tilespmem:s12+$0x6410]  }
0x1be: {  	(v2sf) =	vpush v3, $0x8;
	v61 =	vld [tilespmem:s19+$0x6400];
	[tilespmem:s31+$0x150] =	vst v6  }
0x1bf: {  	(v2sf) =	vpush v3, $0x9;
	s25 =	spop (v2sf);
	v6 =	vld [tilespmem:s18+$0x6420];
	[tilespmem:s28+$0x2B0] =	vst v7  }
0x1c0: {  	[tilespmem:s31+$0xFFFFFD40] =	vst v8;
	v7 =	vld [tilespmem:s25+$0x6400]  }
0x1c1: {  	(v2sf) =	vpush v3, $0xA;
	[tilespmem:s26+$0xFFFFFFC0] =	vst v4;
	v8 =	vld [tilespmem:s17+$0x6410]  }
0x1c2: {  	s9 =	simm.s32 $0x8280;
	(v2sf) =	vpush v3, $0xB;
	s15 =	spop (v2sf);
	v4 =	vld [tilespmem:s30+$0x6410];
	[tilespmem:s28+$0xFFFFFE90] =	vst v5  }
0x1c3: {  	(v2sf) =	vpush v3, $0xC;
	v5 =	vld [tilespmem:s15+$0x6400];
	[tilespmem:s9+$0x0] =	vst v61  }
0x1c4: {  	(v2sf) =	vpush v3, $0xD;
	s2 =	spop (v2sf);
	v9 =	vld [tilespmem:s19+$0x6410];
	[tilespmem:s31+$0x160] =	vst v6  }
0x1c5: {  	(v2sf) =	vpush v3, $0xE;
	s0 =	spop (v2sf);
	v6 =	vld [tilespmem:s18+$0x6430];
	[tilespmem:s28+$0x2C0] =	vst v7  }
0x1c6: {  	(v2sf) =	vpush v3, $0xF;
	s1 =	spop (v2sf);
	[tilespmem:s31+$0xFFFFFD50] =	vst v8;
	v3 =	vld [tilespmem:s25+$0x6410]  }
0x1c7: {  	s21 =	spop (v2sf);
	[tilespmem:s26+$0xFFFFFFD0] =	vst v4;
	v4 =	vld [tilespmem:s12+$0x6420]  }
0x1c8: {  	s24 =	spop (v2sf);
	[tilespmem:s9+$0xFFFFFC00] =	vst v5;
	v7 =	vld [tilespmem:s17+$0x6420]  }
0x1c9: {  	s8 =	spop (v2sf);
	v5 =	vld [tilespmem:s15+$0x6410];
	[tilespmem:s9+$0x10] =	vst v9  }
0x1ca: {  	(v2sf) =	vpush v1, $0x1;
	s3 =	spop (v2sf);
	[tilespmem:s31+$0x170] =	vst v6  }
0x1cb: {  	s18 =	spop (v2sf);
	v8 =	vld [tilespmem:s19+$0x6420];
	[tilespmem:s28+$0x2D0] =	vst v3  }
0x1cc: {  	(v2sf) =	vpush v2, $0xC;
	v6 =	vld [tilespmem:s18+$0x6400];
	[tilespmem:s28+$0xFFFFFEA0] =	vst v4  }
0x1cd: {  	s5 =	spop (v2sf);
	[tilespmem:s31+$0xFFFFFD60] =	vst v7;
	v3 =	vld [tilespmem:s25+$0x6420]  }
0x1ce: {  	s7 =	spop (v2sf);
	v4 =	vld [tilespmem:s12+$0x6430];
	[tilespmem:s9+$0xFFFFFC10] =	vst v5  }
0x1cf: {  	v5 =	vld [tilespmem:s15+$0x6420];
	[dreg:$0x12] =	wrdreg s7  }
0x1d0: {  	[tilespmem:s9+$0x20] =	vst v8  }
0x1d1: {  	[tilespmem:s31+$0x180] =	vst v6  }
0x1d2: {  	s29 =	spop (v2sf);
	v7 =	vld [tilespmem:s17+$0x6430];
	[tilespmem:s28+$0x2E0] =	vst v3  }
0x1d3: {  	s13 =	spop (v2sf);
	v8 =	vld [tilespmem:s19+$0x6430];
	[tilespmem:s28+$0xFFFFFEB0] =	vst v4  }
0x1d4: {  	s19 =	spop (v2sf);
	v6 =	vld [tilespmem:s18+$0x6410];
	s17 =	sld [smem:$0x7F6]  }
0x1d5: {  	v3 =	vld [tilespmem:s25+$0x6430];
	s25 =	spop (v2sf)  }
0x1d6: {  	[tilespmem:s9+$0xFFFFFC20] =	vst v5;
	s12 =	spop (v2sf)  }
0x1d7: {  	(v2sf) =	vpush v0, $0x7;
	v4 =	vld [tilespmem:s17+$0x6400];
	[dreg:$0xe] =	wrdreg s12  }
0x1d8: {  	s7 =	spop (v2sf);
	v5 =	vld [tilespmem:s15+$0x6430];
	[tilespmem:s31+$0xFFFFFD70] =	vst v7  }
0x1d9: {  	s14 =	spop (v2sf);
	[tilespmem:s9+$0x30] =	vst v8;
	v7 =	vld [tilespmem:s4+$0x6400]  }
0x1da: {  	[tilespmem:s31+$0x190] =	vst v6;
	v8 =	vld [tilespmem:s14+$0x6400]  }
0x1db: {  	s15 =	spop (v2sf);
	v6 =	vld [tilespmem:s18+$0x6420];
	[tilespmem:s28+$0x2F0] =	vst v3  }
0x1dc: {  	v3 =	vld [tilespmem:s15+$0x6400];
	[tilespmem:s28+$0xFFFFFEC0] =	vst v4  }
0x1dd: {  	v4 =	vld [tilespmem:s17+$0x6410];
	[tilespmem:s9+$0xFFFFFC30] =	vst v5  }
0x1de: {  	[tilespmem:s31+$0xFFFFFD80] =	vst v7;
	v5 =	vld [tilespmem:s2+$0x6400]  }
0x1df: {  	[tilespmem:s9+$0x40] =	vst v8;
	v7 =	vld [tilespmem:s4+$0x6410]  }
0x1e0: {  	[tilespmem:s31+$0x1A0] =	vst v6;
	v8 =	vld [tilespmem:s14+$0x6410]  }
0x1e1: {  	v6 =	vld [tilespmem:s18+$0x6430];
	[tilespmem:s28+$0x300] =	vst v3  }
0x1e2: {  	v3 =	vld [tilespmem:s15+$0x6410];
	[tilespmem:s28+$0xFFFFFED0] =	vst v4  }
0x1e3: {  	v4 =	vld [tilespmem:s17+$0x6420];
	[tilespmem:s9+$0xFFFFFC40] =	vst v5  }
0x1e4: {  	[tilespmem:s31+$0xFFFFFD90] =	vst v7;
	v5 =	vld [tilespmem:s2+$0x6410]  }
0x1e5: {  	(v2sf) =	vpush v1, $0x2;
	[tilespmem:s9+$0x50] =	vst v8;
	v7 =	vld [tilespmem:s4+$0x6420]  }
0x1e6: {  	s6 =	spop (v2sf);
	[tilespmem:s31+$0x1B0] =	vst v6;
	v8 =	vld [tilespmem:s14+$0x6420]  }
0x1e7: {  	(v2sf) =	vpush v2, $0xD;
	v6 =	vld [tilespmem:s6+$0x6400];
	[tilespmem:s28+$0x310] =	vst v3  }
0x1e8: {  	v3 =	vld [tilespmem:s15+$0x6420];
	[tilespmem:s28+$0xFFFFFEE0] =	vst v4  }
0x1e9: {  	v4 =	vld [tilespmem:s17+$0x6430];
	[tilespmem:s9+$0xFFFFFC50] =	vst v5  }
0x1ea: {  	[tilespmem:s31+$0xFFFFFDA0] =	vst v7  }
0x1eb: {  	[tilespmem:s9+$0x60] =	vst v8  }
0x1ec: {  	[tilespmem:s31+$0x1C0] =	vst v6  }
0x1ed: {  	v5 =	vld [tilespmem:s2+$0x6420];
	[tilespmem:s28+$0x320] =	vst v3  }
0x1ee: {  	v7 =	vld [tilespmem:s4+$0x6430];
	[tilespmem:s28+$0xFFFFFEF0] =	vst v4  }
0x1ef: {  	v8 =	vld [tilespmem:s14+$0x6430];
	s14 =	sld [smem:$0x7F7]  }
0x1f0: {  	v6 =	vld [tilespmem:s6+$0x6410]  }
0x1f1: {  	v3 =	vld [tilespmem:s15+$0x6430]  }
0x1f2: {  	(v2sf) =	vpush v0, $0x8;
	[tilespmem:s9+$0xFFFFFC60] =	vst v5;
	v4 =	vld [tilespmem:s14+$0x6400]  }
0x1f3: {  	v5 =	vld [tilespmem:s2+$0x6430];
	[tilespmem:s31+$0xFFFFFDB0] =	vst v7  }
0x1f4: {  	s17 =	spop (v2sf);
	[tilespmem:s9+$0x70] =	vst v8;
	v7 =	vld [tilespmem:s22+$0x6400]  }
0x1f5: {  	[tilespmem:s31+$0x1D0] =	vst v6;
	v8 =	vld [tilespmem:s17+$0x6400]  }
0x1f6: {  	s18 =	spop (v2sf);
	v6 =	vld [tilespmem:s6+$0x6420];
	[tilespmem:s28+$0x330] =	vst v3  }
0x1f7: {  	v3 =	vld [tilespmem:s18+$0x6400];
	[tilespmem:s28+$0xFFFFFF00] =	vst v4  }
0x1f8: {  	[tilespmem:s9+$0xFFFFFC70] =	vst v5;
	v4 =	vld [tilespmem:s14+$0x6410]  }
0x1f9: {  	[tilespmem:s31+$0xFFFFFDC0] =	vst v7;
	v5 =	vld [tilespmem:s0+$0x6400]  }
0x1fa: {  	[tilespmem:s9+$0x80] =	vst v8;
	v7 =	vld [tilespmem:s22+$0x6410]  }
0x1fb: {  	[tilespmem:s31+$0x1E0] =	vst v6;
	v8 =	vld [tilespmem:s17+$0x6410]  }
0x1fc: {  	v6 =	vld [tilespmem:s6+$0x6430];
	[tilespmem:s28+$0x340] =	vst v3  }
0x1fd: {  	v3 =	vld [tilespmem:s18+$0x6410];
	[tilespmem:s28+$0xFFFFFF10] =	vst v4  }
0x1fe: {  	[tilespmem:s9+$0xFFFFFC80] =	vst v5;
	v4 =	vld [tilespmem:s14+$0x6420]  }
0x1ff: {  	[tilespmem:s31+$0xFFFFFDD0] =	vst v7;
	v5 =	vld [tilespmem:s0+$0x6410]  }
0x200: {  	(v2sf) =	vpush v1, $0x3;
	[tilespmem:s9+$0x90] =	vst v8;
	v7 =	vld [tilespmem:s22+$0x6420]  }
0x201: {  	s2 =	spop (v2sf);
	[tilespmem:s31+$0x1F0] =	vst v6;
	v8 =	vld [tilespmem:s17+$0x6420]  }
0x202: {  	(v2sf) =	vpush v2, $0xE;
	v6 =	vld [tilespmem:s2+$0x6400];
	[tilespmem:s28+$0x350] =	vst v3  }
0x203: {  	v3 =	vld [tilespmem:s18+$0x6420];
	[tilespmem:s28+$0xFFFFFF20] =	vst v4  }
0x204: {  	[tilespmem:s9+$0xFFFFFC90] =	vst v5;
	v4 =	vld [tilespmem:s14+$0x6430]  }
0x205: {  	[tilespmem:s31+$0xFFFFFDE0] =	vst v7  }
0x206: {  	[tilespmem:s9+$0xA0] =	vst v8  }
0x207: {  	[tilespmem:s31+$0x200] =	vst v6  }
0x208: {  	v5 =	vld [tilespmem:s0+$0x6420];
	[tilespmem:s28+$0x360] =	vst v3  }
0x209: {  	v7 =	vld [tilespmem:s22+$0x6430];
	[tilespmem:s28+$0xFFFFFF30] =	vst v4  }
0x20a: {  	v8 =	vld [tilespmem:s17+$0x6430];
	s15 =	sld [smem:$0x7F8]  }
0x20b: {  	v6 =	vld [tilespmem:s2+$0x6410]  }
0x20c: {  	v3 =	vld [tilespmem:s18+$0x6430]  }
0x20d: {  	(v2sf) =	vpush v0, $0x9;
	[tilespmem:s9+$0xFFFFFCA0] =	vst v5;
	v4 =	vld [tilespmem:s15+$0x6400]  }
0x20e: {  	[tilespmem:s31+$0xFFFFFDF0] =	vst v7;
	v5 =	vld [tilespmem:s0+$0x6430]  }
0x20f: {  	s17 =	spop (v2sf);
	[tilespmem:s9+$0xB0] =	vst v8;
	v7 =	vld [tilespmem:s23+$0x6400]  }
0x210: {  	[tilespmem:s31+$0x210] =	vst v6;
	v8 =	vld [tilespmem:s17+$0x6400]  }
0x211: {  	s18 =	spop (v2sf);
	[tilespmem:s28+$0x370] =	vst v3;
	v6 =	vld [tilespmem:s2+$0x6420]  }
0x212: {  	v3 =	vld [tilespmem:s18+$0x6400];
	[tilespmem:s28+$0xFFFFFF40] =	vst v4  }
0x213: {  	[tilespmem:s9+$0xFFFFFCB0] =	vst v5;
	v4 =	vld [tilespmem:s15+$0x6410]  }
0x214: {  	[tilespmem:s31+$0xFFFFFE00] =	vst v7;
	v5 =	vld [tilespmem:s1+$0x6400]  }
0x215: {  	[tilespmem:s9+$0xC0] =	vst v8;
	v7 =	vld [tilespmem:s23+$0x6410]  }
0x216: {  	[tilespmem:s31+$0x220] =	vst v6;
	v8 =	vld [tilespmem:s17+$0x6410]  }
0x217: {  	v6 =	vld [tilespmem:s2+$0x6430];
	s14 =	rddreg [dreg:$0x13];
	[tilespmem:s28+$0x380] =	vst v3  }
0x218: {  	v3 =	vld [tilespmem:s18+$0x6410];
	[tilespmem:s28+$0xFFFFFF50] =	vst v4  }
0x219: {  	(v2sf) =	vpush v1, $0x4;
	[tilespmem:s9+$0xFFFFFCC0] =	vst v5;
	v4 =	vld [tilespmem:s15+$0x6420]  }
0x21a: {  	(v2sf) =	vpush v2, $0xF;
	[tilespmem:s31+$0xFFFFFE10] =	vst v7;
	v2 =	vld [tilespmem:s1+$0x6410]  }
0x21b: {  	[tilespmem:s9+$0xD0] =	vst v8;
	v5 =	vld [tilespmem:s23+$0x6420]  }
0x21c: {  	s0 =	spop (v2sf);
	[tilespmem:s31+$0x230] =	vst v6;
	v7 =	vld [tilespmem:s17+$0x6420]  }
0x21d: {  	v6 =	vld [tilespmem:s0+$0x6400];
	[tilespmem:s28+$0x390] =	vst v3  }
0x21e: {  	v3 =	vld [tilespmem:s18+$0x6420];
	[tilespmem:s28+$0xFFFFFF60] =	vst v4  }
0x21f: {  	[tilespmem:s9+$0xFFFFFCD0] =	vst v2;
	v4 =	vld [tilespmem:s15+$0x6430]  }
0x220: {  	[tilespmem:s31+$0xFFFFFE20] =	vst v5;
	v2 =	vld [tilespmem:s1+$0x6420]  }
0x221: {  	[tilespmem:s9+$0xE0] =	vst v7;
	v8 =	vld [tilespmem:s23+$0x6430]  }
0x222: {  	[tilespmem:s31+$0x240] =	vst v6;
	v7 =	vld [tilespmem:s17+$0x6430]  }
0x223: {  	v62 =	vld [tilespmem:s0+$0x6410];
	[tilespmem:s28+$0x3A0] =	vst v3  }
0x224: {  	v63 =	vld [tilespmem:s18+$0x6430];
	[tilespmem:s28+$0xFFFFFF70] =	vst v4  }
0x225: {  	[tilespmem:s9+$0xFFFFFCE0] =	vst v2;
	v11 =	vld [tilespmem:s14+$0x6400]  }
0x226: {  	[tilespmem:s31+$0xFFFFFE30] =	vst v8  }
0x227: {  	[tilespmem:s9+$0xF0] =	vst v7  }
0x228: {  	[tilespmem:s31+$0x250] =	vst v62  }
0x229: {  	[tilespmem:s28+$0x3B0] =	vst v63  }
0x22a: {  	[tilespmem:s28+$0xFFFFFF80] =	vst v11  }
0x22b: {  	s4 =	sadd.s32 $0x20, s20;
	s20 =	sld [smem:$0x7F9]  }
0x22c: {  	v5 =	vld [tilespmem:s1+$0x6430]  }
0x22d: {  	v3 =	vld [tilespmem:s11+$0x6400];
	s1 =	spop (v2sf)  }
0x22e: {  	v6 =	vld [tilespmem:s1+$0x6400];
	s23 =	smul.u32 $0x640, s20  }
0x22f: {  	v4 =	vld [tilespmem:s0+$0x6420];
	s22 =	spop (v2sf)  }
0x230: {  	(v2sf) =	vpush v0, $0xA;
	v2 =	vld [tilespmem:s22+$0x6400];
	s20 =	simm.s32 $0x6;
	[smem:$0x7FA] =	sst s23  }
.LBB2_3:
0x231: {  	_ =	sdelay $0x3  }
0x232: {  	v7 =	vld [tilespmem:s4+$0x0];
	s16 =	sadd.s32 $0x20, s16;
	[tilespmem:s9+$0xFFFFFCF0] =	vst v5  }
0x233: {  	[tilespmem:s31+$0xFFFFFE40] =	vst v3;
	v3 =	vld [tilespmem:s16+$0x0]  }
0x234: {  	[tilespmem:s9+$0x100] =	vst v6;
	v5 =	vld [tilespmem:s16+$0xFFFFFFF0]  }
0x235: {  	v6 =	vld [tilespmem:s1+$0x6410]  }
0x236: {  	[tilespmem:s31+$0x260] =	vst v4;
	v8 =	vld [tilespmem:s4+$0xFFFFFFF0]  }
0x237: {  	v4 =	vld [tilespmem:s0+$0x6430]  }
0x238: {  	[tilespmem:s28+$0x3C0] =	vst v2;
	v3 =	vsub.s32 v3, v7;
	v7 =	vld [tilespmem:s21+$0x6400]  }
0x239: {  	v2 =	vld [tilespmem:s22+$0x6410]  }
0x23a: {  	vm0 =	vgt.s32 v3, $0x1  }
0x23b: {  	(v2sf) =	vpush v1, $0x5;
	[tilespmem:s9+$0x110] =	vst v6;
	v6 =	vld [tilespmem:s11+$0x6410];
	v3 =	vnsel vm0, $0x1, v3  }
0x23c: {  	[dreg:$0x14] =	wrdreg s25;
	v10 =	vld [tilespmem:s1+$0x6420];
	[tilespmem:s31+$0x270] =	vst v4;
	v9 =	vcvt.s32.f32 v3;
	s25 =	spop (v2sf)  }
0x23d: {  	[tilespmem:s9+$0xFFFFFD00] =	vst v7;
	v4 =	vld [tilespmem:s25+$0x6400]  }
0x23e: {  	[tilespmem:s28+$0x3D0] =	vst v2;
	v2 =	vsub.s32 v5, v8;
	v5 =	vshrl.u32 v9, $0x17;
	v7 =	vld [tilespmem:s14+$0x6410]  }
0x23f: {  	v62 =	vld [tilespmem:s21+$0x6410];
	vm15 =	vgt.s32 v2, $0x1;
	v5 =	vmax.u32 v5, $0x81  }
0x240: {  	v3 =	vmin.u32 v3, $0x5;
	[tilespmem:s31+$0xFFFFFE50] =	vst v6;
	v8 =	vld [tilespmem:s22+$0x6420];
	v2 =	vnsel vm15, $0x1, v2;
	v5 =	vmin.u32 v5, $0x85  }
0x241: {  	[tilespmem:s9+$0x120] =	vst v10;
	v6 =	vcvt.s32.f32 v2;
	v11 =	vmin.u32 v2, $0x5;
	v2 =	vadd.s32 v3, v5;
	v3 =	vld [tilespmem:s11+$0x6420]  }
0x242: {  	v5 =	vld [tilespmem:s1+$0x6430];
	[tilespmem:s31+$0x280] =	vst v4  }
0x243: {  	[tilespmem:s28+$0xFFFFFF90] =	vst v7  }
0x244: {  	v4 =	vshrl.u32 v6, $0x17;
	[tilespmem:s9+$0xFFFFFD10] =	vst v62;
	v6 =	vld [tilespmem:s25+$0x6410]  }
0x245: {  	v2 =	vshll.u32 v2, $0x6;
	[tilespmem:s28+$0x3E0] =	vst v8;
	v8 =	vld [tilespmem:s14+$0x6420]  }
0x246: {  	v2 =	vadd.s32 $0xFFFFDF80, v2;
	v4 =	vmax.u32 v4, $0x81;
	v9 =	vld [tilespmem:s21+$0x6420]  }
0x247: {  	(v2sf) =	vpush v2, $0x0;
	v4 =	vmin.u32 v4, $0x85;
	[tilespmem:s31+$0xFFFFFE60] =	vst v3  }
0x248: {  	v7 =	vld [tilespmem:s22+$0x6430];
	v4 =	vadd.s32 v11, v4;
	[tilespmem:s9+$0x130] =	vst v5  }
0x249: {  	v3 =	vshll.u32 v4, $0x6;
	v4 =	vld [tilespmem:s11+$0x6430];
	[tilespmem:s31+$0x290] =	vst v6  }
0x24a: {  	s17 =	spop (v2sf);
	v5 =	vld [tilespmem:s30+$0x6420];
	[tilespmem:s28+$0xFFFFFFA0] =	vst v8  }
0x24b: {  	[tilespmem:s9+$0xFFFFFD20] =	vst v9;
	v6 =	vld [tilespmem:s17+$0x6400]  }
0x24c: {  	(v2sf) =	vpush v0, $0xB;
	v3 =	vadd.s32 $0xFFFFDF80, v3;
	v8 =	vld [tilespmem:s14+$0x6430]  }
0x24d: {  	(v2sf) =	vpush v3, $0x0;
	[tilespmem:s28+$0x3F0] =	vst v7;
	v9 =	vld [tilespmem:s21+$0x6430]  }
0x24e: {  	s18 =	rddreg [dreg:$0xc];
	v7 =	vld [tilespmem:s25+$0x6420];
	[tilespmem:s31+$0xFFFFFE70] =	vst v4  }
0x24f: {  	(v2sf) =	vpush v3, $0x1;
	v4 =	vld [tilespmem:s18+$0x6400];
	[tilespmem:s26+$0xFFFFFFE0] =	vst v5  }
0x250: {  	(v2sf) =	vpush v3, $0x2;
	[tilespmem:s9+$0x140] =	vst v6  }
0x251: {  	s15 =	rddreg [dreg:$0x4];
	(v2sf) =	vpush v3, $0x3;
	v5 =	vld [tilespmem:s30+$0x6430];
	[tilespmem:s28+$0xFFFFFFB0] =	vst v8  }
0x252: {  	(v2sf) =	vpush v3, $0x4;
	s30 =	smov.u32 s15;
	[tilespmem:s9+$0xFFFFFD30] =	vst v9;
	v6 =	vld [tilespmem:s17+$0x6410]  }
0x253: {  	(v2sf) =	vpush v3, $0x5;
	v8 =	vld [tilespmem:s30+$0x6400]  }
0x254: {  	s6 =	rddreg [dreg:$0x12];
	(v2sf) =	vpush v3, $0x6;
	[tilespmem:s31+$0x2A0] =	vst v7;
	v9 =	vld [tilespmem:s24+$0x6400]  }
0x255: {  	s2 =	smov.u32 s6;
	s11 =	rddreg [dreg:$0x8];
	(v2sf) =	vpush v3, $0x7;
	v7 =	vld [tilespmem:s25+$0x6430];
	[tilespmem:s31+$0xFFFFFE80] =	vst v4  }
0x256: {  	s6 =	smov.u32 s11;
	s11 =	smov.u32 s13;
	(v2sf) =	vpush v1, $0x6;
	s13 =	spop (v2sf);
	v4 =	vld [tilespmem:s18+$0x6410];
	[tilespmem:s26+$0xFFFFFFF0] =	vst v5  }
0x257: {  	(v2sf) =	vpush v3, $0x8;
	s26 =	smov.u32 s28;
	v5 =	vld [tilespmem:s13+$0x6400];
	[tilespmem:s9+$0x150] =	vst v6  }
0x258: {  	(v2sf) =	vpush v3, $0x9;
	[tilespmem:s26+$0xFFFFFFC0] =	vst v8  }
0x259: {  	s12 =	rddreg [dreg:$0xe];
	(v2sf) =	vpush v3, $0xA;
	[tilespmem:s9+$0xFFFFFD40] =	vst v9;
	v6 =	vld [tilespmem:s17+$0x6420]  }
0x25a: {  	s14 =	smov.u32 s12;
	s12 =	rddreg [dreg:$0x5];
	s28 =	smov.u32 s31;
	(v2sf) =	vpush v3, $0xB;
	v8 =	vld [tilespmem:s30+$0x6410]  }
0x25b: {  	[dreg:$0x8] =	wrdreg s14;
	s21 =	smov.u32 s12;
	s12 =	spop (v2sf);
	[tilespmem:s28+$0x2B0] =	vst v7;
	(v2sf) =	vpush v3, $0xC;
	v9 =	vld [tilespmem:s24+$0x6410]  }
0x25c: {  	s31 =	smov.u32 s9;
	s9 =	sadd.s32 $0x800, s9;
	v7 =	vld [tilespmem:s12+$0x6400];
	(v2sf) =	vpush v3, $0xD;
	s14 =	spop (v2sf);
	[tilespmem:s28+$0xFFFFFE90] =	vst v4  }
0x25d: {  	(v2sf) =	vpush v3, $0xE;
	v4 =	vld [tilespmem:s14+$0x6400];
	[tilespmem:s9+$0x0] =	vst v5  }
0x25e: {  	s25 =	spop (v2sf);
	(v2sf) =	vpush v3, $0xF;
	v3 =	vld [tilespmem:s13+$0x6410];
	[tilespmem:s31+$0x160] =	vst v6  }
0x25f: {  	[tilespmem:s26+$0xFFFFFFD0] =	vst v8  }
0x260: {  	s22 =	smov.u32 s7;
	s1 =	spop (v2sf);
	[tilespmem:s31+$0xFFFFFD50] =	vst v9;
	v5 =	vld [tilespmem:s17+$0x6430]  }
0x261: {  	[dreg:$0x5] =	wrdreg s22;
	s22 =	spop (v2sf);
	[tilespmem:s28+$0x2C0] =	vst v7;
	v7 =	vld [tilespmem:s18+$0x6420]  }
0x262: {  	[dreg:$0x4] =	wrdreg s21;
	s21 =	spop (v2sf);
	v6 =	vld [tilespmem:s12+$0x6410];
	[tilespmem:s9+$0xFFFFFC00] =	vst v4  }
0x263: {  	(v2sf) =	vpush v2, $0x1;
	s17 =	spop (v2sf);
	v4 =	vld [tilespmem:s24+$0x6420]  }
0x264: {  	[dreg:$0x13] =	wrdreg s6;
	s6 =	smov.u32 s19;
	s19 =	spop (v2sf);
	v8 =	vld [tilespmem:s14+$0x6410];
	[tilespmem:s9+$0x10] =	vst v3  }
0x265: {  	s0 =	spop (v2sf);
	v3 =	vld [tilespmem:s13+$0x6420];
	[tilespmem:s31+$0x170] =	vst v5  }
0x266: {  	(v2sf) =	vpush v0, $0xC;
	s15 =	spop (v2sf);
	[tilespmem:s28+$0xFFFFFEA0] =	vst v7  }
0x267: {  	s23 =	spop (v2sf);
	v5 =	vld [tilespmem:s15+$0x6400];
	[tilespmem:s28+$0x2D0] =	vst v6  }
0x268: {  	[dreg:$0x17] =	wrdreg s23;
	s23 =	spop (v2sf);
	v6 =	vld [tilespmem:s12+$0x6420];
	[tilespmem:s31+$0xFFFFFD60] =	vst v4  }
0x269: {  	[dreg:$0x12] =	wrdreg s23;
	s23 =	spop (v2sf);
	v4 =	vld [tilespmem:s18+$0x6430];
	[tilespmem:s9+$0xFFFFFC10] =	vst v8  }
0x26a: {  	s18 =	spop (v2sf);
	v7 =	vld [tilespmem:s24+$0x6430]  }
0x26b: {  	[tilespmem:s9+$0x20] =	vst v3;
	s24 =	smov.u32 s17;
	v8 =	vld [tilespmem:s14+$0x6420];
	s17 =	spop (v2sf)  }
0x26c: {  	s7 =	smov.u32 s29;
	v3 =	vld [tilespmem:s13+$0x6430];
	s29 =	spop (v2sf);
	[tilespmem:s31+$0x180] =	vst v5  }
0x26d: {  	s13 =	spop (v2sf);
	v5 =	vld [tilespmem:s15+$0x6410];
	[tilespmem:s28+$0x2E0] =	vst v6  }
0x26e: {  	[dreg:$0xe] =	wrdreg s13;
	[tilespmem:s28+$0xFFFFFEB0] =	vst v4  }
0x26f: {  	s13 =	rddreg [dreg:$0xb];
	v4 =	vld [tilespmem:s12+$0x6430];
	[tilespmem:s31+$0xFFFFFD70] =	vst v7  }
0x270: {  	v6 =	vld [tilespmem:s13+$0x6400];
	[tilespmem:s9+$0xFFFFFC20] =	vst v8  }
0x271: {  	[dreg:$0xc] =	wrdreg s7;
	s7 =	spop (v2sf);
	v7 =	vld [tilespmem:s8+$0x6400]  }
0x272: {  	(v2sf) =	vpush v1, $0x7;
	[tilespmem:s9+$0x30] =	vst v3;
	s12 =	spop (v2sf);
	v8 =	vld [tilespmem:s14+$0x6430]  }
0x273: {  	v3 =	vld [tilespmem:s12+$0x6400];
	[tilespmem:s31+$0x190] =	vst v5  }
0x274: {  	v5 =	vld [tilespmem:s15+$0x6420];
	[tilespmem:s28+$0x2F0] =	vst v4  }
0x275: {  	s14 =	spop (v2sf);
	[tilespmem:s28+$0xFFFFFEC0] =	vst v6  }
0x276: {  	v4 =	vld [tilespmem:s14+$0x6400];
	[tilespmem:s31+$0xFFFFFD80] =	vst v7  }
0x277: {  	v6 =	vld [tilespmem:s13+$0x6410];
	[tilespmem:s9+$0xFFFFFC30] =	vst v8  }
0x278: {  	v7 =	vld [tilespmem:s8+$0x6410]  }
0x279: {  	[tilespmem:s9+$0x40] =	vst v3;
	v8 =	vld [tilespmem:s25+$0x6400]  }
0x27a: {  	v3 =	vld [tilespmem:s12+$0x6410];
	[tilespmem:s31+$0x1A0] =	vst v5  }
0x27b: {  	v5 =	vld [tilespmem:s15+$0x6430];
	[tilespmem:s28+$0x300] =	vst v4  }
0x27c: {  	[tilespmem:s28+$0xFFFFFED0] =	vst v6  }
0x27d: {  	v4 =	vld [tilespmem:s14+$0x6410];
	[tilespmem:s31+$0xFFFFFD90] =	vst v7  }
0x27e: {  	v6 =	vld [tilespmem:s13+$0x6420];
	[tilespmem:s9+$0xFFFFFC40] =	vst v8  }
0x27f: {  	(v2sf) =	vpush v2, $0x2;
	v7 =	vld [tilespmem:s8+$0x6420]  }
0x280: {  	[tilespmem:s9+$0x50] =	vst v3;
	v8 =	vld [tilespmem:s25+$0x6410]  }
0x281: {  	v3 =	vld [tilespmem:s12+$0x6420];
	s15 =	spop (v2sf);
	[tilespmem:s31+$0x1B0] =	vst v5  }
0x282: {  	(v2sf) =	vpush v0, $0xD;
	v5 =	vld [tilespmem:s15+$0x6400];
	[tilespmem:s28+$0x310] =	vst v4  }
0x283: {  	[tilespmem:s28+$0xFFFFFEE0] =	vst v6  }
0x284: {  	v4 =	vld [tilespmem:s14+$0x6420];
	[tilespmem:s31+$0xFFFFFDA0] =	vst v7  }
0x285: {  	v6 =	vld [tilespmem:s13+$0x6430];
	[tilespmem:s9+$0xFFFFFC50] =	vst v8  }
0x286: {  	v7 =	vld [tilespmem:s8+$0x6430]  }
0x287: {  	[tilespmem:s9+$0x60] =	vst v3;
	v8 =	vld [tilespmem:s25+$0x6420]  }
0x288: {  	v3 =	vld [tilespmem:s12+$0x6430];
	[tilespmem:s31+$0x1C0] =	vst v5  }
0x289: {  	v5 =	vld [tilespmem:s15+$0x6410];
	[tilespmem:s28+$0x320] =	vst v4  }
0x28a: {  	[tilespmem:s28+$0xFFFFFEF0] =	vst v6  }
0x28b: {  	s8 =	smov.u32 s19;
	v4 =	vld [tilespmem:s14+$0x6430];
	s19 =	rddreg [dreg:$0xa];
	[tilespmem:s31+$0xFFFFFDB0] =	vst v7  }
0x28c: {  	v6 =	vld [tilespmem:s19+$0x6400];
	[tilespmem:s9+$0xFFFFFC60] =	vst v8  }
0x28d: {  	v7 =	vld [tilespmem:s3+$0x6400]  }
0x28e: {  	(v2sf) =	vpush v1, $0x8;
	s12 =	spop (v2sf);
	[tilespmem:s9+$0x70] =	vst v3;
	v8 =	vld [tilespmem:s25+$0x6430]  }
0x28f: {  	v3 =	vld [tilespmem:s12+$0x6400];
	[tilespmem:s31+$0x1D0] =	vst v5  }
0x290: {  	v5 =	vld [tilespmem:s15+$0x6420];
	[tilespmem:s28+$0x330] =	vst v4  }
0x291: {  	s14 =	spop (v2sf);
	[tilespmem:s28+$0xFFFFFF00] =	vst v6  }
0x292: {  	v4 =	vld [tilespmem:s14+$0x6400];
	[tilespmem:s31+$0xFFFFFDC0] =	vst v7  }
0x293: {  	v6 =	vld [tilespmem:s19+$0x6410];
	[tilespmem:s9+$0xFFFFFC70] =	vst v8  }
0x294: {  	v7 =	vld [tilespmem:s3+$0x6410]  }
0x295: {  	[tilespmem:s9+$0x80] =	vst v3;
	v8 =	vld [tilespmem:s1+$0x6400]  }
0x296: {  	v3 =	vld [tilespmem:s12+$0x6410];
	[tilespmem:s31+$0x1E0] =	vst v5  }
0x297: {  	v5 =	vld [tilespmem:s15+$0x6430];
	[tilespmem:s28+$0x340] =	vst v4  }
0x298: {  	[tilespmem:s28+$0xFFFFFF10] =	vst v6  }
0x299: {  	v4 =	vld [tilespmem:s14+$0x6410];
	[tilespmem:s31+$0xFFFFFDD0] =	vst v7  }
0x29a: {  	v6 =	vld [tilespmem:s19+$0x6420];
	[tilespmem:s9+$0xFFFFFC80] =	vst v8  }
0x29b: {  	(v2sf) =	vpush v2, $0x3;
	v7 =	vld [tilespmem:s3+$0x6420]  }
0x29c: {  	[tilespmem:s9+$0x90] =	vst v3;
	v8 =	vld [tilespmem:s1+$0x6410]  }
0x29d: {  	s25 =	spop (v2sf);
	v3 =	vld [tilespmem:s12+$0x6420];
	[tilespmem:s31+$0x1F0] =	vst v5  }
0x29e: {  	(v2sf) =	vpush v0, $0xE;
	v5 =	vld [tilespmem:s25+$0x6400];
	[tilespmem:s28+$0x350] =	vst v4  }
0x29f: {  	[tilespmem:s28+$0xFFFFFF20] =	vst v6  }
0x2a0: {  	v4 =	vld [tilespmem:s14+$0x6420];
	[tilespmem:s31+$0xFFFFFDE0] =	vst v7  }
0x2a1: {  	v6 =	vld [tilespmem:s19+$0x6430];
	[tilespmem:s9+$0xFFFFFC90] =	vst v8  }
0x2a2: {  	v7 =	vld [tilespmem:s3+$0x6430]  }
0x2a3: {  	[tilespmem:s9+$0xA0] =	vst v3;
	v8 =	vld [tilespmem:s1+$0x6420]  }
0x2a4: {  	v3 =	vld [tilespmem:s12+$0x6430];
	[tilespmem:s31+$0x200] =	vst v5  }
0x2a5: {  	v5 =	vld [tilespmem:s25+$0x6410];
	[tilespmem:s28+$0x360] =	vst v4  }
0x2a6: {  	[tilespmem:s28+$0xFFFFFF30] =	vst v6  }
0x2a7: {  	v4 =	vld [tilespmem:s14+$0x6430];
	[tilespmem:s31+$0xFFFFFDF0] =	vst v7  }
0x2a8: {  	v6 =	vld [tilespmem:s10+$0x6400];
	[tilespmem:s9+$0xFFFFFCA0] =	vst v8  }
0x2a9: {  	v7 =	vld [tilespmem:s5+$0x6400]  }
0x2aa: {  	(v2sf) =	vpush v1, $0x9;
	s12 =	spop (v2sf);
	[tilespmem:s9+$0xB0] =	vst v3;
	v8 =	vld [tilespmem:s1+$0x6430]  }
0x2ab: {  	v3 =	vld [tilespmem:s12+$0x6400];
	[tilespmem:s31+$0x210] =	vst v5  }
0x2ac: {  	v5 =	vld [tilespmem:s25+$0x6420];
	[tilespmem:s28+$0x370] =	vst v4  }
0x2ad: {  	s19 =	smov.u32 s17;
	s17 =	spop (v2sf);
	[tilespmem:s28+$0xFFFFFF40] =	vst v6  }
0x2ae: {  	v4 =	vld [tilespmem:s17+$0x6400];
	[tilespmem:s31+$0xFFFFFE00] =	vst v7  }
0x2af: {  	v6 =	vld [tilespmem:s10+$0x6410];
	[tilespmem:s9+$0xFFFFFCB0] =	vst v8  }
0x2b0: {  	v7 =	vld [tilespmem:s5+$0x6410]  }
0x2b1: {  	[tilespmem:s9+$0xC0] =	vst v3;
	v8 =	vld [tilespmem:s22+$0x6400]  }
0x2b2: {  	v3 =	vld [tilespmem:s12+$0x6410];
	[tilespmem:s31+$0x220] =	vst v5  }
0x2b3: {  	v5 =	vld [tilespmem:s25+$0x6430];
	[tilespmem:s28+$0x380] =	vst v4  }
0x2b4: {  	[tilespmem:s28+$0xFFFFFF50] =	vst v6  }
0x2b5: {  	(v2sf) =	vpush v2, $0x4;
	v4 =	vld [tilespmem:s17+$0x6410];
	[tilespmem:s31+$0xFFFFFE10] =	vst v7  }
0x2b6: {  	v6 =	vld [tilespmem:s10+$0x6420];
	[tilespmem:s9+$0xFFFFFCC0] =	vst v8  }
0x2b7: {  	v7 =	vld [tilespmem:s5+$0x6420]  }
0x2b8: {  	(v2sf) =	vpush v0, $0xF;
	v0 =	vmov v1;
	v1 =	vmov v2;
	[tilespmem:s9+$0xD0] =	vst v3;
	v2 =	vld [tilespmem:s22+$0x6410]  }
0x2b9: {  	s3 =	smov.u32 s0;
	s0 =	spop (v2sf);
	v3 =	vld [tilespmem:s12+$0x6420];
	[tilespmem:s31+$0x230] =	vst v5  }
0x2ba: {  	v5 =	vld [tilespmem:s0+$0x6400];
	[tilespmem:s28+$0x390] =	vst v4  }
0x2bb: {  	[tilespmem:s28+$0xFFFFFF60] =	vst v6  }
0x2bc: {  	v4 =	vld [tilespmem:s17+$0x6420];
	[tilespmem:s31+$0xFFFFFE20] =	vst v7  }
0x2bd: {  	v6 =	vld [tilespmem:s10+$0x6430];
	[tilespmem:s9+$0xFFFFFCD0] =	vst v2  }
0x2be: {  	[tilespmem:s9+$0xE0] =	vst v3;
	v2 =	vld [tilespmem:s5+$0x6430]  }
0x2bf: {  	v8 =	vld [tilespmem:s12+$0x6430];
	[tilespmem:s31+$0x240] =	vst v5  }
0x2c0: {  	v63 =	vld [tilespmem:s0+$0x6410]  }
0x2c1: {  	[tilespmem:s28+$0x3A0] =	vst v4;
	v7 =	vld [tilespmem:s22+$0x6420]  }
0x2c2: {  	[tilespmem:s28+$0xFFFFFF70] =	vst v6  }
0x2c3: {  	s20 =	sadd.s32 $0x2, s20;
	s14 =	rddreg [dreg:$0x13];
	v10 =	vld [tilespmem:s17+$0x6430];
	[tilespmem:s31+$0xFFFFFE30] =	vst v2  }
0x2c4: {  	p1 =	slt.u32 s20, $0x30;
	s1 =	spop (v2sf);
	[tilespmem:s9+$0xF0] =	vst v8;
	v2 =	vld [tilespmem:s14+$0x6400]  }
.Ltmp0:
0x2c5: {  	s4 =	sadd.s32 $0x20, s4;
	s13 =	smov.u32 s11;
	v6 =	vld [tilespmem:s1+$0x6400];
	[tilespmem:s31+$0x250] =	vst v63;
	(pc) =	sbr.rel @p1 .LBB2_3-.Ltmp0, $4  }
0x2c6: {  	s11 =	smov.u32 s2;
	s2 =	smov.u32 s6;
	[dreg:$0xb] =	wrdreg s13;
	v4 =	vld [tilespmem:s0+$0x6420];
	[tilespmem:s9+$0xFFFFFCE0] =	vst v7  }
0x2c7: {  	s13 =	smov.u32 s18;
	s18 =	rddreg [dreg:$0x14];
	s25 =	smov.u32 s29;
	v3 =	vld [tilespmem:s11+$0x6400]  }
0x2c8: {  	s29 =	smov.u32 s23;
	s23 =	rddreg [dreg:$0x17];
	[tilespmem:s28+$0x3B0] =	vst v10;
	v5 =	vld [tilespmem:s22+$0x6430];
	s22 =	spop (v2sf)  }
0x2c9: {  	[dreg:$0xa] =	wrdreg s2;
	(v2sf) =	vpush v0, $0xA;
	s10 =	smov.u32 s18;
	s5 =	smov.u32 s23;
	[tilespmem:s28+$0xFFFFFF80] =	vst v2;
	v2 =	vld [tilespmem:s22+$0x6400]  }
0x2ca: {  	[tilespmem:s9+$0x100] =	vst v6  }
0x2cb: {  	v6 =	vld [tilespmem:s1+$0x6410];
	_ =	sdelay $0x1  }
0x2cc: {  	(v2sf) =	vpush v1, $0x5;
	_ =	sdelay $0x2  }
0x2cd: {  	[tilespmem:s9+$0x110] =	vst v6  }
0x2ce: {  	v6 =	vld [tilespmem:s1+$0x6420];
	_ =	sdelay $0x3  }
0x2cf: {  	[tilespmem:s9+$0xFFFFFCF0] =	vst v5  }
0x2d0: {  	v5 =	vld [tilespmem:s21+$0x6400];
	[tilespmem:s9+$0x120] =	vst v6  }
0x2d1: {  	v6 =	vld [tilespmem:s1+$0x6430];
	_ =	sdelay $0x3  }
0x2d2: {  	[tilespmem:s9+$0xFFFFFD00] =	vst v5;
	s17 =	spop (v2sf)  }
0x2d3: {  	s4 =	spop (v2sf);
	[tilespmem:s9+$0x130] =	vst v6;
	v6 =	vld [tilespmem:s21+$0x6410]  }
0x2d4: {  	v5 =	vld [tilespmem:s4+$0x6400];
	_ =	sdelay $0x3  }
0x2d5: {  	[tilespmem:s9+$0xFFFFFD10] =	vst v6  }
0x2d6: {  	[tilespmem:s9+$0x140] =	vst v5;
	v6 =	vld [tilespmem:s21+$0x6420]  }
0x2d7: {  	v5 =	vld [tilespmem:s4+$0x6410]  }
0x2d8: {  	(v2sf) =	vpush v0, $0xB  }
0x2d9: {  	(v2sf) =	vpush v1, $0x6;
	_ =	sdelay $0x1  }
0x2da: {  	[tilespmem:s9+$0xFFFFFD20] =	vst v6  }
0x2db: {  	[tilespmem:s9+$0x150] =	vst v5;
	v6 =	vld [tilespmem:s21+$0x6430]  }
0x2dc: {  	v5 =	vld [tilespmem:s4+$0x6420];
	_ =	sdelay $0x3  }
0x2dd: {  	[tilespmem:s9+$0xFFFFFD30] =	vst v6  }
0x2de: {  	[tilespmem:s9+$0x160] =	vst v5;
	v6 =	vld [tilespmem:s24+$0x6400]  }
0x2df: {  	v5 =	vld [tilespmem:s4+$0x6430];
	_ =	sdelay $0x3  }
0x2e0: {  	s16 =	spop (v2sf);
	[tilespmem:s9+$0xFFFFFD40] =	vst v6  }
0x2e1: {  	s18 =	spop (v2sf);
	[tilespmem:s9+$0x170] =	vst v5;
	v6 =	vld [tilespmem:s24+$0x6410]  }
0x2e2: {  	v5 =	vld [tilespmem:s18+$0x6400];
	_ =	sdelay $0x3  }
0x2e3: {  	[tilespmem:s9+$0xFFFFFD50] =	vst v6  }
0x2e4: {  	[tilespmem:s9+$0x180] =	vst v5;
	v6 =	vld [tilespmem:s24+$0x6420]  }
0x2e5: {  	v5 =	vld [tilespmem:s18+$0x6410]  }
0x2e6: {  	(v2sf) =	vpush v0, $0xC  }
0x2e7: {  	(v2sf) =	vpush v1, $0x7;
	_ =	sdelay $0x1  }
0x2e8: {  	[tilespmem:s9+$0xFFFFFD60] =	vst v6  }
0x2e9: {  	[tilespmem:s9+$0x190] =	vst v5;
	v6 =	vld [tilespmem:s24+$0x6430]  }
0x2ea: {  	v5 =	vld [tilespmem:s18+$0x6420];
	_ =	sdelay $0x3  }
0x2eb: {  	[tilespmem:s9+$0xFFFFFD70] =	vst v6  }
0x2ec: {  	[tilespmem:s9+$0x1A0] =	vst v5;
	v6 =	vld [tilespmem:s8+$0x6400]  }
0x2ed: {  	v5 =	vld [tilespmem:s18+$0x6430];
	_ =	sdelay $0x2  }
0x2ee: {  	[tilespmem:s31+$0xFFFFFE40] =	vst v3  }
0x2ef: {  	v3 =	vld [tilespmem:s11+$0x6410];
	s20 =	spop (v2sf);
	[tilespmem:s9+$0xFFFFFD80] =	vst v6  }
0x2f0: {  	s12 =	spop (v2sf);
	[tilespmem:s9+$0x1B0] =	vst v5;
	v6 =	vld [tilespmem:s8+$0x6410]  }
0x2f1: {  	[tilespmem:s31+$0x260] =	vst v4;
	v5 =	vld [tilespmem:s12+$0x6400]  }
0x2f2: {  	v4 =	vld [tilespmem:s0+$0x6430];
	_ =	sdelay $0x1  }
0x2f3: {  	[tilespmem:s31+$0xFFFFFE50] =	vst v3  }
0x2f4: {  	v3 =	vld [tilespmem:s11+$0x6420];
	[tilespmem:s9+$0xFFFFFD90] =	vst v6  }
0x2f5: {  	[tilespmem:s9+$0x1C0] =	vst v5;
	v6 =	vld [tilespmem:s8+$0x6420]  }
0x2f6: {  	[tilespmem:s31+$0x270] =	vst v4;
	v5 =	vld [tilespmem:s12+$0x6410]  }
0x2f7: {  	v4 =	vld [tilespmem:s17+$0x6400];
	(v2sf) =	vpush v0, $0xD  }
0x2f8: {  	(v2sf) =	vpush v1, $0x8  }
0x2f9: {  	[tilespmem:s31+$0xFFFFFE60] =	vst v3  }
0x2fa: {  	v3 =	vld [tilespmem:s11+$0x6430];
	[tilespmem:s9+$0xFFFFFDA0] =	vst v6  }
0x2fb: {  	[tilespmem:s9+$0x1D0] =	vst v5;
	v6 =	vld [tilespmem:s8+$0x6430]  }
0x2fc: {  	[tilespmem:s31+$0x280] =	vst v4;
	v5 =	vld [tilespmem:s12+$0x6420]  }
0x2fd: {  	v4 =	vld [tilespmem:s17+$0x6410];
	_ =	sdelay $0x1  }
0x2fe: {  	[tilespmem:s31+$0xFFFFFE70] =	vst v3  }
0x2ff: {  	[tilespmem:s9+$0xFFFFFDB0] =	vst v6  }
0x300: {  	[tilespmem:s9+$0x1E0] =	vst v5;
	v6 =	vld [tilespmem:s3+$0x6400]  }
0x301: {  	[tilespmem:s31+$0x290] =	vst v4;
	v5 =	vld [tilespmem:s12+$0x6430]  }
0x302: {  	v4 =	vld [tilespmem:s17+$0x6420];
	s6 =	rddreg [dreg:$0xc]  }
0x303: {  	v3 =	vld [tilespmem:s6+$0x6400];
	_ =	sdelay $0x1  }
0x304: {  	s21 =	spop (v2sf);
	[tilespmem:s9+$0xFFFFFDC0] =	vst v6  }
0x305: {  	s23 =	spop (v2sf);
	[tilespmem:s9+$0x1F0] =	vst v5;
	v6 =	vld [tilespmem:s3+$0x6410]  }
0x306: {  	[tilespmem:s31+$0x2A0] =	vst v4;
	v5 =	vld [tilespmem:s23+$0x6400]  }
0x307: {  	v4 =	vld [tilespmem:s17+$0x6430];
	[tilespmem:s31+$0xFFFFFE80] =	vst v3  }
0x308: {  	v3 =	vld [tilespmem:s6+$0x6410];
	_ =	sdelay $0x1  }
0x309: {  	[tilespmem:s9+$0xFFFFFDD0] =	vst v6  }
0x30a: {  	[tilespmem:s9+$0x200] =	vst v5;
	v6 =	vld [tilespmem:s3+$0x6420]  }
0x30b: {  	[tilespmem:s31+$0x2B0] =	vst v4;
	v5 =	vld [tilespmem:s23+$0x6410]  }
0x30c: {  	(v2sf) =	vpush v0, $0xE;
	v4 =	vld [tilespmem:s16+$0x6400];
	[tilespmem:s31+$0xFFFFFE90] =	vst v3  }
0x30d: {  	(v2sf) =	vpush v1, $0x9;
	v3 =	vld [tilespmem:s6+$0x6420];
	_ =	sdelay $0x1  }
0x30e: {  	[tilespmem:s9+$0xFFFFFDE0] =	vst v6  }
0x30f: {  	[tilespmem:s9+$0x210] =	vst v5;
	v6 =	vld [tilespmem:s3+$0x6430]  }
0x310: {  	[tilespmem:s31+$0x2C0] =	vst v4;
	v5 =	vld [tilespmem:s23+$0x6420]  }
0x311: {  	v4 =	vld [tilespmem:s16+$0x6410];
	[tilespmem:s31+$0xFFFFFEA0] =	vst v3  }
0x312: {  	v3 =	vld [tilespmem:s6+$0x6430];
	_ =	sdelay $0x1  }
0x313: {  	[tilespmem:s9+$0xFFFFFDF0] =	vst v6  }
0x314: {  	[tilespmem:s9+$0x220] =	vst v5;
	v6 =	vld [tilespmem:s5+$0x6400]  }
0x315: {  	[tilespmem:s31+$0x2D0] =	vst v4;
	v5 =	vld [tilespmem:s23+$0x6430]  }
0x316: {  	[tilespmem:s31+$0xFFFFFEB0] =	vst v3  }
0x317: {  	v4 =	vld [tilespmem:s16+$0x6420];
	s6 =	rddreg [dreg:$0xb]  }
0x318: {  	v3 =	vld [tilespmem:s6+$0x6400]  }
0x319: {  	s24 =	spop (v2sf);
	[tilespmem:s9+$0xFFFFFE00] =	vst v6  }
0x31a: {  	s11 =	spop (v2sf);
	[tilespmem:s9+$0x230] =	vst v5;
	v6 =	vld [tilespmem:s5+$0x6410]  }
0x31b: {  	v5 =	vld [tilespmem:s11+$0x6400]  }
0x31c: {  	[tilespmem:s31+$0x2E0] =	vst v4  }
0x31d: {  	v4 =	vld [tilespmem:s16+$0x6430];
	[tilespmem:s31+$0xFFFFFEC0] =	vst v3  }
0x31e: {  	v3 =	vld [tilespmem:s6+$0x6410]  }
0x31f: {  	[tilespmem:s9+$0xFFFFFE10] =	vst v6  }
0x320: {  	[tilespmem:s9+$0x240] =	vst v5;
	v6 =	vld [tilespmem:s5+$0x6420]  }
0x321: {  	v5 =	vld [tilespmem:s11+$0x6410]  }
0x322: {  	[tilespmem:s31+$0x2F0] =	vst v4  }
0x323: {  	(v2sf) =	vpush v0, $0xF;
	v0 =	vld [tilespmem:s20+$0x6400];
	[tilespmem:s31+$0xFFFFFED0] =	vst v3  }
0x324: {  	v3 =	vld [tilespmem:s6+$0x6420]  }
0x325: {  	(v2sf) =	vpush v1, $0xA;
	[tilespmem:s9+$0xFFFFFE20] =	vst v6  }
0x326: {  	[tilespmem:s9+$0x250] =	vst v5;
	v5 =	vld [tilespmem:s5+$0x6430]  }
0x327: {  	v4 =	vld [tilespmem:s11+$0x6420]  }
0x328: {  	[tilespmem:s31+$0x300] =	vst v0  }
0x329: {  	v0 =	vld [tilespmem:s20+$0x6410];
	[tilespmem:s31+$0xFFFFFEE0] =	vst v3  }
0x32a: {  	v3 =	vld [tilespmem:s6+$0x6430]  }
0x32b: {  	[tilespmem:s9+$0xFFFFFE30] =	vst v5  }
0x32c: {  	[tilespmem:s9+$0x260] =	vst v4  }
0x32d: {  	s12 =	rddreg [dreg:$0x12]  }
0x32e: {  	[tilespmem:s31+$0x310] =	vst v0;
	v5 =	vld [tilespmem:s12+$0x6400]  }
0x32f: {  	v4 =	vld [tilespmem:s11+$0x6430];
	[tilespmem:s31+$0xFFFFFEF0] =	vst v3  }
0x330: {  	v0 =	vld [tilespmem:s20+$0x6420];
	s16 =	rddreg [dreg:$0xa]  }
0x331: {  	v3 =	vld [tilespmem:s16+$0x6400];
	_ =	sdelay $0x1  }
0x332: {  	s15 =	spop (v2sf);
	[tilespmem:s9+$0xFFFFFE40] =	vst v5  }
0x333: {  	s2 =	spop (v2sf);
	[tilespmem:s9+$0x270] =	vst v4;
	v5 =	vld [tilespmem:s12+$0x6410]  }
0x334: {  	v4 =	vld [tilespmem:s2+$0x6400];
	[tilespmem:s31+$0x320] =	vst v0  }
0x335: {  	v0 =	vld [tilespmem:s20+$0x6430];
	[tilespmem:s31+$0xFFFFFF00] =	vst v3  }
0x336: {  	v3 =	vld [tilespmem:s16+$0x6410];
	_ =	sdelay $0x1  }
0x337: {  	[tilespmem:s9+$0xFFFFFE50] =	vst v5  }
0x338: {  	[tilespmem:s9+$0x280] =	vst v4;
	v5 =	vld [tilespmem:s12+$0x6420]  }
0x339: {  	v4 =	vld [tilespmem:s2+$0x6410];
	[tilespmem:s31+$0x330] =	vst v0  }
0x33a: {  	v0 =	vld [tilespmem:s21+$0x6400];
	[tilespmem:s31+$0xFFFFFF10] =	vst v3  }
0x33b: {  	(v2sf) =	vpush v1, $0xB;
	v3 =	vld [tilespmem:s16+$0x6420];
	_ =	sdelay $0x1  }
0x33c: {  	[tilespmem:s9+$0xFFFFFE60] =	vst v5  }
0x33d: {  	[tilespmem:s9+$0x290] =	vst v4;
	v5 =	vld [tilespmem:s12+$0x6430]  }
0x33e: {  	v4 =	vld [tilespmem:s2+$0x6420];
	[tilespmem:s31+$0x340] =	vst v0  }
0x33f: {  	v0 =	vld [tilespmem:s21+$0x6410];
	[tilespmem:s31+$0xFFFFFF20] =	vst v3  }
0x340: {  	v3 =	vld [tilespmem:s16+$0x6430];
	_ =	sdelay $0x1  }
0x341: {  	[tilespmem:s9+$0xFFFFFE70] =	vst v5  }
0x342: {  	[tilespmem:s9+$0x2A0] =	vst v4;
	v5 =	vld [tilespmem:s29+$0x6400]  }
0x343: {  	v4 =	vld [tilespmem:s2+$0x6430];
	[tilespmem:s31+$0x350] =	vst v0  }
0x344: {  	v0 =	vld [tilespmem:s21+$0x6420];
	[tilespmem:s31+$0xFFFFFF30] =	vst v3  }
0x345: {  	v3 =	vld [tilespmem:s10+$0x6400];
	_ =	sdelay $0x1  }
0x346: {  	[tilespmem:s9+$0xFFFFFE80] =	vst v5  }
0x347: {  	s17 =	spop (v2sf);
	[tilespmem:s9+$0x2B0] =	vst v4;
	v5 =	vld [tilespmem:s29+$0x6410]  }
0x348: {  	v4 =	vld [tilespmem:s17+$0x6400];
	[tilespmem:s31+$0x360] =	vst v0  }
0x349: {  	v0 =	vld [tilespmem:s21+$0x6430];
	[tilespmem:s31+$0xFFFFFF40] =	vst v3  }
0x34a: {  	v3 =	vld [tilespmem:s10+$0x6410];
	_ =	sdelay $0x1  }
0x34b: {  	[tilespmem:s9+$0xFFFFFE90] =	vst v5  }
0x34c: {  	[tilespmem:s9+$0x2C0] =	vst v4;
	v5 =	vld [tilespmem:s29+$0x6420]  }
0x34d: {  	v4 =	vld [tilespmem:s17+$0x6410];
	[tilespmem:s31+$0x370] =	vst v0  }
0x34e: {  	v0 =	vld [tilespmem:s24+$0x6400];
	[tilespmem:s31+$0xFFFFFF50] =	vst v3  }
0x34f: {  	(v2sf) =	vpush v1, $0xC;
	v3 =	vld [tilespmem:s10+$0x6420];
	_ =	sdelay $0x1  }
0x350: {  	v6 =	vld [tilespmem:s14+$0x6410];
	[tilespmem:s9+$0xFFFFFEA0] =	vst v5  }
0x351: {  	[tilespmem:s9+$0x2D0] =	vst v4;
	v5 =	vld [tilespmem:s29+$0x6430]  }
0x352: {  	v4 =	vld [tilespmem:s17+$0x6420];
	[tilespmem:s31+$0x380] =	vst v0  }
0x353: {  	v0 =	vld [tilespmem:s24+$0x6410];
	[tilespmem:s31+$0xFFFFFF60] =	vst v3  }
0x354: {  	v3 =	vld [tilespmem:s10+$0x6430]  }
0x355: {  	[tilespmem:s28+$0xFFFFFF90] =	vst v6  }
0x356: {  	v6 =	vld [tilespmem:s14+$0x6420];
	[tilespmem:s9+$0xFFFFFEB0] =	vst v5  }
0x357: {  	[tilespmem:s9+$0x2E0] =	vst v4;
	v5 =	vld [tilespmem:s13+$0x6400]  }
0x358: {  	v4 =	vld [tilespmem:s17+$0x6430];
	[tilespmem:s31+$0x390] =	vst v0  }
0x359: {  	[tilespmem:s31+$0xFFFFFF70] =	vst v3  }
0x35a: {  	v0 =	vld [tilespmem:s24+$0x6420];
	s18 =	rddreg [dreg:$0x8];
	[tilespmem:s28+$0x3C0] =	vst v2  }
0x35b: {  	[tilespmem:s28+$0xFFFFFFA0] =	vst v6;
	v3 =	vld [tilespmem:s18+$0x6400]  }
0x35c: {  	v6 =	vld [tilespmem:s14+$0x6430];
	[tilespmem:s9+$0xFFFFFEC0] =	vst v5  }
0x35d: {  	s20 =	spop (v2sf);
	[tilespmem:s9+$0x2F0] =	vst v4;
	v2 =	vld [tilespmem:s13+$0x6410]  }
0x35e: {  	v4 =	vld [tilespmem:s20+$0x6400]  }
0x35f: {  	v5 =	vld [tilespmem:s22+$0x6410];
	[tilespmem:s31+$0x3A0] =	vst v0  }
0x360: {  	v0 =	vld [tilespmem:s24+$0x6430];
	[tilespmem:s31+$0xFFFFFF80] =	vst v3  }
0x361: {  	[tilespmem:s28+$0xFFFFFFB0] =	vst v6  }
0x362: {  	v3 =	vld [tilespmem:s18+$0x6410];
	[tilespmem:s9+$0xFFFFFED0] =	vst v2  }
0x363: {  	[tilespmem:s9+$0x300] =	vst v4;
	v4 =	vld [tilespmem:s13+$0x6420]  }
0x364: {  	[tilespmem:s28+$0x3D0] =	vst v5;
	v2 =	vld [tilespmem:s20+$0x6410]  }
0x365: {  	v5 =	vld [tilespmem:s22+$0x6420];
	[tilespmem:s31+$0x3B0] =	vst v0  }
0x366: {  	v0 =	vld [tilespmem:s15+$0x6400];
	s21 =	rddreg [dreg:$0x4]  }
0x367: {  	v6 =	vld [tilespmem:s21+$0x6400];
	[tilespmem:s31+$0xFFFFFF90] =	vst v3  }
0x368: {  	v3 =	vld [tilespmem:s18+$0x6420];
	[tilespmem:s9+$0xFFFFFEE0] =	vst v4  }
0x369: {  	[tilespmem:s9+$0x310] =	vst v2;
	v4 =	vld [tilespmem:s13+$0x6430]  }
0x36a: {  	[tilespmem:s28+$0x3E0] =	vst v5;
	v2 =	vld [tilespmem:s20+$0x6420]  }
0x36b: {  	v5 =	vld [tilespmem:s22+$0x6430];
	[tilespmem:s31+$0x3C0] =	vst v0  }
0x36c: {  	[tilespmem:s28+$0xFFFFFFC0] =	vst v6;
	v0 =	vld [tilespmem:s15+$0x6410]  }
0x36d: {  	v6 =	vld [tilespmem:s21+$0x6410];
	[tilespmem:s31+$0xFFFFFFA0] =	vst v3  }
0x36e: {  	v3 =	vld [tilespmem:s18+$0x6430];
	[tilespmem:s9+$0xFFFFFEF0] =	vst v4  }
0x36f: {  	[tilespmem:s9+$0x320] =	vst v2;
	v4 =	vld [tilespmem:s19+$0x6400]  }
0x370: {  	[tilespmem:s28+$0x3F0] =	vst v5  }
0x371: {  	[tilespmem:s31+$0x3D0] =	vst v0  }
0x372: {  	[tilespmem:s28+$0xFFFFFFD0] =	vst v6  }
0x373: {  	(v2sf) =	vpush v1, $0xD;
	[tilespmem:s31+$0xFFFFFFB0] =	vst v3  }
0x374: {  	s23 =	rddreg [dreg:$0x5];
	[tilespmem:s9+$0xFFFFFF00] =	vst v4  }
0x375: {  	v4 =	vld [tilespmem:s19+$0x6410]  }
0x376: {  	v0 =	vld [tilespmem:s15+$0x6420];
	_ =	sdelay $0x3  }
0x377: {  	[tilespmem:s9+$0xFFFFFF10] =	vst v4  }
0x378: {  	[tilespmem:s31+$0x3E0] =	vst v0;
	v4 =	vld [tilespmem:s19+$0x6420]  }
0x379: {  	v0 =	vld [tilespmem:s15+$0x6430]  }
0x37a: {  	v2 =	vld [tilespmem:s20+$0x6430];
	_ =	sdelay $0x2  }
0x37b: {  	[tilespmem:s9+$0xFFFFFF20] =	vst v4  }
0x37c: {  	[tilespmem:s31+$0x3F0] =	vst v0;
	v0 =	vld [tilespmem:s19+$0x6430]  }
0x37d: {  	s24 =	spop (v2sf);
	[tilespmem:s9+$0x330] =	vst v2  }
0x37e: {  	v2 =	vld [tilespmem:s24+$0x6400];
	_ =	sdelay $0x2  }
0x37f: {  	[tilespmem:s9+$0xFFFFFF30] =	vst v0  }
0x380: {  	v0 =	vld [tilespmem:s25+$0x6400]  }
0x381: {  	[tilespmem:s9+$0x340] =	vst v2  }
0x382: {  	v2 =	vld [tilespmem:s24+$0x6410];
	_ =	sdelay $0x1  }
0x383: {  	(v2sf) =	vpush v1, $0xE  }
0x384: {  	[tilespmem:s9+$0xFFFFFF40] =	vst v0  }
0x385: {  	v0 =	vld [tilespmem:s25+$0x6410]  }
0x386: {  	[tilespmem:s9+$0x350] =	vst v2  }
0x387: {  	v2 =	vld [tilespmem:s24+$0x6420]  }
0x388: {  	v5 =	vld [tilespmem:s30+$0x6420]  }
0x389: {  	v6 =	vld [tilespmem:s21+$0x6420]  }
0x38a: {  	v3 =	vld [tilespmem:s23+$0x6400];
	[tilespmem:s9+$0xFFFFFF50] =	vst v0  }
0x38b: {  	v0 =	vld [tilespmem:s25+$0x6420]  }
0x38c: {  	[tilespmem:s9+$0x360] =	vst v2  }
0x38d: {  	[tilespmem:s26+$0xFFFFFFE0] =	vst v5;
	v2 =	vld [tilespmem:s24+$0x6430]  }
0x38e: {  	v5 =	vld [tilespmem:s30+$0x6430];
	[tilespmem:s28+$0xFFFFFFE0] =	vst v6  }
0x38f: {  	v6 =	vld [tilespmem:s21+$0x6430];
	[tilespmem:s31+$0xFFFFFFC0] =	vst v3  }
0x390: {  	v3 =	vld [tilespmem:s23+$0x6410];
	[tilespmem:s9+$0xFFFFFF60] =	vst v0  }
0x391: {  	v0 =	vld [tilespmem:s25+$0x6430]  }
0x392: {  	s4 =	spop (v2sf);
	[tilespmem:s9+$0x370] =	vst v2  }
0x393: {  	[tilespmem:s26+$0xFFFFFFF0] =	vst v5;
	v2 =	vld [tilespmem:s4+$0x6400]  }
0x394: {  	[tilespmem:s28+$0xFFFFFFF0] =	vst v6  }
0x395: {  	[tilespmem:s31+$0xFFFFFFD0] =	vst v3  }
0x396: {  	[tilespmem:s9+$0xFFFFFF70] =	vst v0  }
0x397: {  	s5 =	rddreg [dreg:$0xe]  }
0x398: {  	[tilespmem:s9+$0x380] =	vst v2;
	v0 =	vld [tilespmem:s5+$0x6400]  }
0x399: {  	v2 =	vld [tilespmem:s4+$0x6410];
	_ =	sdelay $0x1  }
0x39a: {  	(v2sf) =	vpush v1, $0xF;
	_ =	sdelay $0x1  }
0x39b: {  	[tilespmem:s9+$0xFFFFFF80] =	vst v0  }
0x39c: {  	[tilespmem:s9+$0x390] =	vst v2;
	v0 =	vld [tilespmem:s5+$0x6410]  }
0x39d: {  	v1 =	vld [tilespmem:s4+$0x6420];
	_ =	sdelay $0x3  }
0x39e: {  	[tilespmem:s9+$0xFFFFFF90] =	vst v0  }
0x39f: {  	v0 =	vld [tilespmem:s5+$0x6420];
	[tilespmem:s9+$0x3A0] =	vst v1  }
0x3a0: {  	v1 =	vld [tilespmem:s4+$0x6430];
	_ =	sdelay $0x3  }
0x3a1: {  	[tilespmem:s9+$0xFFFFFFA0] =	vst v0  }
0x3a2: {  	s6 =	spop (v2sf);
	v0 =	vld [tilespmem:s5+$0x6430];
	[tilespmem:s9+$0x3B0] =	vst v1  }
0x3a3: {  	v1 =	vld [tilespmem:s6+$0x6400];
	_ =	sdelay $0x3  }
0x3a4: {  	[tilespmem:s9+$0xFFFFFFB0] =	vst v0  }
0x3a5: {  	v0 =	vld [tilespmem:s7+$0x6400];
	[tilespmem:s9+$0x3C0] =	vst v1  }
0x3a6: {  	v1 =	vld [tilespmem:s6+$0x6410];
	_ =	sdelay $0x3  }
0x3a7: {  	[tilespmem:s9+$0xFFFFFFC0] =	vst v0  }
0x3a8: {  	v0 =	vld [tilespmem:s7+$0x6410];
	[tilespmem:s9+$0x3D0] =	vst v1  }
0x3a9: {  	v1 =	vld [tilespmem:s6+$0x6420];
	_ =	sdelay $0x3  }
0x3aa: {  	v2 =	vld [tilespmem:s23+$0x6420];
	[tilespmem:s9+$0xFFFFFFD0] =	vst v0  }
0x3ab: {  	v0 =	vld [tilespmem:s7+$0x6420];
	[tilespmem:s9+$0x3E0] =	vst v1  }
0x3ac: {  	v1 =	vld [tilespmem:s6+$0x6430];
	_ =	sdelay $0x2  }
0x3ad: {  	[tilespmem:s31+$0xFFFFFFE0] =	vst v2  }
0x3ae: {  	v2 =	vld [tilespmem:s23+$0x6430];
	[tilespmem:s9+$0xFFFFFFE0] =	vst v0  }
0x3af: {  	v0 =	vld [tilespmem:s7+$0x6430];
	[tilespmem:s9+$0x3F0] =	vst v1  }
0x3b0: {  	s8 =	sld [smem:$0x7FA];
	_ =	sdelay $0x1  }
0x3b1: {  	s7 =	rddreg [dreg:$0x1a]  }
0x3b2: {  	[tilespmem:s31+$0xFFFFFFF0] =	vst v2;
	s0 =	sadd.s32 s7, s8  }
0x3b3: {  	s11 =	simm.s32 $0x6680;
	s0 =	sshll.u32 s0, $0x3;
	[tilespmem:s9+$0xFFFFFFF0] =	vst v0;
	s9 =	rddreg [dreg:$0x1]  }
0x3b4: {  	s10 =	simm.s32 $0x0;
	s1 =	sadd.s32 s9, s0;
	s12 =	rddreg [dreg:$0x1e]  }
0x3b5: {  	[hbm4b:s1+s10] =	stream.linear.scatter [tilespmem:s11], [sflag:$0x1], $0x6400, $0x38;
	[tilespmem:$0x1F680] =	vst v63  }
0x3b6: {  	s13 =	simm.s32 $0xCA80;
	s0 =	sadd.s32 s0, s12  }
0x3b7: {  	[hbm4b:s0+s10] =	stream.linear.scatter [tilespmem:s13], [sflag:$0x1], $0x6400, $0x38;
	[tilespmem:$0x1F680] =	vst v63  }
0x3b8: {  	s0 =	simm.s32 @!p0 $0x2  }
0x3b9: {  	_ =	swait.ge @!p0 [sflag:s0], $0x6400  }
0x3ba: {  	[sflag:s0] =	ssyncset.done @!p0 $0x0  }
0x3bb: {  	[sflag:s0] =	ssyncadd.s32 @!p0 $0xFFFF9C00  }
0x3bc: {  	_ =	swait.ge @!p0 [sflag:s0], $0x6400  }
0x3bd: {  	s14 =	sld [smem:$0x7FD]  }
0x3be: {  	[sflag:s0] =	ssyncset.done @!p0 $0x0;
	s10 =	sld [smem:$0x7FC]  }
0x3bf: {  	[sflag:s0] =	ssyncadd.s32 @!p0 $0xFFFF9C00  }
0x3c0: {  	v0 =	vld [tilespmem:s14+$0x0]  }
0x3c1: {  	v1 =	vld [tilespmem:s10+$0x0];
	_ =	sdelay $0x4  }
0x3c2: {  	v0 =	vsub.s32 v1, v0  }
0x3c3: {  	v2 =	vld [tilespmem:s14+$0xFFFFFFF0];
	vm0 =	vgt.s32 v0, $0x1  }
0x3c4: {  	v1 =	vld [tilespmem:s10+$0xFFFFFFF0];
	v0 =	vnsel vm0, $0x1, v0  }
0x3c5: {  	v3 =	vcvt.s32.f32 v0;
	_ =	sdelay $0x1  }
0x3c6: {  	v3 =	vshrl.u32 v3, $0x17  }
0x3c7: {  	v3 =	vmax.u32 v3, $0x81  }
0x3c8: {  	v0 =	vmin.u32 v0, $0x5;
	v1 =	vsub.s32 v1, v2;
	v3 =	vmin.u32 v3, $0x85  }
0x3c9: {  	vm9 =	vgt.s32 v1, $0x1;
	v0 =	vadd.s32 v0, v3  }
0x3ca: {  	v2 =	vnsel vm9, $0x1, v1;
	v0 =	vshll.u32 v0, $0x6  }
0x3cb: {  	v1 =	vadd.s32 $0xFFFFDF80, v0;
	v0 =	vcvt.s32.f32 v2  }
0x3cc: {  	(v2sf) =	vpush v1, $0x0  }
0x3cd: {  	v0 =	vshrl.u32 v0, $0x17  }
0x3ce: {  	v0 =	vmax.u32 v0, $0x81  }
0x3cf: {  	v2 =	vmin.u32 v2, $0x5;
	v0 =	vmin.u32 v0, $0x85  }
0x3d0: {  	v0 =	vadd.s32 v2, v0  }
0x3d1: {  	v0 =	vshll.u32 v0, $0x6  }
0x3d2: {  	v0 =	vadd.s32 $0xFFFFDF80, v0  }
0x3d3: {  	(v2sf) =	vpush v0, $0x0  }
0x3d4: {  	(v2sf) =	vpush v0, $0x1  }
0x3d5: {  	(v2sf) =	vpush v0, $0x2  }
0x3d6: {  	(v2sf) =	vpush v0, $0x3  }
0x3d7: {  	(v2sf) =	vpush v0, $0x4  }
0x3d8: {  	(v2sf) =	vpush v0, $0x5  }
0x3d9: {  	(v2sf) =	vpush v0, $0x6  }
0x3da: {  	(v2sf) =	vpush v0, $0x7  }
0x3db: {  	s23 =	spop (v2sf);
	(v2sf) =	vpush v0, $0x8  }
0x3dc: {  	v2 =	vld [tilespmem:s23+$0x6400];
	(v2sf) =	vpush v0, $0x9  }
0x3dd: {  	(v2sf) =	vpush v0, $0xA  }
0x3de: {  	(v2sf) =	vpush v0, $0xB  }
0x3df: {  	(v2sf) =	vpush v0, $0xC  }
0x3e0: {  	s0 =	simm.s32 $0x13280;
	(v2sf) =	vpush v0, $0xD  }
0x3e1: {  	[tilespmem:s0+$0x0] =	vst v2;
	(v2sf) =	vpush v0, $0xE  }
0x3e2: {  	v2 =	vld [tilespmem:s23+$0x6410];
	s24 =	spop (v2sf);
	(v2sf) =	vpush v0, $0xF  }
0x3e3: {  	s25 =	spop (v2sf)  }
0x3e4: {  	(v2sf) =	vpush v1, $0x1;
	s26 =	spop (v2sf)  }
0x3e5: {  	s8 =	spop (v2sf)  }
0x3e6: {  	s17 =	spop (v2sf)  }
0x3e7: {  	[tilespmem:s0+$0x10] =	vst v2;
	s18 =	spop (v2sf)  }
0x3e8: {  	v0 =	vld [tilespmem:s23+$0x6420];
	s15 =	spop (v2sf)  }
0x3e9: {  	s6 =	spop (v2sf)  }
0x3ea: {  	s5 =	spop (v2sf)  }
0x3eb: {  	v2 =	vld [tilespmem:s24+$0x6400];
	s1 =	spop (v2sf)  }
0x3ec: {  	s3 =	spop (v2sf)  }
0x3ed: {  	[tilespmem:s0+$0x20] =	vst v0;
	s9 =	spop (v2sf)  }
0x3ee: {  	v0 =	vld [tilespmem:s23+$0x6430];
	s4 =	spop (v2sf)  }
0x3ef: {  	s2 =	spop (v2sf)  }
0x3f0: {  	[tilespmem:s0+$0xFFFFFC00] =	vst v2;
	s19 =	spop (v2sf)  }
0x3f1: {  	[smem:$0x7ED] =	sst s19;
	s20 =	spop (v2sf)  }
0x3f2: {  	v2 =	vld [tilespmem:s24+$0x6410];
	[smem:$0x7EE] =	sst s20  }
0x3f3: {  	s21 =	spop (v2sf);
	[tilespmem:s0+$0x30] =	vst v0  }
0x3f4: {  	v0 =	vld [tilespmem:s21+$0x6400];
	_ =	sdelay $0x2  }
0x3f5: {  	[tilespmem:s0+$0xFFFFFC10] =	vst v2  }
0x3f6: {  	v2 =	vld [tilespmem:s24+$0x6420]  }
0x3f7: {  	[tilespmem:s0+$0x40] =	vst v0  }
0x3f8: {  	v0 =	vld [tilespmem:s21+$0x6410];
	_ =	sdelay $0x1  }
0x3f9: {  	(v2sf) =	vpush v1, $0x2  }
0x3fa: {  	[tilespmem:s0+$0xFFFFFC20] =	vst v2  }
0x3fb: {  	v2 =	vld [tilespmem:s24+$0x6430]  }
0x3fc: {  	[tilespmem:s0+$0x50] =	vst v0  }
0x3fd: {  	v0 =	vld [tilespmem:s21+$0x6420];
	_ =	sdelay $0x2  }
0x3fe: {  	[tilespmem:s0+$0xFFFFFC30] =	vst v2  }
0x3ff: {  	v2 =	vld [tilespmem:s25+$0x6400]  }
0x400: {  	[tilespmem:s0+$0x60] =	vst v0  }
0x401: {  	v0 =	vld [tilespmem:s21+$0x6430];
	_ =	sdelay $0x2  }
0x402: {  	[tilespmem:s0+$0xFFFFFC40] =	vst v2  }
0x403: {  	v2 =	vld [tilespmem:s25+$0x6410]  }
0x404: {  	s22 =	spop (v2sf);
	[tilespmem:s0+$0x70] =	vst v0  }
0x405: {  	v0 =	vld [tilespmem:s22+$0x6400];
	_ =	sdelay $0x2  }
0x406: {  	[tilespmem:s0+$0xFFFFFC50] =	vst v2  }
0x407: {  	v2 =	vld [tilespmem:s25+$0x6420]  }
0x408: {  	[tilespmem:s0+$0x80] =	vst v0  }
0x409: {  	v0 =	vld [tilespmem:s22+$0x6410];
	_ =	sdelay $0x1  }
0x40a: {  	(v2sf) =	vpush v1, $0x3  }
0x40b: {  	[tilespmem:s0+$0xFFFFFC60] =	vst v2  }
0x40c: {  	v2 =	vld [tilespmem:s25+$0x6430]  }
0x40d: {  	[tilespmem:s0+$0x90] =	vst v0  }
0x40e: {  	v0 =	vld [tilespmem:s22+$0x6420];
	_ =	sdelay $0x2  }
0x40f: {  	[tilespmem:s0+$0xFFFFFC70] =	vst v2  }
0x410: {  	v2 =	vld [tilespmem:s26+$0x6400]  }
0x411: {  	[tilespmem:s0+$0xA0] =	vst v0  }
0x412: {  	v0 =	vld [tilespmem:s22+$0x6430];
	_ =	sdelay $0x2  }
0x413: {  	[tilespmem:s0+$0xFFFFFC80] =	vst v2  }
0x414: {  	v2 =	vld [tilespmem:s26+$0x6410]  }
0x415: {  	s23 =	spop (v2sf);
	[tilespmem:s0+$0xB0] =	vst v0  }
0x416: {  	v0 =	vld [tilespmem:s23+$0x6400];
	_ =	sdelay $0x2  }
0x417: {  	[tilespmem:s0+$0xFFFFFC90] =	vst v2  }
0x418: {  	v2 =	vld [tilespmem:s26+$0x6420]  }
0x419: {  	[tilespmem:s0+$0xC0] =	vst v0  }
0x41a: {  	v0 =	vld [tilespmem:s23+$0x6410];
	_ =	sdelay $0x1  }
0x41b: {  	(v2sf) =	vpush v1, $0x4  }
0x41c: {  	[tilespmem:s0+$0xFFFFFCA0] =	vst v2  }
0x41d: {  	v2 =	vld [tilespmem:s26+$0x6430]  }
0x41e: {  	[tilespmem:s0+$0xD0] =	vst v0  }
0x41f: {  	v0 =	vld [tilespmem:s23+$0x6420];
	_ =	sdelay $0x2  }
0x420: {  	[tilespmem:s0+$0xFFFFFCB0] =	vst v2  }
0x421: {  	v2 =	vld [tilespmem:s8+$0x6400]  }
0x422: {  	[tilespmem:s0+$0xE0] =	vst v0  }
0x423: {  	v0 =	vld [tilespmem:s23+$0x6430];
	_ =	sdelay $0x2  }
0x424: {  	[tilespmem:s0+$0xFFFFFCC0] =	vst v2  }
0x425: {  	v2 =	vld [tilespmem:s8+$0x6410]  }
0x426: {  	s24 =	spop (v2sf);
	[tilespmem:s0+$0xF0] =	vst v0  }
0x427: {  	v0 =	vld [tilespmem:s24+$0x6400]  }
0x428: {  	s7 =	sadd.s32 $0x20, s14  }
0x429: {  	s11 =	sadd.s32 $0x20, s10;
	v3 =	vld [tilespmem:s7+$0x0]  }
0x42a: {  	[tilespmem:s0+$0xFFFFFCD0] =	vst v2;
	v2 =	vld [tilespmem:s11+$0x0]  }
0x42b: {  	v4 =	vld [tilespmem:s8+$0x6420]  }
0x42c: {  	[tilespmem:s0+$0x100] =	vst v0  }
0x42d: {  	v0 =	vld [tilespmem:s24+$0x6410]  }
0x42e: {  	v5 =	vld [tilespmem:s11+$0xFFFFFFF0]  }
0x42f: {  	v6 =	vld [tilespmem:s7+$0xFFFFFFF0];
	(v2sf) =	vpush v1, $0x5;
	v2 =	vsub.s32 v2, v3  }
0x430: {  	[tilespmem:s0+$0xFFFFFCE0] =	vst v4;
	vm10 =	vgt.s32 v2, $0x1  }
0x431: {  	v3 =	vld [tilespmem:s8+$0x6430];
	v2 =	vnsel vm10, $0x1, v2  }
0x432: {  	[tilespmem:s0+$0x110] =	vst v0;
	v0 =	vcvt.s32.f32 v2  }
0x433: {  	v4 =	vld [tilespmem:s24+$0x6420]  }
0x434: {  	v5 =	vsub.s32 v5, v6;
	v0 =	vshrl.u32 v0, $0x17  }
0x435: {  	vm11 =	vgt.s32 v5, $0x1;
	v0 =	vmax.u32 v0, $0x81  }
0x436: {  	v2 =	vmin.u32 v2, $0x5;
	[tilespmem:s0+$0xFFFFFCF0] =	vst v3;
	v3 =	vnsel vm11, $0x1, v5;
	v0 =	vmin.u32 v0, $0x85  }
0x437: {  	v5 =	vld [tilespmem:s17+$0x6400];
	v6 =	vcvt.s32.f32 v3;
	v0 =	vadd.s32 v2, v0  }
0x438: {  	[tilespmem:s0+$0x120] =	vst v4;
	v0 =	vshll.u32 v0, $0x6  }
0x439: {  	v4 =	vld [tilespmem:s24+$0x6430];
	v6 =	vshrl.u32 v6, $0x17;
	v2 =	vadd.s32 $0xFFFFDF80, v0  }
0x43a: {  	v0 =	vmax.u32 v6, $0x81;
	(v2sf) =	vpush v2, $0x0  }
0x43b: {  	v3 =	vmin.u32 v3, $0x5;
	v0 =	vmin.u32 v0, $0x85  }
0x43c: {  	[tilespmem:s0+$0xFFFFFD00] =	vst v5;
	v0 =	vadd.s32 v3, v0  }
0x43d: {  	v3 =	vld [tilespmem:s17+$0x6410];
	v0 =	vshll.u32 v0, $0x6  }
0x43e: {  	s25 =	spop (v2sf);
	[tilespmem:s0+$0x130] =	vst v4;
	v0 =	vadd.s32 $0xFFFFDF80, v0  }
0x43f: {  	(v2sf) =	vpush v0, $0x0;
	v4 =	vld [tilespmem:s25+$0x6400]  }
0x440: {  	(v2sf) =	vpush v0, $0x1  }
0x441: {  	(v2sf) =	vpush v0, $0x2  }
0x442: {  	[tilespmem:s0+$0xFFFFFD10] =	vst v3;
	(v2sf) =	vpush v0, $0x3  }
0x443: {  	v3 =	vld [tilespmem:s17+$0x6420];
	(v2sf) =	vpush v0, $0x4  }
0x444: {  	(v2sf) =	vpush v0, $0x5;
	[tilespmem:s0+$0x140] =	vst v4  }
0x445: {  	(v2sf) =	vpush v0, $0x6;
	v4 =	vld [tilespmem:s25+$0x6410]  }
0x446: {  	(v2sf) =	vpush v0, $0x7  }
0x447: {  	(v2sf) =	vpush v1, $0x6  }
0x448: {  	[tilespmem:s0+$0xFFFFFD20] =	vst v3  }
0x449: {  	v3 =	vld [tilespmem:s17+$0x6430];
	s26 =	spop (v2sf)  }
0x44a: {  	(v2sf) =	vpush v0, $0x8;
	v5 =	vld [tilespmem:s26+$0x6400];
	[tilespmem:s0+$0x150] =	vst v4  }
0x44b: {  	(v2sf) =	vpush v0, $0x9;
	v4 =	vld [tilespmem:s25+$0x6420]  }
0x44c: {  	(v2sf) =	vpush v0, $0xA  }
0x44d: {  	(v2sf) =	vpush v0, $0xB  }
0x44e: {  	s28 =	simm.s32 $0x13A80;
	(v2sf) =	vpush v0, $0xC;
	[tilespmem:s0+$0xFFFFFD30] =	vst v3;
	s23 =	spop (v2sf)  }
0x44f: {  	(v2sf) =	vpush v0, $0xD;
	v3 =	vld [tilespmem:s18+$0x6400];
	[tilespmem:s28+$0x0] =	vst v5;
	s21 =	spop (v2sf)  }
0x450: {  	(v2sf) =	vpush v0, $0xE;
	v5 =	vld [tilespmem:s26+$0x6410];
	s19 =	spop (v2sf);
	[tilespmem:s0+$0x160] =	vst v4  }
0x451: {  	(v2sf) =	vpush v0, $0xF;
	s20 =	spop (v2sf);
	v0 =	vld [tilespmem:s25+$0x6430]  }
0x452: {  	s17 =	spop (v2sf)  }
0x453: {  	s10 =	spop (v2sf)  }
0x454: {  	(v2sf) =	vpush v2, $0x1;
	[tilespmem:s0+$0xFFFFFD40] =	vst v3;
	v3 =	vld [tilespmem:s23+$0x6400];
	s16 =	spop (v2sf)  }
0x455: {  	v4 =	vld [tilespmem:s18+$0x6410];
	[tilespmem:s28+$0x10] =	vst v5;
	s14 =	spop (v2sf)  }
0x456: {  	v5 =	vld [tilespmem:s26+$0x6420];
	[tilespmem:s0+$0x170] =	vst v0;
	s24 =	spop (v2sf)  }
0x457: {  	v0 =	vld [tilespmem:s24+$0x6400];
	_ =	sdelay $0x1  }
0x458: {  	s13 =	spop (v2sf);
	[tilespmem:s28+$0xFFFFFC00] =	vst v3  }
0x459: {  	s8 =	spop (v2sf);
	[tilespmem:s0+$0xFFFFFD50] =	vst v4  }
0x45a: {  	s12 =	spop (v2sf);
	v3 =	vld [tilespmem:s23+$0x6410];
	[tilespmem:s28+$0x20] =	vst v5  }
0x45b: {  	s25 =	spop (v2sf);
	v4 =	vld [tilespmem:s18+$0x6420];
	[tilespmem:s0+$0x180] =	vst v0  }
0x45c: {  	v5 =	vld [tilespmem:s26+$0x6430];
	s26 =	spop (v2sf);
	[smem:$0x7EF] =	sst s25  }
0x45d: {  	s25 =	spop (v2sf);
	v0 =	vld [tilespmem:s24+$0x6410];
	[smem:$0x7F0] =	sst s26  }
0x45e: {  	[smem:$0x7F1] =	sst s25  }
0x45f: {  	s30 =	spop (v2sf);
	[tilespmem:s28+$0xFFFFFC10] =	vst v3  }
0x460: {  	(v2sf) =	vpush v1, $0x7;
	s26 =	spop (v2sf);
	[tilespmem:s0+$0xFFFFFD60] =	vst v4;
	v3 =	vld [tilespmem:s23+$0x6420]  }
0x461: {  	[dreg:$0x3] =	wrdreg s26  }
0x462: {  	s25 =	spop (v2sf);
	v4 =	vld [tilespmem:s18+$0x6430];
	[tilespmem:s28+$0x30] =	vst v5  }
0x463: {  	v5 =	vld [tilespmem:s25+$0x6400];
	[tilespmem:s0+$0x190] =	vst v0  }
0x464: {  	v0 =	vld [tilespmem:s24+$0x6420]  }
0x465: {  	[tilespmem:s28+$0xFFFFFC20] =	vst v3  }
0x466: {  	v3 =	vld [tilespmem:s23+$0x6430]  }
0x467: {  	[tilespmem:s0+$0xFFFFFD70] =	vst v4  }
0x468: {  	v4 =	vld [tilespmem:s15+$0x6400];
	[tilespmem:s28+$0x40] =	vst v5  }
0x469: {  	v5 =	vld [tilespmem:s25+$0x6410];
	[tilespmem:s0+$0x1A0] =	vst v0  }
0x46a: {  	v0 =	vld [tilespmem:s24+$0x6430]  }
0x46b: {  	(v2sf) =	vpush v2, $0x2;
	[tilespmem:s28+$0xFFFFFC30] =	vst v3  }
0x46c: {  	v3 =	vld [tilespmem:s21+$0x6400]  }
0x46d: {  	[tilespmem:s0+$0xFFFFFD80] =	vst v4  }
0x46e: {  	v4 =	vld [tilespmem:s15+$0x6410];
	[tilespmem:s28+$0x50] =	vst v5  }
0x46f: {  	s26 =	spop (v2sf);
	v5 =	vld [tilespmem:s25+$0x6420];
	[tilespmem:s0+$0x1B0] =	vst v0  }
0x470: {  	v0 =	vld [tilespmem:s26+$0x6400]  }
0x471: {  	[tilespmem:s28+$0xFFFFFC40] =	vst v3  }
0x472: {  	v3 =	vld [tilespmem:s21+$0x6410]  }
0x473: {  	[tilespmem:s0+$0xFFFFFD90] =	vst v4  }
0x474: {  	v4 =	vld [tilespmem:s15+$0x6420];
	[tilespmem:s28+$0x60] =	vst v5  }
0x475: {  	v5 =	vld [tilespmem:s25+$0x6430];
	[tilespmem:s0+$0x1C0] =	vst v0  }
0x476: {  	v0 =	vld [tilespmem:s26+$0x6410]  }
0x477: {  	[tilespmem:s28+$0xFFFFFC50] =	vst v3  }
0x478: {  	(v2sf) =	vpush v1, $0x8;
	v3 =	vld [tilespmem:s21+$0x6420]  }
0x479: {  	[tilespmem:s0+$0xFFFFFDA0] =	vst v4  }
0x47a: {  	s23 =	spop (v2sf);
	v4 =	vld [tilespmem:s15+$0x6430];
	[tilespmem:s28+$0x70] =	vst v5  }
0x47b: {  	v5 =	vld [tilespmem:s23+$0x6400];
	[tilespmem:s0+$0x1D0] =	vst v0  }
0x47c: {  	v0 =	vld [tilespmem:s26+$0x6420]  }
0x47d: {  	[tilespmem:s28+$0xFFFFFC60] =	vst v3  }
0x47e: {  	v3 =	vld [tilespmem:s21+$0x6430]  }
0x47f: {  	[tilespmem:s0+$0xFFFFFDB0] =	vst v4  }
0x480: {  	v4 =	vld [tilespmem:s6+$0x6400];
	[tilespmem:s28+$0x80] =	vst v5  }
0x481: {  	v5 =	vld [tilespmem:s23+$0x6410];
	[tilespmem:s0+$0x1E0] =	vst v0  }
0x482: {  	v0 =	vld [tilespmem:s26+$0x6430]  }
0x483: {  	(v2sf) =	vpush v2, $0x3;
	[tilespmem:s28+$0xFFFFFC70] =	vst v3  }
0x484: {  	v3 =	vld [tilespmem:s19+$0x6400]  }
0x485: {  	[tilespmem:s0+$0xFFFFFDC0] =	vst v4  }
0x486: {  	v4 =	vld [tilespmem:s6+$0x6410];
	[tilespmem:s28+$0x90] =	vst v5  }
0x487: {  	s24 =	spop (v2sf);
	v5 =	vld [tilespmem:s23+$0x6420];
	[tilespmem:s0+$0x1F0] =	vst v0  }
0x488: {  	v0 =	vld [tilespmem:s24+$0x6400]  }
0x489: {  	[tilespmem:s28+$0xFFFFFC80] =	vst v3  }
0x48a: {  	v3 =	vld [tilespmem:s19+$0x6410]  }
0x48b: {  	[tilespmem:s0+$0xFFFFFDD0] =	vst v4  }
0x48c: {  	v4 =	vld [tilespmem:s6+$0x6420];
	[tilespmem:s28+$0xA0] =	vst v5  }
0x48d: {  	v5 =	vld [tilespmem:s23+$0x6430];
	[tilespmem:s0+$0x200] =	vst v0  }
0x48e: {  	v0 =	vld [tilespmem:s24+$0x6410]  }
0x48f: {  	[tilespmem:s28+$0xFFFFFC90] =	vst v3  }
0x490: {  	(v2sf) =	vpush v1, $0x9;
	v3 =	vld [tilespmem:s19+$0x6420]  }
0x491: {  	[tilespmem:s0+$0xFFFFFDE0] =	vst v4  }
0x492: {  	s25 =	spop (v2sf);
	v4 =	vld [tilespmem:s6+$0x6430];
	[tilespmem:s28+$0xB0] =	vst v5  }
0x493: {  	v5 =	vld [tilespmem:s25+$0x6400];
	[tilespmem:s0+$0x210] =	vst v0  }
0x494: {  	v0 =	vld [tilespmem:s24+$0x6420]  }
0x495: {  	[tilespmem:s28+$0xFFFFFCA0] =	vst v3  }
0x496: {  	v3 =	vld [tilespmem:s19+$0x6430]  }
0x497: {  	[tilespmem:s0+$0xFFFFFDF0] =	vst v4  }
0x498: {  	v4 =	vld [tilespmem:s5+$0x6400];
	[tilespmem:s28+$0xC0] =	vst v5  }
0x499: {  	v5 =	vld [tilespmem:s25+$0x6410];
	[tilespmem:s0+$0x220] =	vst v0  }
0x49a: {  	v0 =	vld [tilespmem:s24+$0x6430]  }
0x49b: {  	(v2sf) =	vpush v2, $0x4;
	[tilespmem:s28+$0xFFFFFCB0] =	vst v3  }
0x49c: {  	v3 =	vld [tilespmem:s20+$0x6400]  }
0x49d: {  	[tilespmem:s0+$0xFFFFFE00] =	vst v4  }
0x49e: {  	v4 =	vld [tilespmem:s5+$0x6410];
	[tilespmem:s28+$0xD0] =	vst v5  }
0x49f: {  	s26 =	spop (v2sf);
	v5 =	vld [tilespmem:s25+$0x6420];
	[tilespmem:s0+$0x230] =	vst v0  }
0x4a0: {  	v0 =	vld [tilespmem:s26+$0x6400]  }
0x4a1: {  	[tilespmem:s28+$0xFFFFFCC0] =	vst v3  }
0x4a2: {  	v3 =	vld [tilespmem:s20+$0x6410]  }
0x4a3: {  	[tilespmem:s0+$0xFFFFFE10] =	vst v4  }
0x4a4: {  	v4 =	vld [tilespmem:s5+$0x6420];
	[tilespmem:s28+$0xE0] =	vst v5  }
0x4a5: {  	v5 =	vld [tilespmem:s25+$0x6430];
	[tilespmem:s0+$0x240] =	vst v0  }
0x4a6: {  	v0 =	vld [tilespmem:s26+$0x6410]  }
0x4a7: {  	[tilespmem:s28+$0xFFFFFCD0] =	vst v3  }
0x4a8: {  	(v2sf) =	vpush v1, $0xA;
	s18 =	sadd.s32 $0x20, s7;
	v3 =	vld [tilespmem:s20+$0x6420]  }
0x4a9: {  	v6 =	vld [tilespmem:s18+$0x0];
	[tilespmem:s0+$0xFFFFFE20] =	vst v4  }
0x4aa: {  	s21 =	spop (v2sf);
	v4 =	vld [tilespmem:s5+$0x6430];
	[tilespmem:s28+$0xF0] =	vst v5  }
0x4ab: {  	v5 =	vld [tilespmem:s21+$0x6400];
	[tilespmem:s0+$0x250] =	vst v0  }
0x4ac: {  	s19 =	sadd.s32 $0x20, s11;
	v0 =	vld [tilespmem:s26+$0x6420]  }
0x4ad: {  	[tilespmem:s28+$0xFFFFFCE0] =	vst v3;
	v3 =	vld [tilespmem:s19+$0x0]  }
0x4ae: {  	v7 =	vld [tilespmem:s20+$0x6430]  }
0x4af: {  	v8 =	vld [tilespmem:s19+$0xFFFFFFF0];
	[tilespmem:s0+$0xFFFFFE30] =	vst v4  }
0x4b0: {  	v4 =	vld [tilespmem:s1+$0x6400];
	[tilespmem:s28+$0x100] =	vst v5  }
0x4b1: {  	v5 =	vld [tilespmem:s21+$0x6410];
	[tilespmem:s0+$0x260] =	vst v0  }
0x4b2: {  	v0 =	vld [tilespmem:s26+$0x6430];
	v3 =	vsub.s32 v3, v6  }
0x4b3: {  	(v2sf) =	vpush v2, $0x5;
	v6 =	vld [tilespmem:s18+$0xFFFFFFF0];
	[tilespmem:s28+$0xFFFFFCF0] =	vst v7;
	vm12 =	vgt.s32 v3, $0x1  }
0x4b4: {  	v7 =	vld [tilespmem:s17+$0x6400];
	v3 =	vnsel vm12, $0x1, v3  }
0x4b5: {  	v9 =	vcvt.s32.f32 v3  }
0x4b6: {  	[tilespmem:s28+$0x110] =	vst v5  }
0x4b7: {  	s22 =	spop (v2sf);
	v5 =	vld [tilespmem:s21+$0x6420];
	[tilespmem:s0+$0x270] =	vst v0;
	v0 =	vshrl.u32 v9, $0x17  }
0x4b8: {  	[tilespmem:s0+$0xFFFFFE40] =	vst v4;
	v6 =	vsub.s32 v8, v6;
	v4 =	vld [tilespmem:s22+$0x6400];
	v0 =	vmax.u32 v0, $0x81  }
0x4b9: {  	v3 =	vmin.u32 v3, $0x5;
	v8 =	vld [tilespmem:s1+$0x6410];
	vm13 =	vgt.s32 v6, $0x1;
	[tilespmem:s28+$0xFFFFFD00] =	vst v7;
	v0 =	vmin.u32 v0, $0x85  }
0x4ba: {  	v6 =	vnsel vm13, $0x1, v6;
	v7 =	vld [tilespmem:s17+$0x6410];
	v0 =	vadd.s32 v3, v0  }
0x4bb: {  	v3 =	vcvt.s32.f32 v6;
	v0 =	vshll.u32 v0, $0x6  }
0x4bc: {  	[tilespmem:s28+$0x120] =	vst v5;
	v0 =	vadd.s32 $0xFFFFDF80, v0  }
0x4bd: {  	v3 =	vshrl.u32 v3, $0x17;
	v5 =	vld [tilespmem:s21+$0x6430];
	[tilespmem:s0+$0x280] =	vst v4;
	(v2sf) =	vpush v0, $0x0  }
0x4be: {  	[tilespmem:s0+$0xFFFFFE50] =	vst v8;
	v3 =	vmax.u32 v3, $0x81;
	v4 =	vld [tilespmem:s22+$0x6410]  }
0x4bf: {  	v6 =	vmin.u32 v6, $0x5;
	v8 =	vld [tilespmem:s1+$0x6420];
	v3 =	vmin.u32 v3, $0x85;
	[tilespmem:s28+$0xFFFFFD10] =	vst v7  }
0x4c0: {  	(v2sf) =	vpush v1, $0xB;
	v3 =	vadd.s32 v6, v3;
	v6 =	vld [tilespmem:s17+$0x6420]  }
0x4c1: {  	v3 =	vshll.u32 v3, $0x6  }
0x4c2: {  	s23 =	spop (v2sf);
	v3 =	vadd.s32 $0xFFFFDF80, v3;
	[tilespmem:s28+$0x130] =	vst v5  }
0x4c3: {  	(v2sf) =	vpush v3, $0x0;
	[tilespmem:s0+$0x290] =	vst v4;
	v4 =	vld [tilespmem:s23+$0x6400]  }
0x4c4: {  	[tilespmem:s0+$0xFFFFFE60] =	vst v8;
	(v2sf) =	vpush v3, $0x1;
	v5 =	vld [tilespmem:s22+$0x6420]  }
0x4c5: {  	v7 =	vld [tilespmem:s1+$0x6430];
	(v2sf) =	vpush v3, $0x2;
	[tilespmem:s28+$0xFFFFFD20] =	vst v6  }
0x4c6: {  	(v2sf) =	vpush v3, $0x3;
	v6 =	vld [tilespmem:s17+$0x6430]  }
0x4c7: {  	(v2sf) =	vpush v3, $0x4  }
0x4c8: {  	(v2sf) =	vpush v3, $0x5;
	[tilespmem:s28+$0x140] =	vst v4  }
0x4c9: {  	(v2sf) =	vpush v3, $0x6;
	v4 =	vld [tilespmem:s23+$0x6410];
	[tilespmem:s0+$0x2A0] =	vst v5  }
0x4ca: {  	[tilespmem:s0+$0xFFFFFE70] =	vst v7;
	(v2sf) =	vpush v3, $0x7;
	v5 =	vld [tilespmem:s22+$0x6430]  }
0x4cb: {  	v7 =	vld [tilespmem:s3+$0x6400];
	(v2sf) =	vpush v2, $0x6;
	[tilespmem:s28+$0xFFFFFD30] =	vst v6  }
0x4cc: {  	(v2sf) =	vpush v3, $0x8;
	v6 =	vld [tilespmem:s10+$0x6400];
	s11 =	spop (v2sf)  }
0x4cd: {  	(v2sf) =	vpush v3, $0x9;
	v8 =	vld [tilespmem:s11+$0x6400]  }
0x4ce: {  	(v2sf) =	vpush v3, $0xA;
	[tilespmem:s28+$0x150] =	vst v4  }
0x4cf: {  	s25 =	spop (v2sf);
	(v2sf) =	vpush v3, $0xB;
	v4 =	vld [tilespmem:s23+$0x6420];
	[tilespmem:s0+$0x2B0] =	vst v5  }
0x4d0: {  	[tilespmem:s0+$0xFFFFFE80] =	vst v7;
	(v2sf) =	vpush v3, $0xC;
	v5 =	vld [tilespmem:s25+$0x6400]  }
0x4d1: {  	s31 =	simm.s32 $0x14280;
	v7 =	vld [tilespmem:s3+$0x6410];
	(v2sf) =	vpush v3, $0xD;
	[tilespmem:s28+$0xFFFFFD40] =	vst v6  }
0x4d2: {  	(v2sf) =	vpush v3, $0xE;
	s26 =	spop (v2sf);
	v6 =	vld [tilespmem:s10+$0x6410];
	[tilespmem:s31+$0x0] =	vst v8  }
0x4d3: {  	(v2sf) =	vpush v3, $0xF;
	s24 =	spop (v2sf);
	v3 =	vld [tilespmem:s11+$0x6410]  }
0x4d4: {  	v8 =	vld [tilespmem:s26+$0x6400];
	s20 =	spop (v2sf);
	[tilespmem:s28+$0x160] =	vst v4  }
0x4d5: {  	s1 =	spop (v2sf);
	v4 =	vld [tilespmem:s23+$0x6430];
	[tilespmem:s0+$0x2C0] =	vst v5  }
0x4d6: {  	[tilespmem:s0+$0xFFFFFE90] =	vst v7;
	s21 =	spop (v2sf);
	v5 =	vld [tilespmem:s25+$0x6410]  }
0x4d7: {  	s17 =	spop (v2sf);
	[tilespmem:s28+$0xFFFFFD50] =	vst v6;
	v6 =	vld [tilespmem:s3+$0x6420]  }
0x4d8: {  	s15 =	spop (v2sf);
	v7 =	vld [tilespmem:s10+$0x6420];
	[tilespmem:s31+$0x10] =	vst v3  }
0x4d9: {  	[tilespmem:s31+$0xFFFFFC00] =	vst v8;
	s22 =	spop (v2sf);
	v3 =	vld [tilespmem:s11+$0x6420]  }
0x4da: {  	s29 =	spop (v2sf);
	[tilespmem:s28+$0x170] =	vst v4  }
0x4db: {  	v8 =	vld [tilespmem:s26+$0x6410];
	s23 =	spop (v2sf);
	[tilespmem:s0+$0x2D0] =	vst v5  }
0x4dc: {  	v4 =	vld [tilespmem:s29+$0x6400];
	s5 =	spop (v2sf);
	[tilespmem:s0+$0xFFFFFEA0] =	vst v6  }
0x4dd: {  	(v2sf) =	vpush v0, $0x1;
	v5 =	vld [tilespmem:s25+$0x6420];
	s6 =	spop (v2sf);
	[tilespmem:s28+$0xFFFFFD60] =	vst v7  }
0x4de: {  	v6 =	vld [tilespmem:s3+$0x6430];
	s7 =	spop (v2sf);
	[tilespmem:s31+$0x20] =	vst v3  }
0x4df: {  	v7 =	vld [tilespmem:s10+$0x6430];
	[dreg:$0xd] =	wrdreg s7  }
0x4e0: {  	v3 =	vld [tilespmem:s11+$0x6430];
	[tilespmem:s31+$0xFFFFFC10] =	vst v8;
	s11 =	spop (v2sf)  }
0x4e1: {  	[dreg:$0x9] =	wrdreg s11  }
0x4e2: {  	[tilespmem:s28+$0x180] =	vst v4  }
0x4e3: {  	v4 =	vld [tilespmem:s29+$0x6410]  }
0x4e4: {  	(v2sf) =	vpush v1, $0xC;
	s11 =	spop (v2sf)  }
0x4e5: {  	(v2sf) =	vpush v2, $0x7;
	[tilespmem:s0+$0x2E0] =	vst v5;
	s7 =	spop (v2sf)  }
0x4e6: {  	v8 =	vld [tilespmem:s26+$0x6420];
	[dreg:$0x7] =	wrdreg s7;
	s7 =	spop (v2sf)  }
0x4e7: {  	[dreg:$0x6] =	wrdreg s7  }
0x4e8: {  	[tilespmem:s28+$0x190] =	vst v4  }
0x4e9: {  	v4 =	vld [tilespmem:s29+$0x6420];
	_ =	sdelay $0x1  }
0x4ea: {  	v5 =	vld [tilespmem:s25+$0x6430];
	[tilespmem:s31+$0xFFFFFC20] =	vst v8  }
0x4eb: {  	[tilespmem:s31+$0x30] =	vst v3;
	v8 =	vld [tilespmem:s26+$0x6430];
	s25 =	spop (v2sf)  }
0x4ec: {  	v3 =	vld [tilespmem:s25+$0x6400]  }
0x4ed: {  	[tilespmem:s28+$0x1A0] =	vst v4  }
0x4ee: {  	[tilespmem:s28+$0xFFFFFD70] =	vst v7;
	v4 =	vld [tilespmem:s29+$0x6430]  }
0x4ef: {  	[tilespmem:s0+$0xFFFFFEB0] =	vst v6;
	v7 =	vld [tilespmem:s16+$0x6400]  }
0x4f0: {  	[tilespmem:s31+$0xFFFFFC30] =	vst v8;
	v6 =	vld [tilespmem:s9+$0x6400]  }
0x4f1: {  	v8 =	vld [tilespmem:s24+$0x6400];
	[tilespmem:s31+$0x40] =	vst v3  }
0x4f2: {  	[tilespmem:s0+$0x2F0] =	vst v5;
	s26 =	spop (v2sf);
	v3 =	vld [tilespmem:s25+$0x6410]  }
0x4f3: {  	v5 =	vld [tilespmem:s26+$0x6400];
	s7 =	spop (v2sf);
	[tilespmem:s28+$0x1B0] =	vst v4  }
0x4f4: {  	(v2sf) =	vpush v0, $0x2;
	[tilespmem:s28+$0xFFFFFD80] =	vst v7;
	v4 =	vld [tilespmem:s7+$0x6400]  }
0x4f5: {  	[tilespmem:s0+$0xFFFFFEC0] =	vst v6;
	v7 =	vld [tilespmem:s16+$0x6410]  }
0x4f6: {  	[tilespmem:s31+$0xFFFFFC40] =	vst v8;
	v6 =	vld [tilespmem:s9+$0x6410]  }
0x4f7: {  	v8 =	vld [tilespmem:s24+$0x6410];
	[tilespmem:s31+$0x50] =	vst v3  }
0x4f8: {  	[tilespmem:s0+$0x300] =	vst v5;
	v3 =	vld [tilespmem:s25+$0x6420]  }
0x4f9: {  	v5 =	vld [tilespmem:s26+$0x6410];
	[tilespmem:s28+$0x1C0] =	vst v4  }
0x4fa: {  	[tilespmem:s28+$0xFFFFFD90] =	vst v7;
	v4 =	vld [tilespmem:s7+$0x6410]  }
0x4fb: {  	(v2sf) =	vpush v1, $0xD;
	[tilespmem:s0+$0xFFFFFED0] =	vst v6;
	v7 =	vld [tilespmem:s16+$0x6420]  }
0x4fc: {  	(v2sf) =	vpush v2, $0x8;
	[tilespmem:s31+$0xFFFFFC50] =	vst v8;
	v6 =	vld [tilespmem:s9+$0x6420]  }
0x4fd: {  	v8 =	vld [tilespmem:s24+$0x6420];
	[tilespmem:s31+$0x60] =	vst v3  }
0x4fe: {  	[tilespmem:s0+$0x310] =	vst v5;
	v3 =	vld [tilespmem:s25+$0x6430]  }
0x4ff: {  	v5 =	vld [tilespmem:s26+$0x6420];
	[tilespmem:s28+$0x1D0] =	vst v4  }
0x500: {  	[tilespmem:s28+$0xFFFFFDA0] =	vst v7;
	v4 =	vld [tilespmem:s7+$0x6420]  }
0x501: {  	[tilespmem:s0+$0xFFFFFEE0] =	vst v6;
	v7 =	vld [tilespmem:s16+$0x6430]  }
0x502: {  	[tilespmem:s31+$0xFFFFFC60] =	vst v8;
	v6 =	vld [tilespmem:s9+$0x6430]  }
0x503: {  	s25 =	spop (v2sf);
	v8 =	vld [tilespmem:s24+$0x6430];
	[tilespmem:s31+$0x70] =	vst v3  }
0x504: {  	[tilespmem:s0+$0x320] =	vst v5;
	v3 =	vld [tilespmem:s25+$0x6400]  }
0x505: {  	v5 =	vld [tilespmem:s26+$0x6430];
	[tilespmem:s28+$0x1E0] =	vst v4  }
0x506: {  	s26 =	simm.s32 $0x13280;
	[tilespmem:s28+$0xFFFFFDB0] =	vst v7;
	v4 =	vld [tilespmem:s7+$0x6430]  }
0x507: {  	[tilespmem:s26+$0xFFFFFEF0] =	vst v6;
	v7 =	vld [tilespmem:s14+$0x6400]  }
0x508: {  	[tilespmem:s31+$0xFFFFFC70] =	vst v8;
	v6 =	vld [tilespmem:s4+$0x6400]  }
0x509: {  	v8 =	vld [tilespmem:s20+$0x6400];
	[tilespmem:s31+$0x80] =	vst v3  }
0x50a: {  	s3 =	spop (v2sf);
	[tilespmem:s26+$0x330] =	vst v5;
	v3 =	vld [tilespmem:s25+$0x6410]  }
0x50b: {  	s7 =	spop (v2sf);
	v5 =	vld [tilespmem:s3+$0x6400];
	[tilespmem:s28+$0x1F0] =	vst v4  }
0x50c: {  	(v2sf) =	vpush v0, $0x3;
	[tilespmem:s28+$0xFFFFFDC0] =	vst v7;
	v4 =	vld [tilespmem:s7+$0x6400]  }
0x50d: {  	[tilespmem:s26+$0xFFFFFF00] =	vst v6;
	v7 =	vld [tilespmem:s14+$0x6410]  }
0x50e: {  	[tilespmem:s31+$0xFFFFFC80] =	vst v8;
	v6 =	vld [tilespmem:s4+$0x6410]  }
0x50f: {  	v8 =	vld [tilespmem:s20+$0x6410];
	[tilespmem:s31+$0x90] =	vst v3  }
0x510: {  	[tilespmem:s26+$0x340] =	vst v5;
	v3 =	vld [tilespmem:s25+$0x6420]  }
0x511: {  	v5 =	vld [tilespmem:s3+$0x6410];
	[tilespmem:s28+$0x200] =	vst v4  }
0x512: {  	[tilespmem:s28+$0xFFFFFDD0] =	vst v7;
	v4 =	vld [tilespmem:s7+$0x6410]  }
0x513: {  	(v2sf) =	vpush v1, $0xE;
	[tilespmem:s26+$0xFFFFFF10] =	vst v6;
	v7 =	vld [tilespmem:s14+$0x6420]  }
0x514: {  	(v2sf) =	vpush v2, $0x9;
	[tilespmem:s31+$0xFFFFFC90] =	vst v8;
	v6 =	vld [tilespmem:s4+$0x6420]  }
0x515: {  	v8 =	vld [tilespmem:s20+$0x6420];
	[tilespmem:s31+$0xA0] =	vst v3  }
0x516: {  	[tilespmem:s26+$0x350] =	vst v5;
	v3 =	vld [tilespmem:s25+$0x6430]  }
0x517: {  	v5 =	vld [tilespmem:s3+$0x6420];
	[tilespmem:s28+$0x210] =	vst v4  }
0x518: {  	[tilespmem:s28+$0xFFFFFDE0] =	vst v7;
	v4 =	vld [tilespmem:s7+$0x6420]  }
0x519: {  	[tilespmem:s26+$0xFFFFFF20] =	vst v6;
	v7 =	vld [tilespmem:s14+$0x6430]  }
0x51a: {  	[tilespmem:s31+$0xFFFFFCA0] =	vst v8;
	v6 =	vld [tilespmem:s4+$0x6430]  }
0x51b: {  	v8 =	vld [tilespmem:s20+$0x6430];
	[tilespmem:s31+$0xB0] =	vst v3;
	s20 =	spop (v2sf)  }
0x51c: {  	[tilespmem:s26+$0x360] =	vst v5;
	v3 =	vld [tilespmem:s20+$0x6400]  }
0x51d: {  	v5 =	vld [tilespmem:s3+$0x6430];
	[tilespmem:s28+$0x220] =	vst v4  }
0x51e: {  	[tilespmem:s28+$0xFFFFFDF0] =	vst v7;
	v4 =	vld [tilespmem:s7+$0x6430]  }
0x51f: {  	[tilespmem:s26+$0xFFFFFF30] =	vst v6;
	v7 =	vld [tilespmem:s13+$0x6400]  }
0x520: {  	[tilespmem:s31+$0xFFFFFCB0] =	vst v8;
	v6 =	vld [tilespmem:s2+$0x6400]  }
0x521: {  	v8 =	vld [tilespmem:s1+$0x6400];
	[tilespmem:s31+$0xC0] =	vst v3  }
0x522: {  	s24 =	spop (v2sf);
	[tilespmem:s26+$0x370] =	vst v5;
	v3 =	vld [tilespmem:s20+$0x6410]  }
0x523: {  	s25 =	spop (v2sf);
	v5 =	vld [tilespmem:s24+$0x6400];
	[tilespmem:s28+$0x230] =	vst v4  }
0x524: {  	(v2sf) =	vpush v0, $0x4;
	[tilespmem:s28+$0xFFFFFE00] =	vst v7;
	v4 =	vld [tilespmem:s25+$0x6400]  }
0x525: {  	[tilespmem:s26+$0xFFFFFF40] =	vst v6;
	v7 =	vld [tilespmem:s13+$0x6410]  }
0x526: {  	[tilespmem:s31+$0xFFFFFCC0] =	vst v8;
	v6 =	vld [tilespmem:s2+$0x6410]  }
0x527: {  	v8 =	vld [tilespmem:s1+$0x6410];
	[tilespmem:s31+$0xD0] =	vst v3  }
0x528: {  	[tilespmem:s26+$0x380] =	vst v5;
	v3 =	vld [tilespmem:s20+$0x6420]  }
0x529: {  	v5 =	vld [tilespmem:s24+$0x6410];
	[tilespmem:s28+$0x240] =	vst v4  }
0x52a: {  	[tilespmem:s28+$0xFFFFFE10] =	vst v7;
	v4 =	vld [tilespmem:s25+$0x6410]  }
0x52b: {  	[tilespmem:s26+$0xFFFFFF50] =	vst v6;
	v7 =	vld [tilespmem:s13+$0x6420]  }
0x52c: {  	[tilespmem:s31+$0xFFFFFCD0] =	vst v8;
	v6 =	vld [tilespmem:s2+$0x6420]  }
0x52d: {  	v8 =	vld [tilespmem:s1+$0x6420];
	[tilespmem:s31+$0xE0] =	vst v3  }
0x52e: {  	[tilespmem:s26+$0x390] =	vst v5;
	v3 =	vld [tilespmem:s20+$0x6430]  }
0x52f: {  	v5 =	vld [tilespmem:s24+$0x6420];
	[tilespmem:s28+$0x250] =	vst v4  }
0x530: {  	(v2sf) =	vpush v1, $0xF;
	[tilespmem:s28+$0xFFFFFE20] =	vst v7;
	v1 =	vld [tilespmem:s25+$0x6420]  }
0x531: {  	[tilespmem:s26+$0xFFFFFF60] =	vst v6;
	v6 =	vld [tilespmem:s13+$0x6430]  }
0x532: {  	(v2sf) =	vpush v2, $0xA;
	[tilespmem:s31+$0xFFFFFCE0] =	vst v8;
	v4 =	vld [tilespmem:s2+$0x6430]  }
0x533: {  	v7 =	vld [tilespmem:s1+$0x6430];
	[tilespmem:s31+$0xF0] =	vst v3;
	s2 =	spop (v2sf)  }
0x534: {  	s16 =	sadd.s32 $0x20, s19;
	[tilespmem:s26+$0x3A0] =	vst v5;
	v3 =	vld [tilespmem:s2+$0x6400]  }
0x535: {  	v10 =	vld [tilespmem:s16+$0xFFFFFFF0];
	s20 =	sadd.s32 $0x20, s18;
	[tilespmem:s28+$0x260] =	vst v1  }
0x536: {  	v8 =	vld [tilespmem:s20+$0x0];
	[tilespmem:s28+$0xFFFFFE30] =	vst v6  }
0x537: {  	v5 =	vld [tilespmem:s24+$0x6430];
	[tilespmem:s26+$0xFFFFFF70] =	vst v4  }
0x538: {  	v6 =	vld [tilespmem:s16+$0x0];
	[tilespmem:s31+$0xFFFFFCF0] =	vst v7  }
0x539: {  	v58 =	vld [tilespmem:s8+$0x6400];
	[tilespmem:s31+$0x100] =	vst v3  }
0x53a: {  	v4 =	vld [tilespmem:s20+$0xFFFFFFF0];
	s4 =	sld [smem:$0x7ED]  }
0x53b: {  	v3 =	vld [tilespmem:s2+$0x6410]  }
0x53c: {  	v1 =	vld [tilespmem:s25+$0x6430]  }
0x53d: {  	(v2sf) =	vpush v0, $0x5;
	v7 =	vld [tilespmem:s4+$0x6400];
	v6 =	vsub.s32 v6, v8  }
0x53e: {  	v8 =	vld [tilespmem:s21+$0x6400];
	[tilespmem:s28+$0xFFFFFE40] =	vst v58;
	vm14 =	vgt.s32 v6, $0x1  }
0x53f: {  	s7 =	spop (v2sf);
	[tilespmem:s26+$0x3B0] =	vst v5;
	v5 =	vnsel vm14, $0x1, v6;
	v6 =	vld [tilespmem:s8+$0x6410]  }
0x540: {  	v59 =	vld [tilespmem:s7+$0x6400];
	[tilespmem:s31+$0x110] =	vst v3;
	v3 =	vcvt.s32.f32 v5  }
0x541: {  	s9 =	spop (v2sf);
	v4 =	vsub.s32 v10, v4;
	[tilespmem:s28+$0x270] =	vst v1;
	v1 =	vld [tilespmem:s2+$0x6420]  }
0x542: {  	vm15 =	vgt.s32 v4, $0x1;
	[tilespmem:s26+$0xFFFFFF80] =	vst v7;
	v7 =	vld [tilespmem:s9+$0x6400];
	v3 =	vshrl.u32 v3, $0x17  }
0x543: {  	v4 =	vnsel vm15, $0x1, v4;
	[tilespmem:s31+$0xFFFFFD00] =	vst v8;
	v3 =	vmax.u32 v3, $0x81;
	v8 =	vld [tilespmem:s4+$0x6410]  }
0x544: {  	v5 =	vmin.u32 v5, $0x5;
	v60 =	vld [tilespmem:s21+$0x6410];
	v3 =	vmin.u32 v3, $0x85;
	[tilespmem:s28+$0xFFFFFE50] =	vst v6;
	v6 =	vcvt.s32.f32 v4  }
0x545: {  	[tilespmem:s26+$0x3C0] =	vst v59;
	v3 =	vadd.s32 v5, v3;
	v5 =	vld [tilespmem:s8+$0x6420]  }
0x546: {  	v9 =	vld [tilespmem:s7+$0x6410];
	[tilespmem:s31+$0x120] =	vst v1;
	v1 =	vshll.u32 v3, $0x6;
	v3 =	vshrl.u32 v6, $0x17  }
0x547: {  	v6 =	vld [tilespmem:s2+$0x6430];
	[tilespmem:s28+$0x280] =	vst v7;
	v1 =	vadd.s32 $0xFFFFDF80, v1;
	v3 =	vmax.u32 v3, $0x81  }
0x548: {  	v4 =	vmin.u32 v4, $0x5;
	v7 =	vld [tilespmem:s9+$0x6410];
	(v2sf) =	vpush v1, $0x0;
	[tilespmem:s26+$0xFFFFFF90] =	vst v8;
	v3 =	vmin.u32 v3, $0x85  }
0x549: {  	[tilespmem:s31+$0xFFFFFD10] =	vst v60;
	v8 =	vld [tilespmem:s4+$0x6420];
	v3 =	vadd.s32 v4, v3  }
0x54a: {  	v4 =	vld [tilespmem:s21+$0x6420];
	(v2sf) =	vpush v2, $0xB;
	[tilespmem:s28+$0xFFFFFE60] =	vst v5;
	v3 =	vshll.u32 v3, $0x6  }
0x54b: {  	[tilespmem:s26+$0x3D0] =	vst v9;
	v5 =	vld [tilespmem:s8+$0x6430];
	v3 =	vadd.s32 $0xFFFFDF80, v3  }
0x54c: {  	s13 =	spop (v2sf);
	v9 =	vld [tilespmem:s7+$0x6420];
	[tilespmem:s31+$0x130] =	vst v6;
	(v2sf) =	vpush v3, $0x0  }
0x54d: {  	v6 =	vld [tilespmem:s13+$0x6400];
	[tilespmem:s28+$0x290] =	vst v7  }
0x54e: {  	v7 =	vld [tilespmem:s9+$0x6420];
	[tilespmem:s26+$0xFFFFFFA0] =	vst v8  }
0x54f: {  	s10 =	smov.u32 s30;
	(v2sf) =	vpush v3, $0x1;
	v8 =	vld [tilespmem:s4+$0x6430];
	s30 =	sld [smem:$0x7EE];
	[tilespmem:s31+$0xFFFFFD20] =	vst v4  }
0x550: {  	(v2sf) =	vpush v3, $0x2;
	v4 =	vld [tilespmem:s21+$0x6430];
	[tilespmem:s28+$0xFFFFFE70] =	vst v5  }
0x551: {  	(v2sf) =	vpush v3, $0x3;
	[tilespmem:s26+$0x3E0] =	vst v9;
	v5 =	vld [tilespmem:s12+$0x6400]  }
0x552: {  	(v2sf) =	vpush v3, $0x4;
	v9 =	vld [tilespmem:s7+$0x6430];
	[tilespmem:s31+$0x140] =	vst v6  }
0x553: {  	(v2sf) =	vpush v3, $0x5;
	v6 =	vld [tilespmem:s13+$0x6410];
	[tilespmem:s28+$0x2A0] =	vst v7  }
0x554: {  	(v2sf) =	vpush v3, $0x6;
	v7 =	vld [tilespmem:s9+$0x6430];
	[tilespmem:s26+$0xFFFFFFB0] =	vst v8  }
0x555: {  	(v2sf) =	vpush v3, $0x7;
	[tilespmem:s31+$0xFFFFFD30] =	vst v4;
	v4 =	vld [tilespmem:s30+$0x6400]  }
0x556: {  	(v2sf) =	vpush v0, $0x6;
	v8 =	vld [tilespmem:s17+$0x6400];
	[tilespmem:s28+$0xFFFFFE80] =	vst v5  }
0x557: {  	[tilespmem:s26+$0x3F0] =	vst v9;
	s14 =	spop (v2sf);
	v5 =	vld [tilespmem:s12+$0x6410]  }
0x558: {  	(v2sf) =	vpush v3, $0x8;
	[tilespmem:s31+$0x150] =	vst v6;
	v61 =	vld [tilespmem:s14+$0x6400]  }
0x559: {  	(v2sf) =	vpush v3, $0x9;
	v6 =	vld [tilespmem:s13+$0x6420];
	s24 =	spop (v2sf);
	[tilespmem:s28+$0x2B0] =	vst v7  }
0x55a: {  	(v2sf) =	vpush v3, $0xA;
	v7 =	vld [tilespmem:s24+$0x6400];
	[tilespmem:s26+$0xFFFFFFC0] =	vst v4  }
0x55b: {  	[tilespmem:s31+$0xFFFFFD40] =	vst v8;
	v4 =	vld [tilespmem:s30+$0x6410];
	s18 =	spop (v2sf)  }
0x55c: {  	s9 =	simm.s32 $0x14A80;
	(v2sf) =	vpush v3, $0xB;
	[tilespmem:s28+$0xFFFFFE90] =	vst v5;
	v5 =	vld [tilespmem:s18+$0x6400]  }
0x55d: {  	(v2sf) =	vpush v3, $0xC;
	v8 =	vld [tilespmem:s17+$0x6410];
	[tilespmem:s9+$0x0] =	vst v61  }
0x55e: {  	(v2sf) =	vpush v3, $0xD;
	s1 =	spop (v2sf);
	[tilespmem:s31+$0x160] =	vst v6;
	v9 =	vld [tilespmem:s14+$0x6410]  }
0x55f: {  	(v2sf) =	vpush v3, $0xE;
	s0 =	spop (v2sf);
	v6 =	vld [tilespmem:s13+$0x6430];
	[tilespmem:s28+$0x2C0] =	vst v7  }
0x560: {  	(v2sf) =	vpush v3, $0xF;
	s3 =	spop (v2sf);
	v3 =	vld [tilespmem:s24+$0x6410];
	[tilespmem:s26+$0xFFFFFFD0] =	vst v4  }
0x561: {  	s21 =	spop (v2sf);
	v4 =	vld [tilespmem:s12+$0x6420];
	[tilespmem:s9+$0xFFFFFC00] =	vst v5  }
0x562: {  	s19 =	spop (v2sf);
	[tilespmem:s31+$0xFFFFFD50] =	vst v8;
	v5 =	vld [tilespmem:s18+$0x6410]  }
0x563: {  	s4 =	spop (v2sf);
	v7 =	vld [tilespmem:s17+$0x6420];
	[tilespmem:s9+$0x10] =	vst v9  }
0x564: {  	s8 =	spop (v2sf);
	[tilespmem:s31+$0x170] =	vst v6;
	v8 =	vld [tilespmem:s14+$0x6420]  }
0x565: {  	s25 =	spop (v2sf);
	[tilespmem:s28+$0x2D0] =	vst v3  }
0x566: {  	(v2sf) =	vpush v1, $0x1;
	v6 =	vld [tilespmem:s25+$0x6400];
	[tilespmem:s28+$0xFFFFFEA0] =	vst v4  }
0x567: {  	(v2sf) =	vpush v2, $0xC;
	s29 =	spop (v2sf);
	v3 =	vld [tilespmem:s24+$0x6420];
	[tilespmem:s9+$0xFFFFFC10] =	vst v5  }
0x568: {  	v4 =	vld [tilespmem:s12+$0x6430];
	s7 =	spop (v2sf);
	[tilespmem:s31+$0xFFFFFD60] =	vst v7  }
0x569: {  	s12 =	spop (v2sf);
	v5 =	vld [tilespmem:s18+$0x6420];
	[tilespmem:s9+$0x20] =	vst v8  }
0x56a: {  	v7 =	vld [tilespmem:s17+$0x6430];
	[dreg:$0x11] =	wrdreg s12  }
0x56b: {  	s13 =	spop (v2sf);
	[tilespmem:s31+$0x180] =	vst v6  }
0x56c: {  	v8 =	vld [tilespmem:s14+$0x6430];
	[dreg:$0xf] =	wrdreg s13  }
0x56d: {  	[tilespmem:s28+$0x2E0] =	vst v3  }
0x56e: {  	[tilespmem:s28+$0xFFFFFEB0] =	vst v4  }
0x56f: {  	s13 =	spop (v2sf);
	v6 =	vld [tilespmem:s25+$0x6410];
	s17 =	sld [smem:$0x7EF]  }
0x570: {  	v3 =	vld [tilespmem:s24+$0x6430];
	s24 =	spop (v2sf)  }
0x571: {  	(v2sf) =	vpush v0, $0x7;
	[tilespmem:s9+$0xFFFFFC20] =	vst v5;
	s14 =	spop (v2sf)  }
0x572: {  	v4 =	vld [tilespmem:s17+$0x6400];
	[dreg:$0x10] =	wrdreg s14  }
0x573: {  	v5 =	vld [tilespmem:s18+$0x6430];
	[tilespmem:s31+$0xFFFFFD70] =	vst v7  }
0x574: {  	s18 =	spop (v2sf);
	[tilespmem:s31+$0x190] =	vst v6;
	v7 =	vld [tilespmem:s15+$0x6400]  }
0x575: {  	[tilespmem:s9+$0x30] =	vst v8;
	s12 =	spop (v2sf);
	v6 =	vld [tilespmem:s25+$0x6420]  }
0x576: {  	[tilespmem:s28+$0x2F0] =	vst v3;
	v8 =	vld [tilespmem:s12+$0x6400];
	s14 =	spop (v2sf)  }
0x577: {  	v3 =	vld [tilespmem:s14+$0x6400];
	[tilespmem:s28+$0xFFFFFEC0] =	vst v4  }
0x578: {  	v4 =	vld [tilespmem:s17+$0x6410];
	[tilespmem:s9+$0xFFFFFC30] =	vst v5  }
0x579: {  	[tilespmem:s31+$0xFFFFFD80] =	vst v7;
	v5 =	vld [tilespmem:s1+$0x6400]  }
0x57a: {  	[tilespmem:s31+$0x1A0] =	vst v6;
	v7 =	vld [tilespmem:s15+$0x6410]  }
0x57b: {  	[tilespmem:s9+$0x40] =	vst v8;
	v6 =	vld [tilespmem:s25+$0x6430]  }
0x57c: {  	v8 =	vld [tilespmem:s12+$0x6410];
	[tilespmem:s28+$0x300] =	vst v3  }
0x57d: {  	v3 =	vld [tilespmem:s14+$0x6410];
	[tilespmem:s28+$0xFFFFFED0] =	vst v4  }
0x57e: {  	v4 =	vld [tilespmem:s17+$0x6420];
	[tilespmem:s9+$0xFFFFFC40] =	vst v5  }
0x57f: {  	[tilespmem:s31+$0xFFFFFD90] =	vst v7;
	v5 =	vld [tilespmem:s1+$0x6410]  }
0x580: {  	(v2sf) =	vpush v1, $0x2;
	s25 =	spop (v2sf);
	[tilespmem:s31+$0x1B0] =	vst v6;
	v7 =	vld [tilespmem:s15+$0x6420]  }
0x581: {  	[tilespmem:s9+$0x50] =	vst v8;
	v6 =	vld [tilespmem:s25+$0x6400]  }
0x582: {  	(v2sf) =	vpush v2, $0xD;
	v8 =	vld [tilespmem:s12+$0x6420];
	[tilespmem:s28+$0x310] =	vst v3  }
0x583: {  	s2 =	smov.u32 s17;
	v3 =	vld [tilespmem:s14+$0x6420];
	[tilespmem:s28+$0xFFFFFEE0] =	vst v4  }
0x584: {  	v4 =	vld [tilespmem:s2+$0x6430];
	[tilespmem:s9+$0xFFFFFC50] =	vst v5  }
0x585: {  	[tilespmem:s31+$0xFFFFFDA0] =	vst v7  }
0x586: {  	[tilespmem:s31+$0x1C0] =	vst v6  }
0x587: {  	[tilespmem:s9+$0x60] =	vst v8  }
0x588: {  	v5 =	vld [tilespmem:s1+$0x6420];
	[tilespmem:s28+$0x320] =	vst v3  }
0x589: {  	v7 =	vld [tilespmem:s15+$0x6430];
	[tilespmem:s28+$0xFFFFFEF0] =	vst v4  }
0x58a: {  	v8 =	vld [tilespmem:s12+$0x6430];
	s12 =	sld [smem:$0x7F0]  }
0x58b: {  	v6 =	vld [tilespmem:s25+$0x6410]  }
0x58c: {  	v3 =	vld [tilespmem:s14+$0x6430]  }
0x58d: {  	(v2sf) =	vpush v0, $0x8;
	[tilespmem:s9+$0xFFFFFC60] =	vst v5;
	v4 =	vld [tilespmem:s12+$0x6400]  }
0x58e: {  	v5 =	vld [tilespmem:s1+$0x6430];
	[tilespmem:s31+$0xFFFFFDB0] =	vst v7  }
0x58f: {  	s14 =	spop (v2sf);
	v7 =	vld [tilespmem:s22+$0x6400];
	[tilespmem:s9+$0x70] =	vst v8  }
0x590: {  	[tilespmem:s31+$0x1D0] =	vst v6;
	v8 =	vld [tilespmem:s14+$0x6400]  }
0x591: {  	s15 =	spop (v2sf);
	v6 =	vld [tilespmem:s25+$0x6420];
	[tilespmem:s28+$0x330] =	vst v3  }
0x592: {  	v3 =	vld [tilespmem:s15+$0x6400];
	[tilespmem:s28+$0xFFFFFF00] =	vst v4  }
0x593: {  	[tilespmem:s9+$0xFFFFFC70] =	vst v5;
	v4 =	vld [tilespmem:s12+$0x6410]  }
0x594: {  	[tilespmem:s31+$0xFFFFFDC0] =	vst v7;
	v5 =	vld [tilespmem:s0+$0x6400]  }
0x595: {  	v7 =	vld [tilespmem:s22+$0x6410];
	[tilespmem:s9+$0x80] =	vst v8  }
0x596: {  	[tilespmem:s31+$0x1E0] =	vst v6;
	v8 =	vld [tilespmem:s14+$0x6410]  }
0x597: {  	v6 =	vld [tilespmem:s25+$0x6430];
	[tilespmem:s28+$0x340] =	vst v3  }
0x598: {  	(v2sf) =	vpush v1, $0x3;
	v3 =	vld [tilespmem:s15+$0x6410];
	[tilespmem:s28+$0xFFFFFF10] =	vst v4  }
0x599: {  	[tilespmem:s9+$0xFFFFFC80] =	vst v5;
	v4 =	vld [tilespmem:s12+$0x6420]  }
0x59a: {  	(v2sf) =	vpush v2, $0xE;
	[tilespmem:s31+$0xFFFFFDD0] =	vst v7;
	v5 =	vld [tilespmem:s0+$0x6410]  }
0x59b: {  	v7 =	vld [tilespmem:s22+$0x6420];
	[tilespmem:s9+$0x90] =	vst v8  }
0x59c: {  	s25 =	spop (v2sf);
	[tilespmem:s31+$0x1F0] =	vst v6;
	v8 =	vld [tilespmem:s14+$0x6420]  }
0x59d: {  	v6 =	vld [tilespmem:s25+$0x6400];
	[tilespmem:s28+$0x350] =	vst v3  }
0x59e: {  	v3 =	vld [tilespmem:s15+$0x6420];
	[tilespmem:s28+$0xFFFFFF20] =	vst v4  }
0x59f: {  	[tilespmem:s9+$0xFFFFFC90] =	vst v5;
	v4 =	vld [tilespmem:s12+$0x6430]  }
0x5a0: {  	[tilespmem:s31+$0xFFFFFDE0] =	vst v7;
	v5 =	vld [tilespmem:s0+$0x6420]  }
0x5a1: {  	v7 =	vld [tilespmem:s22+$0x6430];
	[tilespmem:s9+$0xA0] =	vst v8  }
0x5a2: {  	[tilespmem:s31+$0x200] =	vst v6;
	v8 =	vld [tilespmem:s14+$0x6430]  }
0x5a3: {  	v6 =	vld [tilespmem:s25+$0x6410];
	[tilespmem:s28+$0x360] =	vst v3  }
0x5a4: {  	v3 =	vld [tilespmem:s15+$0x6430];
	[tilespmem:s28+$0xFFFFFF30] =	vst v4  }
0x5a5: {  	(v2sf) =	vpush v0, $0x9;
	s15 =	sld [smem:$0x7F1];
	[tilespmem:s9+$0xFFFFFCA0] =	vst v5  }
0x5a6: {  	[tilespmem:s31+$0xFFFFFDF0] =	vst v7;
	v5 =	vld [tilespmem:s0+$0x6430]  }
0x5a7: {  	s17 =	spop (v2sf);
	[tilespmem:s9+$0xB0] =	vst v8;
	v7 =	vld [tilespmem:s23+$0x6400]  }
0x5a8: {  	[tilespmem:s31+$0x210] =	vst v6;
	v8 =	vld [tilespmem:s17+$0x6400]  }
0x5a9: {  	s22 =	spop (v2sf);
	[tilespmem:s28+$0x370] =	vst v3;
	v6 =	vld [tilespmem:s25+$0x6420]  }
0x5aa: {  	v3 =	vld [tilespmem:s22+$0x6400]  }
0x5ab: {  	v4 =	vld [tilespmem:s15+$0x6400];
	[tilespmem:s9+$0xFFFFFCB0] =	vst v5  }
0x5ac: {  	[tilespmem:s31+$0xFFFFFE00] =	vst v7;
	v5 =	vld [tilespmem:s3+$0x6400]  }
0x5ad: {  	[tilespmem:s9+$0xC0] =	vst v8;
	v7 =	vld [tilespmem:s23+$0x6410]  }
0x5ae: {  	[tilespmem:s31+$0x220] =	vst v6;
	v8 =	vld [tilespmem:s17+$0x6410]  }
0x5af: {  	[tilespmem:s28+$0x380] =	vst v3;
	v6 =	vld [tilespmem:s25+$0x6430]  }
0x5b0: {  	v3 =	vld [tilespmem:s22+$0x6410];
	[tilespmem:s28+$0xFFFFFF40] =	vst v4  }
0x5b1: {  	(v2sf) =	vpush v1, $0x4;
	v4 =	vld [tilespmem:s15+$0x6410];
	[tilespmem:s9+$0xFFFFFCC0] =	vst v5  }
0x5b2: {  	(v2sf) =	vpush v2, $0xF;
	[tilespmem:s31+$0xFFFFFE10] =	vst v7;
	v2 =	vld [tilespmem:s3+$0x6410]  }
0x5b3: {  	[tilespmem:s9+$0xD0] =	vst v8;
	v5 =	vld [tilespmem:s23+$0x6420]  }
0x5b4: {  	s1 =	spop (v2sf);
	[tilespmem:s31+$0x230] =	vst v6;
	v7 =	vld [tilespmem:s17+$0x6420]  }
0x5b5: {  	[tilespmem:s28+$0x390] =	vst v3;
	v6 =	vld [tilespmem:s1+$0x6400]  }
0x5b6: {  	v3 =	vld [tilespmem:s22+$0x6420];
	[tilespmem:s28+$0xFFFFFF50] =	vst v4  }
0x5b7: {  	v4 =	vld [tilespmem:s15+$0x6420];
	[tilespmem:s9+$0xFFFFFCD0] =	vst v2  }
0x5b8: {  	[tilespmem:s31+$0xFFFFFE20] =	vst v5;
	v2 =	vld [tilespmem:s3+$0x6420]  }
0x5b9: {  	[tilespmem:s9+$0xE0] =	vst v7;
	v8 =	vld [tilespmem:s23+$0x6430]  }
0x5ba: {  	[tilespmem:s31+$0x240] =	vst v6;
	v7 =	vld [tilespmem:s17+$0x6430]  }
0x5bb: {  	[tilespmem:s28+$0x3A0] =	vst v3;
	v62 =	vld [tilespmem:s1+$0x6410]  }
0x5bc: {  	v63 =	vld [tilespmem:s22+$0x6430];
	[tilespmem:s28+$0xFFFFFF60] =	vst v4  }
0x5bd: {  	v4 =	vld [tilespmem:s15+$0x6430];
	[tilespmem:s9+$0xFFFFFCE0] =	vst v2  }
0x5be: {  	[tilespmem:s31+$0xFFFFFE30] =	vst v8  }
0x5bf: {  	[tilespmem:s9+$0xF0] =	vst v7  }
0x5c0: {  	[tilespmem:s31+$0x250] =	vst v62  }
0x5c1: {  	[tilespmem:s28+$0x3B0] =	vst v63  }
0x5c2: {  	[tilespmem:s28+$0xFFFFFF70] =	vst v4  }
0x5c3: {  	v11 =	vld [tilespmem:s10+$0x6400];
	s25 =	sld [smem:$0x7FA]  }
0x5c4: {  	s0 =	spop (v2sf);
	v5 =	vld [tilespmem:s3+$0x6430]  }
0x5c5: {  	v6 =	vld [tilespmem:s0+$0x6400]  }
0x5c6: {  	v3 =	vld [tilespmem:s1+$0x6420];
	s2 =	sadd.s32 $0x320, s25  }
0x5c7: {  	s23 =	spop (v2sf);
	v4 =	vld [tilespmem:s5+$0x6400];
	[smem:$0x7F2] =	sst s2  }
0x5c8: {  	s20 =	sadd.s32 $0x20, s20;
	(v2sf) =	vpush v0, $0xA;
	s22 =	simm.s32 $0x6;
	[tilespmem:s28+$0xFFFFFF80] =	vst v11;
	v2 =	vld [tilespmem:s23+$0x6400]  }
.LBB2_5:
0x5c9: {  	_ =	sdelay $0x3  }
0x5ca: {  	v7 =	vld [tilespmem:s20+$0x0];
	s16 =	sadd.s32 $0x20, s16;
	[tilespmem:s9+$0xFFFFFCF0] =	vst v5  }
0x5cb: {  	[tilespmem:s31+$0xFFFFFE40] =	vst v4;
	v4 =	vld [tilespmem:s16+$0x0]  }
0x5cc: {  	[tilespmem:s9+$0x100] =	vst v6;
	v5 =	vld [tilespmem:s16+$0xFFFFFFF0]  }
0x5cd: {  	v6 =	vld [tilespmem:s0+$0x6410]  }
0x5ce: {  	[tilespmem:s31+$0x260] =	vst v3;
	v8 =	vld [tilespmem:s20+$0xFFFFFFF0]  }
0x5cf: {  	v3 =	vld [tilespmem:s1+$0x6430]  }
0x5d0: {  	[tilespmem:s28+$0x3C0] =	vst v2;
	v4 =	vsub.s32 v4, v7;
	v7 =	vld [tilespmem:s21+$0x6400]  }
0x5d1: {  	v2 =	vld [tilespmem:s23+$0x6410]  }
0x5d2: {  	vm0 =	vgt.s32 v4, $0x1  }
0x5d3: {  	(v2sf) =	vpush v1, $0x5;
	[tilespmem:s9+$0x110] =	vst v6;
	v6 =	vld [tilespmem:s5+$0x6410];
	v4 =	vnsel vm0, $0x1, v4  }
0x5d4: {  	v10 =	vld [tilespmem:s0+$0x6420];
	[tilespmem:s31+$0x270] =	vst v3;
	v9 =	vcvt.s32.f32 v4;
	s17 =	spop (v2sf)  }
0x5d5: {  	[tilespmem:s9+$0xFFFFFD00] =	vst v7;
	v3 =	vld [tilespmem:s17+$0x6400]  }
0x5d6: {  	[tilespmem:s28+$0x3D0] =	vst v2;
	v2 =	vsub.s32 v5, v8;
	v5 =	vshrl.u32 v9, $0x17;
	v7 =	vld [tilespmem:s10+$0x6410]  }
0x5d7: {  	v62 =	vld [tilespmem:s21+$0x6410];
	vm15 =	vgt.s32 v2, $0x1;
	v5 =	vmax.u32 v5, $0x81  }
0x5d8: {  	v4 =	vmin.u32 v4, $0x5;
	[tilespmem:s31+$0xFFFFFE50] =	vst v6;
	v8 =	vld [tilespmem:s23+$0x6420];
	v2 =	vnsel vm15, $0x1, v2;
	v5 =	vmin.u32 v5, $0x85  }
0x5d9: {  	[tilespmem:s9+$0x120] =	vst v10;
	v6 =	vcvt.s32.f32 v2;
	v11 =	vmin.u32 v2, $0x5;
	v2 =	vadd.s32 v4, v5;
	v4 =	vld [tilespmem:s5+$0x6420]  }
0x5da: {  	v5 =	vld [tilespmem:s0+$0x6430];
	[tilespmem:s31+$0x280] =	vst v3  }
0x5db: {  	[tilespmem:s28+$0xFFFFFF90] =	vst v7  }
0x5dc: {  	v3 =	vshrl.u32 v6, $0x17;
	[tilespmem:s9+$0xFFFFFD10] =	vst v62;
	v6 =	vld [tilespmem:s17+$0x6410]  }
0x5dd: {  	v2 =	vshll.u32 v2, $0x6;
	[tilespmem:s28+$0x3E0] =	vst v8;
	v8 =	vld [tilespmem:s10+$0x6420]  }
0x5de: {  	v2 =	vadd.s32 $0xFFFFDF80, v2;
	v9 =	vld [tilespmem:s21+$0x6420]  }
0x5df: {  	(v2sf) =	vpush v2, $0x0;
	[tilespmem:s31+$0xFFFFFE60] =	vst v4  }
0x5e0: {  	v3 =	vmax.u32 v3, $0x81;
	v7 =	vld [tilespmem:s23+$0x6430];
	[tilespmem:s9+$0x130] =	vst v5  }
0x5e1: {  	v3 =	vmin.u32 v3, $0x85;
	v4 =	vld [tilespmem:s5+$0x6430];
	[tilespmem:s31+$0x290] =	vst v6  }
0x5e2: {  	s25 =	spop (v2sf);
	v3 =	vadd.s32 v11, v3;
	v5 =	vld [tilespmem:s30+$0x6420];
	[tilespmem:s28+$0xFFFFFFA0] =	vst v8  }
0x5e3: {  	v3 =	vshll.u32 v3, $0x6;
	[tilespmem:s9+$0xFFFFFD20] =	vst v9;
	v6 =	vld [tilespmem:s25+$0x6400]  }
0x5e4: {  	(v2sf) =	vpush v0, $0xB;
	v3 =	vadd.s32 $0xFFFFDF80, v3;
	v8 =	vld [tilespmem:s10+$0x6430]  }
0x5e5: {  	(v2sf) =	vpush v3, $0x0;
	[tilespmem:s28+$0x3F0] =	vst v7;
	v9 =	vld [tilespmem:s21+$0x6430]  }
0x5e6: {  	v7 =	vld [tilespmem:s17+$0x6420];
	[tilespmem:s31+$0xFFFFFE70] =	vst v4  }
0x5e7: {  	(v2sf) =	vpush v3, $0x1;
	v4 =	vld [tilespmem:s6+$0x6400];
	[tilespmem:s26+$0xFFFFFFE0] =	vst v5  }
0x5e8: {  	(v2sf) =	vpush v3, $0x2;
	[tilespmem:s9+$0x140] =	vst v6  }
0x5e9: {  	s5 =	rddreg [dreg:$0x3];
	(v2sf) =	vpush v3, $0x3;
	v5 =	vld [tilespmem:s30+$0x6430];
	[tilespmem:s28+$0xFFFFFFB0] =	vst v8  }
0x5ea: {  	s10 =	smov.u32 s5;
	(v2sf) =	vpush v3, $0x4;
	[tilespmem:s9+$0xFFFFFD30] =	vst v9;
	v6 =	vld [tilespmem:s25+$0x6410]  }
0x5eb: {  	[dreg:$0x15] =	wrdreg s24;
	(v2sf) =	vpush v3, $0x5;
	v8 =	vld [tilespmem:s10+$0x6400]  }
0x5ec: {  	s24 =	smov.u32 s7;
	s2 =	rddreg [dreg:$0x7];
	(v2sf) =	vpush v3, $0x6;
	[tilespmem:s31+$0x2A0] =	vst v7;
	v9 =	vld [tilespmem:s19+$0x6400]  }
0x5ed: {  	[dreg:$0x16] =	wrdreg s24;
	s24 =	smov.u32 s2;
	(v2sf) =	vpush v3, $0x7;
	v7 =	vld [tilespmem:s17+$0x6430];
	[tilespmem:s31+$0xFFFFFE80] =	vst v4  }
0x5ee: {  	s2 =	rddreg [dreg:$0x10];
	s5 =	smov.u32 s13;
	(v2sf) =	vpush v1, $0x6;
	s13 =	spop (v2sf);
	v4 =	vld [tilespmem:s6+$0x6410];
	[tilespmem:s26+$0xFFFFFFF0] =	vst v5  }
0x5ef: {  	s3 =	smov.u32 s2;
	s2 =	smov.u32 s28;
	(v2sf) =	vpush v3, $0x8;
	v5 =	vld [tilespmem:s13+$0x6400];
	[tilespmem:s9+$0x150] =	vst v6  }
0x5f0: {  	(v2sf) =	vpush v3, $0x9;
	[tilespmem:s2+$0xFFFFFFC0] =	vst v8  }
0x5f1: {  	(v2sf) =	vpush v3, $0xA;
	[tilespmem:s9+$0xFFFFFD40] =	vst v9;
	v6 =	vld [tilespmem:s25+$0x6420]  }
0x5f2: {  	s12 =	rddreg [dreg:$0x6];
	s14 =	smov.u32 s18;
	s28 =	smov.u32 s31;
	(v2sf) =	vpush v3, $0xB;
	v8 =	vld [tilespmem:s10+$0x6410]  }
0x5f3: {  	[dreg:$0x6] =	wrdreg s14;
	s30 =	spop (v2sf);
	[tilespmem:s28+$0x2B0] =	vst v7;
	(v2sf) =	vpush v3, $0xC;
	v9 =	vld [tilespmem:s19+$0x6410]  }
0x5f4: {  	s31 =	smov.u32 s9;
	s9 =	sadd.s32 $0x800, s9;
	v7 =	vld [tilespmem:s30+$0x6400];
	(v2sf) =	vpush v3, $0xD;
	s14 =	spop (v2sf);
	[tilespmem:s28+$0xFFFFFE90] =	vst v4  }
0x5f5: {  	(v2sf) =	vpush v3, $0xE;
	v4 =	vld [tilespmem:s14+$0x6400];
	[tilespmem:s9+$0x0] =	vst v5  }
0x5f6: {  	s26 =	spop (v2sf);
	(v2sf) =	vpush v3, $0xF;
	v3 =	vld [tilespmem:s13+$0x6410];
	[tilespmem:s31+$0x160] =	vst v6  }
0x5f7: {  	[tilespmem:s2+$0xFFFFFFD0] =	vst v8  }
0x5f8: {  	s1 =	spop (v2sf);
	[tilespmem:s31+$0xFFFFFD50] =	vst v9;
	v5 =	vld [tilespmem:s25+$0x6430]  }
0x5f9: {  	s23 =	spop (v2sf);
	[tilespmem:s28+$0x2C0] =	vst v7;
	v7 =	vld [tilespmem:s6+$0x6420]  }
0x5fa: {  	s21 =	spop (v2sf);
	v6 =	vld [tilespmem:s30+$0x6410];
	[tilespmem:s9+$0xFFFFFC00] =	vst v4  }
0x5fb: {  	(v2sf) =	vpush v2, $0x1;
	s25 =	spop (v2sf);
	v4 =	vld [tilespmem:s19+$0x6420]  }
0x5fc: {  	s7 =	smov.u32 s12;
	s12 =	spop (v2sf);
	v8 =	vld [tilespmem:s14+$0x6410];
	[tilespmem:s9+$0x10] =	vst v3  }
0x5fd: {  	s0 =	spop (v2sf);
	v3 =	vld [tilespmem:s13+$0x6420];
	[tilespmem:s31+$0x170] =	vst v5  }
0x5fe: {  	(v2sf) =	vpush v0, $0xC;
	s18 =	spop (v2sf);
	[tilespmem:s28+$0xFFFFFEA0] =	vst v7  }
0x5ff: {  	v5 =	vld [tilespmem:s18+$0x6400];
	[tilespmem:s28+$0x2D0] =	vst v6  }
0x600: {  	[dreg:$0x7] =	wrdreg s3;
	s3 =	spop (v2sf);
	v6 =	vld [tilespmem:s30+$0x6420];
	[tilespmem:s31+$0xFFFFFD60] =	vst v4  }
0x601: {  	[dreg:$0x18] =	wrdreg s3;
	s3 =	spop (v2sf);
	v4 =	vld [tilespmem:s6+$0x6430];
	[tilespmem:s9+$0xFFFFFC10] =	vst v8  }
0x602: {  	s15 =	rddreg [dreg:$0x11];
	s17 =	spop (v2sf);
	v7 =	vld [tilespmem:s19+$0x6430]  }
0x603: {  	[dreg:$0x11] =	wrdreg s17;
	s17 =	spop (v2sf);
	[tilespmem:s9+$0x20] =	vst v3;
	v8 =	vld [tilespmem:s14+$0x6420]  }
0x604: {  	s19 =	smov.u32 s25;
	s25 =	spop (v2sf);
	v3 =	vld [tilespmem:s13+$0x6430];
	[tilespmem:s31+$0x180] =	vst v5  }
0x605: {  	[dreg:$0x3] =	wrdreg s7;
	s7 =	smov.u32 s15;
	s15 =	spop (v2sf);
	v5 =	vld [tilespmem:s18+$0x6410];
	[tilespmem:s28+$0x2E0] =	vst v6  }
0x606: {  	[dreg:$0x19] =	wrdreg s15;
	[tilespmem:s28+$0xFFFFFEB0] =	vst v4  }
0x607: {  	s15 =	rddreg [dreg:$0xd];
	v4 =	vld [tilespmem:s30+$0x6430];
	[tilespmem:s31+$0xFFFFFD70] =	vst v7  }
0x608: {  	s13 =	spop (v2sf);
	v6 =	vld [tilespmem:s15+$0x6400];
	[tilespmem:s9+$0xFFFFFC20] =	vst v8  }
0x609: {  	[dreg:$0x10] =	wrdreg s13;
	s13 =	spop (v2sf);
	v7 =	vld [tilespmem:s4+$0x6400]  }
0x60a: {  	(v2sf) =	vpush v1, $0x7;
	[tilespmem:s9+$0x30] =	vst v3;
	v8 =	vld [tilespmem:s14+$0x6430];
	s14 =	spop (v2sf)  }
0x60b: {  	v3 =	vld [tilespmem:s14+$0x6400];
	[tilespmem:s31+$0x190] =	vst v5  }
0x60c: {  	v5 =	vld [tilespmem:s18+$0x6420];
	[tilespmem:s28+$0x2F0] =	vst v4  }
0x60d: {  	s30 =	spop (v2sf);
	[tilespmem:s28+$0xFFFFFEC0] =	vst v6  }
0x60e: {  	v4 =	vld [tilespmem:s30+$0x6400];
	[tilespmem:s31+$0xFFFFFD80] =	vst v7  }
0x60f: {  	v6 =	vld [tilespmem:s15+$0x6410];
	[tilespmem:s9+$0xFFFFFC30] =	vst v8  }
0x610: {  	v7 =	vld [tilespmem:s4+$0x6410]  }
0x611: {  	[tilespmem:s9+$0x40] =	vst v3;
	v8 =	vld [tilespmem:s26+$0x6400]  }
0x612: {  	v3 =	vld [tilespmem:s14+$0x6410];
	[tilespmem:s31+$0x1A0] =	vst v5  }
0x613: {  	v5 =	vld [tilespmem:s18+$0x6430];
	[tilespmem:s28+$0x300] =	vst v4  }
0x614: {  	[tilespmem:s28+$0xFFFFFED0] =	vst v6  }
0x615: {  	v4 =	vld [tilespmem:s30+$0x6410];
	[tilespmem:s31+$0xFFFFFD90] =	vst v7  }
0x616: {  	v6 =	vld [tilespmem:s15+$0x6420];
	[tilespmem:s9+$0xFFFFFC40] =	vst v8  }
0x617: {  	(v2sf) =	vpush v2, $0x2;
	v7 =	vld [tilespmem:s4+$0x6420]  }
0x618: {  	[tilespmem:s9+$0x50] =	vst v3;
	v8 =	vld [tilespmem:s26+$0x6410]  }
0x619: {  	s18 =	spop (v2sf);
	v3 =	vld [tilespmem:s14+$0x6420];
	[tilespmem:s31+$0x1B0] =	vst v5  }
0x61a: {  	(v2sf) =	vpush v0, $0xD;
	v5 =	vld [tilespmem:s18+$0x6400];
	[tilespmem:s28+$0x310] =	vst v4  }
0x61b: {  	[tilespmem:s28+$0xFFFFFEE0] =	vst v6  }
0x61c: {  	v4 =	vld [tilespmem:s30+$0x6420];
	[tilespmem:s31+$0xFFFFFDA0] =	vst v7  }
0x61d: {  	v6 =	vld [tilespmem:s15+$0x6430];
	[tilespmem:s9+$0xFFFFFC50] =	vst v8  }
0x61e: {  	v7 =	vld [tilespmem:s4+$0x6430]  }
0x61f: {  	[tilespmem:s9+$0x60] =	vst v3;
	v8 =	vld [tilespmem:s26+$0x6420]  }
0x620: {  	v3 =	vld [tilespmem:s14+$0x6430];
	[tilespmem:s31+$0x1C0] =	vst v5  }
0x621: {  	v5 =	vld [tilespmem:s18+$0x6410];
	[tilespmem:s28+$0x320] =	vst v4  }
0x622: {  	[tilespmem:s28+$0xFFFFFEF0] =	vst v6  }
0x623: {  	s4 =	smov.u32 s12;
	v4 =	vld [tilespmem:s30+$0x6430];
	s12 =	rddreg [dreg:$0x9];
	[tilespmem:s31+$0xFFFFFDB0] =	vst v7  }
0x624: {  	v6 =	vld [tilespmem:s12+$0x6400];
	[tilespmem:s9+$0xFFFFFC60] =	vst v8  }
0x625: {  	v7 =	vld [tilespmem:s8+$0x6400]  }
0x626: {  	(v2sf) =	vpush v1, $0x8;
	s14 =	spop (v2sf);
	[tilespmem:s9+$0x70] =	vst v3;
	v8 =	vld [tilespmem:s26+$0x6430]  }
0x627: {  	v3 =	vld [tilespmem:s14+$0x6400];
	[tilespmem:s31+$0x1D0] =	vst v5  }
0x628: {  	s15 =	rddreg [dreg:$0xf];
	v5 =	vld [tilespmem:s18+$0x6420];
	[tilespmem:s28+$0x330] =	vst v4  }
0x629: {  	s6 =	smov.u32 s15;
	s15 =	smov.u32 s17;
	s17 =	spop (v2sf);
	[tilespmem:s28+$0xFFFFFF00] =	vst v6  }
0x62a: {  	v4 =	vld [tilespmem:s17+$0x6400];
	[tilespmem:s31+$0xFFFFFDC0] =	vst v7  }
0x62b: {  	v6 =	vld [tilespmem:s12+$0x6410];
	[tilespmem:s9+$0xFFFFFC70] =	vst v8  }
0x62c: {  	v7 =	vld [tilespmem:s8+$0x6410]  }
0x62d: {  	[tilespmem:s9+$0x80] =	vst v3;
	v8 =	vld [tilespmem:s1+$0x6400]  }
0x62e: {  	v3 =	vld [tilespmem:s14+$0x6410];
	[tilespmem:s31+$0x1E0] =	vst v5  }
0x62f: {  	v5 =	vld [tilespmem:s18+$0x6430];
	[tilespmem:s28+$0x340] =	vst v4  }
0x630: {  	[tilespmem:s28+$0xFFFFFF10] =	vst v6  }
0x631: {  	v4 =	vld [tilespmem:s17+$0x6410];
	[tilespmem:s31+$0xFFFFFDD0] =	vst v7  }
0x632: {  	v6 =	vld [tilespmem:s12+$0x6420];
	[tilespmem:s9+$0xFFFFFC80] =	vst v8  }
0x633: {  	(v2sf) =	vpush v2, $0x3;
	v7 =	vld [tilespmem:s8+$0x6420]  }
0x634: {  	[tilespmem:s9+$0x90] =	vst v3;
	v8 =	vld [tilespmem:s1+$0x6410]  }
0x635: {  	[dreg:$0xf] =	wrdreg s15;
	s15 =	spop (v2sf);
	v3 =	vld [tilespmem:s14+$0x6420];
	[tilespmem:s31+$0x1F0] =	vst v5  }
0x636: {  	(v2sf) =	vpush v0, $0xE;
	v5 =	vld [tilespmem:s15+$0x6400];
	[tilespmem:s28+$0x350] =	vst v4  }
0x637: {  	[tilespmem:s28+$0xFFFFFF20] =	vst v6  }
0x638: {  	v4 =	vld [tilespmem:s17+$0x6420];
	[tilespmem:s31+$0xFFFFFDE0] =	vst v7  }
0x639: {  	v6 =	vld [tilespmem:s12+$0x6430];
	[tilespmem:s9+$0xFFFFFC90] =	vst v8  }
0x63a: {  	v7 =	vld [tilespmem:s8+$0x6430]  }
0x63b: {  	[tilespmem:s9+$0xA0] =	vst v3;
	v8 =	vld [tilespmem:s1+$0x6420]  }
0x63c: {  	v3 =	vld [tilespmem:s14+$0x6430];
	[tilespmem:s31+$0x200] =	vst v5  }
0x63d: {  	v5 =	vld [tilespmem:s15+$0x6410];
	[tilespmem:s28+$0x360] =	vst v4  }
0x63e: {  	[tilespmem:s28+$0xFFFFFF30] =	vst v6  }
0x63f: {  	v4 =	vld [tilespmem:s17+$0x6430];
	[tilespmem:s31+$0xFFFFFDF0] =	vst v7  }
0x640: {  	v6 =	vld [tilespmem:s11+$0x6400];
	[tilespmem:s9+$0xFFFFFCA0] =	vst v8  }
0x641: {  	v7 =	vld [tilespmem:s29+$0x6400]  }
0x642: {  	(v2sf) =	vpush v1, $0x9;
	[tilespmem:s9+$0xB0] =	vst v3;
	s12 =	spop (v2sf);
	v8 =	vld [tilespmem:s1+$0x6430]  }
0x643: {  	v3 =	vld [tilespmem:s12+$0x6400];
	[tilespmem:s31+$0x210] =	vst v5  }
0x644: {  	v5 =	vld [tilespmem:s15+$0x6420];
	[tilespmem:s28+$0x370] =	vst v4  }
0x645: {  	s14 =	spop (v2sf);
	[tilespmem:s28+$0xFFFFFF40] =	vst v6  }
0x646: {  	v4 =	vld [tilespmem:s14+$0x6400];
	[tilespmem:s31+$0xFFFFFE00] =	vst v7  }
0x647: {  	v6 =	vld [tilespmem:s11+$0x6410];
	[tilespmem:s9+$0xFFFFFCB0] =	vst v8  }
0x648: {  	v7 =	vld [tilespmem:s29+$0x6410]  }
0x649: {  	[tilespmem:s9+$0xC0] =	vst v3;
	v8 =	vld [tilespmem:s23+$0x6400]  }
0x64a: {  	v3 =	vld [tilespmem:s12+$0x6410];
	[tilespmem:s31+$0x220] =	vst v5  }
0x64b: {  	v5 =	vld [tilespmem:s15+$0x6430];
	[tilespmem:s28+$0x380] =	vst v4  }
0x64c: {  	[tilespmem:s28+$0xFFFFFF50] =	vst v6  }
0x64d: {  	(v2sf) =	vpush v2, $0x4;
	v4 =	vld [tilespmem:s14+$0x6410];
	[tilespmem:s31+$0xFFFFFE10] =	vst v7  }
0x64e: {  	v6 =	vld [tilespmem:s11+$0x6420];
	[tilespmem:s9+$0xFFFFFCC0] =	vst v8  }
0x64f: {  	v7 =	vld [tilespmem:s29+$0x6420]  }
0x650: {  	(v2sf) =	vpush v0, $0xF;
	v0 =	vmov v1;
	v1 =	vmov v2;
	[tilespmem:s9+$0xD0] =	vst v3;
	v2 =	vld [tilespmem:s23+$0x6410]  }
0x651: {  	s1 =	spop (v2sf);
	v3 =	vld [tilespmem:s12+$0x6420];
	[tilespmem:s31+$0x230] =	vst v5  }
0x652: {  	v5 =	vld [tilespmem:s1+$0x6400];
	[tilespmem:s28+$0x390] =	vst v4  }
0x653: {  	[tilespmem:s28+$0xFFFFFF60] =	vst v6  }
0x654: {  	v4 =	vld [tilespmem:s14+$0x6420];
	[tilespmem:s31+$0xFFFFFE20] =	vst v7  }
0x655: {  	v6 =	vld [tilespmem:s11+$0x6430];
	[tilespmem:s9+$0xFFFFFCD0] =	vst v2  }
0x656: {  	[tilespmem:s9+$0xE0] =	vst v3;
	v2 =	vld [tilespmem:s29+$0x6430]  }
0x657: {  	v3 =	vld [tilespmem:s12+$0x6430];
	[tilespmem:s31+$0x240] =	vst v5  }
0x658: {  	s22 =	sadd.s32 $0x2, s22;
	v8 =	vld [tilespmem:s1+$0x6410]  }
0x659: {  	p0 =	slt.u32 s22, $0x30;
	[tilespmem:s28+$0x3A0] =	vst v4;
	v7 =	vld [tilespmem:s23+$0x6420]  }
0x65a: {  	s30 =	smov.u32 s10;
	s10 =	smov.u32 s24;
	[dreg:$0xd] =	wrdreg s6;
	[tilespmem:s28+$0xFFFFFF70] =	vst v6  }
0x65b: {  	s6 =	smov.u32 s7;
	s7 =	smov.u32 s3;
	s3 =	smov.u32 s5;
	v63 =	vld [tilespmem:s14+$0x6430];
	[tilespmem:s31+$0xFFFFFE30] =	vst v2  }
0x65c: {  	s5 =	rddreg [dreg:$0x16];
	s8 =	smov.u32 s0;
	s0 =	spop (v2sf);
	[tilespmem:s9+$0xF0] =	vst v3;
	v2 =	vld [tilespmem:s10+$0x6400]  }
.Ltmp1:
0x65d: {  	[dreg:$0x9] =	wrdreg s3;
	v6 =	vld [tilespmem:s0+$0x6400];
	[tilespmem:s31+$0x250] =	vst v8;
	(pc) =	sbr.rel @p0 .LBB2_5-.Ltmp1, $4  }
0x65e: {  	s18 =	smov.u32 s13;
	s13 =	smov.u32 s25;
	s25 =	rddreg [dreg:$0x18];
	v3 =	vld [tilespmem:s1+$0x6420];
	[tilespmem:s9+$0xFFFFFCE0] =	vst v7  }
0x65f: {  	s20 =	sadd.s32 $0x20, s20;
	s17 =	rddreg [dreg:$0x19];
	v4 =	vld [tilespmem:s5+$0x6400]  }
0x660: {  	s26 =	smov.u32 s2;
	s15 =	rddreg [dreg:$0x15];
	[tilespmem:s28+$0x3B0] =	vst v63;
	v5 =	vld [tilespmem:s23+$0x6430];
	s23 =	spop (v2sf)  }
0x661: {  	s24 =	smov.u32 s17;
	(v2sf) =	vpush v0, $0xA;
	s11 =	smov.u32 s15;
	s29 =	smov.u32 s25;
	[tilespmem:s28+$0xFFFFFF80] =	vst v2;
	v2 =	vld [tilespmem:s23+$0x6400]  }
0x662: {  	_ =	sdelay $0x2  }
0x663: {  	[tilespmem:s9+$0xFFFFFCF0] =	vst v5  }
0x664: {  	v5 =	vld [tilespmem:s21+$0x6400];
	_ =	sdelay $0x3  }
0x665: {  	[tilespmem:s9+$0x100] =	vst v6  }
0x666: {  	v6 =	vld [tilespmem:s0+$0x6410];
	[tilespmem:s9+$0xFFFFFD00] =	vst v5  }
0x667: {  	v5 =	vld [tilespmem:s21+$0x6410]  }
0x668: {  	(v2sf) =	vpush v1, $0x5;
	_ =	sdelay $0x2  }
0x669: {  	[tilespmem:s9+$0x110] =	vst v6  }
0x66a: {  	v6 =	vld [tilespmem:s0+$0x6420];
	[tilespmem:s9+$0xFFFFFD10] =	vst v5  }
0x66b: {  	v5 =	vld [tilespmem:s21+$0x6420];
	_ =	sdelay $0x3  }
0x66c: {  	[tilespmem:s9+$0x120] =	vst v6  }
0x66d: {  	v6 =	vld [tilespmem:s0+$0x6430];
	[tilespmem:s9+$0xFFFFFD20] =	vst v5  }
0x66e: {  	v5 =	vld [tilespmem:s21+$0x6430];
	_ =	sdelay $0x2  }
0x66f: {  	s16 =	spop (v2sf)  }
0x670: {  	s2 =	spop (v2sf);
	[tilespmem:s9+$0x130] =	vst v6  }
0x671: {  	v6 =	vld [tilespmem:s2+$0x6400];
	[tilespmem:s9+$0xFFFFFD30] =	vst v5  }
0x672: {  	v5 =	vld [tilespmem:s19+$0x6400];
	_ =	sdelay $0x3  }
0x673: {  	[tilespmem:s9+$0x140] =	vst v6  }
0x674: {  	v6 =	vld [tilespmem:s2+$0x6410];
	[tilespmem:s9+$0xFFFFFD40] =	vst v5  }
0x675: {  	(v2sf) =	vpush v0, $0xB;
	v5 =	vld [tilespmem:s19+$0x6410]  }
0x676: {  	(v2sf) =	vpush v1, $0x6;
	_ =	sdelay $0x2  }
0x677: {  	[tilespmem:s9+$0x150] =	vst v6  }
0x678: {  	v6 =	vld [tilespmem:s2+$0x6420];
	[tilespmem:s9+$0xFFFFFD50] =	vst v5  }
0x679: {  	v5 =	vld [tilespmem:s19+$0x6420];
	_ =	sdelay $0x3  }
0x67a: {  	[tilespmem:s9+$0x160] =	vst v6  }
0x67b: {  	v6 =	vld [tilespmem:s2+$0x6430];
	[tilespmem:s9+$0xFFFFFD60] =	vst v5  }
0x67c: {  	v5 =	vld [tilespmem:s19+$0x6430];
	_ =	sdelay $0x2  }
0x67d: {  	s15 =	spop (v2sf)  }
0x67e: {  	s3 =	spop (v2sf);
	[tilespmem:s9+$0x170] =	vst v6  }
0x67f: {  	v6 =	vld [tilespmem:s3+$0x6400];
	[tilespmem:s9+$0xFFFFFD70] =	vst v5  }
0x680: {  	v5 =	vld [tilespmem:s4+$0x6400];
	_ =	sdelay $0x3  }
0x681: {  	[tilespmem:s9+$0x180] =	vst v6  }
0x682: {  	v6 =	vld [tilespmem:s3+$0x6410];
	[tilespmem:s9+$0xFFFFFD80] =	vst v5  }
0x683: {  	(v2sf) =	vpush v0, $0xC;
	v5 =	vld [tilespmem:s4+$0x6410]  }
0x684: {  	(v2sf) =	vpush v1, $0x7;
	_ =	sdelay $0x2  }
0x685: {  	[tilespmem:s9+$0x190] =	vst v6  }
0x686: {  	v6 =	vld [tilespmem:s3+$0x6420];
	[tilespmem:s9+$0xFFFFFD90] =	vst v5  }
0x687: {  	v5 =	vld [tilespmem:s4+$0x6420];
	_ =	sdelay $0x3  }
0x688: {  	[tilespmem:s9+$0x1A0] =	vst v6  }
0x689: {  	v6 =	vld [tilespmem:s3+$0x6430];
	[tilespmem:s9+$0xFFFFFDA0] =	vst v5  }
0x68a: {  	v5 =	vld [tilespmem:s4+$0x6430];
	_ =	sdelay $0x2  }
0x68b: {  	s4 =	spop (v2sf)  }
0x68c: {  	[tilespmem:s9+$0x1B0] =	vst v6;
	s12 =	spop (v2sf)  }
0x68d: {  	v6 =	vld [tilespmem:s12+$0x6400];
	[tilespmem:s9+$0xFFFFFDB0] =	vst v5  }
0x68e: {  	v5 =	vld [tilespmem:s8+$0x6400];
	_ =	sdelay $0x3  }
0x68f: {  	[tilespmem:s9+$0x1C0] =	vst v6  }
0x690: {  	v6 =	vld [tilespmem:s12+$0x6410];
	[tilespmem:s9+$0xFFFFFDC0] =	vst v5  }
0x691: {  	(v2sf) =	vpush v0, $0xD;
	v5 =	vld [tilespmem:s8+$0x6410]  }
0x692: {  	(v2sf) =	vpush v1, $0x8;
	_ =	sdelay $0x2  }
0x693: {  	[tilespmem:s9+$0x1D0] =	vst v6  }
0x694: {  	v6 =	vld [tilespmem:s12+$0x6420];
	[tilespmem:s9+$0xFFFFFDD0] =	vst v5  }
0x695: {  	v5 =	vld [tilespmem:s8+$0x6420];
	_ =	sdelay $0x3  }
0x696: {  	[tilespmem:s9+$0x1E0] =	vst v6  }
0x697: {  	v6 =	vld [tilespmem:s12+$0x6430];
	[tilespmem:s9+$0xFFFFFDE0] =	vst v5  }
0x698: {  	v5 =	vld [tilespmem:s8+$0x6430];
	_ =	sdelay $0x2  }
0x699: {  	s14 =	spop (v2sf)  }
0x69a: {  	s17 =	spop (v2sf);
	[tilespmem:s9+$0x1F0] =	vst v6  }
0x69b: {  	v6 =	vld [tilespmem:s17+$0x6400];
	[tilespmem:s9+$0xFFFFFDF0] =	vst v5  }
0x69c: {  	v5 =	vld [tilespmem:s29+$0x6400];
	_ =	sdelay $0x3  }
0x69d: {  	[tilespmem:s9+$0x200] =	vst v6  }
0x69e: {  	v6 =	vld [tilespmem:s17+$0x6410];
	[tilespmem:s9+$0xFFFFFE00] =	vst v5  }
0x69f: {  	(v2sf) =	vpush v0, $0xE;
	v5 =	vld [tilespmem:s29+$0x6410]  }
0x6a0: {  	(v2sf) =	vpush v1, $0x9;
	_ =	sdelay $0x2  }
0x6a1: {  	[tilespmem:s9+$0x210] =	vst v6  }
0x6a2: {  	v6 =	vld [tilespmem:s17+$0x6420];
	[tilespmem:s9+$0xFFFFFE10] =	vst v5  }
0x6a3: {  	v5 =	vld [tilespmem:s29+$0x6420];
	_ =	sdelay $0x3  }
0x6a4: {  	[tilespmem:s9+$0x220] =	vst v6  }
0x6a5: {  	v6 =	vld [tilespmem:s17+$0x6430];
	[tilespmem:s9+$0xFFFFFE20] =	vst v5  }
0x6a6: {  	v5 =	vld [tilespmem:s29+$0x6430];
	_ =	sdelay $0x2  }
0x6a7: {  	s3 =	spop (v2sf)  }
0x6a8: {  	s19 =	spop (v2sf);
	[tilespmem:s9+$0x230] =	vst v6  }
0x6a9: {  	v6 =	vld [tilespmem:s19+$0x6400];
	[tilespmem:s9+$0xFFFFFE30] =	vst v5  }
0x6aa: {  	v5 =	vld [tilespmem:s7+$0x6400];
	_ =	sdelay $0x1  }
0x6ab: {  	[tilespmem:s31+$0xFFFFFE40] =	vst v4  }
0x6ac: {  	v4 =	vld [tilespmem:s5+$0x6410]  }
0x6ad: {  	[tilespmem:s9+$0x240] =	vst v6  }
0x6ae: {  	v6 =	vld [tilespmem:s19+$0x6410];
	[tilespmem:s9+$0xFFFFFE40] =	vst v5  }
0x6af: {  	v59 =	vld [tilespmem:s7+$0x6410]  }
0x6b0: {  	(v2sf) =	vpush v0, $0xF  }
0x6b1: {  	[tilespmem:s31+$0xFFFFFE50] =	vst v4;
	(v2sf) =	vpush v1, $0xA  }
0x6b2: {  	v4 =	vld [tilespmem:s5+$0x6420]  }
0x6b3: {  	[tilespmem:s9+$0x250] =	vst v6  }
0x6b4: {  	v60 =	vld [tilespmem:s19+$0x6420];
	[tilespmem:s9+$0xFFFFFE50] =	vst v59  }
0x6b5: {  	v0 =	vld [tilespmem:s7+$0x6420]  }
0x6b6: {  	[tilespmem:s31+$0x260] =	vst v3  }
0x6b7: {  	v3 =	vld [tilespmem:s1+$0x6430];
	[tilespmem:s31+$0xFFFFFE60] =	vst v4  }
0x6b8: {  	v4 =	vld [tilespmem:s5+$0x6430]  }
0x6b9: {  	[tilespmem:s9+$0x260] =	vst v60  }
0x6ba: {  	v5 =	vld [tilespmem:s19+$0x6430];
	[tilespmem:s9+$0xFFFFFE60] =	vst v0  }
0x6bb: {  	v0 =	vld [tilespmem:s7+$0x6430]  }
0x6bc: {  	[tilespmem:s31+$0x270] =	vst v3  }
0x6bd: {  	v3 =	vld [tilespmem:s16+$0x6400];
	[tilespmem:s31+$0xFFFFFE70] =	vst v4  }
0x6be: {  	v4 =	vld [tilespmem:s6+$0x6400]  }
0x6bf: {  	s20 =	spop (v2sf);
	[tilespmem:s9+$0x270] =	vst v5  }
0x6c0: {  	s21 =	spop (v2sf);
	[tilespmem:s9+$0xFFFFFE70] =	vst v0  }
0x6c1: {  	v5 =	vld [tilespmem:s21+$0x6400];
	s2 =	rddreg [dreg:$0x11]  }
0x6c2: {  	[tilespmem:s31+$0x280] =	vst v3;
	v0 =	vld [tilespmem:s2+$0x6400]  }
0x6c3: {  	[tilespmem:s31+$0xFFFFFE80] =	vst v4;
	v3 =	vld [tilespmem:s16+$0x6410]  }
0x6c4: {  	v4 =	vld [tilespmem:s6+$0x6410];
	_ =	sdelay $0x1  }
0x6c5: {  	[tilespmem:s9+$0x280] =	vst v5  }
0x6c6: {  	v5 =	vld [tilespmem:s21+$0x6410];
	[tilespmem:s9+$0xFFFFFE80] =	vst v0  }
0x6c7: {  	[tilespmem:s31+$0x290] =	vst v3;
	v0 =	vld [tilespmem:s2+$0x6410]  }
0x6c8: {  	[tilespmem:s31+$0xFFFFFE90] =	vst v4;
	v3 =	vld [tilespmem:s16+$0x6420]  }
0x6c9: {  	(v2sf) =	vpush v1, $0xB;
	v4 =	vld [tilespmem:s6+$0x6420];
	_ =	sdelay $0x1  }
0x6ca: {  	[tilespmem:s9+$0x290] =	vst v5  }
0x6cb: {  	v5 =	vld [tilespmem:s21+$0x6420];
	[tilespmem:s9+$0xFFFFFE90] =	vst v0  }
0x6cc: {  	[tilespmem:s31+$0x2A0] =	vst v3;
	v0 =	vld [tilespmem:s2+$0x6420]  }
0x6cd: {  	[tilespmem:s31+$0xFFFFFEA0] =	vst v4;
	v3 =	vld [tilespmem:s16+$0x6430]  }
0x6ce: {  	v4 =	vld [tilespmem:s6+$0x6430];
	_ =	sdelay $0x1  }
0x6cf: {  	[tilespmem:s9+$0x2A0] =	vst v5  }
0x6d0: {  	v5 =	vld [tilespmem:s21+$0x6430];
	[tilespmem:s9+$0xFFFFFEA0] =	vst v0  }
0x6d1: {  	[tilespmem:s31+$0x2B0] =	vst v3;
	v0 =	vld [tilespmem:s2+$0x6430]  }
0x6d2: {  	[tilespmem:s31+$0xFFFFFEB0] =	vst v4  }
0x6d3: {  	v3 =	vld [tilespmem:s15+$0x6400];
	s22 =	rddreg [dreg:$0xd]  }
0x6d4: {  	v4 =	vld [tilespmem:s22+$0x6400]  }
0x6d5: {  	[tilespmem:s9+$0x2B0] =	vst v5  }
0x6d6: {  	s25 =	spop (v2sf);
	[tilespmem:s9+$0xFFFFFEB0] =	vst v0  }
0x6d7: {  	v5 =	vld [tilespmem:s25+$0x6400];
	s29 =	rddreg [dreg:$0xf]  }
0x6d8: {  	[tilespmem:s31+$0x2C0] =	vst v3;
	v0 =	vld [tilespmem:s29+$0x6400]  }
0x6d9: {  	[tilespmem:s31+$0xFFFFFEC0] =	vst v4;
	v3 =	vld [tilespmem:s15+$0x6410]  }
0x6da: {  	v4 =	vld [tilespmem:s22+$0x6410];
	_ =	sdelay $0x1  }
0x6db: {  	[tilespmem:s9+$0x2C0] =	vst v5  }
0x6dc: {  	v5 =	vld [tilespmem:s25+$0x6410];
	[tilespmem:s9+$0xFFFFFEC0] =	vst v0  }
0x6dd: {  	[tilespmem:s31+$0x2D0] =	vst v3;
	v0 =	vld [tilespmem:s29+$0x6410]  }
0x6de: {  	[tilespmem:s31+$0xFFFFFED0] =	vst v4;
	v3 =	vld [tilespmem:s15+$0x6420]  }
0x6df: {  	(v2sf) =	vpush v1, $0xC;
	v4 =	vld [tilespmem:s22+$0x6420];
	_ =	sdelay $0x1  }
0x6e0: {  	[tilespmem:s9+$0x2D0] =	vst v5  }
0x6e1: {  	v5 =	vld [tilespmem:s25+$0x6420];
	[tilespmem:s9+$0xFFFFFED0] =	vst v0  }
0x6e2: {  	[tilespmem:s31+$0x2E0] =	vst v3;
	v0 =	vld [tilespmem:s29+$0x6420]  }
0x6e3: {  	[tilespmem:s31+$0xFFFFFEE0] =	vst v4;
	v3 =	vld [tilespmem:s15+$0x6430]  }
0x6e4: {  	v4 =	vld [tilespmem:s22+$0x6430];
	_ =	sdelay $0x1  }
0x6e5: {  	[tilespmem:s9+$0x2E0] =	vst v5  }
0x6e6: {  	[tilespmem:s9+$0xFFFFFEE0] =	vst v0  }
0x6e7: {  	v5 =	vld [tilespmem:s25+$0x6430];
	[tilespmem:s31+$0x2F0] =	vst v3  }
0x6e8: {  	[tilespmem:s31+$0xFFFFFEF0] =	vst v4;
	v0 =	vld [tilespmem:s29+$0x6430]  }
0x6e9: {  	v3 =	vld [tilespmem:s4+$0x6400];
	s6 =	rddreg [dreg:$0x9]  }
0x6ea: {  	v4 =	vld [tilespmem:s6+$0x6400];
	_ =	sdelay $0x1  }
0x6eb: {  	s7 =	spop (v2sf);
	[tilespmem:s9+$0x2F0] =	vst v5  }
0x6ec: {  	v5 =	vld [tilespmem:s7+$0x6400];
	[tilespmem:s9+$0xFFFFFEF0] =	vst v0  }
0x6ed: {  	[tilespmem:s31+$0x300] =	vst v3;
	v0 =	vld [tilespmem:s13+$0x6400]  }
0x6ee: {  	v3 =	vld [tilespmem:s4+$0x6410];
	[tilespmem:s31+$0xFFFFFF00] =	vst v4  }
0x6ef: {  	v4 =	vld [tilespmem:s6+$0x6410];
	_ =	sdelay $0x1  }
0x6f0: {  	[tilespmem:s9+$0x300] =	vst v5  }
0x6f1: {  	v5 =	vld [tilespmem:s7+$0x6410];
	[tilespmem:s9+$0xFFFFFF00] =	vst v0  }
0x6f2: {  	[tilespmem:s31+$0x310] =	vst v3;
	v0 =	vld [tilespmem:s13+$0x6410]  }
0x6f3: {  	(v2sf) =	vpush v1, $0xD;
	v3 =	vld [tilespmem:s4+$0x6420];
	[tilespmem:s31+$0xFFFFFF10] =	vst v4  }
0x6f4: {  	v4 =	vld [tilespmem:s6+$0x6420];
	_ =	sdelay $0x1  }
0x6f5: {  	[tilespmem:s9+$0x310] =	vst v5  }
0x6f6: {  	v5 =	vld [tilespmem:s7+$0x6420];
	[tilespmem:s9+$0xFFFFFF10] =	vst v0  }
0x6f7: {  	[tilespmem:s31+$0x320] =	vst v3;
	v0 =	vld [tilespmem:s13+$0x6420]  }
0x6f8: {  	v3 =	vld [tilespmem:s4+$0x6430];
	[tilespmem:s31+$0xFFFFFF20] =	vst v4  }
0x6f9: {  	v4 =	vld [tilespmem:s6+$0x6430];
	_ =	sdelay $0x1  }
0x6fa: {  	[tilespmem:s9+$0x320] =	vst v5  }
0x6fb: {  	v5 =	vld [tilespmem:s7+$0x6430];
	[tilespmem:s9+$0xFFFFFF20] =	vst v0  }
0x6fc: {  	[tilespmem:s31+$0x330] =	vst v3;
	v0 =	vld [tilespmem:s13+$0x6430]  }
0x6fd: {  	v3 =	vld [tilespmem:s14+$0x6400];
	[tilespmem:s31+$0xFFFFFF30] =	vst v4  }
0x6fe: {  	v4 =	vld [tilespmem:s11+$0x6400];
	_ =	sdelay $0x1  }
0x6ff: {  	s8 =	spop (v2sf);
	[tilespmem:s9+$0x330] =	vst v5  }
0x700: {  	v5 =	vld [tilespmem:s8+$0x6400];
	[tilespmem:s9+$0xFFFFFF30] =	vst v0  }
0x701: {  	[tilespmem:s31+$0x340] =	vst v3;
	v0 =	vld [tilespmem:s24+$0x6400]  }
0x702: {  	v3 =	vld [tilespmem:s14+$0x6410];
	[tilespmem:s31+$0xFFFFFF40] =	vst v4  }
0x703: {  	v4 =	vld [tilespmem:s11+$0x6410];
	_ =	sdelay $0x1  }
0x704: {  	[tilespmem:s9+$0x340] =	vst v5  }
0x705: {  	v5 =	vld [tilespmem:s8+$0x6410];
	[tilespmem:s9+$0xFFFFFF40] =	vst v0  }
0x706: {  	[tilespmem:s31+$0x350] =	vst v3;
	v0 =	vld [tilespmem:s24+$0x6410]  }
0x707: {  	(v2sf) =	vpush v1, $0xE;
	v3 =	vld [tilespmem:s14+$0x6420];
	[tilespmem:s31+$0xFFFFFF50] =	vst v4  }
0x708: {  	v4 =	vld [tilespmem:s11+$0x6420];
	_ =	sdelay $0x1  }
0x709: {  	[tilespmem:s9+$0x350] =	vst v5  }
0x70a: {  	v5 =	vld [tilespmem:s8+$0x6420];
	[tilespmem:s9+$0xFFFFFF50] =	vst v0  }
0x70b: {  	[tilespmem:s31+$0x360] =	vst v3;
	v0 =	vld [tilespmem:s24+$0x6420]  }
0x70c: {  	v3 =	vld [tilespmem:s14+$0x6430];
	[tilespmem:s31+$0xFFFFFF60] =	vst v4  }
0x70d: {  	v4 =	vld [tilespmem:s11+$0x6430];
	_ =	sdelay $0x1  }
0x70e: {  	[tilespmem:s9+$0x360] =	vst v5  }
0x70f: {  	v5 =	vld [tilespmem:s8+$0x6430];
	[tilespmem:s9+$0xFFFFFF60] =	vst v0  }
0x710: {  	[tilespmem:s31+$0x370] =	vst v3;
	v0 =	vld [tilespmem:s24+$0x6430]  }
0x711: {  	[tilespmem:s31+$0xFFFFFF70] =	vst v4  }
0x712: {  	v3 =	vld [tilespmem:s3+$0x6400];
	s12 =	rddreg [dreg:$0x7]  }
0x713: {  	v4 =	vld [tilespmem:s12+$0x6400]  }
0x714: {  	s13 =	spop (v2sf);
	[tilespmem:s9+$0x370] =	vst v5  }
0x715: {  	v5 =	vld [tilespmem:s13+$0x6400];
	[tilespmem:s9+$0xFFFFFF70] =	vst v0  }
0x716: {  	v61 =	vld [tilespmem:s10+$0x6410];
	s14 =	rddreg [dreg:$0x10]  }
0x717: {  	[tilespmem:s31+$0x380] =	vst v3;
	v0 =	vld [tilespmem:s14+$0x6400]  }
0x718: {  	v3 =	vld [tilespmem:s3+$0x6410];
	[tilespmem:s31+$0xFFFFFF80] =	vst v4  }
0x719: {  	v4 =	vld [tilespmem:s12+$0x6410]  }
0x71a: {  	v62 =	vld [tilespmem:s30+$0x6420];
	[tilespmem:s9+$0x380] =	vst v5  }
0x71b: {  	[tilespmem:s28+$0xFFFFFF90] =	vst v61;
	v5 =	vld [tilespmem:s13+$0x6410]  }
0x71c: {  	v6 =	vld [tilespmem:s10+$0x6420];
	[tilespmem:s9+$0xFFFFFF80] =	vst v0  }
0x71d: {  	(v2sf) =	vpush v1, $0xF;
	[tilespmem:s31+$0x390] =	vst v3;
	v0 =	vld [tilespmem:s14+$0x6410]  }
0x71e: {  	v3 =	vld [tilespmem:s3+$0x6420];
	[tilespmem:s31+$0xFFFFFF90] =	vst v4  }
0x71f: {  	[tilespmem:s26+$0xFFFFFFE0] =	vst v62;
	v4 =	vld [tilespmem:s12+$0x6420]  }
0x720: {  	v1 =	vld [tilespmem:s30+$0x6430];
	[tilespmem:s9+$0x390] =	vst v5  }
0x721: {  	[tilespmem:s28+$0xFFFFFFA0] =	vst v6;
	v5 =	vld [tilespmem:s13+$0x6420]  }
0x722: {  	v6 =	vld [tilespmem:s10+$0x6430];
	[tilespmem:s9+$0xFFFFFF90] =	vst v0  }
0x723: {  	[tilespmem:s31+$0x3A0] =	vst v3;
	v0 =	vld [tilespmem:s14+$0x6420]  }
0x724: {  	v3 =	vld [tilespmem:s3+$0x6430];
	[tilespmem:s31+$0xFFFFFFA0] =	vst v4  }
0x725: {  	[tilespmem:s26+$0xFFFFFFF0] =	vst v1;
	v4 =	vld [tilespmem:s12+$0x6430]  }
0x726: {  	[tilespmem:s9+$0x3A0] =	vst v5  }
0x727: {  	[tilespmem:s28+$0xFFFFFFB0] =	vst v6;
	v5 =	vld [tilespmem:s13+$0x6430]  }
0x728: {  	[tilespmem:s9+$0xFFFFFFA0] =	vst v0  }
0x729: {  	v0 =	vld [tilespmem:s14+$0x6430];
	s15 =	rddreg [dreg:$0x3];
	[tilespmem:s31+$0x3B0] =	vst v3  }
0x72a: {  	[tilespmem:s31+$0xFFFFFFB0] =	vst v4;
	v63 =	vld [tilespmem:s15+$0x6400]  }
0x72b: {  	v3 =	vld [tilespmem:s20+$0x6400];
	s16 =	rddreg [dreg:$0x6]  }
0x72c: {  	s17 =	spop (v2sf);
	[tilespmem:s9+$0x3B0] =	vst v5;
	v4 =	vld [tilespmem:s16+$0x6400]  }
0x72d: {  	[tilespmem:s28+$0x3C0] =	vst v2;
	v5 =	vld [tilespmem:s17+$0x6400]  }
0x72e: {  	v2 =	vld [tilespmem:s23+$0x6410];
	[tilespmem:s9+$0xFFFFFFB0] =	vst v0  }
0x72f: {  	v0 =	vld [tilespmem:s18+$0x6400];
	[tilespmem:s28+$0xFFFFFFC0] =	vst v63  }
0x730: {  	[tilespmem:s31+$0x3C0] =	vst v3;
	v1 =	vld [tilespmem:s15+$0x6410]  }
0x731: {  	v3 =	vld [tilespmem:s20+$0x6410];
	[tilespmem:s31+$0xFFFFFFC0] =	vst v4  }
0x732: {  	[tilespmem:s9+$0x3C0] =	vst v5;
	v4 =	vld [tilespmem:s16+$0x6410]  }
0x733: {  	[tilespmem:s28+$0x3D0] =	vst v2;
	v5 =	vld [tilespmem:s17+$0x6410]  }
0x734: {  	v2 =	vld [tilespmem:s23+$0x6420];
	[tilespmem:s9+$0xFFFFFFC0] =	vst v0  }
0x735: {  	v0 =	vld [tilespmem:s18+$0x6410];
	[tilespmem:s28+$0xFFFFFFD0] =	vst v1  }
0x736: {  	[tilespmem:s31+$0x3D0] =	vst v3;
	v1 =	vld [tilespmem:s15+$0x6420]  }
0x737: {  	v3 =	vld [tilespmem:s20+$0x6420];
	[tilespmem:s31+$0xFFFFFFD0] =	vst v4  }
0x738: {  	[tilespmem:s9+$0x3D0] =	vst v5;
	v4 =	vld [tilespmem:s16+$0x6420]  }
0x739: {  	[tilespmem:s28+$0x3E0] =	vst v2;
	v5 =	vld [tilespmem:s17+$0x6420]  }
0x73a: {  	v2 =	vld [tilespmem:s23+$0x6430];
	[tilespmem:s9+$0xFFFFFFD0] =	vst v0  }
0x73b: {  	v0 =	vld [tilespmem:s18+$0x6420];
	[tilespmem:s28+$0xFFFFFFE0] =	vst v1  }
0x73c: {  	[tilespmem:s31+$0x3E0] =	vst v3;
	v1 =	vld [tilespmem:s15+$0x6430]  }
0x73d: {  	v3 =	vld [tilespmem:s20+$0x6430];
	[tilespmem:s31+$0xFFFFFFE0] =	vst v4  }
0x73e: {  	[tilespmem:s9+$0x3E0] =	vst v5;
	v4 =	vld [tilespmem:s16+$0x6430]  }
0x73f: {  	[tilespmem:s28+$0x3F0] =	vst v2  }
0x740: {  	v5 =	vld [tilespmem:s17+$0x6430];
	[tilespmem:s9+$0xFFFFFFE0] =	vst v0  }
0x741: {  	v0 =	vld [tilespmem:s18+$0x6430];
	[tilespmem:s28+$0xFFFFFFF0] =	vst v1  }
0x742: {  	[tilespmem:s31+$0x3F0] =	vst v3  }
0x743: {  	[tilespmem:s31+$0xFFFFFFF0] =	vst v4  }
0x744: {  	s20 =	sld [smem:$0x7F2]  }
0x745: {  	s19 =	rddreg [dreg:$0x1a];
	[tilespmem:s9+$0x3F0] =	vst v5  }
0x746: {  	s21 =	rddreg [dreg:$0x1];
	[tilespmem:s9+$0xFFFFFFF0] =	vst v0  }
0x747: {  	s0 =	sadd.s32 s19, s20;
	s24 =	rddreg [dreg:$0x1e]  }
0x748: {  	s22 =	simm.s32 $0x0;
	s0 =	sshll.u32 s0, $0x3;
	s26 =	sld [smem:$0x7F9]  }
0x749: {  	s23 =	simm.s32 $0x12E80;
	s28 =	sld [smem:$0x7F4];
	s1 =	sadd.s32 s21, s0  }
0x74a: {  	[hbm4b:s1+s22] =	stream.linear.scatter [tilespmem:s23], [sflag:$0x2], $0x6400, $0x38;
	[tilespmem:$0x1F680] =	vst v63  }
0x74b: {  	s29 =	sld [smem:$0x7F3];
	s1 =	sadd.s32 $0x1, s26  }
0x74c: {  	s25 =	simm.s32 $0x19280;
	s30 =	sld [smem:$0x7FC];
	p0 =	sne.s32 s1, $0x8  }
.Ltmp2:
0x74d: {  	s31 =	sld [smem:$0x7FD];
	s0 =	sadd.s32 s0, s24;
	(pc) =	sbr.rel @p0 .LBB2_2-.Ltmp2, $4  }
0x74e: {  	[hbm4b:s0+s22] =	stream.linear.scatter [tilespmem:s25], [sflag:$0x2], $0x6400, $0x38;
	[tilespmem:$0x1F680] =	vst v63  }
0x74f: {  	s0 =	sadd.s32 $0x640, s30  }
0x750: {  	[smem:$0x7FC] =	sst s0;
	s0 =	sadd.s32 $0x640, s31  }
0x751: {  	s15 =	sadd.s32 $0x640, s28;
	s16 =	sadd.s32 $0x640, s29;
	[smem:$0x7FD] =	sst s0  }
0x752: {  	s3 =	simm.s32 $0x1  }
0x753: {  	_ =	swait.ge [sflag:s3], $0x6400  }
0x754: {  	[sflag:s3] =	ssyncset.done $0x0  }
0x755: {  	[sflag:s3] =	ssyncadd.s32 $0xFFFF9C00  }
0x756: {  	_ =	swait.ge [sflag:s3], $0x6400  }
0x757: {  	[sflag:s3] =	ssyncset.done $0x0  }
0x758: {  	s1 =	simm.s32 $0x2;
	[sflag:s3] =	ssyncadd.s32 $0xFFFF9C00  }
0x759: {  	_ =	swait.ge [sflag:s1], $0x6400  }
0x75a: {  	[sflag:s1] =	ssyncset.done $0x0  }
0x75b: {  	[sflag:s1] =	ssyncadd.s32 $0xFFFF9C00  }
0x75c: {  	_ =	swait.ge [sflag:s1], $0x6400  }
0x75d: {  	s2 =	sld [smem:$0x7FB];
	_ =	sdelay $0x2  }
0x75e: {  	s0 =	rddreg [dreg:$0x1f];
	s2 =	sadd.s32 $0x1, s2  }
0x75f: {  	p0 =	sne.s32 s2, s0  }
.Ltmp3:
0x760: {  	_ = 	snop;
	(pc) =	sbr.rel @p0 .LBB2_1-.Ltmp3, $3  }
0x761: {  	_ =	sdelay $0x1  }
0x762: {  	[sflag:s1] =	ssyncset.done $0x0  }
0x763: {  	[sflag:s1] =	ssyncadd.s32 $0xFFFF9C00  }
0x764: {  	_ =	sfence.sel $0x180000  }
0x765: {  	[bflag:$0x0] =	sbarrier.arrive $0xFFFF  }
0x766: {  	_ =	strace $0x90000047  }
0x767: {  	s0 =	stileid.u32;
	[bflag:$0x2] =	sbarrier.arrive $0xFFFF  }
0x768: {  	p0 =	sne.s32 s0, $0x0;
	s0 =	rddreg [dreg:$0x2]  }
0x769: {  	s0 =	sadd.s32 @!p0 $0x100000, s0  }
0x76a: {  	[sflag:s0] =	ssyncadd.tile.s32 @!p0 $0x1;
	_ =	shalt  }
.Lfunc_end2:
_tile_overlayer_lowered:
.L_overlay_start_2:
0x76b: {  	(tag) =	ssettag $0x2  }
0x76c: {  	s0 =	rddreg [dreg:$0x0];
	s2 =	stileid.u32  }
0x76d: {  	s1 =	rddreg [dreg:$0x1];
	p0 =	sne.s32 s2, $0x0  }
0x76e: {  	s3 =	rddreg [dreg:$0x2];
	[bflag:$0x3] =	sbarrier.arrive $0xFFFF;
	s2 =	simm.s32 @!p0 $0x1C03  }
0x76f: {  	[timem:s3], [sflag:s2] =	dma.local @!p0 [hbm:s0], s1  }
0x770: {  	s0 =	simm.s32 @!p0 $0x3  }
0x771: {  	_ =	swait.ge @!p0 [sflag:s0], s1  }
0x772: {  	s1 =	ssub.s32 @!p0 $0x0, s1;
	[sflag:s0] =	ssyncset.done @!p0 $0x0  }
0x773: {  	[sflag:s0] =	ssyncadd.s32 @!p0 s1  }
0x774: {  	[bflag:$0x3] =	sbarrier.arrive $0xFFFF  }
0x775: {  	_ =	shalt  }

// kernel: sparse-core-data-format-call.cloned.1.call-start
scs
called_computation_lowered:
.L_overlay_start_0:
0x0: {  	s2 =	sld [smem:$0x3FD9]  }
0x1: {  	s3 =	sld [smem:$0x3FFE];
	_ =	sdelay $0x1  }
0x2: {  	s1 =	srdreg.scid  }
0x3: {  	s0 =	sand.u32 $0x1, s1  }
0x4: {  	s18 =	sshll.u32 s0, $0xA;
	s2 =	sadd.s32 s3, s2  }
0x5: {  	s2 =	sadd.s32 s2, s18  }
0x6: {  	[smem:$0x3FC6] =	sst s2  }
0x7: {  	_ = 	snop  }
0x8: {  	s2 =	sld [smem:$0x3FD0];
	(tm) =	ssettm $0x1  }
0x9: {  	s19 =	sld [smem:$0x3FFB];
	_ =	sdelay $0x3  }
0xa: {  	_ =	strace s19  }
0xb: {  	s3 =	sld [smem:$0x3FFC];
	_ =	sdelay $0x3  }
0xc: {  	_ =	strace s3  }
0xd: {  	s3 =	sld [smem:$0x3FFD];
	_ =	sdelay $0x3  }
0xe: {  	_ =	strace s3  }
0xf: {  	_ =	strace $0x8FFFFFFF  }
0x10: {  	s20 =	sld [smem:$0x3FDB];
	_ =	sdelay $0x1  }
0x11: {  	s4 =	simm.s32 $_scs_section_size  }
0x12: {  	s5 =	simm.s32 $_size__tile_overlayer_lowered;
	s6 =	simm.s32 $_tile_overlayer_lowered  }
0x13: {  	s23 =	simm.s32 $0x1BFF;
	s22 =	sshll.u32 s6, $0x1;
	s3 =	sadd.s32 s4, s20  }
0x14: {  	s7 =	simm.s32 $0x0;
	s21 =	sshll.u32 s5, $0x1;
	s5 =	sadd.s32 s22, s3  }
0x15: {  	[timem:s7], [sflag:s23] =	dma.local [hbm:s5], s21  }
0x16: {  	_ =	swait.ge [sflag:s23], s21  }
0x17: {  	s4 =	ssub.s32 $0x0, s21;
	[sflag:s23] =	ssyncset.done $0x0  }
0x18: {  	[sflag:s23] =	ssyncadd.s32 s4;
	_ =	sdelay $0x1  }
0x19: {  	s24 =	simm.s32 $0x1B8B  }
0x1a: {  	_ =	swait.ge [sflag:s24], $0x1  }
0x1b: {  	[sflag:s24] =	ssyncset.done $0x0  }
0x1c: {  	s26 =	simm.s32 $0x1B8E;
	s25 =	sld [smem:$0x3FFE];
	[sflag:s24] =	ssyncadd.s32 $0xFFFFFFFF  }
0x1d: {  	s27 =	simm.s32 $execute0_lowered;
	[smem:$0x3FD2] =	sst s26  }
0x1e: {  	s5 =	sshll.u32 s27, $0x1;
	_ =	strace $0x80000049;
	[dreg:$0x1] =	wrdreg $0xFFFFFFFF  }
0x1f: {  	s28 =	simm.s32 $_size_execute0_lowered;
	s3 =	sadd.s32 s3, s5;
	[dreg:$0x0] =	wrdreg $0x0  }
0x20: {  	s5 =	sshll.u32 s28, $0x1;
	[dreg:$0x2] =	wrdreg s3  }
0x21: {  	[dreg:$0x3] =	wrdreg s5  }
0x22: {  	[dreg:$0x4] =	wrdreg $0xC0  }
0x23: {  	_ =	task [dreg:s7], $0x5FFFF  }
0x24: {  	[dreg:$0x1] =	wrdreg $0xFFFFFFFF  }
0x25: {  	[dreg:$0x0] =	wrdreg $0x60  }
0x26: {  	[dreg:$0x2] =	wrdreg s25  }
0x27: {  	[dreg:$0x3] =	wrdreg s2  }
0x28: {  	[dreg:$0x4] =	wrdreg $0x9  }
0x29: {  	_ =	task.clear_ibuf [dreg:s7], $0x5FFFF;
	_ =	strace $0x90000049  }
0x2a: {  	s29 =	simm.s32 $0x9;
	_ =	strace $0x8000004B  }
0x2b: {  	_ =	swait.ge [sflag:s29], $0x1  }
0x2c: {  	[sflag:s29] =	ssyncadd.s32 $0xFFFFFFFF  }
0x2d: {  	_ =	strace $0x9000004B  }
0x2e: {  	_ =	sfence  }
0x2f: {  	s30 =	sld [smem:$0x0];
	_ =	sdelay $0x2  }
0x30: {  	s31 =	sshll.u32 s1, $0xD;
	s1 =	sshrl.u32 s1, $0x2  }
0x31: {  	s3 =	sand.u32 $0x4000, s31;
	s1 =	sadd.s32 s1, s30  }
0x32: {  	s0 =	sor.u32 s3, s0;
	s1 =	sshll.u32 s1, $0x11  }
0x33: {  	s0 =	sor.u32 s1, s0  }
0x34: {  	s0 =	sadd.s32 $0x8F2B, s0  }
0x35: {  	[sflag:s0] =	ssyncadd.remote.s32 $0x1  }
0x36: {  	_ =	sfence.sel $0xFFFF  }
0x37: {  	[dreg:$0x0] =	wrdreg $0xFFFFFFFF;
	(pc) =	sbr.abs _section_cstart, $3  }
0x38: {  	[dreg:$0x1] =	wrdreg $0xFFFFFFFF  }
0x39: {  	_ =	task.clear_ibuf [dreg:s7], $0x2FFFF;
	_ =	strace $0x9FFFFFFF  }
0x3a: {  	(tm) =	ssettm $0x7FFFFFFF  }
0x3b: {  	_ =	shalt  }
tec
execute0_lowered:
.L_overlay_start_1:
0x0: {  	(tag) =	ssettag $0x1  }
0x1: {  	s0 =	srdreg.scid  }
0x2: {  	s1 =	sshll.u32 s0, $0x4  }
0x3: {  	s0 =	stileid.u32;
	s1 =	sand.u32 $0x10, s1  }
0x4: {  	s1 =	sor.u32 s0, s1  }
0x5: {  	s6 =	rddreg [dreg:$0x0];
	s4 =	simm.s32 $0x1;
	s2 =	sshll.u32 s1, $0x7  }
0x6: {  	s7 =	simm.s32 $0x2;
	s12 =	simm.s32 $0x0;
	s1 =	ssub.s32 $0x2000, s2  }
0x7: {  	s8 =	simm.s32 $0x10000;
	s13 =	simm.s32 $0x0;
	s3 =	sand.u32 $0xF80, s1  }
0x8: {  	s9 =	simm.s32 $0x0;
	s5 =	sshrl.u32 s1, $0xC;
	p0 =	sne.s32 s3, $0x0  }
.Ltmp0:
0x9: {  	s1 =	rddreg [dreg:$0x2];
	s4 =	simm.s32 @!p0 $0x0;
	(pc) =	sbr.rel .LBB1_1-.Ltmp0, $4  }
0xa: {  	s11 =	simm.s32 $0x0;
	s3 =	rddreg [dreg:$0x1];
	s5 =	sadd.s32 s4, s5  }
0xb: {  	_ =	strace $0x8000004A;
	s4 =	simm.s32 $0x1;
	s5 =	smul.u32 $0x32, s5  }
0xc: {  	s6 =	sadd.s32 $0x800, s6;
	s10 =	smov.u32 s2;
	[sflag:s4] =	ssyncpa.u1 $0x0  }
0xd: {  	p0 =	por $0x0, $0x0;
	[sflag:s7] =	ssyncpa.u1 $0x0;
	s7 =	sor.u32 $0x1, s5  }
.LBB1_4:
0xe: {  	s16 =	sshll.u32 s13, $0x3;
	s17 =	sand.u32 $0x78, s13  }
0xf: {  	s30 =	sand.u32 $0xFC00, s13;
	s12 =	sshll.u32 s12, $0x10;
	s16 =	sand.u32 $0x1C00, s16  }
0x10: {  	[tilespmem:s15+$0x810 ss:$0x81] =	vst.msk $0xffff, v2;
	s31 =	sand.u32 $0x7, s13;
	s16 =	sor.u32 s17, s16;
	s17 =	sadd.s32 s3, s30  }
0x11: {  	[tilespmem:s15+$0x1020 ss:$0x81] =	vst.msk $0xffff, v0;
	s13 =	sshll.u32 s31, $0x12;
	s12 =	sadd.s32 s12, s17;
	s16 =	sshrl.u32 s16, $0x3  }
0x12: {  	[tilespmem:s15+$0x0 ss:$0x81] =	vst.msk $0xffff, v1;
	s13 =	sor.u32 $0x400, s13;
	s12 =	sadd.s32 s16, s12  }
0x13: {  	[hbm4b:s12+s13] =	stream.strided.scatter [tilespmem:s14], [sflag:$0x2], $0x2000, s8, s13, $0x20;
	[tilespmem:$0x8080] =	vst v63  }
.LBB1_5:
0x14: {  	s14 =	sadd.s32 $0x1, s9  }
0x15: {  	s12 =	sadd.s32 $0x1000, s10;
	s16 =	smov.u32 s10;
	p2 =	sgt.s32 s14, $0x31  }
0x16: {  	s16 =	smov.u32 @p2 s12  }
0x17: {  	s14 =	simm.s32 @p2 $0x0;
	p2 =	sgt.s32 s16, $0x1FFF  }
0x18: {  	s16 =	smov.u32 @p2 s2;
	p2 =	sne.s32 s11, s7  }
.Ltmp1:
0x19: {  	p1 =	slt.u32 s11, $0x2;
	(pc) =	sbr.rel @!p2 .LBB1_6-.Ltmp1, $4  }
0x1a: {  	s15 =	simm.s32 @!p1 $0x2  }
0x1b: {  	s13 =	smov.u32 s10;
	p0 =	por !p0, !p0;
	_ =	swait.ge @!p1 [sflag:s15], $0x2000  }
0x1c: {  	s12 =	smov.u32 s9;
	[sflag:s15] =	ssyncset.done @!p1 $0x0;
	s9 =	smov.u32 s14  }
0x1d: {  	s11 =	sadd.s32 $0x1, s11;
	[sflag:s15] =	ssyncadd.s32 @!p1 $0xFFFFE000;
	s10 =	smov.u32 s16  }
.LBB1_1:
0x1e: {  	p1 =	sge.u32 s11, s5  }
0x1f: {  	s14 =	sand.u32 @!p1 $0x1FFFFFF, s9  }
0x20: {  	s15 =	smulhi.u32 @!p1 $0x4924925, s14;
	_ =	sdelay $0x1  }
0x21: {  	s15 =	smul.u32 @!p1 $0x38, s15  }
0x22: {  	s16 =	sxor.u32 @!p1 $0xFFFFFFFF, s11;
	s17 =	smul.u32 @!p1 $0x380, s10  }
0x23: {  	s31 =	sadd.s32 $0xFFFFFFFF, s11;
	s16 =	sshll.u32 @!p1 s16, $0xD;
	s14 =	ssub.s32 @!p1 s14, s15  }
0x24: {  	s15 =	sand.u32 @!p1 $0x2000, s16;
	s16 =	sadd.s32 @!p1 s6, s17;
	s14 =	sshll.u32 @!p1 s14, $0x4  }
0x25: {  	s17 =	simm.s32 @!p1 $0x1C00;
	s14 =	sadd.s32 @!p1 s14, s16;
	s16 =	simm.s32 @!p1 $0x40  }
0x26: {  	[tilespmem:s15], [sflag:$0x1] =	stream.strided.gather @!p1 [hbm4b:s14+s16], $0x2000, s17, s16, $0x38;
	[tilespmem:$0x8080] =	vst v63  }
0x27: {  	p1 =	sge.u32 s31, s5  }
.Ltmp2:
0x28: {  	_ = 	snop;
	(pc) =	sbr.rel @p1 .LBB1_5-.Ltmp2, $1  }
0x29: {  	_ =	sdelay $0x3  }
0x2a: {  	s14 =	simm.s32 $0x1  }
0x2b: {  	_ =	swait.ge [sflag:s4], $0x2000;
	s14 =	simm.s32 @!p0 $0x0  }
0x2c: {  	[sflag:s4] =	ssyncset.done $0x0;
	s15 =	sshll.u32 s14, $0xD  }
0x2d: {  	[sflag:s4] =	ssyncadd.s32 $0xFFFFE000;
	s18 =	sor.u32 $0x20, s15  }
0x2e: {  	s14 =	smul.u32 $0x8100, s14;
	v3 =	vld [tilespmem:s18+$0x10]  }
0x2f: {  	s30 =	sand.u32 $0x1, s11;
	v2 =	vld [tilespmem:s18+$0xFFFFFFF0]  }
0x30: {  	s15 =	smul.u32 $0x8100, s30;
	s14 =	sshrl.u32 s14, $0x2;
	v0 =	vld [tilespmem:s18+$0x0]  }
0x31: {  	v1 =	vld [tilespmem:s18+$0xFFFFFFE0];
	s16 =	sor.u32 $0x4000, s14  }
0x32: {  	s31 =	sshrl.u32 s15, $0x2;
	s15 =	sadd.s32 $0x0, s16  }
0x33: {  	s17 =	simm.s32 $0x4;
	s18 =	sadd.s32 $0x40, s18;
	s14 =	sor.u32 $0x4000, s31;
	[tilespmem:s15+$0x1830 ss:$0x81] =	vst.msk $0xffff, v3  }
.LBB1_3:
0x34: {  	v3 =	vld [tilespmem:s18+$0x10];
	p1 =	sne.s32 s17, $0x1FC;
	[tilespmem:s15+$0x810 ss:$0x81] =	vst.msk $0xffff, v2;
	s19 =	smov.u32 s17;
	s17 =	sadd.s32 $0x4, s17  }
.Ltmp3:
0x35: {  	v2 =	vld [tilespmem:s18+$0xFFFFFFF0];
	[tilespmem:s15+$0x1020 ss:$0x81] =	vst.msk $0xffff, v0;
	(pc) =	sbr.rel @p1 .LBB1_3-.Ltmp3, $4  }
0x36: {  	v0 =	vld [tilespmem:s18+$0x0];
	[tilespmem:s15+$0x0 ss:$0x81] =	vst.msk $0xffff, v1  }
0x37: {  	s15 =	sshra.s32 s19, $0x2;
	v1 =	vld [tilespmem:s18+$0xFFFFFFE0]  }
0x38: {  	s15 =	sadd.s32 s15, s16  }
0x39: {  	s18 =	sadd.s32 $0x40, s18;
	[tilespmem:s15+$0x1830 ss:$0x81] =	vst.msk $0xffff, v3  }
.Ltmp4:
0x3a: {  	_ = 	snop;
	(pc) =	sbr.rel .LBB1_4-.Ltmp4, $1  }
0x3b: {  	_ =	sdelay $0x3  }
.LBB1_6:
0x3c: {  	_ =	sfence.sel $0x180000  }
0x3d: {  	s2 =	simm.s32 $0x1;
	[bflag:$0x0] =	sbarrier.arrive $0xFFFF  }
0x3e: {  	s31 =	simm.s32 $0x2;
	[sflag:s2] =	ssyncpa.u1 $0x1  }
0x3f: {  	[sflag:s31] =	ssyncpa.u1 $0x1  }
0x40: {  	p0 =	sne.s32 s0, $0x0;
	_ =	strace $0x9000004A  }
0x41: {  	s0 =	sadd.s32 @!p0 $0x100000, s1;
	[bflag:$0x2] =	sbarrier.arrive $0xFFFF  }
0x42: {  	[sflag:s0] =	ssyncadd.tile.s32 @!p0 $0x1;
	_ =	shalt  }
.Lfunc_end1:
_tile_overlayer_lowered:
.L_overlay_start_2:
0x43: {  	(tag) =	ssettag $0x2  }
0x44: {  	s0 =	rddreg [dreg:$0x0];
	s2 =	stileid.u32  }
0x45: {  	s1 =	rddreg [dreg:$0x1];
	p0 =	sne.s32 s2, $0x0  }
0x46: {  	s3 =	rddreg [dreg:$0x2];
	[bflag:$0x3] =	sbarrier.arrive $0xFFFF;
	s2 =	simm.s32 @!p0 $0x1C01  }
0x47: {  	[timem:s3], [sflag:s2] =	dma.local @!p0 [hbm:s0], s1  }
0x48: {  	s0 =	simm.s32 @!p0 $0x1  }
0x49: {  	_ =	swait.ge @!p0 [sflag:s0], s1  }
0x4a: {  	s1 =	ssub.s32 @!p0 $0x0, s1;
	[sflag:s0] =	ssyncset.done @!p0 $0x0  }
0x4b: {  	[sflag:s0] =	ssyncadd.s32 @!p0 s1  }
0x4c: {  	[bflag:$0x3] =	sbarrier.arrive $0xFFFF  }
0x4d: {  	_ =	shalt  }

</sc_bundles>
